<compile_context>
chip_gen: v7x
topology: tpu7x:2x2x1
jax: 0.10.2.dev20260603
libtpu: 0.0.44.dev20260713+nightly
codegen_flags: <defaults>
</compile_context>

<pallas_src>
import functools
import math

import jax
import jax.numpy as jnp
from jax import lax
from jax.experimental import pallas as pl
from jax.experimental.pallas import tpu as pltpu
from jax.experimental.pallas import tpu_sc as plsc

EMB = 32
NCORES = 2
NSUB = 16
NW = NCORES * NSUB
SCALE = math.sqrt(EMB)

SUB = 128
CHUNK = 640
K = CHUNK // SUB
NBUF = 5
LEAD = 2


@functools.lru_cache(maxsize=None)
def _build(B0, H, V):
    rows_w = B0 * H // NW
    bats_w = rows_w // H
    iters = rows_w // CHUNK
    outer = iters // NBUF
    bats_g = CHUNK * NBUF // H
    assert rows_w % CHUNK == 0 and iters % NBUF == 0 and LEAD < NBUF
    assert (CHUNK * NBUF) % H == 0
    SPLITS = []
    for s in range(NBUF):
        start = s * CHUNK
        pieces = []
        o = 0
        h = start % H
        db = start // H
        while o < CHUNK:
            n = min(H - h, CHUNK - o)
            pieces.append((o, n, db, h))
            o += n
            h = 0
            db += 1
        SPLITS.append(pieces)

    mesh = plsc.VectorSubcoreMesh(
        core_axis_name="c", subcore_axis_name="s",
        num_cores=NCORES, num_subcores=NSUB)

    def body(w_hbm, idx_hbm, out_hbm, idx_v, rows_v,
             g0, g1, g2, g3, g4, o0, o1, o2, o3, o4):
        gsem = [g0, g1, g2, g3, g4]
        osem = [o0, o1, o2, o3, o4]
        wid = lax.axis_index("s") * NCORES + lax.axis_index("c")
        sub_base = wid * (rows_w // SUB)
        bat_base = wid * bats_w

        def gather_descs(b):
            return [
                pltpu.make_async_copy(
                    w_hbm.at[idx_v.at[b, j]],
                    rows_v.at[b, pl.ds(j * SUB, SUB)],
                    gsem[b])
                for j in range(K)
            ]

        def fire(c, b):
            pltpu.sync_copy(idx_hbm.at[pl.ds(sub_base + c * K, K)],
                            idx_v.at[b])
            for d in gather_descs(b):
                d.start()

        def out_descs(g, s):
            b0 = bat_base + g * bats_g
            return [
                pltpu.make_async_copy(
                    rows_v.at[s, pl.ds(o, n)],
                    out_hbm.at[b0 + db, pl.ds(h0, n)],
                    osem[s])
                for (o, n, db, h0) in SPLITS[s]
            ]

        def scale(b):
            def scale_step(i, carry):
                base = i * 8
                for r in range(8):
                    for h in range(2):
                        sl = pl.ds(h * 16, 16)
                        rows_v[b, base + r, sl] = rows_v[b, base + r, sl] * SCALE
                return carry

            lax.fori_loop(0, CHUNK // 8, scale_step, 0)

        for b in range(LEAD):
            fire(b, b)

        def step(g, carry):
            for s in range(NBUF):
                c = g * NBUF + s
                b = s
                for d in gather_descs(b):
                    d.wait()
                scale(b)
                for d in out_descs(g, s):
                    d.start()
                c2 = c + LEAD
                s2 = (s + LEAD) % NBUF
                sp = (s + LEAD - NBUF) % NBUF
                gp = g + (s + LEAD - NBUF) // NBUF

                @pl.when(c2 >= NBUF)
                def _():
                    for d in out_descs(gp, sp):
                        d.wait()

                @pl.when(c2 < iters)
                def _():
                    fire(c2, s2)
            return carry

        lax.fori_loop(0, outer, step, 0)

        for s in range(LEAD, NBUF):
            for d in out_descs(outer - 1, s):
                d.wait()

    return pl.kernel(
        body,
        out_type=jax.ShapeDtypeStruct((B0, H, EMB), jnp.float32),
        mesh=mesh,
        compiler_params=pltpu.CompilerParams(use_tc_tiling_on_sc=False),
        scratch_types=[
            pltpu.VMEM((NBUF, K, SUB), jnp.int32),
            pltpu.VMEM((NBUF, CHUNK, EMB), jnp.float32),
        ] + [pltpu.SemaphoreType.DMA] * (2 * NBUF),
    )


def kernel(x, weight):
    B0, H = x.shape
    idx2d = x.reshape(B0 * H // SUB, SUB).astype(jnp.int32)
    return _build(B0, H, weight.shape[0])(weight, idx2d)

# --- scband reference (transcript-rebuilt; emitter-appended) ---
"""Pipeline reference for scband-norm-embeddings-3882650436123 (READ-ONLY COPY).

The authoritative reference and input builder live on the scoring server;
editing this copy changes nothing except your own understanding.
"""

import jax, jax.numpy as jnp
import numpy as np
import math

EMB_SIZE = 32
TOKENS = 1000000
BATCH = 4096
HIST = 200

def setup_inputs(seed: int = 0) -> dict:
    key = jax.random.key(seed)
    k1, k2 = jax.random.split(key)
    x = jax.random.randint(k1, (BATCH, HIST), 0, TOKENS, dtype=jnp.int64 if jax.config.jax_enable_x64 else jnp.int32)
    weight = jax.random.normal(k2, (TOKENS, EMB_SIZE), dtype=jnp.float32)
    return {"x": x, "weight": weight}

def reference(x, weight):
    # NormEmbeddings: embedding lookup scaled by sqrt(emb_size)
    emb = jnp.take(weight, x, axis=0)
    return emb * math.sqrt(EMB_SIZE)

if __name__ == "__main__":
    import jax
    _d = setup_inputs()
    print(jax.jit(kernel)(*tuple(_d.values())))

</pallas_src>

<mosaic_0001>
#map = affine_map<(d0, d1) -> (0, 0)>
#map1 = affine_map<(d0, d1) -> (0, 0, 0)>
module attributes {stable_mosaic.version = 14 : i64} {
  func.func @body(%arg0: i32, %arg1: i32, %arg2: memref<1000000x32xf32, #tpu.memory_space<hbm>>, %arg3: memref<6400x128xi32, #tpu.memory_space<hbm>>, %arg4: memref<4096x200x32xf32, #tpu.memory_space<hbm>>, %arg5: memref<5x5x128xi32, #tpu.memory_space<vmem>>, %arg6: memref<5x640x32xf32, #tpu.memory_space<vmem>>, %arg7: memref<!tpu.dma_semaphore, #tpu.memory_space<semaphore_mem>>, %arg8: memref<!tpu.dma_semaphore, #tpu.memory_space<semaphore_mem>>, %arg9: memref<!tpu.dma_semaphore, #tpu.memory_space<semaphore_mem>>, %arg10: memref<!tpu.dma_semaphore, #tpu.memory_space<semaphore_mem>>, %arg11: memref<!tpu.dma_semaphore, #tpu.memory_space<semaphore_mem>>, %arg12: memref<!tpu.dma_semaphore, #tpu.memory_space<semaphore_mem>>, %arg13: memref<!tpu.dma_semaphore, #tpu.memory_space<semaphore_mem>>, %arg14: memref<!tpu.dma_semaphore, #tpu.memory_space<semaphore_mem>>, %arg15: memref<!tpu.dma_semaphore, #tpu.memory_space<semaphore_mem>>, %arg16: memref<!tpu.dma_semaphore, #tpu.memory_space<semaphore_mem>>) attributes {dimension_semantics = [#tpu.dimension_semantics<core_parallel>, #tpu.dimension_semantics<subcore_parallel>], iteration_bounds = array<i64: 2, 16>, scalar_prefetch = 0 : i64, scratch_operands = 12 : i64, tpu.core_type = #tpu.core_type<sc_vector_subcore>, window_params = [{transform_indices = #map}, {transform_indices = #map}, {transform_indices = #map1}]} {
    %mul3A = arith.constant 2 : i32
    %mul3A_0 = arith.muli %arg1, %mul3A : i32
    %add3A = arith.addi %mul3A_0, %arg0 : i32
    %mul3A_1 = arith.constant 200 : i32
    %mul3A_2 = arith.muli %add3A, %mul3A_1 : i32
    %mul3A_3 = arith.constant 128 : i32
    %mul3A_4 = arith.muli %add3A, %mul3A_3 : i32
    %add3A_5 = arith.constant 0 : i32
    %add3A_6 = arith.addi %mul3A_2, %add3A_5 : i32
    %run_scoped3A = arith.constant 0 : i32
    "tpu.region"() ({
      %run_scoped3A_377 = tpu.sem_alloc : memref<!tpu.dma_semaphore, #tpu.memory_space<semaphore_mem>>
      %dma_start3A_378 = arith.constant 0 : i32
      %dma_start3A_379 = arith.constant 0 : i32
      %dma_start3A_380 = tpu.memref_slice %arg5[%run_scoped3A, %dma_start3A_378, %dma_start3A_379] : memref<5x5x128xi32, #tpu.memory_space<vmem>> -> memref<1x5x128xi32, #tpu.memory_space<vmem>>
      %dma_start3A_381 = tpu.memref_squeeze %dma_start3A_380 : memref<1x5x128xi32, #tpu.memory_space<vmem>> -> memref<5x128xi32, #tpu.memory_space<vmem>>
      %dma_start3A_382 = arith.constant 0 : i32
      %dma_start3A_383 = tpu.memref_slice %arg3[%add3A_6, %dma_start3A_382] : memref<6400x128xi32, #tpu.memory_space<hbm>> -> memref<5x128xi32, #tpu.memory_space<hbm>>
      %dma_start3A_384 = arith.constant 0 : i32
      %dma_start3A_385 = arith.constant 0 : i32
      %dma_start3A_386 = tpu.memref_slice %arg5[%run_scoped3A, %dma_start3A_384, %dma_start3A_385] : memref<5x5x128xi32, #tpu.memory_space<vmem>> -> memref<1x5x128xi32, #tpu.memory_space<vmem>>
      %dma_start3A_387 = tpu.memref_squeeze %dma_start3A_386 : memref<1x5x128xi32, #tpu.memory_space<vmem>> -> memref<5x128xi32, #tpu.memory_space<vmem>>
      %dma_start3A_388 = arith.constant 0 : i32
      %dma_start3A_389 = tpu.memref_slice %arg3[%add3A_6, %dma_start3A_388] : memref<6400x128xi32, #tpu.memory_space<hbm>> -> memref<5x128xi32, #tpu.memory_space<hbm>>
      tpu.enqueue_dma source(%dma_start3A_389 : memref<5x128xi32, #tpu.memory_space<hbm>>) target(%dma_start3A_387 : memref<5x128xi32, #tpu.memory_space<vmem>>) target_semaphore(%run_scoped3A_377 : memref<!tpu.dma_semaphore, #tpu.memory_space<semaphore_mem>>)
      %dma_wait3A_390 = arith.constant 0 : i32
      %dma_wait3A_391 = arith.constant 0 : i32
      %dma_wait3A_392 = tpu.memref_slice %arg5[%run_scoped3A, %dma_wait3A_390, %dma_wait3A_391] : memref<5x5x128xi32, #tpu.memory_space<vmem>> -> memref<1x5x128xi32, #tpu.memory_space<vmem>>
      %dma_wait3A_393 = tpu.memref_squeeze %dma_wait3A_392 : memref<1x5x128xi32, #tpu.memory_space<vmem>> -> memref<5x128xi32, #tpu.memory_space<vmem>>
      %dma_wait3A_394 = arith.constant 0 : i32
      %dma_wait3A_395 = tpu.memref_slice %arg3[%add3A_6, %dma_wait3A_394] : memref<6400x128xi32, #tpu.memory_space<hbm>> -> memref<5x128xi32, #tpu.memory_space<hbm>>
      %dma_wait3A_396 = arith.constant 0 : i32
      %dma_wait3A_397 = arith.constant 0 : i32
      %dma_wait3A_398 = tpu.memref_slice %arg5[%run_scoped3A, %dma_wait3A_396, %dma_wait3A_397] : memref<5x5x128xi32, #tpu.memory_space<vmem>> -> memref<1x5x128xi32, #tpu.memory_space<vmem>>
      %dma_wait3A_399 = tpu.memref_squeeze %dma_wait3A_398 : memref<1x5x128xi32, #tpu.memory_space<vmem>> -> memref<5x128xi32, #tpu.memory_space<vmem>>
      %dma_wait3A_400 = arith.constant 0 : i32
      %dma_wait3A_401 = tpu.memref_slice %arg3[%add3A_6, %dma_wait3A_400] : memref<6400x128xi32, #tpu.memory_space<hbm>> -> memref<5x128xi32, #tpu.memory_space<hbm>>
      tpu.wait_dma2 semaphore(%run_scoped3A_377 : memref<!tpu.dma_semaphore, #tpu.memory_space<semaphore_mem>>) src(%dma_wait3A_401 : memref<5x128xi32, #tpu.memory_space<hbm>>) dst(%dma_wait3A_399 : memref<5x128xi32, #tpu.memory_space<vmem>>)
      tpu.yield
    }) : () -> ()
    %dma_start3A = arith.constant 0 : i32
    %dma_start3A_7 = arith.constant 0 : i32
    %dma_start3A_8 = arith.constant 0 : i32
    %dma_start3A_9 = arith.constant 0 : i32
    %dma_start3A_10 = arith.constant 0 : i32
    %dma_start3A_11 = tpu.memref_slice %arg6[%dma_start3A_8, %dma_start3A_9, %dma_start3A_10] : memref<5x640x32xf32, #tpu.memory_space<vmem>> -> memref<1x128x32xf32, #tpu.memory_space<vmem>>
    %dma_start3A_12 = tpu.memref_squeeze %dma_start3A_11 : memref<1x128x32xf32, #tpu.memory_space<vmem>> -> memref<128x32xf32, #tpu.memory_space<vmem>>
    %dma_start3A_13 = arith.constant 0 : i32
    %dma_start3A_14 = tpu.memref_slice %arg5[%dma_start3A, %dma_start3A_7, %dma_start3A_13] : memref<5x5x128xi32, #tpu.memory_space<vmem>> -> memref<1x1x128xi32, #tpu.memory_space<vmem>>
    %dma_start3A_15 = tpu.memref_squeeze %dma_start3A_14 : memref<1x1x128xi32, #tpu.memory_space<vmem>> -> memref<128xi32, #tpu.memory_space<vmem>>
    %dma_start3A_16 = arith.constant 0 : i32
    %dma_start3A_17 = arith.constant 0 : i32
    %dma_start3A_18 = tpu.memref_slice %arg2[%dma_start3A_16, %dma_start3A_17] : memref<1000000x32xf32, #tpu.memory_space<hbm>> -> memref<1000000x32xf32, #tpu.memory_space<hbm>>
    tpu.enqueue_indirect_dma source(%dma_start3A_18 : memref<1000000x32xf32, #tpu.memory_space<hbm>>) target(%dma_start3A_12 : memref<128x32xf32, #tpu.memory_space<vmem>>) offsets(%dma_start3A_15 : memref<128xi32, #tpu.memory_space<vmem>>) semaphore(%arg7 : memref<!tpu.dma_semaphore, #tpu.memory_space<semaphore_mem>>)
    %dma_start3A_19 = arith.constant 0 : i32
    %dma_start3A_20 = arith.constant 1 : i32
    %dma_start3A_21 = arith.constant 0 : i32
    %dma_start3A_22 = arith.constant 128 : i32
    %dma_start3A_23 = arith.constant 0 : i32
    %dma_start3A_24 = tpu.memref_slice %arg6[%dma_start3A_21, %dma_start3A_22, %dma_start3A_23] : memref<5x640x32xf32, #tpu.memory_space<vmem>> -> memref<1x128x32xf32, #tpu.memory_space<vmem>>
    %dma_start3A_25 = tpu.memref_squeeze %dma_start3A_24 : memref<1x128x32xf32, #tpu.memory_space<vmem>> -> memref<128x32xf32, #tpu.memory_space<vmem>>
    %dma_start3A_26 = arith.constant 0 : i32
    %dma_start3A_27 = tpu.memref_slice %arg5[%dma_start3A_19, %dma_start3A_20, %dma_start3A_26] : memref<5x5x128xi32, #tpu.memory_space<vmem>> -> memref<1x1x128xi32, #tpu.memory_space<vmem>>
    %dma_start3A_28 = tpu.memref_squeeze %dma_start3A_27 : memref<1x1x128xi32, #tpu.memory_space<vmem>> -> memref<128xi32, #tpu.memory_space<vmem>>
    %dma_start3A_29 = arith.constant 0 : i32
    %dma_start3A_30 = arith.constant 0 : i32
    %dma_start3A_31 = tpu.memref_slice %arg2[%dma_start3A_29, %dma_start3A_30] : memref<1000000x32xf32, #tpu.memory_space<hbm>> -> memref<1000000x32xf32, #tpu.memory_space<hbm>>
    tpu.enqueue_indirect_dma source(%dma_start3A_31 : memref<1000000x32xf32, #tpu.memory_space<hbm>>) target(%dma_start3A_25 : memref<128x32xf32, #tpu.memory_space<vmem>>) offsets(%dma_start3A_28 : memref<128xi32, #tpu.memory_space<vmem>>) semaphore(%arg7 : memref<!tpu.dma_semaphore, #tpu.memory_space<semaphore_mem>>)
    %dma_start3A_32 = arith.constant 0 : i32
    %dma_start3A_33 = arith.constant 2 : i32
    %dma_start3A_34 = arith.constant 0 : i32
    %dma_start3A_35 = arith.constant 256 : i32
    %dma_start3A_36 = arith.constant 0 : i32
    %dma_start3A_37 = tpu.memref_slice %arg6[%dma_start3A_34, %dma_start3A_35, %dma_start3A_36] : memref<5x640x32xf32, #tpu.memory_space<vmem>> -> memref<1x128x32xf32, #tpu.memory_space<vmem>>
    %dma_start3A_38 = tpu.memref_squeeze %dma_start3A_37 : memref<1x128x32xf32, #tpu.memory_space<vmem>> -> memref<128x32xf32, #tpu.memory_space<vmem>>
    %dma_start3A_39 = arith.constant 0 : i32
    %dma_start3A_40 = tpu.memref_slice %arg5[%dma_start3A_32, %dma_start3A_33, %dma_start3A_39] : memref<5x5x128xi32, #tpu.memory_space<vmem>> -> memref<1x1x128xi32, #tpu.memory_space<vmem>>
    %dma_start3A_41 = tpu.memref_squeeze %dma_start3A_40 : memref<1x1x128xi32, #tpu.memory_space<vmem>> -> memref<128xi32, #tpu.memory_space<vmem>>
    %dma_start3A_42 = arith.constant 0 : i32
    %dma_start3A_43 = arith.constant 0 : i32
    %dma_start3A_44 = tpu.memref_slice %arg2[%dma_start3A_42, %dma_start3A_43] : memref<1000000x32xf32, #tpu.memory_space<hbm>> -> memref<1000000x32xf32, #tpu.memory_space<hbm>>
    tpu.enqueue_indirect_dma source(%dma_start3A_44 : memref<1000000x32xf32, #tpu.memory_space<hbm>>) target(%dma_start3A_38 : memref<128x32xf32, #tpu.memory_space<vmem>>) offsets(%dma_start3A_41 : memref<128xi32, #tpu.memory_space<vmem>>) semaphore(%arg7 : memref<!tpu.dma_semaphore, #tpu.memory_space<semaphore_mem>>)
    %dma_start3A_45 = arith.constant 0 : i32
    %dma_start3A_46 = arith.constant 3 : i32
    %dma_start3A_47 = arith.constant 0 : i32
    %dma_start3A_48 = arith.constant 384 : i32
    %dma_start3A_49 = arith.constant 0 : i32
    %dma_start3A_50 = tpu.memref_slice %arg6[%dma_start3A_47, %dma_start3A_48, %dma_start3A_49] : memref<5x640x32xf32, #tpu.memory_space<vmem>> -> memref<1x128x32xf32, #tpu.memory_space<vmem>>
    %dma_start3A_51 = tpu.memref_squeeze %dma_start3A_50 : memref<1x128x32xf32, #tpu.memory_space<vmem>> -> memref<128x32xf32, #tpu.memory_space<vmem>>
    %dma_start3A_52 = arith.constant 0 : i32
    %dma_start3A_53 = tpu.memref_slice %arg5[%dma_start3A_45, %dma_start3A_46, %dma_start3A_52] : memref<5x5x128xi32, #tpu.memory_space<vmem>> -> memref<1x1x128xi32, #tpu.memory_space<vmem>>
    %dma_start3A_54 = tpu.memref_squeeze %dma_start3A_53 : memref<1x1x128xi32, #tpu.memory_space<vmem>> -> memref<128xi32, #tpu.memory_space<vmem>>
    %dma_start3A_55 = arith.constant 0 : i32
    %dma_start3A_56 = arith.constant 0 : i32
    %dma_start3A_57 = tpu.memref_slice %arg2[%dma_start3A_55, %dma_start3A_56] : memref<1000000x32xf32, #tpu.memory_space<hbm>> -> memref<1000000x32xf32, #tpu.memory_space<hbm>>
    tpu.enqueue_indirect_dma source(%dma_start3A_57 : memref<1000000x32xf32, #tpu.memory_space<hbm>>) target(%dma_start3A_51 : memref<128x32xf32, #tpu.memory_space<vmem>>) offsets(%dma_start3A_54 : memref<128xi32, #tpu.memory_space<vmem>>) semaphore(%arg7 : memref<!tpu.dma_semaphore, #tpu.memory_space<semaphore_mem>>)
    %dma_start3A_58 = arith.constant 0 : i32
    %dma_start3A_59 = arith.constant 4 : i32
    %dma_start3A_60 = arith.constant 0 : i32
    %dma_start3A_61 = arith.constant 512 : i32
    %dma_start3A_62 = arith.constant 0 : i32
    %dma_start3A_63 = tpu.memref_slice %arg6[%dma_start3A_60, %dma_start3A_61, %dma_start3A_62] : memref<5x640x32xf32, #tpu.memory_space<vmem>> -> memref<1x128x32xf32, #tpu.memory_space<vmem>>
    %dma_start3A_64 = tpu.memref_squeeze %dma_start3A_63 : memref<1x128x32xf32, #tpu.memory_space<vmem>> -> memref<128x32xf32, #tpu.memory_space<vmem>>
    %dma_start3A_65 = arith.constant 0 : i32
    %dma_start3A_66 = tpu.memref_slice %arg5[%dma_start3A_58, %dma_start3A_59, %dma_start3A_65] : memref<5x5x128xi32, #tpu.memory_space<vmem>> -> memref<1x1x128xi32, #tpu.memory_space<vmem>>
    %dma_start3A_67 = tpu.memref_squeeze %dma_start3A_66 : memref<1x1x128xi32, #tpu.memory_space<vmem>> -> memref<128xi32, #tpu.memory_space<vmem>>
    %dma_start3A_68 = arith.constant 0 : i32
    %dma_start3A_69 = arith.constant 0 : i32
    %dma_start3A_70 = tpu.memref_slice %arg2[%dma_start3A_68, %dma_start3A_69] : memref<1000000x32xf32, #tpu.memory_space<hbm>> -> memref<1000000x32xf32, #tpu.memory_space<hbm>>
    tpu.enqueue_indirect_dma source(%dma_start3A_70 : memref<1000000x32xf32, #tpu.memory_space<hbm>>) target(%dma_start3A_64 : memref<128x32xf32, #tpu.memory_space<vmem>>) offsets(%dma_start3A_67 : memref<128xi32, #tpu.memory_space<vmem>>) semaphore(%arg7 : memref<!tpu.dma_semaphore, #tpu.memory_space<semaphore_mem>>)
    %add3A_71 = arith.constant 5 : i32
    %add3A_72 = arith.addi %mul3A_2, %add3A_71 : i32
    %run_scoped3A_73 = arith.constant 1 : i32
    "tpu.region"() ({
      %run_scoped3A_377 = tpu.sem_alloc : memref<!tpu.dma_semaphore, #tpu.memory_space<semaphore_mem>>
      %dma_start3A_378 = arith.constant 0 : i32
      %dma_start3A_379 = arith.constant 0 : i32
      %dma_start3A_380 = tpu.memref_slice %arg5[%run_scoped3A_73, %dma_start3A_378, %dma_start3A_379] : memref<5x5x128xi32, #tpu.memory_space<vmem>> -> memref<1x5x128xi32, #tpu.memory_space<vmem>>
      %dma_start3A_381 = tpu.memref_squeeze %dma_start3A_380 : memref<1x5x128xi32, #tpu.memory_space<vmem>> -> memref<5x128xi32, #tpu.memory_space<vmem>>
      %dma_start3A_382 = arith.constant 0 : i32
      %dma_start3A_383 = tpu.memref_slice %arg3[%add3A_72, %dma_start3A_382] : memref<6400x128xi32, #tpu.memory_space<hbm>> -> memref<5x128xi32, #tpu.memory_space<hbm>>
      %dma_start3A_384 = arith.constant 0 : i32
      %dma_start3A_385 = arith.constant 0 : i32
      %dma_start3A_386 = tpu.memref_slice %arg5[%run_scoped3A_73, %dma_start3A_384, %dma_start3A_385] : memref<5x5x128xi32, #tpu.memory_space<vmem>> -> memref<1x5x128xi32, #tpu.memory_space<vmem>>
      %dma_start3A_387 = tpu.memref_squeeze %dma_start3A_386 : memref<1x5x128xi32, #tpu.memory_space<vmem>> -> memref<5x128xi32, #tpu.memory_space<vmem>>
      %dma_start3A_388 = arith.constant 0 : i32
      %dma_start3A_389 = tpu.memref_slice %arg3[%add3A_72, %dma_start3A_388] : memref<6400x128xi32, #tpu.memory_space<hbm>> -> memref<5x128xi32, #tpu.memory_space<hbm>>
      tpu.enqueue_dma source(%dma_start3A_389 : memref<5x128xi32, #tpu.memory_space<hbm>>) target(%dma_start3A_387 : memref<5x128xi32, #tpu.memory_space<vmem>>) target_semaphore(%run_scoped3A_377 : memref<!tpu.dma_semaphore, #tpu.memory_space<semaphore_mem>>)
      %dma_wait3A_390 = arith.constant 0 : i32
      %dma_wait3A_391 = arith.constant 0 : i32
      %dma_wait3A_392 = tpu.memref_slice %arg5[%run_scoped3A_73, %dma_wait3A_390, %dma_wait3A_391] : memref<5x5x128xi32, #tpu.memory_space<vmem>> -> memref<1x5x128xi32, #tpu.memory_space<vmem>>
      %dma_wait3A_393 = tpu.memref_squeeze %dma_wait3A_392 : memref<1x5x128xi32, #tpu.memory_space<vmem>> -> memref<5x128xi32, #tpu.memory_space<vmem>>
      %dma_wait3A_394 = arith.constant 0 : i32
      %dma_wait3A_395 = tpu.memref_slice %arg3[%add3A_72, %dma_wait3A_394] : memref<6400x128xi32, #tpu.memory_space<hbm>> -> memref<5x128xi32, #tpu.memory_space<hbm>>
      %dma_wait3A_396 = arith.constant 0 : i32
      %dma_wait3A_397 = arith.constant 0 : i32
      %dma_wait3A_398 = tpu.memref_slice %arg5[%run_scoped3A_73, %dma_wait3A_396, %dma_wait3A_397] : memref<5x5x128xi32, #tpu.memory_space<vmem>> -> memref<1x5x128xi32, #tpu.memory_space<vmem>>
      %dma_wait3A_399 = tpu.memref_squeeze %dma_wait3A_398 : memref<1x5x128xi32, #tpu.memory_space<vmem>> -> memref<5x128xi32, #tpu.memory_space<vmem>>
      %dma_wait3A_400 = arith.constant 0 : i32
      %dma_wait3A_401 = tpu.memref_slice %arg3[%add3A_72, %dma_wait3A_400] : memref<6400x128xi32, #tpu.memory_space<hbm>> -> memref<5x128xi32, #tpu.memory_space<hbm>>
      tpu.wait_dma2 semaphore(%run_scoped3A_377 : memref<!tpu.dma_semaphore, #tpu.memory_space<semaphore_mem>>) src(%dma_wait3A_401 : memref<5x128xi32, #tpu.memory_space<hbm>>) dst(%dma_wait3A_399 : memref<5x128xi32, #tpu.memory_space<vmem>>)
      tpu.yield
    }) : () -> ()
    %dma_start3A_74 = arith.constant 1 : i32
    %dma_start3A_75 = arith.constant 0 : i32
    %dma_start3A_76 = arith.constant 1 : i32
    %dma_start3A_77 = arith.constant 0 : i32
    %dma_start3A_78 = arith.constant 0 : i32
    %dma_start3A_79 = tpu.memref_slice %arg6[%dma_start3A_76, %dma_start3A_77, %dma_start3A_78] : memref<5x640x32xf32, #tpu.memory_space<vmem>> -> memref<1x128x32xf32, #tpu.memory_space<vmem>>
    %dma_start3A_80 = tpu.memref_squeeze %dma_start3A_79 : memref<1x128x32xf32, #tpu.memory_space<vmem>> -> memref<128x32xf32, #tpu.memory_space<vmem>>
    %dma_start3A_81 = arith.constant 0 : i32
    %dma_start3A_82 = tpu.memref_slice %arg5[%dma_start3A_74, %dma_start3A_75, %dma_start3A_81] : memref<5x5x128xi32, #tpu.memory_space<vmem>> -> memref<1x1x128xi32, #tpu.memory_space<vmem>>
    %dma_start3A_83 = tpu.memref_squeeze %dma_start3A_82 : memref<1x1x128xi32, #tpu.memory_space<vmem>> -> memref<128xi32, #tpu.memory_space<vmem>>
    %dma_start3A_84 = arith.constant 0 : i32
    %dma_start3A_85 = arith.constant 0 : i32
    %dma_start3A_86 = tpu.memref_slice %arg2[%dma_start3A_84, %dma_start3A_85] : memref<1000000x32xf32, #tpu.memory_space<hbm>> -> memref<1000000x32xf32, #tpu.memory_space<hbm>>
    tpu.enqueue_indirect_dma source(%dma_start3A_86 : memref<1000000x32xf32, #tpu.memory_space<hbm>>) target(%dma_start3A_80 : memref<128x32xf32, #tpu.memory_space<vmem>>) offsets(%dma_start3A_83 : memref<128xi32, #tpu.memory_space<vmem>>) semaphore(%arg8 : memref<!tpu.dma_semaphore, #tpu.memory_space<semaphore_mem>>)
    %dma_start3A_87 = arith.constant 1 : i32
    %dma_start3A_88 = arith.constant 1 : i32
    %dma_start3A_89 = arith.constant 1 : i32
    %dma_start3A_90 = arith.constant 128 : i32
    %dma_start3A_91 = arith.constant 0 : i32
    %dma_start3A_92 = tpu.memref_slice %arg6[%dma_start3A_89, %dma_start3A_90, %dma_start3A_91] : memref<5x640x32xf32, #tpu.memory_space<vmem>> -> memref<1x128x32xf32, #tpu.memory_space<vmem>>
    %dma_start3A_93 = tpu.memref_squeeze %dma_start3A_92 : memref<1x128x32xf32, #tpu.memory_space<vmem>> -> memref<128x32xf32, #tpu.memory_space<vmem>>
    %dma_start3A_94 = arith.constant 0 : i32
    %dma_start3A_95 = tpu.memref_slice %arg5[%dma_start3A_87, %dma_start3A_88, %dma_start3A_94] : memref<5x5x128xi32, #tpu.memory_space<vmem>> -> memref<1x1x128xi32, #tpu.memory_space<vmem>>
    %dma_start3A_96 = tpu.memref_squeeze %dma_start3A_95 : memref<1x1x128xi32, #tpu.memory_space<vmem>> -> memref<128xi32, #tpu.memory_space<vmem>>
    %dma_start3A_97 = arith.constant 0 : i32
    %dma_start3A_98 = arith.constant 0 : i32
    %dma_start3A_99 = tpu.memref_slice %arg2[%dma_start3A_97, %dma_start3A_98] : memref<1000000x32xf32, #tpu.memory_space<hbm>> -> memref<1000000x32xf32, #tpu.memory_space<hbm>>
    tpu.enqueue_indirect_dma source(%dma_start3A_99 : memref<1000000x32xf32, #tpu.memory_space<hbm>>) target(%dma_start3A_93 : memref<128x32xf32, #tpu.memory_space<vmem>>) offsets(%dma_start3A_96 : memref<128xi32, #tpu.memory_space<vmem>>) semaphore(%arg8 : memref<!tpu.dma_semaphore, #tpu.memory_space<semaphore_mem>>)
    %dma_start3A_100 = arith.constant 1 : i32
    %dma_start3A_101 = arith.constant 2 : i32
    %dma_start3A_102 = arith.constant 1 : i32
    %dma_start3A_103 = arith.constant 256 : i32
    %dma_start3A_104 = arith.constant 0 : i32
    %dma_start3A_105 = tpu.memref_slice %arg6[%dma_start3A_102, %dma_start3A_103, %dma_start3A_104] : memref<5x640x32xf32, #tpu.memory_space<vmem>> -> memref<1x128x32xf32, #tpu.memory_space<vmem>>
    %dma_start3A_106 = tpu.memref_squeeze %dma_start3A_105 : memref<1x128x32xf32, #tpu.memory_space<vmem>> -> memref<128x32xf32, #tpu.memory_space<vmem>>
    %dma_start3A_107 = arith.constant 0 : i32
    %dma_start3A_108 = tpu.memref_slice %arg5[%dma_start3A_100, %dma_start3A_101, %dma_start3A_107] : memref<5x5x128xi32, #tpu.memory_space<vmem>> -> memref<1x1x128xi32, #tpu.memory_space<vmem>>
    %dma_start3A_109 = tpu.memref_squeeze %dma_start3A_108 : memref<1x1x128xi32, #tpu.memory_space<vmem>> -> memref<128xi32, #tpu.memory_space<vmem>>
    %dma_start3A_110 = arith.constant 0 : i32
    %dma_start3A_111 = arith.constant 0 : i32
    %dma_start3A_112 = tpu.memref_slice %arg2[%dma_start3A_110, %dma_start3A_111] : memref<1000000x32xf32, #tpu.memory_space<hbm>> -> memref<1000000x32xf32, #tpu.memory_space<hbm>>
    tpu.enqueue_indirect_dma source(%dma_start3A_112 : memref<1000000x32xf32, #tpu.memory_space<hbm>>) target(%dma_start3A_106 : memref<128x32xf32, #tpu.memory_space<vmem>>) offsets(%dma_start3A_109 : memref<128xi32, #tpu.memory_space<vmem>>) semaphore(%arg8 : memref<!tpu.dma_semaphore, #tpu.memory_space<semaphore_mem>>)
    %dma_start3A_113 = arith.constant 1 : i32
    %dma_start3A_114 = arith.constant 3 : i32
    %dma_start3A_115 = arith.constant 1 : i32
    %dma_start3A_116 = arith.constant 384 : i32
    %dma_start3A_117 = arith.constant 0 : i32
    %dma_start3A_118 = tpu.memref_slice %arg6[%dma_start3A_115, %dma_start3A_116, %dma_start3A_117] : memref<5x640x32xf32, #tpu.memory_space<vmem>> -> memref<1x128x32xf32, #tpu.memory_space<vmem>>
    %dma_start3A_119 = tpu.memref_squeeze %dma_start3A_118 : memref<1x128x32xf32, #tpu.memory_space<vmem>> -> memref<128x32xf32, #tpu.memory_space<vmem>>
    %dma_start3A_120 = arith.constant 0 : i32
    %dma_start3A_121 = tpu.memref_slice %arg5[%dma_start3A_113, %dma_start3A_114, %dma_start3A_120] : memref<5x5x128xi32, #tpu.memory_space<vmem>> -> memref<1x1x128xi32, #tpu.memory_space<vmem>>
    %dma_start3A_122 = tpu.memref_squeeze %dma_start3A_121 : memref<1x1x128xi32, #tpu.memory_space<vmem>> -> memref<128xi32, #tpu.memory_space<vmem>>
    %dma_start3A_123 = arith.constant 0 : i32
    %dma_start3A_124 = arith.constant 0 : i32
    %dma_start3A_125 = tpu.memref_slice %arg2[%dma_start3A_123, %dma_start3A_124] : memref<1000000x32xf32, #tpu.memory_space<hbm>> -> memref<1000000x32xf32, #tpu.memory_space<hbm>>
    tpu.enqueue_indirect_dma source(%dma_start3A_125 : memref<1000000x32xf32, #tpu.memory_space<hbm>>) target(%dma_start3A_119 : memref<128x32xf32, #tpu.memory_space<vmem>>) offsets(%dma_start3A_122 : memref<128xi32, #tpu.memory_space<vmem>>) semaphore(%arg8 : memref<!tpu.dma_semaphore, #tpu.memory_space<semaphore_mem>>)
    %dma_start3A_126 = arith.constant 1 : i32
    %dma_start3A_127 = arith.constant 4 : i32
    %dma_start3A_128 = arith.constant 1 : i32
    %dma_start3A_129 = arith.constant 512 : i32
    %dma_start3A_130 = arith.constant 0 : i32
    %dma_start3A_131 = tpu.memref_slice %arg6[%dma_start3A_128, %dma_start3A_129, %dma_start3A_130] : memref<5x640x32xf32, #tpu.memory_space<vmem>> -> memref<1x128x32xf32, #tpu.memory_space<vmem>>
    %dma_start3A_132 = tpu.memref_squeeze %dma_start3A_131 : memref<1x128x32xf32, #tpu.memory_space<vmem>> -> memref<128x32xf32, #tpu.memory_space<vmem>>
    %dma_start3A_133 = arith.constant 0 : i32
    %dma_start3A_134 = tpu.memref_slice %arg5[%dma_start3A_126, %dma_start3A_127, %dma_start3A_133] : memref<5x5x128xi32, #tpu.memory_space<vmem>> -> memref<1x1x128xi32, #tpu.memory_space<vmem>>
    %dma_start3A_135 = tpu.memref_squeeze %dma_start3A_134 : memref<1x1x128xi32, #tpu.memory_space<vmem>> -> memref<128xi32, #tpu.memory_space<vmem>>
    %dma_start3A_136 = arith.constant 0 : i32
    %dma_start3A_137 = arith.constant 0 : i32
    %dma_start3A_138 = tpu.memref_slice %arg2[%dma_start3A_136, %dma_start3A_137] : memref<1000000x32xf32, #tpu.memory_space<hbm>> -> memref<1000000x32xf32, #tpu.memory_space<hbm>>
    tpu.enqueue_indirect_dma source(%dma_start3A_138 : memref<1000000x32xf32, #tpu.memory_space<hbm>>) target(%dma_start3A_132 : memref<128x32xf32, #tpu.memory_space<vmem>>) offsets(%dma_start3A_135 : memref<128xi32, #tpu.memory_space<vmem>>) semaphore(%arg8 : memref<!tpu.dma_semaphore, #tpu.memory_space<semaphore_mem>>)
    %scan3A = arith.constant 0 : i32
    %scan3A_139 = arith.constant 0 : i32
    %scan3A_140 = arith.constant 8 : i32
    %scan3A_141 = arith.addi %scan3A_139, %scan3A_140 : i32
    %scan3A_142 = arith.constant 1 : i32
    scf.for %scan3A_377 = %scan3A_139 to %scan3A_141 step %scan3A_142  : i32 {
      %mul3A_378 = arith.constant 5 : i32
      %mul3A_379 = arith.muli %scan3A_377, %mul3A_378 : i32
      %add3A_380 = arith.constant 0 : i32
      %add3A_381 = arith.addi %mul3A_379, %add3A_380 : i32
      %dma_wait3A_382 = arith.constant 0 : i32
      %dma_wait3A_383 = arith.constant 0 : i32
      %dma_wait3A_384 = arith.constant 0 : i32
      %dma_wait3A_385 = arith.constant 0 : i32
      %dma_wait3A_386 = arith.constant 0 : i32
      %dma_wait3A_387 = tpu.memref_slice %arg6[%dma_wait3A_384, %dma_wait3A_385, %dma_wait3A_386] : memref<5x640x32xf32, #tpu.memory_space<vmem>> -> memref<1x128x32xf32, #tpu.memory_space<vmem>>
      %dma_wait3A_388 = tpu.memref_squeeze %dma_wait3A_387 : memref<1x128x32xf32, #tpu.memory_space<vmem>> -> memref<128x32xf32, #tpu.memory_space<vmem>>
      %dma_wait3A_389 = arith.constant 0 : i32
      %dma_wait3A_390 = tpu.memref_slice %arg5[%dma_wait3A_382, %dma_wait3A_383, %dma_wait3A_389] : memref<5x5x128xi32, #tpu.memory_space<vmem>> -> memref<1x1x128xi32, #tpu.memory_space<vmem>>
      %dma_wait3A_391 = tpu.memref_squeeze %dma_wait3A_390 : memref<1x1x128xi32, #tpu.memory_space<vmem>> -> memref<128xi32, #tpu.memory_space<vmem>>
      %dma_wait3A_392 = arith.constant 0 : i32
      %dma_wait3A_393 = arith.constant 0 : i32
      %dma_wait3A_394 = tpu.memref_slice %arg2[%dma_wait3A_392, %dma_wait3A_393] : memref<1000000x32xf32, #tpu.memory_space<hbm>> -> memref<1000000x32xf32, #tpu.memory_space<hbm>>
      tpu.wait_indirect_dma semaphore(%arg7 : memref<!tpu.dma_semaphore, #tpu.memory_space<semaphore_mem>>) src(%dma_wait3A_394 : memref<1000000x32xf32, #tpu.memory_space<hbm>>) dst(%dma_wait3A_388 : memref<128x32xf32, #tpu.memory_space<vmem>>)
      %dma_wait3A_395 = arith.constant 0 : i32
      %dma_wait3A_396 = arith.constant 1 : i32
      %dma_wait3A_397 = arith.constant 0 : i32
      %dma_wait3A_398 = arith.constant 128 : i32
      %dma_wait3A_399 = arith.constant 0 : i32
      %dma_wait3A_400 = tpu.memref_slice %arg6[%dma_wait3A_397, %dma_wait3A_398, %dma_wait3A_399] : memref<5x640x32xf32, #tpu.memory_space<vmem>> -> memref<1x128x32xf32, #tpu.memory_space<vmem>>
      %dma_wait3A_401 = tpu.memref_squeeze %dma_wait3A_400 : memref<1x128x32xf32, #tpu.memory_space<vmem>> -> memref<128x32xf32, #tpu.memory_space<vmem>>
      %dma_wait3A_402 = arith.constant 0 : i32
      %dma_wait3A_403 = tpu.memref_slice %arg5[%dma_wait3A_395, %dma_wait3A_396, %dma_wait3A_402] : memref<5x5x128xi32, #tpu.memory_space<vmem>> -> memref<1x1x128xi32, #tpu.memory_space<vmem>>
      %dma_wait3A_404 = tpu.memref_squeeze %dma_wait3A_403 : memref<1x1x128xi32, #tpu.memory_space<vmem>> -> memref<128xi32, #tpu.memory_space<vmem>>
      %dma_wait3A_405 = arith.constant 0 : i32
      %dma_wait3A_406 = arith.constant 0 : i32
      %dma_wait3A_407 = tpu.memref_slice %arg2[%dma_wait3A_405, %dma_wait3A_406] : memref<1000000x32xf32, #tpu.memory_space<hbm>> -> memref<1000000x32xf32, #tpu.memory_space<hbm>>
      tpu.wait_indirect_dma semaphore(%arg7 : memref<!tpu.dma_semaphore, #tpu.memory_space<semaphore_mem>>) src(%dma_wait3A_407 : memref<1000000x32xf32, #tpu.memory_space<hbm>>) dst(%dma_wait3A_401 : memref<128x32xf32, #tpu.memory_space<vmem>>)
      %dma_wait3A_408 = arith.constant 0 : i32
      %dma_wait3A_409 = arith.constant 2 : i32
      %dma_wait3A_410 = arith.constant 0 : i32
      %dma_wait3A_411 = arith.constant 256 : i32
      %dma_wait3A_412 = arith.constant 0 : i32
      %dma_wait3A_413 = tpu.memref_slice %arg6[%dma_wait3A_410, %dma_wait3A_411, %dma_wait3A_412] : memref<5x640x32xf32, #tpu.memory_space<vmem>> -> memref<1x128x32xf32, #tpu.memory_space<vmem>>
      %dma_wait3A_414 = tpu.memref_squeeze %dma_wait3A_413 : memref<1x128x32xf32, #tpu.memory_space<vmem>> -> memref<128x32xf32, #tpu.memory_space<vmem>>
      %dma_wait3A_415 = arith.constant 0 : i32
      %dma_wait3A_416 = tpu.memref_slice %arg5[%dma_wait3A_408, %dma_wait3A_409, %dma_wait3A_415] : memref<5x5x128xi32, #tpu.memory_space<vmem>> -> memref<1x1x128xi32, #tpu.memory_space<vmem>>
      %dma_wait3A_417 = tpu.memref_squeeze %dma_wait3A_416 : memref<1x1x128xi32, #tpu.memory_space<vmem>> -> memref<128xi32, #tpu.memory_space<vmem>>
      %dma_wait3A_418 = arith.constant 0 : i32
      %dma_wait3A_419 = arith.constant 0 : i32
      %dma_wait3A_420 = tpu.memref_slice %arg2[%dma_wait3A_418, %dma_wait3A_419] : memref<1000000x32xf32, #tpu.memory_space<hbm>> -> memref<1000000x32xf32, #tpu.memory_space<hbm>>
      tpu.wait_indirect_dma semaphore(%arg7 : memref<!tpu.dma_semaphore, #tpu.memory_space<semaphore_mem>>) src(%dma_wait3A_420 : memref<1000000x32xf32, #tpu.memory_space<hbm>>) dst(%dma_wait3A_414 : memref<128x32xf32, #tpu.memory_space<vmem>>)
      %dma_wait3A_421 = arith.constant 0 : i32
      %dma_wait3A_422 = arith.constant 3 : i32
      %dma_wait3A_423 = arith.constant 0 : i32
      %dma_wait3A_424 = arith.constant 384 : i32
      %dma_wait3A_425 = arith.constant 0 : i32
      %dma_wait3A_426 = tpu.memref_slice %arg6[%dma_wait3A_423, %dma_wait3A_424, %dma_wait3A_425] : memref<5x640x32xf32, #tpu.memory_space<vmem>> -> memref<1x128x32xf32, #tpu.memory_space<vmem>>
      %dma_wait3A_427 = tpu.memref_squeeze %dma_wait3A_426 : memref<1x128x32xf32, #tpu.memory_space<vmem>> -> memref<128x32xf32, #tpu.memory_space<vmem>>
      %dma_wait3A_428 = arith.constant 0 : i32
      %dma_wait3A_429 = tpu.memref_slice %arg5[%dma_wait3A_421, %dma_wait3A_422, %dma_wait3A_428] : memref<5x5x128xi32, #tpu.memory_space<vmem>> -> memref<1x1x128xi32, #tpu.memory_space<vmem>>
      %dma_wait3A_430 = tpu.memref_squeeze %dma_wait3A_429 : memref<1x1x128xi32, #tpu.memory_space<vmem>> -> memref<128xi32, #tpu.memory_space<vmem>>
      %dma_wait3A_431 = arith.constant 0 : i32
      %dma_wait3A_432 = arith.constant 0 : i32
      %dma_wait3A_433 = tpu.memref_slice %arg2[%dma_wait3A_431, %dma_wait3A_432] : memref<1000000x32xf32, #tpu.memory_space<hbm>> -> memref<1000000x32xf32, #tpu.memory_space<hbm>>
      tpu.wait_indirect_dma semaphore(%arg7 : memref<!tpu.dma_semaphore, #tpu.memory_space<semaphore_mem>>) src(%dma_wait3A_433 : memref<1000000x32xf32, #tpu.memory_space<hbm>>) dst(%dma_wait3A_427 : memref<128x32xf32, #tpu.memory_space<vmem>>)
      %dma_wait3A_434 = arith.constant 0 : i32
      %dma_wait3A_435 = arith.constant 4 : i32
      %dma_wait3A_436 = arith.constant 0 : i32
      %dma_wait3A_437 = arith.constant 512 : i32
      %dma_wait3A_438 = arith.constant 0 : i32
      %dma_wait3A_439 = tpu.memref_slice %arg6[%dma_wait3A_436, %dma_wait3A_437, %dma_wait3A_438] : memref<5x640x32xf32, #tpu.memory_space<vmem>> -> memref<1x128x32xf32, #tpu.memory_space<vmem>>
      %dma_wait3A_440 = tpu.memref_squeeze %dma_wait3A_439 : memref<1x128x32xf32, #tpu.memory_space<vmem>> -> memref<128x32xf32, #tpu.memory_space<vmem>>
      %dma_wait3A_441 = arith.constant 0 : i32
      %dma_wait3A_442 = tpu.memref_slice %arg5[%dma_wait3A_434, %dma_wait3A_435, %dma_wait3A_441] : memref<5x5x128xi32, #tpu.memory_space<vmem>> -> memref<1x1x128xi32, #tpu.memory_space<vmem>>
      %dma_wait3A_443 = tpu.memref_squeeze %dma_wait3A_442 : memref<1x1x128xi32, #tpu.memory_space<vmem>> -> memref<128xi32, #tpu.memory_space<vmem>>
      %dma_wait3A_444 = arith.constant 0 : i32
      %dma_wait3A_445 = arith.constant 0 : i32
      %dma_wait3A_446 = tpu.memref_slice %arg2[%dma_wait3A_444, %dma_wait3A_445] : memref<1000000x32xf32, #tpu.memory_space<hbm>> -> memref<1000000x32xf32, #tpu.memory_space<hbm>>
      tpu.wait_indirect_dma semaphore(%arg7 : memref<!tpu.dma_semaphore, #tpu.memory_space<semaphore_mem>>) src(%dma_wait3A_446 : memref<1000000x32xf32, #tpu.memory_space<hbm>>) dst(%dma_wait3A_440 : memref<128x32xf32, #tpu.memory_space<vmem>>)
      %scan3A_447 = arith.constant 0 : i32
      %scan3A_448 = arith.constant 0 : i32
      %scan3A_449 = arith.constant 80 : i32
      %scan3A_450 = arith.addi %scan3A_448, %scan3A_449 : i32
      %scan3A_451 = arith.constant 1 : i32
      scf.for %scan3A_1214 = %scan3A_448 to %scan3A_450 step %scan3A_451  : i32 {
        %mul3A_1215 = arith.constant 8 : i32
        %mul3A_1216 = arith.muli %scan3A_1214, %mul3A_1215 : i32
        %add3A_1217 = arith.constant 0 : i32
        %add3A_1218 = arith.addi %mul3A_1216, %add3A_1217 : i32
        %get3A = arith.constant 0 : i32
        %get3A_1219 = arith.index_cast %get3A : i32 to index
        %get3A_1220 = arith.index_cast %add3A_1218 : i32 to index
        %get3A_1221 = arith.constant 0 : index
        %get3A_1222 = tpu.vector_load %arg6[%get3A_1219, %get3A_1220, %get3A_1221] {strides = array<i32>} : memref<5x640x32xf32, #tpu.memory_space<vmem>>, vector<1x1x16xf32>,
        %get3A_1223 = vector.shape_cast %get3A_1222 : vector<1x1x16xf32> to vector<16xf32>
        %mul3A_1224 = arith.constant 5.65685415 : f32
        %mul3A_1225 = vector.broadcast %mul3A_1224 : f32 to vector<16xf32>
        %mul3A_1226 = arith.mulf %get3A_1223, %mul3A_1225 : vector<16xf32>
        %add3A_1227 = arith.constant 0 : i32
        %add3A_1228 = arith.addi %mul3A_1216, %add3A_1227 : i32
        %swap3A = arith.constant 0 : i32
        %swap3A_1229 = arith.index_cast %swap3A : i32 to index
        %swap3A_1230 = arith.index_cast %add3A_1228 : i32 to index
        %swap3A_1231 = arith.constant 0 : index
        %swap3A_1232 = tpu.vector_load %arg6[%swap3A_1229, %swap3A_1230, %swap3A_1231] {strides = array<i32>} : memref<5x640x32xf32, #tpu.memory_space<vmem>>, vector<1x1x16xf32>,
        %swap3A_1233 = vector.shape_cast %swap3A_1232 : vector<1x1x16xf32> to vector<16xf32>
        %swap3A_1234 = vector.shape_cast %mul3A_1226 : vector<16xf32> to vector<1x1x16xf32>
        tpu.vector_store %arg6[%swap3A_1229, %swap3A_1230, %swap3A_1231], %swap3A_1234 {strides = array<i32>} : memref<5x640x32xf32, #tpu.memory_space<vmem>>, vector<1x1x16xf32>,
        %add3A_1235 = arith.constant 0 : i32
        %add3A_1236 = arith.addi %mul3A_1216, %add3A_1235 : i32
        %get3A_1237 = arith.constant 0 : i32
        %get3A_1238 = arith.index_cast %get3A_1237 : i32 to index
        %get3A_1239 = arith.index_cast %add3A_1236 : i32 to index
        %get3A_1240 = arith.constant 16 : index
        %get3A_1241 = tpu.vector_load %arg6[%get3A_1238, %get3A_1239, %get3A_1240] {strides = array<i32>} : memref<5x640x32xf32, #tpu.memory_space<vmem>>, vector<1x1x16xf32>,
        %get3A_1242 = vector.shape_cast %get3A_1241 : vector<1x1x16xf32> to vector<16xf32>
        %mul3A_1243 = arith.constant 5.65685415 : f32
        %mul3A_1244 = vector.broadcast %mul3A_1243 : f32 to vector<16xf32>
        %mul3A_1245 = arith.mulf %get3A_1242, %mul3A_1244 : vector<16xf32>
        %add3A_1246 = arith.constant 0 : i32
        %add3A_1247 = arith.addi %mul3A_1216, %add3A_1246 : i32
        %swap3A_1248 = arith.constant 0 : i32
        %swap3A_1249 = arith.index_cast %swap3A_1248 : i32 to index
        %swap3A_1250 = arith.index_cast %add3A_1247 : i32 to index
        %swap3A_1251 = arith.constant 16 : index
        %swap3A_1252 = tpu.vector_load %arg6[%swap3A_1249, %swap3A_1250, %swap3A_1251] {strides = array<i32>} : memref<5x640x32xf32, #tpu.memory_space<vmem>>, vector<1x1x16xf32>,
        %swap3A_1253 = vector.shape_cast %swap3A_1252 : vector<1x1x16xf32> to vector<16xf32>
        %swap3A_1254 = vector.shape_cast %mul3A_1245 : vector<16xf32> to vector<1x1x16xf32>
        tpu.vector_store %arg6[%swap3A_1249, %swap3A_1250, %swap3A_1251], %swap3A_1254 {strides = array<i32>} : memref<5x640x32xf32, #tpu.memory_space<vmem>>, vector<1x1x16xf32>,
        %add3A_1255 = arith.constant 1 : i32
        %add3A_1256 = arith.addi %mul3A_1216, %add3A_1255 : i32
        %get3A_1257 = arith.constant 0 : i32
        %get3A_1258 = arith.index_cast %get3A_1257 : i32 to index
        %get3A_1259 = arith.index_cast %add3A_1256 : i32 to index
        %get3A_1260 = arith.constant 0 : index
        %get3A_1261 = tpu.vector_load %arg6[%get3A_1258, %get3A_1259, %get3A_1260] {strides = array<i32>} : memref<5x640x32xf32, #tpu.memory_space<vmem>>, vector<1x1x16xf32>,
        %get3A_1262 = vector.shape_cast %get3A_1261 : vector<1x1x16xf32> to vector<16xf32>
        %mul3A_1263 = arith.constant 5.65685415 : f32
        %mul3A_1264 = vector.broadcast %mul3A_1263 : f32 to vector<16xf32>
        %mul3A_1265 = arith.mulf %get3A_1262, %mul3A_1264 : vector<16xf32>
        %add3A_1266 = arith.constant 1 : i32
        %add3A_1267 = arith.addi %mul3A_1216, %add3A_1266 : i32
        %swap3A_1268 = arith.constant 0 : i32
        %swap3A_1269 = arith.index_cast %swap3A_1268 : i32 to index
        %swap3A_1270 = arith.index_cast %add3A_1267 : i32 to index
        %swap3A_1271 = arith.constant 0 : index
        %swap3A_1272 = tpu.vector_load %arg6[%swap3A_1269, %swap3A_1270, %swap3A_1271] {strides = array<i32>} : memref<5x640x32xf32, #tpu.memory_space<vmem>>, vector<1x1x16xf32>,
        %swap3A_1273 = vector.shape_cast %swap3A_1272 : vector<1x1x16xf32> to vector<16xf32>
        %swap3A_1274 = vector.shape_cast %mul3A_1265 : vector<16xf32> to vector<1x1x16xf32>
        tpu.vector_store %arg6[%swap3A_1269, %swap3A_1270, %swap3A_1271], %swap3A_1274 {strides = array<i32>} : memref<5x640x32xf32, #tpu.memory_space<vmem>>, vector<1x1x16xf32>,
        %add3A_1275 = arith.constant 1 : i32
        %add3A_1276 = arith.addi %mul3A_1216, %add3A_1275 : i32
        %get3A_1277 = arith.constant 0 : i32
        %get3A_1278 = arith.index_cast %get3A_1277 : i32 to index
        %get3A_1279 = arith.index_cast %add3A_1276 : i32 to index
        %get3A_1280 = arith.constant 16 : index
        %get3A_1281 = tpu.vector_load %arg6[%get3A_1278, %get3A_1279, %get3A_1280] {strides = array<i32>} : memref<5x640x32xf32, #tpu.memory_space<vmem>>, vector<1x1x16xf32>,
        %get3A_1282 = vector.shape_cast %get3A_1281 : vector<1x1x16xf32> to vector<16xf32>
        %mul3A_1283 = arith.constant 5.65685415 : f32
        %mul3A_1284 = vector.broadcast %mul3A_1283 : f32 to vector<16xf32>
        %mul3A_1285 = arith.mulf %get3A_1282, %mul3A_1284 : vector<16xf32>
        %add3A_1286 = arith.constant 1 : i32
        %add3A_1287 = arith.addi %mul3A_1216, %add3A_1286 : i32
        %swap3A_1288 = arith.constant 0 : i32
        %swap3A_1289 = arith.index_cast %swap3A_1288 : i32 to index
        %swap3A_1290 = arith.index_cast %add3A_1287 : i32 to index
        %swap3A_1291 = arith.constant 16 : index
        %swap3A_1292 = tpu.vector_load %arg6[%swap3A_1289, %swap3A_1290, %swap3A_1291] {strides = array<i32>} : memref<5x640x32xf32, #tpu.memory_space<vmem>>, vector<1x1x16xf32>,
        %swap3A_1293 = vector.shape_cast %swap3A_1292 : vector<1x1x16xf32> to vector<16xf32>
        %swap3A_1294 = vector.shape_cast %mul3A_1285 : vector<16xf32> to vector<1x1x16xf32>
        tpu.vector_store %arg6[%swap3A_1289, %swap3A_1290, %swap3A_1291], %swap3A_1294 {strides = array<i32>} : memref<5x640x32xf32, #tpu.memory_space<vmem>>, vector<1x1x16xf32>,
        %add3A_1295 = arith.constant 2 : i32
        %add3A_1296 = arith.addi %mul3A_1216, %add3A_1295 : i32
        %get3A_1297 = arith.constant 0 : i32
        %get3A_1298 = arith.index_cast %get3A_1297 : i32 to index
        %get3A_1299 = arith.index_cast %add3A_1296 : i32 to index
        %get3A_1300 = arith.constant 0 : index
        %get3A_1301 = tpu.vector_load %arg6[%get3A_1298, %get3A_1299, %get3A_1300] {strides = array<i32>} : memref<5x640x32xf32, #tpu.memory_space<vmem>>, vector<1x1x16xf32>,
        %get3A_1302 = vector.shape_cast %get3A_1301 : vector<1x1x16xf32> to vector<16xf32>
        %mul3A_1303 = arith.constant 5.65685415 : f32
        %mul3A_1304 = vector.broadcast %mul3A_1303 : f32 to vector<16xf32>
        %mul3A_1305 = arith.mulf %get3A_1302, %mul3A_1304 : vector<16xf32>
        %add3A_1306 = arith.constant 2 : i32
        %add3A_1307 = arith.addi %mul3A_1216, %add3A_1306 : i32
        %swap3A_1308 = arith.constant 0 : i32
        %swap3A_1309 = arith.index_cast %swap3A_1308 : i32 to index
        %swap3A_1310 = arith.index_cast %add3A_1307 : i32 to index
        %swap3A_1311 = arith.constant 0 : index
        %swap3A_1312 = tpu.vector_load %arg6[%swap3A_1309, %swap3A_1310, %swap3A_1311] {strides = array<i32>} : memref<5x640x32xf32, #tpu.memory_space<vmem>>, vector<1x1x16xf32>,
        %swap3A_1313 = vector.shape_cast %swap3A_1312 : vector<1x1x16xf32> to vector<16xf32>
        %swap3A_1314 = vector.shape_cast %mul3A_1305 : vector<16xf32> to vector<1x1x16xf32>
        tpu.vector_store %arg6[%swap3A_1309, %swap3A_1310, %swap3A_1311], %swap3A_1314 {strides = array<i32>} : memref<5x640x32xf32, #tpu.memory_space<vmem>>, vector<1x1x16xf32>,
        %add3A_1315 = arith.constant 2 : i32
        %add3A_1316 = arith.addi %mul3A_1216, %add3A_1315 : i32
        %get3A_1317 = arith.constant 0 : i32
        %get3A_1318 = arith.index_cast %get3A_1317 : i32 to index
        %get3A_1319 = arith.index_cast %add3A_1316 : i32 to index
        %get3A_1320 = arith.constant 16 : index
        %get3A_1321 = tpu.vector_load %arg6[%get3A_1318, %get3A_1319, %get3A_1320] {strides = array<i32>} : memref<5x640x32xf32, #tpu.memory_space<vmem>>, vector<1x1x16xf32>,
        %get3A_1322 = vector.shape_cast %get3A_1321 : vector<1x1x16xf32> to vector<16xf32>
        %mul3A_1323 = arith.constant 5.65685415 : f32
        %mul3A_1324 = vector.broadcast %mul3A_1323 : f32 to vector<16xf32>
        %mul3A_1325 = arith.mulf %get3A_1322, %mul3A_1324 : vector<16xf32>
        %add3A_1326 = arith.constant 2 : i32
        %add3A_1327 = arith.addi %mul3A_1216, %add3A_1326 : i32
        %swap3A_1328 = arith.constant 0 : i32
        %swap3A_1329 = arith.index_cast %swap3A_1328 : i32 to index
        %swap3A_1330 = arith.index_cast %add3A_1327 : i32 to index
        %swap3A_1331 = arith.constant 16 : index
        %swap3A_1332 = tpu.vector_load %arg6[%swap3A_1329, %swap3A_1330, %swap3A_1331] {strides = array<i32>} : memref<5x640x32xf32, #tpu.memory_space<vmem>>, vector<1x1x16xf32>,
        %swap3A_1333 = vector.shape_cast %swap3A_1332 : vector<1x1x16xf32> to vector<16xf32>
        %swap3A_1334 = vector.shape_cast %mul3A_1325 : vector<16xf32> to vector<1x1x16xf32>
        tpu.vector_store %arg6[%swap3A_1329, %swap3A_1330, %swap3A_1331], %swap3A_1334 {strides = array<i32>} : memref<5x640x32xf32, #tpu.memory_space<vmem>>, vector<1x1x16xf32>,
        %add3A_1335 = arith.constant 3 : i32
        %add3A_1336 = arith.addi %mul3A_1216, %add3A_1335 : i32
        %get3A_1337 = arith.constant 0 : i32
        %get3A_1338 = arith.index_cast %get3A_1337 : i32 to index
        %get3A_1339 = arith.index_cast %add3A_1336 : i32 to index
        %get3A_1340 = arith.constant 0 : index
        %get3A_1341 = tpu.vector_load %arg6[%get3A_1338, %get3A_1339, %get3A_1340] {strides = array<i32>} : memref<5x640x32xf32, #tpu.memory_space<vmem>>, vector<1x1x16xf32>,
        %get3A_1342 = vector.shape_cast %get3A_1341 : vector<1x1x16xf32> to vector<16xf32>
        %mul3A_1343 = arith.constant 5.65685415 : f32
        %mul3A_1344 = vector.broadcast %mul3A_1343 : f32 to vector<16xf32>
        %mul3A_1345 = arith.mulf %get3A_1342, %mul3A_1344 : vector<16xf32>
        %add3A_1346 = arith.constant 3 : i32
        %add3A_1347 = arith.addi %mul3A_1216, %add3A_1346 : i32
        %swap3A_1348 = arith.constant 0 : i32
        %swap3A_1349 = arith.index_cast %swap3A_1348 : i32 to index
        %swap3A_1350 = arith.index_cast %add3A_1347 : i32 to index
        %swap3A_1351 = arith.constant 0 : index
        %swap3A_1352 = tpu.vector_load %arg6[%swap3A_1349, %swap3A_1350, %swap3A_1351] {strides = array<i32>} : memref<5x640x32xf32, #tpu.memory_space<vmem>>, vector<1x1x16xf32>,
        %swap3A_1353 = vector.shape_cast %swap3A_1352 : vector<1x1x16xf32> to vector<16xf32>
        %swap3A_1354 = vector.shape_cast %mul3A_1345 : vector<16xf32> to vector<1x1x16xf32>
        tpu.vector_store %arg6[%swap3A_1349, %swap3A_1350, %swap3A_1351], %swap3A_1354 {strides = array<i32>} : memref<5x640x32xf32, #tpu.memory_space<vmem>>, vector<1x1x16xf32>,
        %add3A_1355 = arith.constant 3 : i32
        %add3A_1356 = arith.addi %mul3A_1216, %add3A_1355 : i32
        %get3A_1357 = arith.constant 0 : i32
        %get3A_1358 = arith.index_cast %get3A_1357 : i32 to index
        %get3A_1359 = arith.index_cast %add3A_1356 : i32 to index
        %get3A_1360 = arith.constant 16 : index
        %get3A_1361 = tpu.vector_load %arg6[%get3A_1358, %get3A_1359, %get3A_1360] {strides = array<i32>} : memref<5x640x32xf32, #tpu.memory_space<vmem>>, vector<1x1x16xf32>,
        %get3A_1362 = vector.shape_cast %get3A_1361 : vector<1x1x16xf32> to vector<16xf32>
        %mul3A_1363 = arith.constant 5.65685415 : f32
        %mul3A_1364 = vector.broadcast %mul3A_1363 : f32 to vector<16xf32>
        %mul3A_1365 = arith.mulf %get3A_1362, %mul3A_1364 : vector<16xf32>
        %add3A_1366 = arith.constant 3 : i32
        %add3A_1367 = arith.addi %mul3A_1216, %add3A_1366 : i32
        %swap3A_1368 = arith.constant 0 : i32
        %swap3A_1369 = arith.index_cast %swap3A_1368 : i32 to index
        %swap3A_1370 = arith.index_cast %add3A_1367 : i32 to index
        %swap3A_1371 = arith.constant 16 : index
        %swap3A_1372 = tpu.vector_load %arg6[%swap3A_1369, %swap3A_1370, %swap3A_1371] {strides = array<i32>} : memref<5x640x32xf32, #tpu.memory_space<vmem>>, vector<1x1x16xf32>,
        %swap3A_1373 = vector.shape_cast %swap3A_1372 : vector<1x1x16xf32> to vector<16xf32>
        %swap3A_1374 = vector.shape_cast %mul3A_1365 : vector<16xf32> to vector<1x1x16xf32>
        tpu.vector_store %arg6[%swap3A_1369, %swap3A_1370, %swap3A_1371], %swap3A_1374 {strides = array<i32>} : memref<5x640x32xf32, #tpu.memory_space<vmem>>, vector<1x1x16xf32>,
        %add3A_1375 = arith.constant 4 : i32
        %add3A_1376 = arith.addi %mul3A_1216, %add3A_1375 : i32
        %get3A_1377 = arith.constant 0 : i32
        %get3A_1378 = arith.index_cast %get3A_1377 : i32 to index
        %get3A_1379 = arith.index_cast %add3A_1376 : i32 to index
        %get3A_1380 = arith.constant 0 : index
        %get3A_1381 = tpu.vector_load %arg6[%get3A_1378, %get3A_1379, %get3A_1380] {strides = array<i32>} : memref<5x640x32xf32, #tpu.memory_space<vmem>>, vector<1x1x16xf32>,
        %get3A_1382 = vector.shape_cast %get3A_1381 : vector<1x1x16xf32> to vector<16xf32>
        %mul3A_1383 = arith.constant 5.65685415 : f32
        %mul3A_1384 = vector.broadcast %mul3A_1383 : f32 to vector<16xf32>
        %mul3A_1385 = arith.mulf %get3A_1382, %mul3A_1384 : vector<16xf32>
        %add3A_1386 = arith.constant 4 : i32
        %add3A_1387 = arith.addi %mul3A_1216, %add3A_1386 : i32
        %swap3A_1388 = arith.constant 0 : i32
        %swap3A_1389 = arith.index_cast %swap3A_1388 : i32 to index
        %swap3A_1390 = arith.index_cast %add3A_1387 : i32 to index
        %swap3A_1391 = arith.constant 0 : index
        %swap3A_1392 = tpu.vector_load %arg6[%swap3A_1389, %swap3A_1390, %swap3A_1391] {strides = array<i32>} : memref<5x640x32xf32, #tpu.memory_space<vmem>>, vector<1x1x16xf32>,
        %swap3A_1393 = vector.shape_cast %swap3A_1392 : vector<1x1x16xf32> to vector<16xf32>
        %swap3A_1394 = vector.shape_cast %mul3A_1385 : vector<16xf32> to vector<1x1x16xf32>
        tpu.vector_store %arg6[%swap3A_1389, %swap3A_1390, %swap3A_1391], %swap3A_1394 {strides = array<i32>} : memref<5x640x32xf32, #tpu.memory_space<vmem>>, vector<1x1x16xf32>,
        %add3A_1395 = arith.constant 4 : i32
        %add3A_1396 = arith.addi %mul3A_1216, %add3A_1395 : i32
        %get3A_1397 = arith.constant 0 : i32
        %get3A_1398 = arith.index_cast %get3A_1397 : i32 to index
        %get3A_1399 = arith.index_cast %add3A_1396 : i32 to index
        %get3A_1400 = arith.constant 16 : index
        %get3A_1401 = tpu.vector_load %arg6[%get3A_1398, %get3A_1399, %get3A_1400] {strides = array<i32>} : memref<5x640x32xf32, #tpu.memory_space<vmem>>, vector<1x1x16xf32>,
        %get3A_1402 = vector.shape_cast %get3A_1401 : vector<1x1x16xf32> to vector<16xf32>
        %mul3A_1403 = arith.constant 5.65685415 : f32
        %mul3A_1404 = vector.broadcast %mul3A_1403 : f32 to vector<16xf32>
        %mul3A_1405 = arith.mulf %get3A_1402, %mul3A_1404 : vector<16xf32>
        %add3A_1406 = arith.constant 4 : i32
        %add3A_1407 = arith.addi %mul3A_1216, %add3A_1406 : i32
        %swap3A_1408 = arith.constant 0 : i32
        %swap3A_1409 = arith.index_cast %swap3A_1408 : i32 to index
        %swap3A_1410 = arith.index_cast %add3A_1407 : i32 to index
        %swap3A_1411 = arith.constant 16 : index
        %swap3A_1412 = tpu.vector_load %arg6[%swap3A_1409, %swap3A_1410, %swap3A_1411] {strides = array<i32>} : memref<5x640x32xf32, #tpu.memory_space<vmem>>, vector<1x1x16xf32>,
        %swap3A_1413 = vector.shape_cast %swap3A_1412 : vector<1x1x16xf32> to vector<16xf32>
        %swap3A_1414 = vector.shape_cast %mul3A_1405 : vector<16xf32> to vector<1x1x16xf32>
        tpu.vector_store %arg6[%swap3A_1409, %swap3A_1410, %swap3A_1411], %swap3A_1414 {strides = array<i32>} : memref<5x640x32xf32, #tpu.memory_space<vmem>>, vector<1x1x16xf32>,
        %add3A_1415 = arith.constant 5 : i32
        %add3A_1416 = arith.addi %mul3A_1216, %add3A_1415 : i32
        %get3A_1417 = arith.constant 0 : i32
        %get3A_1418 = arith.index_cast %get3A_1417 : i32 to index
        %get3A_1419 = arith.index_cast %add3A_1416 : i32 to index
        %get3A_1420 = arith.constant 0 : index
        %get3A_1421 = tpu.vector_load %arg6[%get3A_1418, %get3A_1419, %get3A_1420] {strides = array<i32>} : memref<5x640x32xf32, #tpu.memory_space<vmem>>, vector<1x1x16xf32>,
        %get3A_1422 = vector.shape_cast %get3A_1421 : vector<1x1x16xf32> to vector<16xf32>
        %mul3A_1423 = arith.constant 5.65685415 : f32
        %mul3A_1424 = vector.broadcast %mul3A_1423 : f32 to vector<16xf32>
        %mul3A_1425 = arith.mulf %get3A_1422, %mul3A_1424 : vector<16xf32>
        %add3A_1426 = arith.constant 5 : i32
        %add3A_1427 = arith.addi %mul3A_1216, %add3A_1426 : i32
        %swap3A_1428 = arith.constant 0 : i32
        %swap3A_1429 = arith.index_cast %swap3A_1428 : i32 to index
        %swap3A_1430 = arith.index_cast %add3A_1427 : i32 to index
        %swap3A_1431 = arith.constant 0 : index
        %swap3A_1432 = tpu.vector_load %arg6[%swap3A_1429, %swap3A_1430, %swap3A_1431] {strides = array<i32>} : memref<5x640x32xf32, #tpu.memory_space<vmem>>, vector<1x1x16xf32>,
        %swap3A_1433 = vector.shape_cast %swap3A_1432 : vector<1x1x16xf32> to vector<16xf32>
        %swap3A_1434 = vector.shape_cast %mul3A_1425 : vector<16xf32> to vector<1x1x16xf32>
        tpu.vector_store %arg6[%swap3A_1429, %swap3A_1430, %swap3A_1431], %swap3A_1434 {strides = array<i32>} : memref<5x640x32xf32, #tpu.memory_space<vmem>>, vector<1x1x16xf32>,
        %add3A_1435 = arith.constant 5 : i32
        %add3A_1436 = arith.addi %mul3A_1216, %add3A_1435 : i32
        %get3A_1437 = arith.constant 0 : i32
        %get3A_1438 = arith.index_cast %get3A_1437 : i32 to index
        %get3A_1439 = arith.index_cast %add3A_1436 : i32 to index
        %get3A_1440 = arith.constant 16 : index
        %get3A_1441 = tpu.vector_load %arg6[%get3A_1438, %get3A_1439, %get3A_1440] {strides = array<i32>} : memref<5x640x32xf32, #tpu.memory_space<vmem>>, vector<1x1x16xf32>,
        %get3A_1442 = vector.shape_cast %get3A_1441 : vector<1x1x16xf32> to vector<16xf32>
        %mul3A_1443 = arith.constant 5.65685415 : f32
        %mul3A_1444 = vector.broadcast %mul3A_1443 : f32 to vector<16xf32>
        %mul3A_1445 = arith.mulf %get3A_1442, %mul3A_1444 : vector<16xf32>
        %add3A_1446 = arith.constant 5 : i32
        %add3A_1447 = arith.addi %mul3A_1216, %add3A_1446 : i32
        %swap3A_1448 = arith.constant 0 : i32
        %swap3A_1449 = arith.index_cast %swap3A_1448 : i32 to index
        %swap3A_1450 = arith.index_cast %add3A_1447 : i32 to index
        %swap3A_1451 = arith.constant 16 : index
        %swap3A_1452 = tpu.vector_load %arg6[%swap3A_1449, %swap3A_1450, %swap3A_1451] {strides = array<i32>} : memref<5x640x32xf32, #tpu.memory_space<vmem>>, vector<1x1x16xf32>,
        %swap3A_1453 = vector.shape_cast %swap3A_1452 : vector<1x1x16xf32> to vector<16xf32>
        %swap3A_1454 = vector.shape_cast %mul3A_1445 : vector<16xf32> to vector<1x1x16xf32>
        tpu.vector_store %arg6[%swap3A_1449, %swap3A_1450, %swap3A_1451], %swap3A_1454 {strides = array<i32>} : memref<5x640x32xf32, #tpu.memory_space<vmem>>, vector<1x1x16xf32>,
        %add3A_1455 = arith.constant 6 : i32
        %add3A_1456 = arith.addi %mul3A_1216, %add3A_1455 : i32
        %get3A_1457 = arith.constant 0 : i32
        %get3A_1458 = arith.index_cast %get3A_1457 : i32 to index
        %get3A_1459 = arith.index_cast %add3A_1456 : i32 to index
        %get3A_1460 = arith.constant 0 : index
        %get3A_1461 = tpu.vector_load %arg6[%get3A_1458, %get3A_1459, %get3A_1460] {strides = array<i32>} : memref<5x640x32xf32, #tpu.memory_space<vmem>>, vector<1x1x16xf32>,
        %get3A_1462 = vector.shape_cast %get3A_1461 : vector<1x1x16xf32> to vector<16xf32>
        %mul3A_1463 = arith.constant 5.65685415 : f32
        %mul3A_1464 = vector.broadcast %mul3A_1463 : f32 to vector<16xf32>
        %mul3A_1465 = arith.mulf %get3A_1462, %mul3A_1464 : vector<16xf32>
        %add3A_1466 = arith.constant 6 : i32
        %add3A_1467 = arith.addi %mul3A_1216, %add3A_1466 : i32
        %swap3A_1468 = arith.constant 0 : i32
        %swap3A_1469 = arith.index_cast %swap3A_1468 : i32 to index
        %swap3A_1470 = arith.index_cast %add3A_1467 : i32 to index
        %swap3A_1471 = arith.constant 0 : index
        %swap3A_1472 = tpu.vector_load %arg6[%swap3A_1469, %swap3A_1470, %swap3A_1471] {strides = array<i32>} : memref<5x640x32xf32, #tpu.memory_space<vmem>>, vector<1x1x16xf32>,
        %swap3A_1473 = vector.shape_cast %swap3A_1472 : vector<1x1x16xf32> to vector<16xf32>
        %swap3A_1474 = vector.shape_cast %mul3A_1465 : vector<16xf32> to vector<1x1x16xf32>
        tpu.vector_store %arg6[%swap3A_1469, %swap3A_1470, %swap3A_1471], %swap3A_1474 {strides = array<i32>} : memref<5x640x32xf32, #tpu.memory_space<vmem>>, vector<1x1x16xf32>,
        %add3A_1475 = arith.constant 6 : i32
        %add3A_1476 = arith.addi %mul3A_1216, %add3A_1475 : i32
        %get3A_1477 = arith.constant 0 : i32
        %get3A_1478 = arith.index_cast %get3A_1477 : i32 to index
        %get3A_1479 = arith.index_cast %add3A_1476 : i32 to index
        %get3A_1480 = arith.constant 16 : index
        %get3A_1481 = tpu.vector_load %arg6[%get3A_1478, %get3A_1479, %get3A_1480] {strides = array<i32>} : memref<5x640x32xf32, #tpu.memory_space<vmem>>, vector<1x1x16xf32>,
        %get3A_1482 = vector.shape_cast %get3A_1481 : vector<1x1x16xf32> to vector<16xf32>
        %mul3A_1483 = arith.constant 5.65685415 : f32
        %mul3A_1484 = vector.broadcast %mul3A_1483 : f32 to vector<16xf32>
        %mul3A_1485 = arith.mulf %get3A_1482, %mul3A_1484 : vector<16xf32>
        %add3A_1486 = arith.constant 6 : i32
        %add3A_1487 = arith.addi %mul3A_1216, %add3A_1486 : i32
        %swap3A_1488 = arith.constant 0 : i32
        %swap3A_1489 = arith.index_cast %swap3A_1488 : i32 to index
        %swap3A_1490 = arith.index_cast %add3A_1487 : i32 to index
        %swap3A_1491 = arith.constant 16 : index
        %swap3A_1492 = tpu.vector_load %arg6[%swap3A_1489, %swap3A_1490, %swap3A_1491] {strides = array<i32>} : memref<5x640x32xf32, #tpu.memory_space<vmem>>, vector<1x1x16xf32>,
        %swap3A_1493 = vector.shape_cast %swap3A_1492 : vector<1x1x16xf32> to vector<16xf32>
        %swap3A_1494 = vector.shape_cast %mul3A_1485 : vector<16xf32> to vector<1x1x16xf32>
        tpu.vector_store %arg6[%swap3A_1489, %swap3A_1490, %swap3A_1491], %swap3A_1494 {strides = array<i32>} : memref<5x640x32xf32, #tpu.memory_space<vmem>>, vector<1x1x16xf32>,
        %add3A_1495 = arith.constant 7 : i32
        %add3A_1496 = arith.addi %mul3A_1216, %add3A_1495 : i32
        %get3A_1497 = arith.constant 0 : i32
        %get3A_1498 = arith.index_cast %get3A_1497 : i32 to index
        %get3A_1499 = arith.index_cast %add3A_1496 : i32 to index
        %get3A_1500 = arith.constant 0 : index
        %get3A_1501 = tpu.vector_load %arg6[%get3A_1498, %get3A_1499, %get3A_1500] {strides = array<i32>} : memref<5x640x32xf32, #tpu.memory_space<vmem>>, vector<1x1x16xf32>,
        %get3A_1502 = vector.shape_cast %get3A_1501 : vector<1x1x16xf32> to vector<16xf32>
        %mul3A_1503 = arith.constant 5.65685415 : f32
        %mul3A_1504 = vector.broadcast %mul3A_1503 : f32 to vector<16xf32>
        %mul3A_1505 = arith.mulf %get3A_1502, %mul3A_1504 : vector<16xf32>
        %add3A_1506 = arith.constant 7 : i32
        %add3A_1507 = arith.addi %mul3A_1216, %add3A_1506 : i32
        %swap3A_1508 = arith.constant 0 : i32
        %swap3A_1509 = arith.index_cast %swap3A_1508 : i32 to index
        %swap3A_1510 = arith.index_cast %add3A_1507 : i32 to index
        %swap3A_1511 = arith.constant 0 : index
        %swap3A_1512 = tpu.vector_load %arg6[%swap3A_1509, %swap3A_1510, %swap3A_1511] {strides = array<i32>} : memref<5x640x32xf32, #tpu.memory_space<vmem>>, vector<1x1x16xf32>,
        %swap3A_1513 = vector.shape_cast %swap3A_1512 : vector<1x1x16xf32> to vector<16xf32>
        %swap3A_1514 = vector.shape_cast %mul3A_1505 : vector<16xf32> to vector<1x1x16xf32>
        tpu.vector_store %arg6[%swap3A_1509, %swap3A_1510, %swap3A_1511], %swap3A_1514 {strides = array<i32>} : memref<5x640x32xf32, #tpu.memory_space<vmem>>, vector<1x1x16xf32>,
        %add3A_1515 = arith.constant 7 : i32
        %add3A_1516 = arith.addi %mul3A_1216, %add3A_1515 : i32
        %get3A_1517 = arith.constant 0 : i32
        %get3A_1518 = arith.index_cast %get3A_1517 : i32 to index
        %get3A_1519 = arith.index_cast %add3A_1516 : i32 to index
        %get3A_1520 = arith.constant 16 : index
        %get3A_1521 = tpu.vector_load %arg6[%get3A_1518, %get3A_1519, %get3A_1520] {strides = array<i32>} : memref<5x640x32xf32, #tpu.memory_space<vmem>>, vector<1x1x16xf32>,
        %get3A_1522 = vector.shape_cast %get3A_1521 : vector<1x1x16xf32> to vector<16xf32>
        %mul3A_1523 = arith.constant 5.65685415 : f32
        %mul3A_1524 = vector.broadcast %mul3A_1523 : f32 to vector<16xf32>
        %mul3A_1525 = arith.mulf %get3A_1522, %mul3A_1524 : vector<16xf32>
        %add3A_1526 = arith.constant 7 : i32
        %add3A_1527 = arith.addi %mul3A_1216, %add3A_1526 : i32
        %swap3A_1528 = arith.constant 0 : i32
        %swap3A_1529 = arith.index_cast %swap3A_1528 : i32 to index
        %swap3A_1530 = arith.index_cast %add3A_1527 : i32 to index
        %swap3A_1531 = arith.constant 16 : index
        %swap3A_1532 = tpu.vector_load %arg6[%swap3A_1529, %swap3A_1530, %swap3A_1531] {strides = array<i32>} : memref<5x640x32xf32, #tpu.memory_space<vmem>>, vector<1x1x16xf32>,
        %swap3A_1533 = vector.shape_cast %swap3A_1532 : vector<1x1x16xf32> to vector<16xf32>
        %swap3A_1534 = vector.shape_cast %mul3A_1525 : vector<16xf32> to vector<1x1x16xf32>
        tpu.vector_store %arg6[%swap3A_1529, %swap3A_1530, %swap3A_1531], %swap3A_1534 {strides = array<i32>} : memref<5x640x32xf32, #tpu.memory_space<vmem>>, vector<1x1x16xf32>,
      }
      %scan3A_452 = arith.constant 80 : i32
      %mul3A_453 = arith.constant 16 : i32
      %mul3A_454 = arith.muli %scan3A_377, %mul3A_453 : i32
      %add3A_455 = arith.addi %mul3A_4, %mul3A_454 : i32
      %add3A_456 = arith.constant 0 : i32
      %add3A_457 = arith.addi %add3A_455, %add3A_456 : i32
      %add3A_458 = arith.constant 1 : i32
      %add3A_459 = arith.addi %add3A_455, %add3A_458 : i32
      %add3A_460 = arith.constant 2 : i32
      %add3A_461 = arith.addi %add3A_455, %add3A_460 : i32
      %add3A_462 = arith.constant 3 : i32
      %add3A_463 = arith.addi %add3A_455, %add3A_462 : i32
      %dma_start3A_464 = arith.constant 0 : i32
      %dma_start3A_465 = arith.constant 0 : i32
      %dma_start3A_466 = arith.constant 0 : i32
      %dma_start3A_467 = tpu.memref_slice %arg6[%dma_start3A_464, %dma_start3A_465, %dma_start3A_466] : memref<5x640x32xf32, #tpu.memory_space<vmem>> -> memref<1x200x32xf32, #tpu.memory_space<vmem>>
      %dma_start3A_468 = tpu.memref_squeeze %dma_start3A_467 : memref<1x200x32xf32, #tpu.memory_space<vmem>> -> memref<200x32xf32, #tpu.memory_space<vmem>>
      %dma_start3A_469 = arith.constant 0 : i32
      %dma_start3A_470 = arith.constant 0 : i32
      %dma_start3A_471 = tpu.memref_slice %arg4[%add3A_457, %dma_start3A_469, %dma_start3A_470] : memref<4096x200x32xf32, #tpu.memory_space<hbm>> -> memref<1x200x32xf32, #tpu.memory_space<hbm>>
      %dma_start3A_472 = tpu.memref_squeeze %dma_start3A_471 : memref<1x200x32xf32, #tpu.memory_space<hbm>> -> memref<200x32xf32, #tpu.memory_space<hbm>>
      %dma_start3A_473 = arith.constant 0 : i32
      %dma_start3A_474 = arith.constant 0 : i32
      %dma_start3A_475 = tpu.memref_slice %arg4[%add3A_457, %dma_start3A_473, %dma_start3A_474] : memref<4096x200x32xf32, #tpu.memory_space<hbm>> -> memref<1x200x32xf32, #tpu.memory_space<hbm>>
      %dma_start3A_476 = tpu.memref_squeeze %dma_start3A_475 : memref<1x200x32xf32, #tpu.memory_space<hbm>> -> memref<200x32xf32, #tpu.memory_space<hbm>>
      %dma_start3A_477 = arith.constant 0 : i32
      %dma_start3A_478 = arith.constant 0 : i32
      %dma_start3A_479 = tpu.memref_slice %arg6[%dma_start3A_464, %dma_start3A_477, %dma_start3A_478] : memref<5x640x32xf32, #tpu.memory_space<vmem>> -> memref<1x200x32xf32, #tpu.memory_space<vmem>>
      %dma_start3A_480 = tpu.memref_squeeze %dma_start3A_479 : memref<1x200x32xf32, #tpu.memory_space<vmem>> -> memref<200x32xf32, #tpu.memory_space<vmem>>
      tpu.enqueue_dma source(%dma_start3A_480 : memref<200x32xf32, #tpu.memory_space<vmem>>) target(%dma_start3A_476 : memref<200x32xf32, #tpu.memory_space<hbm>>) target_semaphore(%arg12 : memref<!tpu.dma_semaphore, #tpu.memory_space<semaphore_mem>>)
      %dma_start3A_481 = arith.constant 0 : i32
      %dma_start3A_482 = arith.constant 200 : i32
      %dma_start3A_483 = arith.constant 0 : i32
      %dma_start3A_484 = tpu.memref_slice %arg6[%dma_start3A_481, %dma_start3A_482, %dma_start3A_483] : memref<5x640x32xf32, #tpu.memory_space<vmem>> -> memref<1x200x32xf32, #tpu.memory_space<vmem>>
      %dma_start3A_485 = tpu.memref_squeeze %dma_start3A_484 : memref<1x200x32xf32, #tpu.memory_space<vmem>> -> memref<200x32xf32, #tpu.memory_space<vmem>>
      %dma_start3A_486 = arith.constant 0 : i32
      %dma_start3A_487 = arith.constant 0 : i32
      %dma_start3A_488 = tpu.memref_slice %arg4[%add3A_459, %dma_start3A_486, %dma_start3A_487] : memref<4096x200x32xf32, #tpu.memory_space<hbm>> -> memref<1x200x32xf32, #tpu.memory_space<hbm>>
      %dma_start3A_489 = tpu.memref_squeeze %dma_start3A_488 : memref<1x200x32xf32, #tpu.memory_space<hbm>> -> memref<200x32xf32, #tpu.memory_space<hbm>>
      %dma_start3A_490 = arith.constant 0 : i32
      %dma_start3A_491 = arith.constant 0 : i32
      %dma_start3A_492 = tpu.memref_slice %arg4[%add3A_459, %dma_start3A_490, %dma_start3A_491] : memref<4096x200x32xf32, #tpu.memory_space<hbm>> -> memref<1x200x32xf32, #tpu.memory_space<hbm>>
      %dma_start3A_493 = tpu.memref_squeeze %dma_start3A_492 : memref<1x200x32xf32, #tpu.memory_space<hbm>> -> memref<200x32xf32, #tpu.memory_space<hbm>>
      %dma_start3A_494 = arith.constant 200 : i32
      %dma_start3A_495 = arith.constant 0 : i32
      %dma_start3A_496 = tpu.memref_slice %arg6[%dma_start3A_481, %dma_start3A_494, %dma_start3A_495] : memref<5x640x32xf32, #tpu.memory_space<vmem>> -> memref<1x200x32xf32, #tpu.memory_space<vmem>>
      %dma_start3A_497 = tpu.memref_squeeze %dma_start3A_496 : memref<1x200x32xf32, #tpu.memory_space<vmem>> -> memref<200x32xf32, #tpu.memory_space<vmem>>
      tpu.enqueue_dma source(%dma_start3A_497 : memref<200x32xf32, #tpu.memory_space<vmem>>) target(%dma_start3A_493 : memref<200x32xf32, #tpu.memory_space<hbm>>) target_semaphore(%arg12 : memref<!tpu.dma_semaphore, #tpu.memory_space<semaphore_mem>>)
      %dma_start3A_498 = arith.constant 0 : i32
      %dma_start3A_499 = arith.constant 400 : i32
      %dma_start3A_500 = arith.constant 0 : i32
      %dma_start3A_501 = tpu.memref_slice %arg6[%dma_start3A_498, %dma_start3A_499, %dma_start3A_500] : memref<5x640x32xf32, #tpu.memory_space<vmem>> -> memref<1x200x32xf32, #tpu.memory_space<vmem>>
      %dma_start3A_502 = tpu.memref_squeeze %dma_start3A_501 : memref<1x200x32xf32, #tpu.memory_space<vmem>> -> memref<200x32xf32, #tpu.memory_space<vmem>>
      %dma_start3A_503 = arith.constant 0 : i32
      %dma_start3A_504 = arith.constant 0 : i32
      %dma_start3A_505 = tpu.memref_slice %arg4[%add3A_461, %dma_start3A_503, %dma_start3A_504] : memref<4096x200x32xf32, #tpu.memory_space<hbm>> -> memref<1x200x32xf32, #tpu.memory_space<hbm>>
      %dma_start3A_506 = tpu.memref_squeeze %dma_start3A_505 : memref<1x200x32xf32, #tpu.memory_space<hbm>> -> memref<200x32xf32, #tpu.memory_space<hbm>>
      %dma_start3A_507 = arith.constant 0 : i32
      %dma_start3A_508 = arith.constant 0 : i32
      %dma_start3A_509 = tpu.memref_slice %arg4[%add3A_461, %dma_start3A_507, %dma_start3A_508] : memref<4096x200x32xf32, #tpu.memory_space<hbm>> -> memref<1x200x32xf32, #tpu.memory_space<hbm>>
      %dma_start3A_510 = tpu.memref_squeeze %dma_start3A_509 : memref<1x200x32xf32, #tpu.memory_space<hbm>> -> memref<200x32xf32, #tpu.memory_space<hbm>>
      %dma_start3A_511 = arith.constant 400 : i32
      %dma_start3A_512 = arith.constant 0 : i32
      %dma_start3A_513 = tpu.memref_slice %arg6[%dma_start3A_498, %dma_start3A_511, %dma_start3A_512] : memref<5x640x32xf32, #tpu.memory_space<vmem>> -> memref<1x200x32xf32, #tpu.memory_space<vmem>>
      %dma_start3A_514 = tpu.memref_squeeze %dma_start3A_513 : memref<1x200x32xf32, #tpu.memory_space<vmem>> -> memref<200x32xf32, #tpu.memory_space<vmem>>
      tpu.enqueue_dma source(%dma_start3A_514 : memref<200x32xf32, #tpu.memory_space<vmem>>) target(%dma_start3A_510 : memref<200x32xf32, #tpu.memory_space<hbm>>) target_semaphore(%arg12 : memref<!tpu.dma_semaphore, #tpu.memory_space<semaphore_mem>>)
      %dma_start3A_515 = arith.constant 0 : i32
      %dma_start3A_516 = arith.constant 600 : i32
      %dma_start3A_517 = arith.constant 0 : i32
      %dma_start3A_518 = tpu.memref_slice %arg6[%dma_start3A_515, %dma_start3A_516, %dma_start3A_517] : memref<5x640x32xf32, #tpu.memory_space<vmem>> -> memref<1x40x32xf32, #tpu.memory_space<vmem>>
      %dma_start3A_519 = tpu.memref_squeeze %dma_start3A_518 : memref<1x40x32xf32, #tpu.memory_space<vmem>> -> memref<40x32xf32, #tpu.memory_space<vmem>>
      %dma_start3A_520 = arith.constant 0 : i32
      %dma_start3A_521 = arith.constant 0 : i32
      %dma_start3A_522 = tpu.memref_slice %arg4[%add3A_463, %dma_start3A_520, %dma_start3A_521] : memref<4096x200x32xf32, #tpu.memory_space<hbm>> -> memref<1x40x32xf32, #tpu.memory_space<hbm>>
      %dma_start3A_523 = tpu.memref_squeeze %dma_start3A_522 : memref<1x40x32xf32, #tpu.memory_space<hbm>> -> memref<40x32xf32, #tpu.memory_space<hbm>>
      %dma_start3A_524 = arith.constant 0 : i32
      %dma_start3A_525 = arith.constant 0 : i32
      %dma_start3A_526 = tpu.memref_slice %arg4[%add3A_463, %dma_start3A_524, %dma_start3A_525] : memref<4096x200x32xf32, #tpu.memory_space<hbm>> -> memref<1x40x32xf32, #tpu.memory_space<hbm>>
      %dma_start3A_527 = tpu.memref_squeeze %dma_start3A_526 : memref<1x40x32xf32, #tpu.memory_space<hbm>> -> memref<40x32xf32, #tpu.memory_space<hbm>>
      %dma_start3A_528 = arith.constant 600 : i32
      %dma_start3A_529 = arith.constant 0 : i32
      %dma_start3A_530 = tpu.memref_slice %arg6[%dma_start3A_515, %dma_start3A_528, %dma_start3A_529] : memref<5x640x32xf32, #tpu.memory_space<vmem>> -> memref<1x40x32xf32, #tpu.memory_space<vmem>>
      %dma_start3A_531 = tpu.memref_squeeze %dma_start3A_530 : memref<1x40x32xf32, #tpu.memory_space<vmem>> -> memref<40x32xf32, #tpu.memory_space<vmem>>
      tpu.enqueue_dma source(%dma_start3A_531 : memref<40x32xf32, #tpu.memory_space<vmem>>) target(%dma_start3A_527 : memref<40x32xf32, #tpu.memory_space<hbm>>) target_semaphore(%arg12 : memref<!tpu.dma_semaphore, #tpu.memory_space<semaphore_mem>>)
      %add3A_532 = arith.constant 2 : i32
      %add3A_533 = arith.addi %add3A_381, %add3A_532 : i32
      %add3A_534 = arith.constant -1 : i32
      %add3A_535 = arith.addi %scan3A_377, %add3A_534 : i32
      %ge3A = arith.constant 5 : i32
      %ge3A_536 = arith.cmpi sge, %add3A_533, %ge3A : i32
      %convert_element_type3A = arith.extui %ge3A_536 : i1 to i32
      %cond3A = arith.constant 0 : i32
      %cond3A_537 = arith.cmpi ne, %convert_element_type3A, %cond3A : i32
      scf.if %cond3A_537 {
        %mul3A_1214 = arith.constant 16 : i32
        %mul3A_1215 = arith.muli %add3A_535, %mul3A_1214 : i32
        %add3A_1216 = arith.addi %mul3A_4, %mul3A_1215 : i32
        %add3A_1217 = arith.constant 6 : i32
        %add3A_1218 = arith.addi %add3A_1216, %add3A_1217 : i32
        %add3A_1219 = arith.constant 7 : i32
        %add3A_1220 = arith.addi %add3A_1216, %add3A_1219 : i32
        %add3A_1221 = arith.constant 8 : i32
        %add3A_1222 = arith.addi %add3A_1216, %add3A_1221 : i32
        %add3A_1223 = arith.constant 9 : i32
        %add3A_1224 = arith.addi %add3A_1216, %add3A_1223 : i32
        %dma_wait3A_1225 = arith.constant 2 : i32
        %dma_wait3A_1226 = arith.constant 0 : i32
        %dma_wait3A_1227 = arith.constant 0 : i32
        %dma_wait3A_1228 = tpu.memref_slice %arg6[%dma_wait3A_1225, %dma_wait3A_1226, %dma_wait3A_1227] : memref<5x640x32xf32, #tpu.memory_space<vmem>> -> memref<1x120x32xf32, #tpu.memory_space<vmem>>
        %dma_wait3A_1229 = tpu.memref_squeeze %dma_wait3A_1228 : memref<1x120x32xf32, #tpu.memory_space<vmem>> -> memref<120x32xf32, #tpu.memory_space<vmem>>
        %dma_wait3A_1230 = arith.constant 80 : i32
        %dma_wait3A_1231 = arith.constant 0 : i32
        %dma_wait3A_1232 = tpu.memref_slice %arg4[%add3A_1218, %dma_wait3A_1230, %dma_wait3A_1231] : memref<4096x200x32xf32, #tpu.memory_space<hbm>> -> memref<1x120x32xf32, #tpu.memory_space<hbm>>
        %dma_wait3A_1233 = tpu.memref_squeeze %dma_wait3A_1232 : memref<1x120x32xf32, #tpu.memory_space<hbm>> -> memref<120x32xf32, #tpu.memory_space<hbm>>
        %dma_wait3A_1234 = arith.constant 80 : i32
        %dma_wait3A_1235 = arith.constant 0 : i32
        %dma_wait3A_1236 = tpu.memref_slice %arg4[%add3A_1218, %dma_wait3A_1234, %dma_wait3A_1235] : memref<4096x200x32xf32, #tpu.memory_space<hbm>> -> memref<1x120x32xf32, #tpu.memory_space<hbm>>
        %dma_wait3A_1237 = tpu.memref_squeeze %dma_wait3A_1236 : memref<1x120x32xf32, #tpu.memory_space<hbm>> -> memref<120x32xf32, #tpu.memory_space<hbm>>
        %dma_wait3A_1238 = arith.constant 0 : i32
        %dma_wait3A_1239 = arith.constant 0 : i32
        %dma_wait3A_1240 = tpu.memref_slice %arg6[%dma_wait3A_1225, %dma_wait3A_1238, %dma_wait3A_1239] : memref<5x640x32xf32, #tpu.memory_space<vmem>> -> memref<1x120x32xf32, #tpu.memory_space<vmem>>
        %dma_wait3A_1241 = tpu.memref_squeeze %dma_wait3A_1240 : memref<1x120x32xf32, #tpu.memory_space<vmem>> -> memref<120x32xf32, #tpu.memory_space<vmem>>
        tpu.wait_dma2 semaphore(%arg14 : memref<!tpu.dma_semaphore, #tpu.memory_space<semaphore_mem>>) src(%dma_wait3A_1241 : memref<120x32xf32, #tpu.memory_space<vmem>>) dst(%dma_wait3A_1237 : memref<120x32xf32, #tpu.memory_space<hbm>>)
        %dma_wait3A_1242 = arith.constant 2 : i32
        %dma_wait3A_1243 = arith.constant 120 : i32
        %dma_wait3A_1244 = arith.constant 0 : i32
        %dma_wait3A_1245 = tpu.memref_slice %arg6[%dma_wait3A_1242, %dma_wait3A_1243, %dma_wait3A_1244] : memref<5x640x32xf32, #tpu.memory_space<vmem>> -> memref<1x200x32xf32, #tpu.memory_space<vmem>>
        %dma_wait3A_1246 = tpu.memref_squeeze %dma_wait3A_1245 : memref<1x200x32xf32, #tpu.memory_space<vmem>> -> memref<200x32xf32, #tpu.memory_space<vmem>>
        %dma_wait3A_1247 = arith.constant 0 : i32
        %dma_wait3A_1248 = arith.constant 0 : i32
        %dma_wait3A_1249 = tpu.memref_slice %arg4[%add3A_1220, %dma_wait3A_1247, %dma_wait3A_1248] : memref<4096x200x32xf32, #tpu.memory_space<hbm>> -> memref<1x200x32xf32, #tpu.memory_space<hbm>>
        %dma_wait3A_1250 = tpu.memref_squeeze %dma_wait3A_1249 : memref<1x200x32xf32, #tpu.memory_space<hbm>> -> memref<200x32xf32, #tpu.memory_space<hbm>>
        %dma_wait3A_1251 = arith.constant 0 : i32
        %dma_wait3A_1252 = arith.constant 0 : i32
        %dma_wait3A_1253 = tpu.memref_slice %arg4[%add3A_1220, %dma_wait3A_1251, %dma_wait3A_1252] : memref<4096x200x32xf32, #tpu.memory_space<hbm>> -> memref<1x200x32xf32, #tpu.memory_space<hbm>>
        %dma_wait3A_1254 = tpu.memref_squeeze %dma_wait3A_1253 : memref<1x200x32xf32, #tpu.memory_space<hbm>> -> memref<200x32xf32, #tpu.memory_space<hbm>>
        %dma_wait3A_1255 = arith.constant 120 : i32
        %dma_wait3A_1256 = arith.constant 0 : i32
        %dma_wait3A_1257 = tpu.memref_slice %arg6[%dma_wait3A_1242, %dma_wait3A_1255, %dma_wait3A_1256] : memref<5x640x32xf32, #tpu.memory_space<vmem>> -> memref<1x200x32xf32, #tpu.memory_space<vmem>>
        %dma_wait3A_1258 = tpu.memref_squeeze %dma_wait3A_1257 : memref<1x200x32xf32, #tpu.memory_space<vmem>> -> memref<200x32xf32, #tpu.memory_space<vmem>>
        tpu.wait_dma2 semaphore(%arg14 : memref<!tpu.dma_semaphore, #tpu.memory_space<semaphore_mem>>) src(%dma_wait3A_1258 : memref<200x32xf32, #tpu.memory_space<vmem>>) dst(%dma_wait3A_1254 : memref<200x32xf32, #tpu.memory_space<hbm>>)
        %dma_wait3A_1259 = arith.constant 2 : i32
        %dma_wait3A_1260 = arith.constant 320 : i32
        %dma_wait3A_1261 = arith.constant 0 : i32
        %dma_wait3A_1262 = tpu.memref_slice %arg6[%dma_wait3A_1259, %dma_wait3A_1260, %dma_wait3A_1261] : memref<5x640x32xf32, #tpu.memory_space<vmem>> -> memref<1x200x32xf32, #tpu.memory_space<vmem>>
        %dma_wait3A_1263 = tpu.memref_squeeze %dma_wait3A_1262 : memref<1x200x32xf32, #tpu.memory_space<vmem>> -> memref<200x32xf32, #tpu.memory_space<vmem>>
        %dma_wait3A_1264 = arith.constant 0 : i32
        %dma_wait3A_1265 = arith.constant 0 : i32
        %dma_wait3A_1266 = tpu.memref_slice %arg4[%add3A_1222, %dma_wait3A_1264, %dma_wait3A_1265] : memref<4096x200x32xf32, #tpu.memory_space<hbm>> -> memref<1x200x32xf32, #tpu.memory_space<hbm>>
        %dma_wait3A_1267 = tpu.memref_squeeze %dma_wait3A_1266 : memref<1x200x32xf32, #tpu.memory_space<hbm>> -> memref<200x32xf32, #tpu.memory_space<hbm>>
        %dma_wait3A_1268 = arith.constant 0 : i32
        %dma_wait3A_1269 = arith.constant 0 : i32
        %dma_wait3A_1270 = tpu.memref_slice %arg4[%add3A_1222, %dma_wait3A_1268, %dma_wait3A_1269] : memref<4096x200x32xf32, #tpu.memory_space<hbm>> -> memref<1x200x32xf32, #tpu.memory_space<hbm>>
        %dma_wait3A_1271 = tpu.memref_squeeze %dma_wait3A_1270 : memref<1x200x32xf32, #tpu.memory_space<hbm>> -> memref<200x32xf32, #tpu.memory_space<hbm>>
        %dma_wait3A_1272 = arith.constant 320 : i32
        %dma_wait3A_1273 = arith.constant 0 : i32
        %dma_wait3A_1274 = tpu.memref_slice %arg6[%dma_wait3A_1259, %dma_wait3A_1272, %dma_wait3A_1273] : memref<5x640x32xf32, #tpu.memory_space<vmem>> -> memref<1x200x32xf32, #tpu.memory_space<vmem>>
        %dma_wait3A_1275 = tpu.memref_squeeze %dma_wait3A_1274 : memref<1x200x32xf32, #tpu.memory_space<vmem>> -> memref<200x32xf32, #tpu.memory_space<vmem>>
        tpu.wait_dma2 semaphore(%arg14 : memref<!tpu.dma_semaphore, #tpu.memory_space<semaphore_mem>>) src(%dma_wait3A_1275 : memref<200x32xf32, #tpu.memory_space<vmem>>) dst(%dma_wait3A_1271 : memref<200x32xf32, #tpu.memory_space<hbm>>)
        %dma_wait3A_1276 = arith.constant 2 : i32
        %dma_wait3A_1277 = arith.constant 520 : i32
        %dma_wait3A_1278 = arith.constant 0 : i32
        %dma_wait3A_1279 = tpu.memref_slice %arg6[%dma_wait3A_1276, %dma_wait3A_1277, %dma_wait3A_1278] : memref<5x640x32xf32, #tpu.memory_space<vmem>> -> memref<1x120x32xf32, #tpu.memory_space<vmem>>
        %dma_wait3A_1280 = tpu.memref_squeeze %dma_wait3A_1279 : memref<1x120x32xf32, #tpu.memory_space<vmem>> -> memref<120x32xf32, #tpu.memory_space<vmem>>
        %dma_wait3A_1281 = arith.constant 0 : i32
        %dma_wait3A_1282 = arith.constant 0 : i32
        %dma_wait3A_1283 = tpu.memref_slice %arg4[%add3A_1224, %dma_wait3A_1281, %dma_wait3A_1282] : memref<4096x200x32xf32, #tpu.memory_space<hbm>> -> memref<1x120x32xf32, #tpu.memory_space<hbm>>
        %dma_wait3A_1284 = tpu.memref_squeeze %dma_wait3A_1283 : memref<1x120x32xf32, #tpu.memory_space<hbm>> -> memref<120x32xf32, #tpu.memory_space<hbm>>
        %dma_wait3A_1285 = arith.constant 0 : i32
        %dma_wait3A_1286 = arith.constant 0 : i32
        %dma_wait3A_1287 = tpu.memref_slice %arg4[%add3A_1224, %dma_wait3A_1285, %dma_wait3A_1286] : memref<4096x200x32xf32, #tpu.memory_space<hbm>> -> memref<1x120x32xf32, #tpu.memory_space<hbm>>
        %dma_wait3A_1288 = tpu.memref_squeeze %dma_wait3A_1287 : memref<1x120x32xf32, #tpu.memory_space<hbm>> -> memref<120x32xf32, #tpu.memory_space<hbm>>
        %dma_wait3A_1289 = arith.constant 520 : i32
        %dma_wait3A_1290 = arith.constant 0 : i32
        %dma_wait3A_1291 = tpu.memref_slice %arg6[%dma_wait3A_1276, %dma_wait3A_1289, %dma_wait3A_1290] : memref<5x640x32xf32, #tpu.memory_space<vmem>> -> memref<1x120x32xf32, #tpu.memory_space<vmem>>
        %dma_wait3A_1292 = tpu.memref_squeeze %dma_wait3A_1291 : memref<1x120x32xf32, #tpu.memory_space<vmem>> -> memref<120x32xf32, #tpu.memory_space<vmem>>
        tpu.wait_dma2 semaphore(%arg14 : memref<!tpu.dma_semaphore, #tpu.memory_space<semaphore_mem>>) src(%dma_wait3A_1292 : memref<120x32xf32, #tpu.memory_space<vmem>>) dst(%dma_wait3A_1288 : memref<120x32xf32, #tpu.memory_space<hbm>>)
      } else {
      }
      %lt3A = arith.constant 40 : i32
      %lt3A_538 = arith.cmpi slt, %add3A_533, %lt3A : i32
      %convert_element_type3A_539 = arith.extui %lt3A_538 : i1 to i32
      %cond3A_540 = arith.constant 0 : i32
      %cond3A_541 = arith.cmpi ne, %convert_element_type3A_539, %cond3A_540 : i32
      scf.if %cond3A_541 {
        %mul3A_1214 = arith.constant 5 : i32
        %mul3A_1215 = arith.muli %add3A_533, %mul3A_1214 : i32
        %add3A_1216 = arith.addi %mul3A_2, %mul3A_1215 : i32
        %run_scoped3A_1217 = arith.constant 2 : i32
        "tpu.region"() ({
          %run_scoped3A_1283 = tpu.sem_alloc : memref<!tpu.dma_semaphore, #tpu.memory_space<semaphore_mem>>
          %dma_start3A_1284 = arith.constant 0 : i32
          %dma_start3A_1285 = arith.constant 0 : i32
          %dma_start3A_1286 = tpu.memref_slice %arg5[%run_scoped3A_1217, %dma_start3A_1284, %dma_start3A_1285] : memref<5x5x128xi32, #tpu.memory_space<vmem>> -> memref<1x5x128xi32, #tpu.memory_space<vmem>>
          %dma_start3A_1287 = tpu.memref_squeeze %dma_start3A_1286 : memref<1x5x128xi32, #tpu.memory_space<vmem>> -> memref<5x128xi32, #tpu.memory_space<vmem>>
          %dma_start3A_1288 = arith.constant 0 : i32
          %dma_start3A_1289 = tpu.memref_slice %arg3[%add3A_1216, %dma_start3A_1288] : memref<6400x128xi32, #tpu.memory_space<hbm>> -> memref<5x128xi32, #tpu.memory_space<hbm>>
          %dma_start3A_1290 = arith.constant 0 : i32
          %dma_start3A_1291 = arith.constant 0 : i32
          %dma_start3A_1292 = tpu.memref_slice %arg5[%run_scoped3A_1217, %dma_start3A_1290, %dma_start3A_1291] : memref<5x5x128xi32, #tpu.memory_space<vmem>> -> memref<1x5x128xi32, #tpu.memory_space<vmem>>
          %dma_start3A_1293 = tpu.memref_squeeze %dma_start3A_1292 : memref<1x5x128xi32, #tpu.memory_space<vmem>> -> memref<5x128xi32, #tpu.memory_space<vmem>>
          %dma_start3A_1294 = arith.constant 0 : i32
          %dma_start3A_1295 = tpu.memref_slice %arg3[%add3A_1216, %dma_start3A_1294] : memref<6400x128xi32, #tpu.memory_space<hbm>> -> memref<5x128xi32, #tpu.memory_space<hbm>>
          tpu.enqueue_dma source(%dma_start3A_1295 : memref<5x128xi32, #tpu.memory_space<hbm>>) target(%dma_start3A_1293 : memref<5x128xi32, #tpu.memory_space<vmem>>) target_semaphore(%run_scoped3A_1283 : memref<!tpu.dma_semaphore, #tpu.memory_space<semaphore_mem>>)
          %dma_wait3A_1296 = arith.constant 0 : i32
          %dma_wait3A_1297 = arith.constant 0 : i32
          %dma_wait3A_1298 = tpu.memref_slice %arg5[%run_scoped3A_1217, %dma_wait3A_1296, %dma_wait3A_1297] : memref<5x5x128xi32, #tpu.memory_space<vmem>> -> memref<1x5x128xi32, #tpu.memory_space<vmem>>
          %dma_wait3A_1299 = tpu.memref_squeeze %dma_wait3A_1298 : memref<1x5x128xi32, #tpu.memory_space<vmem>> -> memref<5x128xi32, #tpu.memory_space<vmem>>
          %dma_wait3A_1300 = arith.constant 0 : i32
          %dma_wait3A_1301 = tpu.memref_slice %arg3[%add3A_1216, %dma_wait3A_1300] : memref<6400x128xi32, #tpu.memory_space<hbm>> -> memref<5x128xi32, #tpu.memory_space<hbm>>
          %dma_wait3A_1302 = arith.constant 0 : i32
          %dma_wait3A_1303 = arith.constant 0 : i32
          %dma_wait3A_1304 = tpu.memref_slice %arg5[%run_scoped3A_1217, %dma_wait3A_1302, %dma_wait3A_1303] : memref<5x5x128xi32, #tpu.memory_space<vmem>> -> memref<1x5x128xi32, #tpu.memory_space<vmem>>
          %dma_wait3A_1305 = tpu.memref_squeeze %dma_wait3A_1304 : memref<1x5x128xi32, #tpu.memory_space<vmem>> -> memref<5x128xi32, #tpu.memory_space<vmem>>
          %dma_wait3A_1306 = arith.constant 0 : i32
          %dma_wait3A_1307 = tpu.memref_slice %arg3[%add3A_1216, %dma_wait3A_1306] : memref<6400x128xi32, #tpu.memory_space<hbm>> -> memref<5x128xi32, #tpu.memory_space<hbm>>
          tpu.wait_dma2 semaphore(%run_scoped3A_1283 : memref<!tpu.dma_semaphore, #tpu.memory_space<semaphore_mem>>) src(%dma_wait3A_1307 : memref<5x128xi32, #tpu.memory_space<hbm>>) dst(%dma_wait3A_1305 : memref<5x128xi32, #tpu.memory_space<vmem>>)
          tpu.yield
        }) : () -> ()
        %dma_start3A_1218 = arith.constant 2 : i32
        %dma_start3A_1219 = arith.constant 0 : i32
        %dma_start3A_1220 = arith.constant 2 : i32
        %dma_start3A_1221 = arith.constant 0 : i32
        %dma_start3A_1222 = arith.constant 0 : i32
        %dma_start3A_1223 = tpu.memref_slice %arg6[%dma_start3A_1220, %dma_start3A_1221, %dma_start3A_1222] : memref<5x640x32xf32, #tpu.memory_space<vmem>> -> memref<1x128x32xf32, #tpu.memory_space<vmem>>
        %dma_start3A_1224 = tpu.memref_squeeze %dma_start3A_1223 : memref<1x128x32xf32, #tpu.memory_space<vmem>> -> memref<128x32xf32, #tpu.memory_space<vmem>>
        %dma_start3A_1225 = arith.constant 0 : i32
        %dma_start3A_1226 = tpu.memref_slice %arg5[%dma_start3A_1218, %dma_start3A_1219, %dma_start3A_1225] : memref<5x5x128xi32, #tpu.memory_space<vmem>> -> memref<1x1x128xi32, #tpu.memory_space<vmem>>
        %dma_start3A_1227 = tpu.memref_squeeze %dma_start3A_1226 : memref<1x1x128xi32, #tpu.memory_space<vmem>> -> memref<128xi32, #tpu.memory_space<vmem>>
        %dma_start3A_1228 = arith.constant 0 : i32
        %dma_start3A_1229 = arith.constant 0 : i32
        %dma_start3A_1230 = tpu.memref_slice %arg2[%dma_start3A_1228, %dma_start3A_1229] : memref<1000000x32xf32, #tpu.memory_space<hbm>> -> memref<1000000x32xf32, #tpu.memory_space<hbm>>
        tpu.enqueue_indirect_dma source(%dma_start3A_1230 : memref<1000000x32xf32, #tpu.memory_space<hbm>>) target(%dma_start3A_1224 : memref<128x32xf32, #tpu.memory_space<vmem>>) offsets(%dma_start3A_1227 : memref<128xi32, #tpu.memory_space<vmem>>) semaphore(%arg9 : memref<!tpu.dma_semaphore, #tpu.memory_space<semaphore_mem>>)
        %dma_start3A_1231 = arith.constant 2 : i32
        %dma_start3A_1232 = arith.constant 1 : i32
        %dma_start3A_1233 = arith.constant 2 : i32
        %dma_start3A_1234 = arith.constant 128 : i32
        %dma_start3A_1235 = arith.constant 0 : i32
        %dma_start3A_1236 = tpu.memref_slice %arg6[%dma_start3A_1233, %dma_start3A_1234, %dma_start3A_1235] : memref<5x640x32xf32, #tpu.memory_space<vmem>> -> memref<1x128x32xf32, #tpu.memory_space<vmem>>
        %dma_start3A_1237 = tpu.memref_squeeze %dma_start3A_1236 : memref<1x128x32xf32, #tpu.memory_space<vmem>> -> memref<128x32xf32, #tpu.memory_space<vmem>>
        %dma_start3A_1238 = arith.constant 0 : i32
        %dma_start3A_1239 = tpu.memref_slice %arg5[%dma_start3A_1231, %dma_start3A_1232, %dma_start3A_1238] : memref<5x5x128xi32, #tpu.memory_space<vmem>> -> memref<1x1x128xi32, #tpu.memory_space<vmem>>
        %dma_start3A_1240 = tpu.memref_squeeze %dma_start3A_1239 : memref<1x1x128xi32, #tpu.memory_space<vmem>> -> memref<128xi32, #tpu.memory_space<vmem>>
        %dma_start3A_1241 = arith.constant 0 : i32
        %dma_start3A_1242 = arith.constant 0 : i32
        %dma_start3A_1243 = tpu.memref_slice %arg2[%dma_start3A_1241, %dma_start3A_1242] : memref<1000000x32xf32, #tpu.memory_space<hbm>> -> memref<1000000x32xf32, #tpu.memory_space<hbm>>
        tpu.enqueue_indirect_dma source(%dma_start3A_1243 : memref<1000000x32xf32, #tpu.memory_space<hbm>>) target(%dma_start3A_1237 : memref<128x32xf32, #tpu.memory_space<vmem>>) offsets(%dma_start3A_1240 : memref<128xi32, #tpu.memory_space<vmem>>) semaphore(%arg9 : memref<!tpu.dma_semaphore, #tpu.memory_space<semaphore_mem>>)
        %dma_start3A_1244 = arith.constant 2 : i32
        %dma_start3A_1245 = arith.constant 2 : i32
        %dma_start3A_1246 = arith.constant 2 : i32
        %dma_start3A_1247 = arith.constant 256 : i32
        %dma_start3A_1248 = arith.constant 0 : i32
        %dma_start3A_1249 = tpu.memref_slice %arg6[%dma_start3A_1246, %dma_start3A_1247, %dma_start3A_1248] : memref<5x640x32xf32, #tpu.memory_space<vmem>> -> memref<1x128x32xf32, #tpu.memory_space<vmem>>
        %dma_start3A_1250 = tpu.memref_squeeze %dma_start3A_1249 : memref<1x128x32xf32, #tpu.memory_space<vmem>> -> memref<128x32xf32, #tpu.memory_space<vmem>>
        %dma_start3A_1251 = arith.constant 0 : i32
        %dma_start3A_1252 = tpu.memref_slice %arg5[%dma_start3A_1244, %dma_start3A_1245, %dma_start3A_1251] : memref<5x5x128xi32, #tpu.memory_space<vmem>> -> memref<1x1x128xi32, #tpu.memory_space<vmem>>
        %dma_start3A_1253 = tpu.memref_squeeze %dma_start3A_1252 : memref<1x1x128xi32, #tpu.memory_space<vmem>> -> memref<128xi32, #tpu.memory_space<vmem>>
        %dma_start3A_1254 = arith.constant 0 : i32
        %dma_start3A_1255 = arith.constant 0 : i32
        %dma_start3A_1256 = tpu.memref_slice %arg2[%dma_start3A_1254, %dma_start3A_1255] : memref<1000000x32xf32, #tpu.memory_space<hbm>> -> memref<1000000x32xf32, #tpu.memory_space<hbm>>
        tpu.enqueue_indirect_dma source(%dma_start3A_1256 : memref<1000000x32xf32, #tpu.memory_space<hbm>>) target(%dma_start3A_1250 : memref<128x32xf32, #tpu.memory_space<vmem>>) offsets(%dma_start3A_1253 : memref<128xi32, #tpu.memory_space<vmem>>) semaphore(%arg9 : memref<!tpu.dma_semaphore, #tpu.memory_space<semaphore_mem>>)
        %dma_start3A_1257 = arith.constant 2 : i32
        %dma_start3A_1258 = arith.constant 3 : i32
        %dma_start3A_1259 = arith.constant 2 : i32
        %dma_start3A_1260 = arith.constant 384 : i32
        %dma_start3A_1261 = arith.constant 0 : i32
        %dma_start3A_1262 = tpu.memref_slice %arg6[%dma_start3A_1259, %dma_start3A_1260, %dma_start3A_1261] : memref<5x640x32xf32, #tpu.memory_space<vmem>> -> memref<1x128x32xf32, #tpu.memory_space<vmem>>
        %dma_start3A_1263 = tpu.memref_squeeze %dma_start3A_1262 : memref<1x128x32xf32, #tpu.memory_space<vmem>> -> memref<128x32xf32, #tpu.memory_space<vmem>>
        %dma_start3A_1264 = arith.constant 0 : i32
        %dma_start3A_1265 = tpu.memref_slice %arg5[%dma_start3A_1257, %dma_start3A_1258, %dma_start3A_1264] : memref<5x5x128xi32, #tpu.memory_space<vmem>> -> memref<1x1x128xi32, #tpu.memory_space<vmem>>
        %dma_start3A_1266 = tpu.memref_squeeze %dma_start3A_1265 : memref<1x1x128xi32, #tpu.memory_space<vmem>> -> memref<128xi32, #tpu.memory_space<vmem>>
        %dma_start3A_1267 = arith.constant 0 : i32
        %dma_start3A_1268 = arith.constant 0 : i32
        %dma_start3A_1269 = tpu.memref_slice %arg2[%dma_start3A_1267, %dma_start3A_1268] : memref<1000000x32xf32, #tpu.memory_space<hbm>> -> memref<1000000x32xf32, #tpu.memory_space<hbm>>
        tpu.enqueue_indirect_dma source(%dma_start3A_1269 : memref<1000000x32xf32, #tpu.memory_space<hbm>>) target(%dma_start3A_1263 : memref<128x32xf32, #tpu.memory_space<vmem>>) offsets(%dma_start3A_1266 : memref<128xi32, #tpu.memory_space<vmem>>) semaphore(%arg9 : memref<!tpu.dma_semaphore, #tpu.memory_space<semaphore_mem>>)
        %dma_start3A_1270 = arith.constant 2 : i32
        %dma_start3A_1271 = arith.constant 4 : i32
        %dma_start3A_1272 = arith.constant 2 : i32
        %dma_start3A_1273 = arith.constant 512 : i32
        %dma_start3A_1274 = arith.constant 0 : i32
        %dma_start3A_1275 = tpu.memref_slice %arg6[%dma_start3A_1272, %dma_start3A_1273, %dma_start3A_1274] : memref<5x640x32xf32, #tpu.memory_space<vmem>> -> memref<1x128x32xf32, #tpu.memory_space<vmem>>
        %dma_start3A_1276 = tpu.memref_squeeze %dma_start3A_1275 : memref<1x128x32xf32, #tpu.memory_space<vmem>> -> memref<128x32xf32, #tpu.memory_space<vmem>>
        %dma_start3A_1277 = arith.constant 0 : i32
        %dma_start3A_1278 = tpu.memref_slice %arg5[%dma_start3A_1270, %dma_start3A_1271, %dma_start3A_1277] : memref<5x5x128xi32, #tpu.memory_space<vmem>> -> memref<1x1x128xi32, #tpu.memory_space<vmem>>
        %dma_start3A_1279 = tpu.memref_squeeze %dma_start3A_1278 : memref<1x1x128xi32, #tpu.memory_space<vmem>> -> memref<128xi32, #tpu.memory_space<vmem>>
        %dma_start3A_1280 = arith.constant 0 : i32
        %dma_start3A_1281 = arith.constant 0 : i32
        %dma_start3A_1282 = tpu.memref_slice %arg2[%dma_start3A_1280, %dma_start3A_1281] : memref<1000000x32xf32, #tpu.memory_space<hbm>> -> memref<1000000x32xf32, #tpu.memory_space<hbm>>
        tpu.enqueue_indirect_dma source(%dma_start3A_1282 : memref<1000000x32xf32, #tpu.memory_space<hbm>>) target(%dma_start3A_1276 : memref<128x32xf32, #tpu.memory_space<vmem>>) offsets(%dma_start3A_1279 : memref<128xi32, #tpu.memory_space<vmem>>) semaphore(%arg9 : memref<!tpu.dma_semaphore, #tpu.memory_space<semaphore_mem>>)
      } else {
      }
      %mul3A_542 = arith.constant 5 : i32
      %mul3A_543 = arith.muli %scan3A_377, %mul3A_542 : i32
      %add3A_544 = arith.constant 1 : i32
      %add3A_545 = arith.addi %mul3A_543, %add3A_544 : i32
      %dma_wait3A_546 = arith.constant 1 : i32
      %dma_wait3A_547 = arith.constant 0 : i32
      %dma_wait3A_548 = arith.constant 1 : i32
      %dma_wait3A_549 = arith.constant 0 : i32
      %dma_wait3A_550 = arith.constant 0 : i32
      %dma_wait3A_551 = tpu.memref_slice %arg6[%dma_wait3A_548, %dma_wait3A_549, %dma_wait3A_550] : memref<5x640x32xf32, #tpu.memory_space<vmem>> -> memref<1x128x32xf32, #tpu.memory_space<vmem>>
      %dma_wait3A_552 = tpu.memref_squeeze %dma_wait3A_551 : memref<1x128x32xf32, #tpu.memory_space<vmem>> -> memref<128x32xf32, #tpu.memory_space<vmem>>
      %dma_wait3A_553 = arith.constant 0 : i32
      %dma_wait3A_554 = tpu.memref_slice %arg5[%dma_wait3A_546, %dma_wait3A_547, %dma_wait3A_553] : memref<5x5x128xi32, #tpu.memory_space<vmem>> -> memref<1x1x128xi32, #tpu.memory_space<vmem>>
      %dma_wait3A_555 = tpu.memref_squeeze %dma_wait3A_554 : memref<1x1x128xi32, #tpu.memory_space<vmem>> -> memref<128xi32, #tpu.memory_space<vmem>>
      %dma_wait3A_556 = arith.constant 0 : i32
      %dma_wait3A_557 = arith.constant 0 : i32
      %dma_wait3A_558 = tpu.memref_slice %arg2[%dma_wait3A_556, %dma_wait3A_557] : memref<1000000x32xf32, #tpu.memory_space<hbm>> -> memref<1000000x32xf32, #tpu.memory_space<hbm>>
      tpu.wait_indirect_dma semaphore(%arg8 : memref<!tpu.dma_semaphore, #tpu.memory_space<semaphore_mem>>) src(%dma_wait3A_558 : memref<1000000x32xf32, #tpu.memory_space<hbm>>) dst(%dma_wait3A_552 : memref<128x32xf32, #tpu.memory_space<vmem>>)
      %dma_wait3A_559 = arith.constant 1 : i32
      %dma_wait3A_560 = arith.constant 1 : i32
      %dma_wait3A_561 = arith.constant 1 : i32
      %dma_wait3A_562 = arith.constant 128 : i32
      %dma_wait3A_563 = arith.constant 0 : i32
      %dma_wait3A_564 = tpu.memref_slice %arg6[%dma_wait3A_561, %dma_wait3A_562, %dma_wait3A_563] : memref<5x640x32xf32, #tpu.memory_space<vmem>> -> memref<1x128x32xf32, #tpu.memory_space<vmem>>
      %dma_wait3A_565 = tpu.memref_squeeze %dma_wait3A_564 : memref<1x128x32xf32, #tpu.memory_space<vmem>> -> memref<128x32xf32, #tpu.memory_space<vmem>>
      %dma_wait3A_566 = arith.constant 0 : i32
      %dma_wait3A_567 = tpu.memref_slice %arg5[%dma_wait3A_559, %dma_wait3A_560, %dma_wait3A_566] : memref<5x5x128xi32, #tpu.memory_space<vmem>> -> memref<1x1x128xi32, #tpu.memory_space<vmem>>
      %dma_wait3A_568 = tpu.memref_squeeze %dma_wait3A_567 : memref<1x1x128xi32, #tpu.memory_space<vmem>> -> memref<128xi32, #tpu.memory_space<vmem>>
      %dma_wait3A_569 = arith.constant 0 : i32
      %dma_wait3A_570 = arith.constant 0 : i32
      %dma_wait3A_571 = tpu.memref_slice %arg2[%dma_wait3A_569, %dma_wait3A_570] : memref<1000000x32xf32, #tpu.memory_space<hbm>> -> memref<1000000x32xf32, #tpu.memory_space<hbm>>
      tpu.wait_indirect_dma semaphore(%arg8 : memref<!tpu.dma_semaphore, #tpu.memory_space<semaphore_mem>>) src(%dma_wait3A_571 : memref<1000000x32xf32, #tpu.memory_space<hbm>>) dst(%dma_wait3A_565 : memref<128x32xf32, #tpu.memory_space<vmem>>)
      %dma_wait3A_572 = arith.constant 1 : i32
      %dma_wait3A_573 = arith.constant 2 : i32
      %dma_wait3A_574 = arith.constant 1 : i32
      %dma_wait3A_575 = arith.constant 256 : i32
      %dma_wait3A_576 = arith.constant 0 : i32
      %dma_wait3A_577 = tpu.memref_slice %arg6[%dma_wait3A_574, %dma_wait3A_575, %dma_wait3A_576] : memref<5x640x32xf32, #tpu.memory_space<vmem>> -> memref<1x128x32xf32, #tpu.memory_space<vmem>>
      %dma_wait3A_578 = tpu.memref_squeeze %dma_wait3A_577 : memref<1x128x32xf32, #tpu.memory_space<vmem>> -> memref<128x32xf32, #tpu.memory_space<vmem>>
      %dma_wait3A_579 = arith.constant 0 : i32
      %dma_wait3A_580 = tpu.memref_slice %arg5[%dma_wait3A_572, %dma_wait3A_573, %dma_wait3A_579] : memref<5x5x128xi32, #tpu.memory_space<vmem>> -> memref<1x1x128xi32, #tpu.memory_space<vmem>>
      %dma_wait3A_581 = tpu.memref_squeeze %dma_wait3A_580 : memref<1x1x128xi32, #tpu.memory_space<vmem>> -> memref<128xi32, #tpu.memory_space<vmem>>
      %dma_wait3A_582 = arith.constant 0 : i32
      %dma_wait3A_583 = arith.constant 0 : i32
      %dma_wait3A_584 = tpu.memref_slice %arg2[%dma_wait3A_582, %dma_wait3A_583] : memref<1000000x32xf32, #tpu.memory_space<hbm>> -> memref<1000000x32xf32, #tpu.memory_space<hbm>>
      tpu.wait_indirect_dma semaphore(%arg8 : memref<!tpu.dma_semaphore, #tpu.memory_space<semaphore_mem>>) src(%dma_wait3A_584 : memref<1000000x32xf32, #tpu.memory_space<hbm>>) dst(%dma_wait3A_578 : memref<128x32xf32, #tpu.memory_space<vmem>>)
      %dma_wait3A_585 = arith.constant 1 : i32
      %dma_wait3A_586 = arith.constant 3 : i32
      %dma_wait3A_587 = arith.constant 1 : i32
      %dma_wait3A_588 = arith.constant 384 : i32
      %dma_wait3A_589 = arith.constant 0 : i32
      %dma_wait3A_590 = tpu.memref_slice %arg6[%dma_wait3A_587, %dma_wait3A_588, %dma_wait3A_589] : memref<5x640x32xf32, #tpu.memory_space<vmem>> -> memref<1x128x32xf32, #tpu.memory_space<vmem>>
      %dma_wait3A_591 = tpu.memref_squeeze %dma_wait3A_590 : memref<1x128x32xf32, #tpu.memory_space<vmem>> -> memref<128x32xf32, #tpu.memory_space<vmem>>
      %dma_wait3A_592 = arith.constant 0 : i32
      %dma_wait3A_593 = tpu.memref_slice %arg5[%dma_wait3A_585, %dma_wait3A_586, %dma_wait3A_592] : memref<5x5x128xi32, #tpu.memory_space<vmem>> -> memref<1x1x128xi32, #tpu.memory_space<vmem>>
      %dma_wait3A_594 = tpu.memref_squeeze %dma_wait3A_593 : memref<1x1x128xi32, #tpu.memory_space<vmem>> -> memref<128xi32, #tpu.memory_space<vmem>>
      %dma_wait3A_595 = arith.constant 0 : i32
      %dma_wait3A_596 = arith.constant 0 : i32
      %dma_wait3A_597 = tpu.memref_slice %arg2[%dma_wait3A_595, %dma_wait3A_596] : memref<1000000x32xf32, #tpu.memory_space<hbm>> -> memref<1000000x32xf32, #tpu.memory_space<hbm>>
      tpu.wait_indirect_dma semaphore(%arg8 : memref<!tpu.dma_semaphore, #tpu.memory_space<semaphore_mem>>) src(%dma_wait3A_597 : memref<1000000x32xf32, #tpu.memory_space<hbm>>) dst(%dma_wait3A_591 : memref<128x32xf32, #tpu.memory_space<vmem>>)
      %dma_wait3A_598 = arith.constant 1 : i32
      %dma_wait3A_599 = arith.constant 4 : i32
      %dma_wait3A_600 = arith.constant 1 : i32
      %dma_wait3A_601 = arith.constant 512 : i32
      %dma_wait3A_602 = arith.constant 0 : i32
      %dma_wait3A_603 = tpu.memref_slice %arg6[%dma_wait3A_600, %dma_wait3A_601, %dma_wait3A_602] : memref<5x640x32xf32, #tpu.memory_space<vmem>> -> memref<1x128x32xf32, #tpu.memory_space<vmem>>
      %dma_wait3A_604 = tpu.memref_squeeze %dma_wait3A_603 : memref<1x128x32xf32, #tpu.memory_space<vmem>> -> memref<128x32xf32, #tpu.memory_space<vmem>>
      %dma_wait3A_605 = arith.constant 0 : i32
      %dma_wait3A_606 = tpu.memref_slice %arg5[%dma_wait3A_598, %dma_wait3A_599, %dma_wait3A_605] : memref<5x5x128xi32, #tpu.memory_space<vmem>> -> memref<1x1x128xi32, #tpu.memory_space<vmem>>
      %dma_wait3A_607 = tpu.memref_squeeze %dma_wait3A_606 : memref<1x1x128xi32, #tpu.memory_space<vmem>> -> memref<128xi32, #tpu.memory_space<vmem>>
      %dma_wait3A_608 = arith.constant 0 : i32
      %dma_wait3A_609 = arith.constant 0 : i32
      %dma_wait3A_610 = tpu.memref_slice %arg2[%dma_wait3A_608, %dma_wait3A_609] : memref<1000000x32xf32, #tpu.memory_space<hbm>> -> memref<1000000x32xf32, #tpu.memory_space<hbm>>
      tpu.wait_indirect_dma semaphore(%arg8 : memref<!tpu.dma_semaphore, #tpu.memory_space<semaphore_mem>>) src(%dma_wait3A_610 : memref<1000000x32xf32, #tpu.memory_space<hbm>>) dst(%dma_wait3A_604 : memref<128x32xf32, #tpu.memory_space<vmem>>)
      %scan3A_611 = arith.constant 0 : i32
      %scan3A_612 = arith.constant 0 : i32
      %scan3A_613 = arith.constant 80 : i32
      %scan3A_614 = arith.addi %scan3A_612, %scan3A_613 : i32
      %scan3A_615 = arith.constant 1 : i32
      scf.for %scan3A_1214 = %scan3A_612 to %scan3A_614 step %scan3A_615  : i32 {
        %mul3A_1215 = arith.constant 8 : i32
        %mul3A_1216 = arith.muli %scan3A_1214, %mul3A_1215 : i32
        %add3A_1217 = arith.constant 0 : i32
        %add3A_1218 = arith.addi %mul3A_1216, %add3A_1217 : i32
        %get3A = arith.constant 1 : i32
        %get3A_1219 = arith.index_cast %get3A : i32 to index
        %get3A_1220 = arith.index_cast %add3A_1218 : i32 to index
        %get3A_1221 = arith.constant 0 : index
        %get3A_1222 = tpu.vector_load %arg6[%get3A_1219, %get3A_1220, %get3A_1221] {strides = array<i32>} : memref<5x640x32xf32, #tpu.memory_space<vmem>>, vector<1x1x16xf32>,
        %get3A_1223 = vector.shape_cast %get3A_1222 : vector<1x1x16xf32> to vector<16xf32>
        %mul3A_1224 = arith.constant 5.65685415 : f32
        %mul3A_1225 = vector.broadcast %mul3A_1224 : f32 to vector<16xf32>
        %mul3A_1226 = arith.mulf %get3A_1223, %mul3A_1225 : vector<16xf32>
        %add3A_1227 = arith.constant 0 : i32
        %add3A_1228 = arith.addi %mul3A_1216, %add3A_1227 : i32
        %swap3A = arith.constant 1 : i32
        %swap3A_1229 = arith.index_cast %swap3A : i32 to index
        %swap3A_1230 = arith.index_cast %add3A_1228 : i32 to index
        %swap3A_1231 = arith.constant 0 : index
        %swap3A_1232 = tpu.vector_load %arg6[%swap3A_1229, %swap3A_1230, %swap3A_1231] {strides = array<i32>} : memref<5x640x32xf32, #tpu.memory_space<vmem>>, vector<1x1x16xf32>,
        %swap3A_1233 = vector.shape_cast %swap3A_1232 : vector<1x1x16xf32> to vector<16xf32>
        %swap3A_1234 = vector.shape_cast %mul3A_1226 : vector<16xf32> to vector<1x1x16xf32>
        tpu.vector_store %arg6[%swap3A_1229, %swap3A_1230, %swap3A_1231], %swap3A_1234 {strides = array<i32>} : memref<5x640x32xf32, #tpu.memory_space<vmem>>, vector<1x1x16xf32>,
        %add3A_1235 = arith.constant 0 : i32
        %add3A_1236 = arith.addi %mul3A_1216, %add3A_1235 : i32
        %get3A_1237 = arith.constant 1 : i32
        %get3A_1238 = arith.index_cast %get3A_1237 : i32 to index
        %get3A_1239 = arith.index_cast %add3A_1236 : i32 to index
        %get3A_1240 = arith.constant 16 : index
        %get3A_1241 = tpu.vector_load %arg6[%get3A_1238, %get3A_1239, %get3A_1240] {strides = array<i32>} : memref<5x640x32xf32, #tpu.memory_space<vmem>>, vector<1x1x16xf32>,
        %get3A_1242 = vector.shape_cast %get3A_1241 : vector<1x1x16xf32> to vector<16xf32>
        %mul3A_1243 = arith.constant 5.65685415 : f32
        %mul3A_1244 = vector.broadcast %mul3A_1243 : f32 to vector<16xf32>
        %mul3A_1245 = arith.mulf %get3A_1242, %mul3A_1244 : vector<16xf32>
        %add3A_1246 = arith.constant 0 : i32
        %add3A_1247 = arith.addi %mul3A_1216, %add3A_1246 : i32
        %swap3A_1248 = arith.constant 1 : i32
        %swap3A_1249 = arith.index_cast %swap3A_1248 : i32 to index
        %swap3A_1250 = arith.index_cast %add3A_1247 : i32 to index
        %swap3A_1251 = arith.constant 16 : index
        %swap3A_1252 = tpu.vector_load %arg6[%swap3A_1249, %swap3A_1250, %swap3A_1251] {strides = array<i32>} : memref<5x640x32xf32, #tpu.memory_space<vmem>>, vector<1x1x16xf32>,
        %swap3A_1253 = vector.shape_cast %swap3A_1252 : vector<1x1x16xf32> to vector<16xf32>
        %swap3A_1254 = vector.shape_cast %mul3A_1245 : vector<16xf32> to vector<1x1x16xf32>
        tpu.vector_store %arg6[%swap3A_1249, %swap3A_1250, %swap3A_1251], %swap3A_1254 {strides = array<i32>} : memref<5x640x32xf32, #tpu.memory_space<vmem>>, vector<1x1x16xf32>,
        %add3A_1255 = arith.constant 1 : i32
        %add3A_1256 = arith.addi %mul3A_1216, %add3A_1255 : i32
        %get3A_1257 = arith.constant 1 : i32
        %get3A_1258 = arith.index_cast %get3A_1257 : i32 to index
        %get3A_1259 = arith.index_cast %add3A_1256 : i32 to index
        %get3A_1260 = arith.constant 0 : index
        %get3A_1261 = tpu.vector_load %arg6[%get3A_1258, %get3A_1259, %get3A_1260] {strides = array<i32>} : memref<5x640x32xf32, #tpu.memory_space<vmem>>, vector<1x1x16xf32>,
        %get3A_1262 = vector.shape_cast %get3A_1261 : vector<1x1x16xf32> to vector<16xf32>
        %mul3A_1263 = arith.constant 5.65685415 : f32
        %mul3A_1264 = vector.broadcast %mul3A_1263 : f32 to vector<16xf32>
        %mul3A_1265 = arith.mulf %get3A_1262, %mul3A_1264 : vector<16xf32>
        %add3A_1266 = arith.constant 1 : i32
        %add3A_1267 = arith.addi %mul3A_1216, %add3A_1266 : i32
        %swap3A_1268 = arith.constant 1 : i32
        %swap3A_1269 = arith.index_cast %swap3A_1268 : i32 to index
        %swap3A_1270 = arith.index_cast %add3A_1267 : i32 to index
        %swap3A_1271 = arith.constant 0 : index
        %swap3A_1272 = tpu.vector_load %arg6[%swap3A_1269, %swap3A_1270, %swap3A_1271] {strides = array<i32>} : memref<5x640x32xf32, #tpu.memory_space<vmem>>, vector<1x1x16xf32>,
        %swap3A_1273 = vector.shape_cast %swap3A_1272 : vector<1x1x16xf32> to vector<16xf32>
        %swap3A_1274 = vector.shape_cast %mul3A_1265 : vector<16xf32> to vector<1x1x16xf32>
        tpu.vector_store %arg6[%swap3A_1269, %swap3A_1270, %swap3A_1271], %swap3A_1274 {strides = array<i32>} : memref<5x640x32xf32, #tpu.memory_space<vmem>>, vector<1x1x16xf32>,
        %add3A_1275 = arith.constant 1 : i32
        %add3A_1276 = arith.addi %mul3A_1216, %add3A_1275 : i32
        %get3A_1277 = arith.constant 1 : i32
        %get3A_1278 = arith.index_cast %get3A_1277 : i32 to index
        %get3A_1279 = arith.index_cast %add3A_1276 : i32 to index
        %get3A_1280 = arith.constant 16 : index
        %get3A_1281 = tpu.vector_load %arg6[%get3A_1278, %get3A_1279, %get3A_1280] {strides = array<i32>} : memref<5x640x32xf32, #tpu.memory_space<vmem>>, vector<1x1x16xf32>,
        %get3A_1282 = vector.shape_cast %get3A_1281 : vector<1x1x16xf32> to vector<16xf32>
        %mul3A_1283 = arith.constant 5.65685415 : f32
        %mul3A_1284 = vector.broadcast %mul3A_1283 : f32 to vector<16xf32>
        %mul3A_1285 = arith.mulf %get3A_1282, %mul3A_1284 : vector<16xf32>
        %add3A_1286 = arith.constant 1 : i32
        %add3A_1287 = arith.addi %mul3A_1216, %add3A_1286 : i32
        %swap3A_1288 = arith.constant 1 : i32
        %swap3A_1289 = arith.index_cast %swap3A_1288 : i32 to index
        %swap3A_1290 = arith.index_cast %add3A_1287 : i32 to index
        %swap3A_1291 = arith.constant 16 : index
        %swap3A_1292 = tpu.vector_load %arg6[%swap3A_1289, %swap3A_1290, %swap3A_1291] {strides = array<i32>} : memref<5x640x32xf32, #tpu.memory_space<vmem>>, vector<1x1x16xf32>,
        %swap3A_1293 = vector.shape_cast %swap3A_1292 : vector<1x1x16xf32> to vector<16xf32>
        %swap3A_1294 = vector.shape_cast %mul3A_1285 : vector<16xf32> to vector<1x1x16xf32>
        tpu.vector_store %arg6[%swap3A_1289, %swap3A_1290, %swap3A_1291], %swap3A_1294 {strides = array<i32>} : memref<5x640x32xf32, #tpu.memory_space<vmem>>, vector<1x1x16xf32>,
        %add3A_1295 = arith.constant 2 : i32
        %add3A_1296 = arith.addi %mul3A_1216, %add3A_1295 : i32
        %get3A_1297 = arith.constant 1 : i32
        %get3A_1298 = arith.index_cast %get3A_1297 : i32 to index
        %get3A_1299 = arith.index_cast %add3A_1296 : i32 to index
        %get3A_1300 = arith.constant 0 : index
        %get3A_1301 = tpu.vector_load %arg6[%get3A_1298, %get3A_1299, %get3A_1300] {strides = array<i32>} : memref<5x640x32xf32, #tpu.memory_space<vmem>>, vector<1x1x16xf32>,
        %get3A_1302 = vector.shape_cast %get3A_1301 : vector<1x1x16xf32> to vector<16xf32>
        %mul3A_1303 = arith.constant 5.65685415 : f32
        %mul3A_1304 = vector.broadcast %mul3A_1303 : f32 to vector<16xf32>
        %mul3A_1305 = arith.mulf %get3A_1302, %mul3A_1304 : vector<16xf32>
        %add3A_1306 = arith.constant 2 : i32
        %add3A_1307 = arith.addi %mul3A_1216, %add3A_1306 : i32
        %swap3A_1308 = arith.constant 1 : i32
        %swap3A_1309 = arith.index_cast %swap3A_1308 : i32 to index
        %swap3A_1310 = arith.index_cast %add3A_1307 : i32 to index
        %swap3A_1311 = arith.constant 0 : index
        %swap3A_1312 = tpu.vector_load %arg6[%swap3A_1309, %swap3A_1310, %swap3A_1311] {strides = array<i32>} : memref<5x640x32xf32, #tpu.memory_space<vmem>>, vector<1x1x16xf32>,
        %swap3A_1313 = vector.shape_cast %swap3A_1312 : vector<1x1x16xf32> to vector<16xf32>
        %swap3A_1314 = vector.shape_cast %mul3A_1305 : vector<16xf32> to vector<1x1x16xf32>
        tpu.vector_store %arg6[%swap3A_1309, %swap3A_1310, %swap3A_1311], %swap3A_1314 {strides = array<i32>} : memref<5x640x32xf32, #tpu.memory_space<vmem>>, vector<1x1x16xf32>,
        %add3A_1315 = arith.constant 2 : i32
        %add3A_1316 = arith.addi %mul3A_1216, %add3A_1315 : i32
        %get3A_1317 = arith.constant 1 : i32
        %get3A_1318 = arith.index_cast %get3A_1317 : i32 to index
        %get3A_1319 = arith.index_cast %add3A_1316 : i32 to index
        %get3A_1320 = arith.constant 16 : index
        %get3A_1321 = tpu.vector_load %arg6[%get3A_1318, %get3A_1319, %get3A_1320] {strides = array<i32>} : memref<5x640x32xf32, #tpu.memory_space<vmem>>, vector<1x1x16xf32>,
        %get3A_1322 = vector.shape_cast %get3A_1321 : vector<1x1x16xf32> to vector<16xf32>
        %mul3A_1323 = arith.constant 5.65685415 : f32
        %mul3A_1324 = vector.broadcast %mul3A_1323 : f32 to vector<16xf32>
        %mul3A_1325 = arith.mulf %get3A_1322, %mul3A_1324 : vector<16xf32>
        %add3A_1326 = arith.constant 2 : i32
        %add3A_1327 = arith.addi %mul3A_1216, %add3A_1326 : i32
        %swap3A_1328 = arith.constant 1 : i32
        %swap3A_1329 = arith.index_cast %swap3A_1328 : i32 to index
        %swap3A_1330 = arith.index_cast %add3A_1327 : i32 to index
        %swap3A_1331 = arith.constant 16 : index
        %swap3A_1332 = tpu.vector_load %arg6[%swap3A_1329, %swap3A_1330, %swap3A_1331] {strides = array<i32>} : memref<5x640x32xf32, #tpu.memory_space<vmem>>, vector<1x1x16xf32>,
        %swap3A_1333 = vector.shape_cast %swap3A_1332 : vector<1x1x16xf32> to vector<16xf32>
        %swap3A_1334 = vector.shape_cast %mul3A_1325 : vector<16xf32> to vector<1x1x16xf32>
        tpu.vector_store %arg6[%swap3A_1329, %swap3A_1330, %swap3A_1331], %swap3A_1334 {strides = array<i32>} : memref<5x640x32xf32, #tpu.memory_space<vmem>>, vector<1x1x16xf32>,
        %add3A_1335 = arith.constant 3 : i32
        %add3A_1336 = arith.addi %mul3A_1216, %add3A_1335 : i32
        %get3A_1337 = arith.constant 1 : i32
        %get3A_1338 = arith.index_cast %get3A_1337 : i32 to index
        %get3A_1339 = arith.index_cast %add3A_1336 : i32 to index
        %get3A_1340 = arith.constant 0 : index
        %get3A_1341 = tpu.vector_load %arg6[%get3A_1338, %get3A_1339, %get3A_1340] {strides = array<i32>} : memref<5x640x32xf32, #tpu.memory_space<vmem>>, vector<1x1x16xf32>,
        %get3A_1342 = vector.shape_cast %get3A_1341 : vector<1x1x16xf32> to vector<16xf32>
        %mul3A_1343 = arith.constant 5.65685415 : f32
        %mul3A_1344 = vector.broadcast %mul3A_1343 : f32 to vector<16xf32>
        %mul3A_1345 = arith.mulf %get3A_1342, %mul3A_1344 : vector<16xf32>
        %add3A_1346 = arith.constant 3 : i32
        %add3A_1347 = arith.addi %mul3A_1216, %add3A_1346 : i32
        %swap3A_1348 = arith.constant 1 : i32
        %swap3A_1349 = arith.index_cast %swap3A_1348 : i32 to index
        %swap3A_1350 = arith.index_cast %add3A_1347 : i32 to index
        %swap3A_1351 = arith.constant 0 : index
        %swap3A_1352 = tpu.vector_load %arg6[%swap3A_1349, %swap3A_1350, %swap3A_1351] {strides = array<i32>} : memref<5x640x32xf32, #tpu.memory_space<vmem>>, vector<1x1x16xf32>,
        %swap3A_1353 = vector.shape_cast %swap3A_1352 : vector<1x1x16xf32> to vector<16xf32>
        %swap3A_1354 = vector.shape_cast %mul3A_1345 : vector<16xf32> to vector<1x1x16xf32>
        tpu.vector_store %arg6[%swap3A_1349, %swap3A_1350, %swap3A_1351], %swap3A_1354 {strides = array<i32>} : memref<5x640x32xf32, #tpu.memory_space<vmem>>, vector<1x1x16xf32>,
        %add3A_1355 = arith.constant 3 : i32
        %add3A_1356 = arith.addi %mul3A_1216, %add3A_1355 : i32
        %get3A_1357 = arith.constant 1 : i32
        %get3A_1358 = arith.index_cast %get3A_1357 : i32 to index
        %get3A_1359 = arith.index_cast %add3A_1356 : i32 to index
        %get3A_1360 = arith.constant 16 : index
        %get3A_1361 = tpu.vector_load %arg6[%get3A_1358, %get3A_1359, %get3A_1360] {strides = array<i32>} : memref<5x640x32xf32, #tpu.memory_space<vmem>>, vector<1x1x16xf32>,
        %get3A_1362 = vector.shape_cast %get3A_1361 : vector<1x1x16xf32> to vector<16xf32>
        %mul3A_1363 = arith.constant 5.65685415 : f32
        %mul3A_1364 = vector.broadcast %mul3A_1363 : f32 to vector<16xf32>
        %mul3A_1365 = arith.mulf %get3A_1362, %mul3A_1364 : vector<16xf32>
        %add3A_1366 = arith.constant 3 : i32
        %add3A_1367 = arith.addi %mul3A_1216, %add3A_1366 : i32
        %swap3A_1368 = arith.constant 1 : i32
        %swap3A_1369 = arith.index_cast %swap3A_1368 : i32 to index
        %swap3A_1370 = arith.index_cast %add3A_1367 : i32 to index
        %swap3A_1371 = arith.constant 16 : index
        %swap3A_1372 = tpu.vector_load %arg6[%swap3A_1369, %swap3A_1370, %swap3A_1371] {strides = array<i32>} : memref<5x640x32xf32, #tpu.memory_space<vmem>>, vector<1x1x16xf32>,
        %swap3A_1373 = vector.shape_cast %swap3A_1372 : vector<1x1x16xf32> to vector<16xf32>
        %swap3A_1374 = vector.shape_cast %mul3A_1365 : vector<16xf32> to vector<1x1x16xf32>
        tpu.vector_store %arg6[%swap3A_1369, %swap3A_1370, %swap3A_1371], %swap3A_1374 {strides = array<i32>} : memref<5x640x32xf32, #tpu.memory_space<vmem>>, vector<1x1x16xf32>,
        %add3A_1375 = arith.constant 4 : i32
        %add3A_1376 = arith.addi %mul3A_1216, %add3A_1375 : i32
        %get3A_1377 = arith.constant 1 : i32
        %get3A_1378 = arith.index_cast %get3A_1377 : i32 to index
        %get3A_1379 = arith.index_cast %add3A_1376 : i32 to index
        %get3A_1380 = arith.constant 0 : index
        %get3A_1381 = tpu.vector_load %arg6[%get3A_1378, %get3A_1379, %get3A_1380] {strides = array<i32>} : memref<5x640x32xf32, #tpu.memory_space<vmem>>, vector<1x1x16xf32>,
        %get3A_1382 = vector.shape_cast %get3A_1381 : vector<1x1x16xf32> to vector<16xf32>
        %mul3A_1383 = arith.constant 5.65685415 : f32
        %mul3A_1384 = vector.broadcast %mul3A_1383 : f32 to vector<16xf32>
        %mul3A_1385 = arith.mulf %get3A_1382, %mul3A_1384 : vector<16xf32>
        %add3A_1386 = arith.constant 4 : i32
        %add3A_1387 = arith.addi %mul3A_1216, %add3A_1386 : i32
        %swap3A_1388 = arith.constant 1 : i32
        %swap3A_1389 = arith.index_cast %swap3A_1388 : i32 to index
        %swap3A_1390 = arith.index_cast %add3A_1387 : i32 to index
        %swap3A_1391 = arith.constant 0 : index
        %swap3A_1392 = tpu.vector_load %arg6[%swap3A_1389, %swap3A_1390, %swap3A_1391] {strides = array<i32>} : memref<5x640x32xf32, #tpu.memory_space<vmem>>, vector<1x1x16xf32>,
        %swap3A_1393 = vector.shape_cast %swap3A_1392 : vector<1x1x16xf32> to vector<16xf32>
        %swap3A_1394 = vector.shape_cast %mul3A_1385 : vector<16xf32> to vector<1x1x16xf32>
        tpu.vector_store %arg6[%swap3A_1389, %swap3A_1390, %swap3A_1391], %swap3A_1394 {strides = array<i32>} : memref<5x640x32xf32, #tpu.memory_space<vmem>>, vector<1x1x16xf32>,
        %add3A_1395 = arith.constant 4 : i32
        %add3A_1396 = arith.addi %mul3A_1216, %add3A_1395 : i32
        %get3A_1397 = arith.constant 1 : i32
        %get3A_1398 = arith.index_cast %get3A_1397 : i32 to index
        %get3A_1399 = arith.index_cast %add3A_1396 : i32 to index
        %get3A_1400 = arith.constant 16 : index
        %get3A_1401 = tpu.vector_load %arg6[%get3A_1398, %get3A_1399, %get3A_1400] {strides = array<i32>} : memref<5x640x32xf32, #tpu.memory_space<vmem>>, vector<1x1x16xf32>,
        %get3A_1402 = vector.shape_cast %get3A_1401 : vector<1x1x16xf32> to vector<16xf32>
        %mul3A_1403 = arith.constant 5.65685415 : f32
        %mul3A_1404 = vector.broadcast %mul3A_1403 : f32 to vector<16xf32>
        %mul3A_1405 = arith.mulf %get3A_1402, %mul3A_1404 : vector<16xf32>
        %add3A_1406 = arith.constant 4 : i32
        %add3A_1407 = arith.addi %mul3A_1216, %add3A_1406 : i32
        %swap3A_1408 = arith.constant 1 : i32
        %swap3A_1409 = arith.index_cast %swap3A_1408 : i32 to index
        %swap3A_1410 = arith.index_cast %add3A_1407 : i32 to index
        %swap3A_1411 = arith.constant 16 : index
        %swap3A_1412 = tpu.vector_load %arg6[%swap3A_1409, %swap3A_1410, %swap3A_1411] {strides = array<i32>} : memref<5x640x32xf32, #tpu.memory_space<vmem>>, vector<1x1x16xf32>,
        %swap3A_1413 = vector.shape_cast %swap3A_1412 : vector<1x1x16xf32> to vector<16xf32>
        %swap3A_1414 = vector.shape_cast %mul3A_1405 : vector<16xf32> to vector<1x1x16xf32>
        tpu.vector_store %arg6[%swap3A_1409, %swap3A_1410, %swap3A_1411], %swap3A_1414 {strides = array<i32>} : memref<5x640x32xf32, #tpu.memory_space<vmem>>, vector<1x1x16xf32>,
        %add3A_1415 = arith.constant 5 : i32
        %add3A_1416 = arith.addi %mul3A_1216, %add3A_1415 : i32
        %get3A_1417 = arith.constant 1 : i32
        %get3A_1418 = arith.index_cast %get3A_1417 : i32 to index
        %get3A_1419 = arith.index_cast %add3A_1416 : i32 to index
        %get3A_1420 = arith.constant 0 : index
        %get3A_1421 = tpu.vector_load %arg6[%get3A_1418, %get3A_1419, %get3A_1420] {strides = array<i32>} : memref<5x640x32xf32, #tpu.memory_space<vmem>>, vector<1x1x16xf32>,
        %get3A_1422 = vector.shape_cast %get3A_1421 : vector<1x1x16xf32> to vector<16xf32>
        %mul3A_1423 = arith.constant 5.65685415 : f32
        %mul3A_1424 = vector.broadcast %mul3A_1423 : f32 to vector<16xf32>
        %mul3A_1425 = arith.mulf %get3A_1422, %mul3A_1424 : vector<16xf32>
        %add3A_1426 = arith.constant 5 : i32
        %add3A_1427 = arith.addi %mul3A_1216, %add3A_1426 : i32
        %swap3A_1428 = arith.constant 1 : i32
        %swap3A_1429 = arith.index_cast %swap3A_1428 : i32 to index
        %swap3A_1430 = arith.index_cast %add3A_1427 : i32 to index
        %swap3A_1431 = arith.constant 0 : index
        %swap3A_1432 = tpu.vector_load %arg6[%swap3A_1429, %swap3A_1430, %swap3A_1431] {strides = array<i32>} : memref<5x640x32xf32, #tpu.memory_space<vmem>>, vector<1x1x16xf32>,
        %swap3A_1433 = vector.shape_cast %swap3A_1432 : vector<1x1x16xf32> to vector<16xf32>
        %swap3A_1434 = vector.shape_cast %mul3A_1425 : vector<16xf32> to vector<1x1x16xf32>
        tpu.vector_store %arg6[%swap3A_1429, %swap3A_1430, %swap3A_1431], %swap3A_1434 {strides = array<i32>} : memref<5x640x32xf32, #tpu.memory_space<vmem>>, vector<1x1x16xf32>,
        %add3A_1435 = arith.constant 5 : i32
        %add3A_1436 = arith.addi %mul3A_1216, %add3A_1435 : i32
        %get3A_1437 = arith.constant 1 : i32
        %get3A_1438 = arith.index_cast %get3A_1437 : i32 to index
        %get3A_1439 = arith.index_cast %add3A_1436 : i32 to index
        %get3A_1440 = arith.constant 16 : index
        %get3A_1441 = tpu.vector_load %arg6[%get3A_1438, %get3A_1439, %get3A_1440] {strides = array<i32>} : memref<5x640x32xf32, #tpu.memory_space<vmem>>, vector<1x1x16xf32>,
        %get3A_1442 = vector.shape_cast %get3A_1441 : vector<1x1x16xf32> to vector<16xf32>
        %mul3A_1443 = arith.constant 5.65685415 : f32
        %mul3A_1444 = vector.broadcast %mul3A_1443 : f32 to vector<16xf32>
        %mul3A_1445 = arith.mulf %get3A_1442, %mul3A_1444 : vector<16xf32>
        %add3A_1446 = arith.constant 5 : i32
        %add3A_1447 = arith.addi %mul3A_1216, %add3A_1446 : i32
        %swap3A_1448 = arith.constant 1 : i32
        %swap3A_1449 = arith.index_cast %swap3A_1448 : i32 to index
        %swap3A_1450 = arith.index_cast %add3A_1447 : i32 to index
        %swap3A_1451 = arith.constant 16 : index
        %swap3A_1452 = tpu.vector_load %arg6[%swap3A_1449, %swap3A_1450, %swap3A_1451] {strides = array<i32>} : memref<5x640x32xf32, #tpu.memory_space<vmem>>, vector<1x1x16xf32>,
        %swap3A_1453 = vector.shape_cast %swap3A_1452 : vector<1x1x16xf32> to vector<16xf32>
        %swap3A_1454 = vector.shape_cast %mul3A_1445 : vector<16xf32> to vector<1x1x16xf32>
        tpu.vector_store %arg6[%swap3A_1449, %swap3A_1450, %swap3A_1451], %swap3A_1454 {strides = array<i32>} : memref<5x640x32xf32, #tpu.memory_space<vmem>>, vector<1x1x16xf32>,
        %add3A_1455 = arith.constant 6 : i32
        %add3A_1456 = arith.addi %mul3A_1216, %add3A_1455 : i32
        %get3A_1457 = arith.constant 1 : i32
        %get3A_1458 = arith.index_cast %get3A_1457 : i32 to index
        %get3A_1459 = arith.index_cast %add3A_1456 : i32 to index
        %get3A_1460 = arith.constant 0 : index
        %get3A_1461 = tpu.vector_load %arg6[%get3A_1458, %get3A_1459, %get3A_1460] {strides = array<i32>} : memref<5x640x32xf32, #tpu.memory_space<vmem>>, vector<1x1x16xf32>,
        %get3A_1462 = vector.shape_cast %get3A_1461 : vector<1x1x16xf32> to vector<16xf32>
        %mul3A_1463 = arith.constant 5.65685415 : f32
        %mul3A_1464 = vector.broadcast %mul3A_1463 : f32 to vector<16xf32>
        %mul3A_1465 = arith.mulf %get3A_1462, %mul3A_1464 : vector<16xf32>
        %add3A_1466 = arith.constant 6 : i32
        %add3A_1467 = arith.addi %mul3A_1216, %add3A_1466 : i32
        %swap3A_1468 = arith.constant 1 : i32
        %swap3A_1469 = arith.index_cast %swap3A_1468 : i32 to index
        %swap3A_1470 = arith.index_cast %add3A_1467 : i32 to index
        %swap3A_1471 = arith.constant 0 : index
        %swap3A_1472 = tpu.vector_load %arg6[%swap3A_1469, %swap3A_1470, %swap3A_1471] {strides = array<i32>} : memref<5x640x32xf32, #tpu.memory_space<vmem>>, vector<1x1x16xf32>,
        %swap3A_1473 = vector.shape_cast %swap3A_1472 : vector<1x1x16xf32> to vector<16xf32>
        %swap3A_1474 = vector.shape_cast %mul3A_1465 : vector<16xf32> to vector<1x1x16xf32>
        tpu.vector_store %arg6[%swap3A_1469, %swap3A_1470, %swap3A_1471], %swap3A_1474 {strides = array<i32>} : memref<5x640x32xf32, #tpu.memory_space<vmem>>, vector<1x1x16xf32>,
        %add3A_1475 = arith.constant 6 : i32
        %add3A_1476 = arith.addi %mul3A_1216, %add3A_1475 : i32
        %get3A_1477 = arith.constant 1 : i32
        %get3A_1478 = arith.index_cast %get3A_1477 : i32 to index
        %get3A_1479 = arith.index_cast %add3A_1476 : i32 to index
        %get3A_1480 = arith.constant 16 : index
        %get3A_1481 = tpu.vector_load %arg6[%get3A_1478, %get3A_1479, %get3A_1480] {strides = array<i32>} : memref<5x640x32xf32, #tpu.memory_space<vmem>>, vector<1x1x16xf32>,
        %get3A_1482 = vector.shape_cast %get3A_1481 : vector<1x1x16xf32> to vector<16xf32>
        %mul3A_1483 = arith.constant 5.65685415 : f32
        %mul3A_1484 = vector.broadcast %mul3A_1483 : f32 to vector<16xf32>
        %mul3A_1485 = arith.mulf %get3A_1482, %mul3A_1484 : vector<16xf32>
        %add3A_1486 = arith.constant 6 : i32
        %add3A_1487 = arith.addi %mul3A_1216, %add3A_1486 : i32
        %swap3A_1488 = arith.constant 1 : i32
        %swap3A_1489 = arith.index_cast %swap3A_1488 : i32 to index
        %swap3A_1490 = arith.index_cast %add3A_1487 : i32 to index
        %swap3A_1491 = arith.constant 16 : index
        %swap3A_1492 = tpu.vector_load %arg6[%swap3A_1489, %swap3A_1490, %swap3A_1491] {strides = array<i32>} : memref<5x640x32xf32, #tpu.memory_space<vmem>>, vector<1x1x16xf32>,
        %swap3A_1493 = vector.shape_cast %swap3A_1492 : vector<1x1x16xf32> to vector<16xf32>
        %swap3A_1494 = vector.shape_cast %mul3A_1485 : vector<16xf32> to vector<1x1x16xf32>
        tpu.vector_store %arg6[%swap3A_1489, %swap3A_1490, %swap3A_1491], %swap3A_1494 {strides = array<i32>} : memref<5x640x32xf32, #tpu.memory_space<vmem>>, vector<1x1x16xf32>,
        %add3A_1495 = arith.constant 7 : i32
        %add3A_1496 = arith.addi %mul3A_1216, %add3A_1495 : i32
        %get3A_1497 = arith.constant 1 : i32
        %get3A_1498 = arith.index_cast %get3A_1497 : i32 to index
        %get3A_1499 = arith.index_cast %add3A_1496 : i32 to index
        %get3A_1500 = arith.constant 0 : index
        %get3A_1501 = tpu.vector_load %arg6[%get3A_1498, %get3A_1499, %get3A_1500] {strides = array<i32>} : memref<5x640x32xf32, #tpu.memory_space<vmem>>, vector<1x1x16xf32>,
        %get3A_1502 = vector.shape_cast %get3A_1501 : vector<1x1x16xf32> to vector<16xf32>
        %mul3A_1503 = arith.constant 5.65685415 : f32
        %mul3A_1504 = vector.broadcast %mul3A_1503 : f32 to vector<16xf32>
        %mul3A_1505 = arith.mulf %get3A_1502, %mul3A_1504 : vector<16xf32>
        %add3A_1506 = arith.constant 7 : i32
        %add3A_1507 = arith.addi %mul3A_1216, %add3A_1506 : i32
        %swap3A_1508 = arith.constant 1 : i32
        %swap3A_1509 = arith.index_cast %swap3A_1508 : i32 to index
        %swap3A_1510 = arith.index_cast %add3A_1507 : i32 to index
        %swap3A_1511 = arith.constant 0 : index
        %swap3A_1512 = tpu.vector_load %arg6[%swap3A_1509, %swap3A_1510, %swap3A_1511] {strides = array<i32>} : memref<5x640x32xf32, #tpu.memory_space<vmem>>, vector<1x1x16xf32>,
        %swap3A_1513 = vector.shape_cast %swap3A_1512 : vector<1x1x16xf32> to vector<16xf32>
        %swap3A_1514 = vector.shape_cast %mul3A_1505 : vector<16xf32> to vector<1x1x16xf32>
        tpu.vector_store %arg6[%swap3A_1509, %swap3A_1510, %swap3A_1511], %swap3A_1514 {strides = array<i32>} : memref<5x640x32xf32, #tpu.memory_space<vmem>>, vector<1x1x16xf32>,
        %add3A_1515 = arith.constant 7 : i32
        %add3A_1516 = arith.addi %mul3A_1216, %add3A_1515 : i32
        %get3A_1517 = arith.constant 1 : i32
        %get3A_1518 = arith.index_cast %get3A_1517 : i32 to index
        %get3A_1519 = arith.index_cast %add3A_1516 : i32 to index
        %get3A_1520 = arith.constant 16 : index
        %get3A_1521 = tpu.vector_load %arg6[%get3A_1518, %get3A_1519, %get3A_1520] {strides = array<i32>} : memref<5x640x32xf32, #tpu.memory_space<vmem>>, vector<1x1x16xf32>,
        %get3A_1522 = vector.shape_cast %get3A_1521 : vector<1x1x16xf32> to vector<16xf32>
        %mul3A_1523 = arith.constant 5.65685415 : f32
        %mul3A_1524 = vector.broadcast %mul3A_1523 : f32 to vector<16xf32>
        %mul3A_1525 = arith.mulf %get3A_1522, %mul3A_1524 : vector<16xf32>
        %add3A_1526 = arith.constant 7 : i32
        %add3A_1527 = arith.addi %mul3A_1216, %add3A_1526 : i32
        %swap3A_1528 = arith.constant 1 : i32
        %swap3A_1529 = arith.index_cast %swap3A_1528 : i32 to index
        %swap3A_1530 = arith.index_cast %add3A_1527 : i32 to index
        %swap3A_1531 = arith.constant 16 : index
        %swap3A_1532 = tpu.vector_load %arg6[%swap3A_1529, %swap3A_1530, %swap3A_1531] {strides = array<i32>} : memref<5x640x32xf32, #tpu.memory_space<vmem>>, vector<1x1x16xf32>,
        %swap3A_1533 = vector.shape_cast %swap3A_1532 : vector<1x1x16xf32> to vector<16xf32>
        %swap3A_1534 = vector.shape_cast %mul3A_1525 : vector<16xf32> to vector<1x1x16xf32>
        tpu.vector_store %arg6[%swap3A_1529, %swap3A_1530, %swap3A_1531], %swap3A_1534 {strides = array<i32>} : memref<5x640x32xf32, #tpu.memory_space<vmem>>, vector<1x1x16xf32>,
      }
      %scan3A_616 = arith.constant 80 : i32
      %mul3A_617 = arith.constant 16 : i32
      %mul3A_618 = arith.muli %scan3A_377, %mul3A_617 : i32
      %add3A_619 = arith.addi %mul3A_4, %mul3A_618 : i32
      %add3A_620 = arith.constant 3 : i32
      %add3A_621 = arith.addi %add3A_619, %add3A_620 : i32
      %add3A_622 = arith.constant 4 : i32
      %add3A_623 = arith.addi %add3A_619, %add3A_622 : i32
      %add3A_624 = arith.constant 5 : i32
      %add3A_625 = arith.addi %add3A_619, %add3A_624 : i32
      %add3A_626 = arith.constant 6 : i32
      %add3A_627 = arith.addi %add3A_619, %add3A_626 : i32
      %dma_start3A_628 = arith.constant 1 : i32
      %dma_start3A_629 = arith.constant 0 : i32
      %dma_start3A_630 = arith.constant 0 : i32
      %dma_start3A_631 = tpu.memref_slice %arg6[%dma_start3A_628, %dma_start3A_629, %dma_start3A_630] : memref<5x640x32xf32, #tpu.memory_space<vmem>> -> memref<1x160x32xf32, #tpu.memory_space<vmem>>
      %dma_start3A_632 = tpu.memref_squeeze %dma_start3A_631 : memref<1x160x32xf32, #tpu.memory_space<vmem>> -> memref<160x32xf32, #tpu.memory_space<vmem>>
      %dma_start3A_633 = arith.constant 40 : i32
      %dma_start3A_634 = arith.constant 0 : i32
      %dma_start3A_635 = tpu.memref_slice %arg4[%add3A_621, %dma_start3A_633, %dma_start3A_634] : memref<4096x200x32xf32, #tpu.memory_space<hbm>> -> memref<1x160x32xf32, #tpu.memory_space<hbm>>
      %dma_start3A_636 = tpu.memref_squeeze %dma_start3A_635 : memref<1x160x32xf32, #tpu.memory_space<hbm>> -> memref<160x32xf32, #tpu.memory_space<hbm>>
      %dma_start3A_637 = arith.constant 40 : i32
      %dma_start3A_638 = arith.constant 0 : i32
      %dma_start3A_639 = tpu.memref_slice %arg4[%add3A_621, %dma_start3A_637, %dma_start3A_638] : memref<4096x200x32xf32, #tpu.memory_space<hbm>> -> memref<1x160x32xf32, #tpu.memory_space<hbm>>
      %dma_start3A_640 = tpu.memref_squeeze %dma_start3A_639 : memref<1x160x32xf32, #tpu.memory_space<hbm>> -> memref<160x32xf32, #tpu.memory_space<hbm>>
      %dma_start3A_641 = arith.constant 0 : i32
      %dma_start3A_642 = arith.constant 0 : i32
      %dma_start3A_643 = tpu.memref_slice %arg6[%dma_start3A_628, %dma_start3A_641, %dma_start3A_642] : memref<5x640x32xf32, #tpu.memory_space<vmem>> -> memref<1x160x32xf32, #tpu.memory_space<vmem>>
      %dma_start3A_644 = tpu.memref_squeeze %dma_start3A_643 : memref<1x160x32xf32, #tpu.memory_space<vmem>> -> memref<160x32xf32, #tpu.memory_space<vmem>>
      tpu.enqueue_dma source(%dma_start3A_644 : memref<160x32xf32, #tpu.memory_space<vmem>>) target(%dma_start3A_640 : memref<160x32xf32, #tpu.memory_space<hbm>>) target_semaphore(%arg13 : memref<!tpu.dma_semaphore, #tpu.memory_space<semaphore_mem>>)
      %dma_start3A_645 = arith.constant 1 : i32
      %dma_start3A_646 = arith.constant 160 : i32
      %dma_start3A_647 = arith.constant 0 : i32
      %dma_start3A_648 = tpu.memref_slice %arg6[%dma_start3A_645, %dma_start3A_646, %dma_start3A_647] : memref<5x640x32xf32, #tpu.memory_space<vmem>> -> memref<1x200x32xf32, #tpu.memory_space<vmem>>
      %dma_start3A_649 = tpu.memref_squeeze %dma_start3A_648 : memref<1x200x32xf32, #tpu.memory_space<vmem>> -> memref<200x32xf32, #tpu.memory_space<vmem>>
      %dma_start3A_650 = arith.constant 0 : i32
      %dma_start3A_651 = arith.constant 0 : i32
      %dma_start3A_652 = tpu.memref_slice %arg4[%add3A_623, %dma_start3A_650, %dma_start3A_651] : memref<4096x200x32xf32, #tpu.memory_space<hbm>> -> memref<1x200x32xf32, #tpu.memory_space<hbm>>
      %dma_start3A_653 = tpu.memref_squeeze %dma_start3A_652 : memref<1x200x32xf32, #tpu.memory_space<hbm>> -> memref<200x32xf32, #tpu.memory_space<hbm>>
      %dma_start3A_654 = arith.constant 0 : i32
      %dma_start3A_655 = arith.constant 0 : i32
      %dma_start3A_656 = tpu.memref_slice %arg4[%add3A_623, %dma_start3A_654, %dma_start3A_655] : memref<4096x200x32xf32, #tpu.memory_space<hbm>> -> memref<1x200x32xf32, #tpu.memory_space<hbm>>
      %dma_start3A_657 = tpu.memref_squeeze %dma_start3A_656 : memref<1x200x32xf32, #tpu.memory_space<hbm>> -> memref<200x32xf32, #tpu.memory_space<hbm>>
      %dma_start3A_658 = arith.constant 160 : i32
      %dma_start3A_659 = arith.constant 0 : i32
      %dma_start3A_660 = tpu.memref_slice %arg6[%dma_start3A_645, %dma_start3A_658, %dma_start3A_659] : memref<5x640x32xf32, #tpu.memory_space<vmem>> -> memref<1x200x32xf32, #tpu.memory_space<vmem>>
      %dma_start3A_661 = tpu.memref_squeeze %dma_start3A_660 : memref<1x200x32xf32, #tpu.memory_space<vmem>> -> memref<200x32xf32, #tpu.memory_space<vmem>>
      tpu.enqueue_dma source(%dma_start3A_661 : memref<200x32xf32, #tpu.memory_space<vmem>>) target(%dma_start3A_657 : memref<200x32xf32, #tpu.memory_space<hbm>>) target_semaphore(%arg13 : memref<!tpu.dma_semaphore, #tpu.memory_space<semaphore_mem>>)
      %dma_start3A_662 = arith.constant 1 : i32
      %dma_start3A_663 = arith.constant 360 : i32
      %dma_start3A_664 = arith.constant 0 : i32
      %dma_start3A_665 = tpu.memref_slice %arg6[%dma_start3A_662, %dma_start3A_663, %dma_start3A_664] : memref<5x640x32xf32, #tpu.memory_space<vmem>> -> memref<1x200x32xf32, #tpu.memory_space<vmem>>
      %dma_start3A_666 = tpu.memref_squeeze %dma_start3A_665 : memref<1x200x32xf32, #tpu.memory_space<vmem>> -> memref<200x32xf32, #tpu.memory_space<vmem>>
      %dma_start3A_667 = arith.constant 0 : i32
      %dma_start3A_668 = arith.constant 0 : i32
      %dma_start3A_669 = tpu.memref_slice %arg4[%add3A_625, %dma_start3A_667, %dma_start3A_668] : memref<4096x200x32xf32, #tpu.memory_space<hbm>> -> memref<1x200x32xf32, #tpu.memory_space<hbm>>
      %dma_start3A_670 = tpu.memref_squeeze %dma_start3A_669 : memref<1x200x32xf32, #tpu.memory_space<hbm>> -> memref<200x32xf32, #tpu.memory_space<hbm>>
      %dma_start3A_671 = arith.constant 0 : i32
      %dma_start3A_672 = arith.constant 0 : i32
      %dma_start3A_673 = tpu.memref_slice %arg4[%add3A_625, %dma_start3A_671, %dma_start3A_672] : memref<4096x200x32xf32, #tpu.memory_space<hbm>> -> memref<1x200x32xf32, #tpu.memory_space<hbm>>
      %dma_start3A_674 = tpu.memref_squeeze %dma_start3A_673 : memref<1x200x32xf32, #tpu.memory_space<hbm>> -> memref<200x32xf32, #tpu.memory_space<hbm>>
      %dma_start3A_675 = arith.constant 360 : i32
      %dma_start3A_676 = arith.constant 0 : i32
      %dma_start3A_677 = tpu.memref_slice %arg6[%dma_start3A_662, %dma_start3A_675, %dma_start3A_676] : memref<5x640x32xf32, #tpu.memory_space<vmem>> -> memref<1x200x32xf32, #tpu.memory_space<vmem>>
      %dma_start3A_678 = tpu.memref_squeeze %dma_start3A_677 : memref<1x200x32xf32, #tpu.memory_space<vmem>> -> memref<200x32xf32, #tpu.memory_space<vmem>>
      tpu.enqueue_dma source(%dma_start3A_678 : memref<200x32xf32, #tpu.memory_space<vmem>>) target(%dma_start3A_674 : memref<200x32xf32, #tpu.memory_space<hbm>>) target_semaphore(%arg13 : memref<!tpu.dma_semaphore, #tpu.memory_space<semaphore_mem>>)
      %dma_start3A_679 = arith.constant 1 : i32
      %dma_start3A_680 = arith.constant 560 : i32
      %dma_start3A_681 = arith.constant 0 : i32
      %dma_start3A_682 = tpu.memref_slice %arg6[%dma_start3A_679, %dma_start3A_680, %dma_start3A_681] : memref<5x640x32xf32, #tpu.memory_space<vmem>> -> memref<1x80x32xf32, #tpu.memory_space<vmem>>
      %dma_start3A_683 = tpu.memref_squeeze %dma_start3A_682 : memref<1x80x32xf32, #tpu.memory_space<vmem>> -> memref<80x32xf32, #tpu.memory_space<vmem>>
      %dma_start3A_684 = arith.constant 0 : i32
      %dma_start3A_685 = arith.constant 0 : i32
      %dma_start3A_686 = tpu.memref_slice %arg4[%add3A_627, %dma_start3A_684, %dma_start3A_685] : memref<4096x200x32xf32, #tpu.memory_space<hbm>> -> memref<1x80x32xf32, #tpu.memory_space<hbm>>
      %dma_start3A_687 = tpu.memref_squeeze %dma_start3A_686 : memref<1x80x32xf32, #tpu.memory_space<hbm>> -> memref<80x32xf32, #tpu.memory_space<hbm>>
      %dma_start3A_688 = arith.constant 0 : i32
      %dma_start3A_689 = arith.constant 0 : i32
      %dma_start3A_690 = tpu.memref_slice %arg4[%add3A_627, %dma_start3A_688, %dma_start3A_689] : memref<4096x200x32xf32, #tpu.memory_space<hbm>> -> memref<1x80x32xf32, #tpu.memory_space<hbm>>
      %dma_start3A_691 = tpu.memref_squeeze %dma_start3A_690 : memref<1x80x32xf32, #tpu.memory_space<hbm>> -> memref<80x32xf32, #tpu.memory_space<hbm>>
      %dma_start3A_692 = arith.constant 560 : i32
      %dma_start3A_693 = arith.constant 0 : i32
      %dma_start3A_694 = tpu.memref_slice %arg6[%dma_start3A_679, %dma_start3A_692, %dma_start3A_693] : memref<5x640x32xf32, #tpu.memory_space<vmem>> -> memref<1x80x32xf32, #tpu.memory_space<vmem>>
      %dma_start3A_695 = tpu.memref_squeeze %dma_start3A_694 : memref<1x80x32xf32, #tpu.memory_space<vmem>> -> memref<80x32xf32, #tpu.memory_space<vmem>>
      tpu.enqueue_dma source(%dma_start3A_695 : memref<80x32xf32, #tpu.memory_space<vmem>>) target(%dma_start3A_691 : memref<80x32xf32, #tpu.memory_space<hbm>>) target_semaphore(%arg13 : memref<!tpu.dma_semaphore, #tpu.memory_space<semaphore_mem>>)
      %add3A_696 = arith.constant 2 : i32
      %add3A_697 = arith.addi %add3A_545, %add3A_696 : i32
      %add3A_698 = arith.constant -1 : i32
      %add3A_699 = arith.addi %scan3A_377, %add3A_698 : i32
      %ge3A_700 = arith.constant 5 : i32
      %ge3A_701 = arith.cmpi sge, %add3A_697, %ge3A_700 : i32
      %convert_element_type3A_702 = arith.extui %ge3A_701 : i1 to i32
      %cond3A_703 = arith.constant 0 : i32
      %cond3A_704 = arith.cmpi ne, %convert_element_type3A_702, %cond3A_703 : i32
      scf.if %cond3A_704 {
        %mul3A_1214 = arith.constant 16 : i32
        %mul3A_1215 = arith.muli %add3A_699, %mul3A_1214 : i32
        %add3A_1216 = arith.addi %mul3A_4, %mul3A_1215 : i32
        %add3A_1217 = arith.constant 9 : i32
        %add3A_1218 = arith.addi %add3A_1216, %add3A_1217 : i32
        %add3A_1219 = arith.constant 10 : i32
        %add3A_1220 = arith.addi %add3A_1216, %add3A_1219 : i32
        %add3A_1221 = arith.constant 11 : i32
        %add3A_1222 = arith.addi %add3A_1216, %add3A_1221 : i32
        %add3A_1223 = arith.constant 12 : i32
        %add3A_1224 = arith.addi %add3A_1216, %add3A_1223 : i32
        %dma_wait3A_1225 = arith.constant 3 : i32
        %dma_wait3A_1226 = arith.constant 0 : i32
        %dma_wait3A_1227 = arith.constant 0 : i32
        %dma_wait3A_1228 = tpu.memref_slice %arg6[%dma_wait3A_1225, %dma_wait3A_1226, %dma_wait3A_1227] : memref<5x640x32xf32, #tpu.memory_space<vmem>> -> memref<1x80x32xf32, #tpu.memory_space<vmem>>
        %dma_wait3A_1229 = tpu.memref_squeeze %dma_wait3A_1228 : memref<1x80x32xf32, #tpu.memory_space<vmem>> -> memref<80x32xf32, #tpu.memory_space<vmem>>
        %dma_wait3A_1230 = arith.constant 120 : i32
        %dma_wait3A_1231 = arith.constant 0 : i32
        %dma_wait3A_1232 = tpu.memref_slice %arg4[%add3A_1218, %dma_wait3A_1230, %dma_wait3A_1231] : memref<4096x200x32xf32, #tpu.memory_space<hbm>> -> memref<1x80x32xf32, #tpu.memory_space<hbm>>
        %dma_wait3A_1233 = tpu.memref_squeeze %dma_wait3A_1232 : memref<1x80x32xf32, #tpu.memory_space<hbm>> -> memref<80x32xf32, #tpu.memory_space<hbm>>
        %dma_wait3A_1234 = arith.constant 120 : i32
        %dma_wait3A_1235 = arith.constant 0 : i32
        %dma_wait3A_1236 = tpu.memref_slice %arg4[%add3A_1218, %dma_wait3A_1234, %dma_wait3A_1235] : memref<4096x200x32xf32, #tpu.memory_space<hbm>> -> memref<1x80x32xf32, #tpu.memory_space<hbm>>
        %dma_wait3A_1237 = tpu.memref_squeeze %dma_wait3A_1236 : memref<1x80x32xf32, #tpu.memory_space<hbm>> -> memref<80x32xf32, #tpu.memory_space<hbm>>
        %dma_wait3A_1238 = arith.constant 0 : i32
        %dma_wait3A_1239 = arith.constant 0 : i32
        %dma_wait3A_1240 = tpu.memref_slice %arg6[%dma_wait3A_1225, %dma_wait3A_1238, %dma_wait3A_1239] : memref<5x640x32xf32, #tpu.memory_space<vmem>> -> memref<1x80x32xf32, #tpu.memory_space<vmem>>
        %dma_wait3A_1241 = tpu.memref_squeeze %dma_wait3A_1240 : memref<1x80x32xf32, #tpu.memory_space<vmem>> -> memref<80x32xf32, #tpu.memory_space<vmem>>
        tpu.wait_dma2 semaphore(%arg15 : memref<!tpu.dma_semaphore, #tpu.memory_space<semaphore_mem>>) src(%dma_wait3A_1241 : memref<80x32xf32, #tpu.memory_space<vmem>>) dst(%dma_wait3A_1237 : memref<80x32xf32, #tpu.memory_space<hbm>>)
        %dma_wait3A_1242 = arith.constant 3 : i32
        %dma_wait3A_1243 = arith.constant 80 : i32
        %dma_wait3A_1244 = arith.constant 0 : i32
        %dma_wait3A_1245 = tpu.memref_slice %arg6[%dma_wait3A_1242, %dma_wait3A_1243, %dma_wait3A_1244] : memref<5x640x32xf32, #tpu.memory_space<vmem>> -> memref<1x200x32xf32, #tpu.memory_space<vmem>>
        %dma_wait3A_1246 = tpu.memref_squeeze %dma_wait3A_1245 : memref<1x200x32xf32, #tpu.memory_space<vmem>> -> memref<200x32xf32, #tpu.memory_space<vmem>>
        %dma_wait3A_1247 = arith.constant 0 : i32
        %dma_wait3A_1248 = arith.constant 0 : i32
        %dma_wait3A_1249 = tpu.memref_slice %arg4[%add3A_1220, %dma_wait3A_1247, %dma_wait3A_1248] : memref<4096x200x32xf32, #tpu.memory_space<hbm>> -> memref<1x200x32xf32, #tpu.memory_space<hbm>>
        %dma_wait3A_1250 = tpu.memref_squeeze %dma_wait3A_1249 : memref<1x200x32xf32, #tpu.memory_space<hbm>> -> memref<200x32xf32, #tpu.memory_space<hbm>>
        %dma_wait3A_1251 = arith.constant 0 : i32
        %dma_wait3A_1252 = arith.constant 0 : i32
        %dma_wait3A_1253 = tpu.memref_slice %arg4[%add3A_1220, %dma_wait3A_1251, %dma_wait3A_1252] : memref<4096x200x32xf32, #tpu.memory_space<hbm>> -> memref<1x200x32xf32, #tpu.memory_space<hbm>>
        %dma_wait3A_1254 = tpu.memref_squeeze %dma_wait3A_1253 : memref<1x200x32xf32, #tpu.memory_space<hbm>> -> memref<200x32xf32, #tpu.memory_space<hbm>>
        %dma_wait3A_1255 = arith.constant 80 : i32
        %dma_wait3A_1256 = arith.constant 0 : i32
        %dma_wait3A_1257 = tpu.memref_slice %arg6[%dma_wait3A_1242, %dma_wait3A_1255, %dma_wait3A_1256] : memref<5x640x32xf32, #tpu.memory_space<vmem>> -> memref<1x200x32xf32, #tpu.memory_space<vmem>>
        %dma_wait3A_1258 = tpu.memref_squeeze %dma_wait3A_1257 : memref<1x200x32xf32, #tpu.memory_space<vmem>> -> memref<200x32xf32, #tpu.memory_space<vmem>>
        tpu.wait_dma2 semaphore(%arg15 : memref<!tpu.dma_semaphore, #tpu.memory_space<semaphore_mem>>) src(%dma_wait3A_1258 : memref<200x32xf32, #tpu.memory_space<vmem>>) dst(%dma_wait3A_1254 : memref<200x32xf32, #tpu.memory_space<hbm>>)
        %dma_wait3A_1259 = arith.constant 3 : i32
        %dma_wait3A_1260 = arith.constant 280 : i32
        %dma_wait3A_1261 = arith.constant 0 : i32
        %dma_wait3A_1262 = tpu.memref_slice %arg6[%dma_wait3A_1259, %dma_wait3A_1260, %dma_wait3A_1261] : memref<5x640x32xf32, #tpu.memory_space<vmem>> -> memref<1x200x32xf32, #tpu.memory_space<vmem>>
        %dma_wait3A_1263 = tpu.memref_squeeze %dma_wait3A_1262 : memref<1x200x32xf32, #tpu.memory_space<vmem>> -> memref<200x32xf32, #tpu.memory_space<vmem>>
        %dma_wait3A_1264 = arith.constant 0 : i32
        %dma_wait3A_1265 = arith.constant 0 : i32
        %dma_wait3A_1266 = tpu.memref_slice %arg4[%add3A_1222, %dma_wait3A_1264, %dma_wait3A_1265] : memref<4096x200x32xf32, #tpu.memory_space<hbm>> -> memref<1x200x32xf32, #tpu.memory_space<hbm>>
        %dma_wait3A_1267 = tpu.memref_squeeze %dma_wait3A_1266 : memref<1x200x32xf32, #tpu.memory_space<hbm>> -> memref<200x32xf32, #tpu.memory_space<hbm>>
        %dma_wait3A_1268 = arith.constant 0 : i32
        %dma_wait3A_1269 = arith.constant 0 : i32
        %dma_wait3A_1270 = tpu.memref_slice %arg4[%add3A_1222, %dma_wait3A_1268, %dma_wait3A_1269] : memref<4096x200x32xf32, #tpu.memory_space<hbm>> -> memref<1x200x32xf32, #tpu.memory_space<hbm>>
        %dma_wait3A_1271 = tpu.memref_squeeze %dma_wait3A_1270 : memref<1x200x32xf32, #tpu.memory_space<hbm>> -> memref<200x32xf32, #tpu.memory_space<hbm>>
        %dma_wait3A_1272 = arith.constant 280 : i32
        %dma_wait3A_1273 = arith.constant 0 : i32
        %dma_wait3A_1274 = tpu.memref_slice %arg6[%dma_wait3A_1259, %dma_wait3A_1272, %dma_wait3A_1273] : memref<5x640x32xf32, #tpu.memory_space<vmem>> -> memref<1x200x32xf32, #tpu.memory_space<vmem>>
        %dma_wait3A_1275 = tpu.memref_squeeze %dma_wait3A_1274 : memref<1x200x32xf32, #tpu.memory_space<vmem>> -> memref<200x32xf32, #tpu.memory_space<vmem>>
        tpu.wait_dma2 semaphore(%arg15 : memref<!tpu.dma_semaphore, #tpu.memory_space<semaphore_mem>>) src(%dma_wait3A_1275 : memref<200x32xf32, #tpu.memory_space<vmem>>) dst(%dma_wait3A_1271 : memref<200x32xf32, #tpu.memory_space<hbm>>)
        %dma_wait3A_1276 = arith.constant 3 : i32
        %dma_wait3A_1277 = arith.constant 480 : i32
        %dma_wait3A_1278 = arith.constant 0 : i32
        %dma_wait3A_1279 = tpu.memref_slice %arg6[%dma_wait3A_1276, %dma_wait3A_1277, %dma_wait3A_1278] : memref<5x640x32xf32, #tpu.memory_space<vmem>> -> memref<1x160x32xf32, #tpu.memory_space<vmem>>
        %dma_wait3A_1280 = tpu.memref_squeeze %dma_wait3A_1279 : memref<1x160x32xf32, #tpu.memory_space<vmem>> -> memref<160x32xf32, #tpu.memory_space<vmem>>
        %dma_wait3A_1281 = arith.constant 0 : i32
        %dma_wait3A_1282 = arith.constant 0 : i32
        %dma_wait3A_1283 = tpu.memref_slice %arg4[%add3A_1224, %dma_wait3A_1281, %dma_wait3A_1282] : memref<4096x200x32xf32, #tpu.memory_space<hbm>> -> memref<1x160x32xf32, #tpu.memory_space<hbm>>
        %dma_wait3A_1284 = tpu.memref_squeeze %dma_wait3A_1283 : memref<1x160x32xf32, #tpu.memory_space<hbm>> -> memref<160x32xf32, #tpu.memory_space<hbm>>
        %dma_wait3A_1285 = arith.constant 0 : i32
        %dma_wait3A_1286 = arith.constant 0 : i32
        %dma_wait3A_1287 = tpu.memref_slice %arg4[%add3A_1224, %dma_wait3A_1285, %dma_wait3A_1286] : memref<4096x200x32xf32, #tpu.memory_space<hbm>> -> memref<1x160x32xf32, #tpu.memory_space<hbm>>
        %dma_wait3A_1288 = tpu.memref_squeeze %dma_wait3A_1287 : memref<1x160x32xf32, #tpu.memory_space<hbm>> -> memref<160x32xf32, #tpu.memory_space<hbm>>
        %dma_wait3A_1289 = arith.constant 480 : i32
        %dma_wait3A_1290 = arith.constant 0 : i32
        %dma_wait3A_1291 = tpu.memref_slice %arg6[%dma_wait3A_1276, %dma_wait3A_1289, %dma_wait3A_1290] : memref<5x640x32xf32, #tpu.memory_space<vmem>> -> memref<1x160x32xf32, #tpu.memory_space<vmem>>
        %dma_wait3A_1292 = tpu.memref_squeeze %dma_wait3A_1291 : memref<1x160x32xf32, #tpu.memory_space<vmem>> -> memref<160x32xf32, #tpu.memory_space<vmem>>
        tpu.wait_dma2 semaphore(%arg15 : memref<!tpu.dma_semaphore, #tpu.memory_space<semaphore_mem>>) src(%dma_wait3A_1292 : memref<160x32xf32, #tpu.memory_space<vmem>>) dst(%dma_wait3A_1288 : memref<160x32xf32, #tpu.memory_space<hbm>>)
      } else {
      }
      %lt3A_705 = arith.constant 40 : i32
      %lt3A_706 = arith.cmpi slt, %add3A_697, %lt3A_705 : i32
      %convert_element_type3A_707 = arith.extui %lt3A_706 : i1 to i32
      %cond3A_708 = arith.constant 0 : i32
      %cond3A_709 = arith.cmpi ne, %convert_element_type3A_707, %cond3A_708 : i32
      scf.if %cond3A_709 {
        %mul3A_1214 = arith.constant 5 : i32
        %mul3A_1215 = arith.muli %add3A_697, %mul3A_1214 : i32
        %add3A_1216 = arith.addi %mul3A_2, %mul3A_1215 : i32
        %run_scoped3A_1217 = arith.constant 3 : i32
        "tpu.region"() ({
          %run_scoped3A_1283 = tpu.sem_alloc : memref<!tpu.dma_semaphore, #tpu.memory_space<semaphore_mem>>
          %dma_start3A_1284 = arith.constant 0 : i32
          %dma_start3A_1285 = arith.constant 0 : i32
          %dma_start3A_1286 = tpu.memref_slice %arg5[%run_scoped3A_1217, %dma_start3A_1284, %dma_start3A_1285] : memref<5x5x128xi32, #tpu.memory_space<vmem>> -> memref<1x5x128xi32, #tpu.memory_space<vmem>>
          %dma_start3A_1287 = tpu.memref_squeeze %dma_start3A_1286 : memref<1x5x128xi32, #tpu.memory_space<vmem>> -> memref<5x128xi32, #tpu.memory_space<vmem>>
          %dma_start3A_1288 = arith.constant 0 : i32
          %dma_start3A_1289 = tpu.memref_slice %arg3[%add3A_1216, %dma_start3A_1288] : memref<6400x128xi32, #tpu.memory_space<hbm>> -> memref<5x128xi32, #tpu.memory_space<hbm>>
          %dma_start3A_1290 = arith.constant 0 : i32
          %dma_start3A_1291 = arith.constant 0 : i32
          %dma_start3A_1292 = tpu.memref_slice %arg5[%run_scoped3A_1217, %dma_start3A_1290, %dma_start3A_1291] : memref<5x5x128xi32, #tpu.memory_space<vmem>> -> memref<1x5x128xi32, #tpu.memory_space<vmem>>
          %dma_start3A_1293 = tpu.memref_squeeze %dma_start3A_1292 : memref<1x5x128xi32, #tpu.memory_space<vmem>> -> memref<5x128xi32, #tpu.memory_space<vmem>>
          %dma_start3A_1294 = arith.constant 0 : i32
          %dma_start3A_1295 = tpu.memref_slice %arg3[%add3A_1216, %dma_start3A_1294] : memref<6400x128xi32, #tpu.memory_space<hbm>> -> memref<5x128xi32, #tpu.memory_space<hbm>>
          tpu.enqueue_dma source(%dma_start3A_1295 : memref<5x128xi32, #tpu.memory_space<hbm>>) target(%dma_start3A_1293 : memref<5x128xi32, #tpu.memory_space<vmem>>) target_semaphore(%run_scoped3A_1283 : memref<!tpu.dma_semaphore, #tpu.memory_space<semaphore_mem>>)
          %dma_wait3A_1296 = arith.constant 0 : i32
          %dma_wait3A_1297 = arith.constant 0 : i32
          %dma_wait3A_1298 = tpu.memref_slice %arg5[%run_scoped3A_1217, %dma_wait3A_1296, %dma_wait3A_1297] : memref<5x5x128xi32, #tpu.memory_space<vmem>> -> memref<1x5x128xi32, #tpu.memory_space<vmem>>
          %dma_wait3A_1299 = tpu.memref_squeeze %dma_wait3A_1298 : memref<1x5x128xi32, #tpu.memory_space<vmem>> -> memref<5x128xi32, #tpu.memory_space<vmem>>
          %dma_wait3A_1300 = arith.constant 0 : i32
          %dma_wait3A_1301 = tpu.memref_slice %arg3[%add3A_1216, %dma_wait3A_1300] : memref<6400x128xi32, #tpu.memory_space<hbm>> -> memref<5x128xi32, #tpu.memory_space<hbm>>
          %dma_wait3A_1302 = arith.constant 0 : i32
          %dma_wait3A_1303 = arith.constant 0 : i32
          %dma_wait3A_1304 = tpu.memref_slice %arg5[%run_scoped3A_1217, %dma_wait3A_1302, %dma_wait3A_1303] : memref<5x5x128xi32, #tpu.memory_space<vmem>> -> memref<1x5x128xi32, #tpu.memory_space<vmem>>
          %dma_wait3A_1305 = tpu.memref_squeeze %dma_wait3A_1304 : memref<1x5x128xi32, #tpu.memory_space<vmem>> -> memref<5x128xi32, #tpu.memory_space<vmem>>
          %dma_wait3A_1306 = arith.constant 0 : i32
          %dma_wait3A_1307 = tpu.memref_slice %arg3[%add3A_1216, %dma_wait3A_1306] : memref<6400x128xi32, #tpu.memory_space<hbm>> -> memref<5x128xi32, #tpu.memory_space<hbm>>
          tpu.wait_dma2 semaphore(%run_scoped3A_1283 : memref<!tpu.dma_semaphore, #tpu.memory_space<semaphore_mem>>) src(%dma_wait3A_1307 : memref<5x128xi32, #tpu.memory_space<hbm>>) dst(%dma_wait3A_1305 : memref<5x128xi32, #tpu.memory_space<vmem>>)
          tpu.yield
        }) : () -> ()
        %dma_start3A_1218 = arith.constant 3 : i32
        %dma_start3A_1219 = arith.constant 0 : i32
        %dma_start3A_1220 = arith.constant 3 : i32
        %dma_start3A_1221 = arith.constant 0 : i32
        %dma_start3A_1222 = arith.constant 0 : i32
        %dma_start3A_1223 = tpu.memref_slice %arg6[%dma_start3A_1220, %dma_start3A_1221, %dma_start3A_1222] : memref<5x640x32xf32, #tpu.memory_space<vmem>> -> memref<1x128x32xf32, #tpu.memory_space<vmem>>
        %dma_start3A_1224 = tpu.memref_squeeze %dma_start3A_1223 : memref<1x128x32xf32, #tpu.memory_space<vmem>> -> memref<128x32xf32, #tpu.memory_space<vmem>>
        %dma_start3A_1225 = arith.constant 0 : i32
        %dma_start3A_1226 = tpu.memref_slice %arg5[%dma_start3A_1218, %dma_start3A_1219, %dma_start3A_1225] : memref<5x5x128xi32, #tpu.memory_space<vmem>> -> memref<1x1x128xi32, #tpu.memory_space<vmem>>
        %dma_start3A_1227 = tpu.memref_squeeze %dma_start3A_1226 : memref<1x1x128xi32, #tpu.memory_space<vmem>> -> memref<128xi32, #tpu.memory_space<vmem>>
        %dma_start3A_1228 = arith.constant 0 : i32
        %dma_start3A_1229 = arith.constant 0 : i32
        %dma_start3A_1230 = tpu.memref_slice %arg2[%dma_start3A_1228, %dma_start3A_1229] : memref<1000000x32xf32, #tpu.memory_space<hbm>> -> memref<1000000x32xf32, #tpu.memory_space<hbm>>
        tpu.enqueue_indirect_dma source(%dma_start3A_1230 : memref<1000000x32xf32, #tpu.memory_space<hbm>>) target(%dma_start3A_1224 : memref<128x32xf32, #tpu.memory_space<vmem>>) offsets(%dma_start3A_1227 : memref<128xi32, #tpu.memory_space<vmem>>) semaphore(%arg10 : memref<!tpu.dma_semaphore, #tpu.memory_space<semaphore_mem>>)
        %dma_start3A_1231 = arith.constant 3 : i32
        %dma_start3A_1232 = arith.constant 1 : i32
        %dma_start3A_1233 = arith.constant 3 : i32
        %dma_start3A_1234 = arith.constant 128 : i32
        %dma_start3A_1235 = arith.constant 0 : i32
        %dma_start3A_1236 = tpu.memref_slice %arg6[%dma_start3A_1233, %dma_start3A_1234, %dma_start3A_1235] : memref<5x640x32xf32, #tpu.memory_space<vmem>> -> memref<1x128x32xf32, #tpu.memory_space<vmem>>
        %dma_start3A_1237 = tpu.memref_squeeze %dma_start3A_1236 : memref<1x128x32xf32, #tpu.memory_space<vmem>> -> memref<128x32xf32, #tpu.memory_space<vmem>>
        %dma_start3A_1238 = arith.constant 0 : i32
        %dma_start3A_1239 = tpu.memref_slice %arg5[%dma_start3A_1231, %dma_start3A_1232, %dma_start3A_1238] : memref<5x5x128xi32, #tpu.memory_space<vmem>> -> memref<1x1x128xi32, #tpu.memory_space<vmem>>
        %dma_start3A_1240 = tpu.memref_squeeze %dma_start3A_1239 : memref<1x1x128xi32, #tpu.memory_space<vmem>> -> memref<128xi32, #tpu.memory_space<vmem>>
        %dma_start3A_1241 = arith.constant 0 : i32
        %dma_start3A_1242 = arith.constant 0 : i32
        %dma_start3A_1243 = tpu.memref_slice %arg2[%dma_start3A_1241, %dma_start3A_1242] : memref<1000000x32xf32, #tpu.memory_space<hbm>> -> memref<1000000x32xf32, #tpu.memory_space<hbm>>
        tpu.enqueue_indirect_dma source(%dma_start3A_1243 : memref<1000000x32xf32, #tpu.memory_space<hbm>>) target(%dma_start3A_1237 : memref<128x32xf32, #tpu.memory_space<vmem>>) offsets(%dma_start3A_1240 : memref<128xi32, #tpu.memory_space<vmem>>) semaphore(%arg10 : memref<!tpu.dma_semaphore, #tpu.memory_space<semaphore_mem>>)
        %dma_start3A_1244 = arith.constant 3 : i32
        %dma_start3A_1245 = arith.constant 2 : i32
        %dma_start3A_1246 = arith.constant 3 : i32
        %dma_start3A_1247 = arith.constant 256 : i32
        %dma_start3A_1248 = arith.constant 0 : i32
        %dma_start3A_1249 = tpu.memref_slice %arg6[%dma_start3A_1246, %dma_start3A_1247, %dma_start3A_1248] : memref<5x640x32xf32, #tpu.memory_space<vmem>> -> memref<1x128x32xf32, #tpu.memory_space<vmem>>
        %dma_start3A_1250 = tpu.memref_squeeze %dma_start3A_1249 : memref<1x128x32xf32, #tpu.memory_space<vmem>> -> memref<128x32xf32, #tpu.memory_space<vmem>>
        %dma_start3A_1251 = arith.constant 0 : i32
        %dma_start3A_1252 = tpu.memref_slice %arg5[%dma_start3A_1244, %dma_start3A_1245, %dma_start3A_1251] : memref<5x5x128xi32, #tpu.memory_space<vmem>> -> memref<1x1x128xi32, #tpu.memory_space<vmem>>
        %dma_start3A_1253 = tpu.memref_squeeze %dma_start3A_1252 : memref<1x1x128xi32, #tpu.memory_space<vmem>> -> memref<128xi32, #tpu.memory_space<vmem>>
        %dma_start3A_1254 = arith.constant 0 : i32
        %dma_start3A_1255 = arith.constant 0 : i32
        %dma_start3A_1256 = tpu.memref_slice %arg2[%dma_start3A_1254, %dma_start3A_1255] : memref<1000000x32xf32, #tpu.memory_space<hbm>> -> memref<1000000x32xf32, #tpu.memory_space<hbm>>
        tpu.enqueue_indirect_dma source(%dma_start3A_1256 : memref<1000000x32xf32, #tpu.memory_space<hbm>>) target(%dma_start3A_1250 : memref<128x32xf32, #tpu.memory_space<vmem>>) offsets(%dma_start3A_1253 : memref<128xi32, #tpu.memory_space<vmem>>) semaphore(%arg10 : memref<!tpu.dma_semaphore, #tpu.memory_space<semaphore_mem>>)
        %dma_start3A_1257 = arith.constant 3 : i32
        %dma_start3A_1258 = arith.constant 3 : i32
        %dma_start3A_1259 = arith.constant 3 : i32
        %dma_start3A_1260 = arith.constant 384 : i32
        %dma_start3A_1261 = arith.constant 0 : i32
        %dma_start3A_1262 = tpu.memref_slice %arg6[%dma_start3A_1259, %dma_start3A_1260, %dma_start3A_1261] : memref<5x640x32xf32, #tpu.memory_space<vmem>> -> memref<1x128x32xf32, #tpu.memory_space<vmem>>
        %dma_start3A_1263 = tpu.memref_squeeze %dma_start3A_1262 : memref<1x128x32xf32, #tpu.memory_space<vmem>> -> memref<128x32xf32, #tpu.memory_space<vmem>>
        %dma_start3A_1264 = arith.constant 0 : i32
        %dma_start3A_1265 = tpu.memref_slice %arg5[%dma_start3A_1257, %dma_start3A_1258, %dma_start3A_1264] : memref<5x5x128xi32, #tpu.memory_space<vmem>> -> memref<1x1x128xi32, #tpu.memory_space<vmem>>
        %dma_start3A_1266 = tpu.memref_squeeze %dma_start3A_1265 : memref<1x1x128xi32, #tpu.memory_space<vmem>> -> memref<128xi32, #tpu.memory_space<vmem>>
        %dma_start3A_1267 = arith.constant 0 : i32
        %dma_start3A_1268 = arith.constant 0 : i32
        %dma_start3A_1269 = tpu.memref_slice %arg2[%dma_start3A_1267, %dma_start3A_1268] : memref<1000000x32xf32, #tpu.memory_space<hbm>> -> memref<1000000x32xf32, #tpu.memory_space<hbm>>
        tpu.enqueue_indirect_dma source(%dma_start3A_1269 : memref<1000000x32xf32, #tpu.memory_space<hbm>>) target(%dma_start3A_1263 : memref<128x32xf32, #tpu.memory_space<vmem>>) offsets(%dma_start3A_1266 : memref<128xi32, #tpu.memory_space<vmem>>) semaphore(%arg10 : memref<!tpu.dma_semaphore, #tpu.memory_space<semaphore_mem>>)
        %dma_start3A_1270 = arith.constant 3 : i32
        %dma_start3A_1271 = arith.constant 4 : i32
        %dma_start3A_1272 = arith.constant 3 : i32
        %dma_start3A_1273 = arith.constant 512 : i32
        %dma_start3A_1274 = arith.constant 0 : i32
        %dma_start3A_1275 = tpu.memref_slice %arg6[%dma_start3A_1272, %dma_start3A_1273, %dma_start3A_1274] : memref<5x640x32xf32, #tpu.memory_space<vmem>> -> memref<1x128x32xf32, #tpu.memory_space<vmem>>
        %dma_start3A_1276 = tpu.memref_squeeze %dma_start3A_1275 : memref<1x128x32xf32, #tpu.memory_space<vmem>> -> memref<128x32xf32, #tpu.memory_space<vmem>>
        %dma_start3A_1277 = arith.constant 0 : i32
        %dma_start3A_1278 = tpu.memref_slice %arg5[%dma_start3A_1270, %dma_start3A_1271, %dma_start3A_1277] : memref<5x5x128xi32, #tpu.memory_space<vmem>> -> memref<1x1x128xi32, #tpu.memory_space<vmem>>
        %dma_start3A_1279 = tpu.memref_squeeze %dma_start3A_1278 : memref<1x1x128xi32, #tpu.memory_space<vmem>> -> memref<128xi32, #tpu.memory_space<vmem>>
        %dma_start3A_1280 = arith.constant 0 : i32
        %dma_start3A_1281 = arith.constant 0 : i32
        %dma_start3A_1282 = tpu.memref_slice %arg2[%dma_start3A_1280, %dma_start3A_1281] : memref<1000000x32xf32, #tpu.memory_space<hbm>> -> memref<1000000x32xf32, #tpu.memory_space<hbm>>
        tpu.enqueue_indirect_dma source(%dma_start3A_1282 : memref<1000000x32xf32, #tpu.memory_space<hbm>>) target(%dma_start3A_1276 : memref<128x32xf32, #tpu.memory_space<vmem>>) offsets(%dma_start3A_1279 : memref<128xi32, #tpu.memory_space<vmem>>) semaphore(%arg10 : memref<!tpu.dma_semaphore, #tpu.memory_space<semaphore_mem>>)
      } else {
      }
      %mul3A_710 = arith.constant 5 : i32
      %mul3A_711 = arith.muli %scan3A_377, %mul3A_710 : i32
      %add3A_712 = arith.constant 2 : i32
      %add3A_713 = arith.addi %mul3A_711, %add3A_712 : i32
      %dma_wait3A_714 = arith.constant 2 : i32
      %dma_wait3A_715 = arith.constant 0 : i32
      %dma_wait3A_716 = arith.constant 2 : i32
      %dma_wait3A_717 = arith.constant 0 : i32
      %dma_wait3A_718 = arith.constant 0 : i32
      %dma_wait3A_719 = tpu.memref_slice %arg6[%dma_wait3A_716, %dma_wait3A_717, %dma_wait3A_718] : memref<5x640x32xf32, #tpu.memory_space<vmem>> -> memref<1x128x32xf32, #tpu.memory_space<vmem>>
      %dma_wait3A_720 = tpu.memref_squeeze %dma_wait3A_719 : memref<1x128x32xf32, #tpu.memory_space<vmem>> -> memref<128x32xf32, #tpu.memory_space<vmem>>
      %dma_wait3A_721 = arith.constant 0 : i32
      %dma_wait3A_722 = tpu.memref_slice %arg5[%dma_wait3A_714, %dma_wait3A_715, %dma_wait3A_721] : memref<5x5x128xi32, #tpu.memory_space<vmem>> -> memref<1x1x128xi32, #tpu.memory_space<vmem>>
      %dma_wait3A_723 = tpu.memref_squeeze %dma_wait3A_722 : memref<1x1x128xi32, #tpu.memory_space<vmem>> -> memref<128xi32, #tpu.memory_space<vmem>>
      %dma_wait3A_724 = arith.constant 0 : i32
      %dma_wait3A_725 = arith.constant 0 : i32
      %dma_wait3A_726 = tpu.memref_slice %arg2[%dma_wait3A_724, %dma_wait3A_725] : memref<1000000x32xf32, #tpu.memory_space<hbm>> -> memref<1000000x32xf32, #tpu.memory_space<hbm>>
      tpu.wait_indirect_dma semaphore(%arg9 : memref<!tpu.dma_semaphore, #tpu.memory_space<semaphore_mem>>) src(%dma_wait3A_726 : memref<1000000x32xf32, #tpu.memory_space<hbm>>) dst(%dma_wait3A_720 : memref<128x32xf32, #tpu.memory_space<vmem>>)
      %dma_wait3A_727 = arith.constant 2 : i32
      %dma_wait3A_728 = arith.constant 1 : i32
      %dma_wait3A_729 = arith.constant 2 : i32
      %dma_wait3A_730 = arith.constant 128 : i32
      %dma_wait3A_731 = arith.constant 0 : i32
      %dma_wait3A_732 = tpu.memref_slice %arg6[%dma_wait3A_729, %dma_wait3A_730, %dma_wait3A_731] : memref<5x640x32xf32, #tpu.memory_space<vmem>> -> memref<1x128x32xf32, #tpu.memory_space<vmem>>
      %dma_wait3A_733 = tpu.memref_squeeze %dma_wait3A_732 : memref<1x128x32xf32, #tpu.memory_space<vmem>> -> memref<128x32xf32, #tpu.memory_space<vmem>>
      %dma_wait3A_734 = arith.constant 0 : i32
      %dma_wait3A_735 = tpu.memref_slice %arg5[%dma_wait3A_727, %dma_wait3A_728, %dma_wait3A_734] : memref<5x5x128xi32, #tpu.memory_space<vmem>> -> memref<1x1x128xi32, #tpu.memory_space<vmem>>
      %dma_wait3A_736 = tpu.memref_squeeze %dma_wait3A_735 : memref<1x1x128xi32, #tpu.memory_space<vmem>> -> memref<128xi32, #tpu.memory_space<vmem>>
      %dma_wait3A_737 = arith.constant 0 : i32
      %dma_wait3A_738 = arith.constant 0 : i32
      %dma_wait3A_739 = tpu.memref_slice %arg2[%dma_wait3A_737, %dma_wait3A_738] : memref<1000000x32xf32, #tpu.memory_space<hbm>> -> memref<1000000x32xf32, #tpu.memory_space<hbm>>
      tpu.wait_indirect_dma semaphore(%arg9 : memref<!tpu.dma_semaphore, #tpu.memory_space<semaphore_mem>>) src(%dma_wait3A_739 : memref<1000000x32xf32, #tpu.memory_space<hbm>>) dst(%dma_wait3A_733 : memref<128x32xf32, #tpu.memory_space<vmem>>)
      %dma_wait3A_740 = arith.constant 2 : i32
      %dma_wait3A_741 = arith.constant 2 : i32
      %dma_wait3A_742 = arith.constant 2 : i32
      %dma_wait3A_743 = arith.constant 256 : i32
      %dma_wait3A_744 = arith.constant 0 : i32
      %dma_wait3A_745 = tpu.memref_slice %arg6[%dma_wait3A_742, %dma_wait3A_743, %dma_wait3A_744] : memref<5x640x32xf32, #tpu.memory_space<vmem>> -> memref<1x128x32xf32, #tpu.memory_space<vmem>>
      %dma_wait3A_746 = tpu.memref_squeeze %dma_wait3A_745 : memref<1x128x32xf32, #tpu.memory_space<vmem>> -> memref<128x32xf32, #tpu.memory_space<vmem>>
      %dma_wait3A_747 = arith.constant 0 : i32
      %dma_wait3A_748 = tpu.memref_slice %arg5[%dma_wait3A_740, %dma_wait3A_741, %dma_wait3A_747] : memref<5x5x128xi32, #tpu.memory_space<vmem>> -> memref<1x1x128xi32, #tpu.memory_space<vmem>>
      %dma_wait3A_749 = tpu.memref_squeeze %dma_wait3A_748 : memref<1x1x128xi32, #tpu.memory_space<vmem>> -> memref<128xi32, #tpu.memory_space<vmem>>
      %dma_wait3A_750 = arith.constant 0 : i32
      %dma_wait3A_751 = arith.constant 0 : i32
      %dma_wait3A_752 = tpu.memref_slice %arg2[%dma_wait3A_750, %dma_wait3A_751] : memref<1000000x32xf32, #tpu.memory_space<hbm>> -> memref<1000000x32xf32, #tpu.memory_space<hbm>>
      tpu.wait_indirect_dma semaphore(%arg9 : memref<!tpu.dma_semaphore, #tpu.memory_space<semaphore_mem>>) src(%dma_wait3A_752 : memref<1000000x32xf32, #tpu.memory_space<hbm>>) dst(%dma_wait3A_746 : memref<128x32xf32, #tpu.memory_space<vmem>>)
      %dma_wait3A_753 = arith.constant 2 : i32
      %dma_wait3A_754 = arith.constant 3 : i32
      %dma_wait3A_755 = arith.constant 2 : i32
      %dma_wait3A_756 = arith.constant 384 : i32
      %dma_wait3A_757 = arith.constant 0 : i32
      %dma_wait3A_758 = tpu.memref_slice %arg6[%dma_wait3A_755, %dma_wait3A_756, %dma_wait3A_757] : memref<5x640x32xf32, #tpu.memory_space<vmem>> -> memref<1x128x32xf32, #tpu.memory_space<vmem>>
      %dma_wait3A_759 = tpu.memref_squeeze %dma_wait3A_758 : memref<1x128x32xf32, #tpu.memory_space<vmem>> -> memref<128x32xf32, #tpu.memory_space<vmem>>
      %dma_wait3A_760 = arith.constant 0 : i32
      %dma_wait3A_761 = tpu.memref_slice %arg5[%dma_wait3A_753, %dma_wait3A_754, %dma_wait3A_760] : memref<5x5x128xi32, #tpu.memory_space<vmem>> -> memref<1x1x128xi32, #tpu.memory_space<vmem>>
      %dma_wait3A_762 = tpu.memref_squeeze %dma_wait3A_761 : memref<1x1x128xi32, #tpu.memory_space<vmem>> -> memref<128xi32, #tpu.memory_space<vmem>>
      %dma_wait3A_763 = arith.constant 0 : i32
      %dma_wait3A_764 = arith.constant 0 : i32
      %dma_wait3A_765 = tpu.memref_slice %arg2[%dma_wait3A_763, %dma_wait3A_764] : memref<1000000x32xf32, #tpu.memory_space<hbm>> -> memref<1000000x32xf32, #tpu.memory_space<hbm>>
      tpu.wait_indirect_dma semaphore(%arg9 : memref<!tpu.dma_semaphore, #tpu.memory_space<semaphore_mem>>) src(%dma_wait3A_765 : memref<1000000x32xf32, #tpu.memory_space<hbm>>) dst(%dma_wait3A_759 : memref<128x32xf32, #tpu.memory_space<vmem>>)
      %dma_wait3A_766 = arith.constant 2 : i32
      %dma_wait3A_767 = arith.constant 4 : i32
      %dma_wait3A_768 = arith.constant 2 : i32
      %dma_wait3A_769 = arith.constant 512 : i32
      %dma_wait3A_770 = arith.constant 0 : i32
      %dma_wait3A_771 = tpu.memref_slice %arg6[%dma_wait3A_768, %dma_wait3A_769, %dma_wait3A_770] : memref<5x640x32xf32, #tpu.memory_space<vmem>> -> memref<1x128x32xf32, #tpu.memory_space<vmem>>
      %dma_wait3A_772 = tpu.memref_squeeze %dma_wait3A_771 : memref<1x128x32xf32, #tpu.memory_space<vmem>> -> memref<128x32xf32, #tpu.memory_space<vmem>>
      %dma_wait3A_773 = arith.constant 0 : i32
      %dma_wait3A_774 = tpu.memref_slice %arg5[%dma_wait3A_766, %dma_wait3A_767, %dma_wait3A_773] : memref<5x5x128xi32, #tpu.memory_space<vmem>> -> memref<1x1x128xi32, #tpu.memory_space<vmem>>
      %dma_wait3A_775 = tpu.memref_squeeze %dma_wait3A_774 : memref<1x1x128xi32, #tpu.memory_space<vmem>> -> memref<128xi32, #tpu.memory_space<vmem>>
      %dma_wait3A_776 = arith.constant 0 : i32
      %dma_wait3A_777 = arith.constant 0 : i32
      %dma_wait3A_778 = tpu.memref_slice %arg2[%dma_wait3A_776, %dma_wait3A_777] : memref<1000000x32xf32, #tpu.memory_space<hbm>> -> memref<1000000x32xf32, #tpu.memory_space<hbm>>
      tpu.wait_indirect_dma semaphore(%arg9 : memref<!tpu.dma_semaphore, #tpu.memory_space<semaphore_mem>>) src(%dma_wait3A_778 : memref<1000000x32xf32, #tpu.memory_space<hbm>>) dst(%dma_wait3A_772 : memref<128x32xf32, #tpu.memory_space<vmem>>)
      %scan3A_779 = arith.constant 0 : i32
      %scan3A_780 = arith.constant 0 : i32
      %scan3A_781 = arith.constant 80 : i32
      %scan3A_782 = arith.addi %scan3A_780, %scan3A_781 : i32
      %scan3A_783 = arith.constant 1 : i32
      scf.for %scan3A_1214 = %scan3A_780 to %scan3A_782 step %scan3A_783  : i32 {
        %mul3A_1215 = arith.constant 8 : i32
        %mul3A_1216 = arith.muli %scan3A_1214, %mul3A_1215 : i32
        %add3A_1217 = arith.constant 0 : i32
        %add3A_1218 = arith.addi %mul3A_1216, %add3A_1217 : i32
        %get3A = arith.constant 2 : i32
        %get3A_1219 = arith.index_cast %get3A : i32 to index
        %get3A_1220 = arith.index_cast %add3A_1218 : i32 to index
        %get3A_1221 = arith.constant 0 : index
        %get3A_1222 = tpu.vector_load %arg6[%get3A_1219, %get3A_1220, %get3A_1221] {strides = array<i32>} : memref<5x640x32xf32, #tpu.memory_space<vmem>>, vector<1x1x16xf32>,
        %get3A_1223 = vector.shape_cast %get3A_1222 : vector<1x1x16xf32> to vector<16xf32>
        %mul3A_1224 = arith.constant 5.65685415 : f32
        %mul3A_1225 = vector.broadcast %mul3A_1224 : f32 to vector<16xf32>
        %mul3A_1226 = arith.mulf %get3A_1223, %mul3A_1225 : vector<16xf32>
        %add3A_1227 = arith.constant 0 : i32
        %add3A_1228 = arith.addi %mul3A_1216, %add3A_1227 : i32
        %swap3A = arith.constant 2 : i32
        %swap3A_1229 = arith.index_cast %swap3A : i32 to index
        %swap3A_1230 = arith.index_cast %add3A_1228 : i32 to index
        %swap3A_1231 = arith.constant 0 : index
        %swap3A_1232 = tpu.vector_load %arg6[%swap3A_1229, %swap3A_1230, %swap3A_1231] {strides = array<i32>} : memref<5x640x32xf32, #tpu.memory_space<vmem>>, vector<1x1x16xf32>,
        %swap3A_1233 = vector.shape_cast %swap3A_1232 : vector<1x1x16xf32> to vector<16xf32>
        %swap3A_1234 = vector.shape_cast %mul3A_1226 : vector<16xf32> to vector<1x1x16xf32>
        tpu.vector_store %arg6[%swap3A_1229, %swap3A_1230, %swap3A_1231], %swap3A_1234 {strides = array<i32>} : memref<5x640x32xf32, #tpu.memory_space<vmem>>, vector<1x1x16xf32>,
        %add3A_1235 = arith.constant 0 : i32
        %add3A_1236 = arith.addi %mul3A_1216, %add3A_1235 : i32
        %get3A_1237 = arith.constant 2 : i32
        %get3A_1238 = arith.index_cast %get3A_1237 : i32 to index
        %get3A_1239 = arith.index_cast %add3A_1236 : i32 to index
        %get3A_1240 = arith.constant 16 : index
        %get3A_1241 = tpu.vector_load %arg6[%get3A_1238, %get3A_1239, %get3A_1240] {strides = array<i32>} : memref<5x640x32xf32, #tpu.memory_space<vmem>>, vector<1x1x16xf32>,
        %get3A_1242 = vector.shape_cast %get3A_1241 : vector<1x1x16xf32> to vector<16xf32>
        %mul3A_1243 = arith.constant 5.65685415 : f32
        %mul3A_1244 = vector.broadcast %mul3A_1243 : f32 to vector<16xf32>
        %mul3A_1245 = arith.mulf %get3A_1242, %mul3A_1244 : vector<16xf32>
        %add3A_1246 = arith.constant 0 : i32
        %add3A_1247 = arith.addi %mul3A_1216, %add3A_1246 : i32
        %swap3A_1248 = arith.constant 2 : i32
        %swap3A_1249 = arith.index_cast %swap3A_1248 : i32 to index
        %swap3A_1250 = arith.index_cast %add3A_1247 : i32 to index
        %swap3A_1251 = arith.constant 16 : index
        %swap3A_1252 = tpu.vector_load %arg6[%swap3A_1249, %swap3A_1250, %swap3A_1251] {strides = array<i32>} : memref<5x640x32xf32, #tpu.memory_space<vmem>>, vector<1x1x16xf32>,
        %swap3A_1253 = vector.shape_cast %swap3A_1252 : vector<1x1x16xf32> to vector<16xf32>
        %swap3A_1254 = vector.shape_cast %mul3A_1245 : vector<16xf32> to vector<1x1x16xf32>
        tpu.vector_store %arg6[%swap3A_1249, %swap3A_1250, %swap3A_1251], %swap3A_1254 {strides = array<i32>} : memref<5x640x32xf32, #tpu.memory_space<vmem>>, vector<1x1x16xf32>,
        %add3A_1255 = arith.constant 1 : i32
        %add3A_1256 = arith.addi %mul3A_1216, %add3A_1255 : i32
        %get3A_1257 = arith.constant 2 : i32
        %get3A_1258 = arith.index_cast %get3A_1257 : i32 to index
        %get3A_1259 = arith.index_cast %add3A_1256 : i32 to index
        %get3A_1260 = arith.constant 0 : index
        %get3A_1261 = tpu.vector_load %arg6[%get3A_1258, %get3A_1259, %get3A_1260] {strides = array<i32>} : memref<5x640x32xf32, #tpu.memory_space<vmem>>, vector<1x1x16xf32>,
        %get3A_1262 = vector.shape_cast %get3A_1261 : vector<1x1x16xf32> to vector<16xf32>
        %mul3A_1263 = arith.constant 5.65685415 : f32
        %mul3A_1264 = vector.broadcast %mul3A_1263 : f32 to vector<16xf32>
        %mul3A_1265 = arith.mulf %get3A_1262, %mul3A_1264 : vector<16xf32>
        %add3A_1266 = arith.constant 1 : i32
        %add3A_1267 = arith.addi %mul3A_1216, %add3A_1266 : i32
        %swap3A_1268 = arith.constant 2 : i32
        %swap3A_1269 = arith.index_cast %swap3A_1268 : i32 to index
        %swap3A_1270 = arith.index_cast %add3A_1267 : i32 to index
        %swap3A_1271 = arith.constant 0 : index
        %swap3A_1272 = tpu.vector_load %arg6[%swap3A_1269, %swap3A_1270, %swap3A_1271] {strides = array<i32>} : memref<5x640x32xf32, #tpu.memory_space<vmem>>, vector<1x1x16xf32>,
        %swap3A_1273 = vector.shape_cast %swap3A_1272 : vector<1x1x16xf32> to vector<16xf32>
        %swap3A_1274 = vector.shape_cast %mul3A_1265 : vector<16xf32> to vector<1x1x16xf32>
        tpu.vector_store %arg6[%swap3A_1269, %swap3A_1270, %swap3A_1271], %swap3A_1274 {strides = array<i32>} : memref<5x640x32xf32, #tpu.memory_space<vmem>>, vector<1x1x16xf32>,
        %add3A_1275 = arith.constant 1 : i32
        %add3A_1276 = arith.addi %mul3A_1216, %add3A_1275 : i32
        %get3A_1277 = arith.constant 2 : i32
        %get3A_1278 = arith.index_cast %get3A_1277 : i32 to index
        %get3A_1279 = arith.index_cast %add3A_1276 : i32 to index
        %get3A_1280 = arith.constant 16 : index
        %get3A_1281 = tpu.vector_load %arg6[%get3A_1278, %get3A_1279, %get3A_1280] {strides = array<i32>} : memref<5x640x32xf32, #tpu.memory_space<vmem>>, vector<1x1x16xf32>,
        %get3A_1282 = vector.shape_cast %get3A_1281 : vector<1x1x16xf32> to vector<16xf32>
        %mul3A_1283 = arith.constant 5.65685415 : f32
        %mul3A_1284 = vector.broadcast %mul3A_1283 : f32 to vector<16xf32>
        %mul3A_1285 = arith.mulf %get3A_1282, %mul3A_1284 : vector<16xf32>
        %add3A_1286 = arith.constant 1 : i32
        %add3A_1287 = arith.addi %mul3A_1216, %add3A_1286 : i32
        %swap3A_1288 = arith.constant 2 : i32
        %swap3A_1289 = arith.index_cast %swap3A_1288 : i32 to index
        %swap3A_1290 = arith.index_cast %add3A_1287 : i32 to index
        %swap3A_1291 = arith.constant 16 : index
        %swap3A_1292 = tpu.vector_load %arg6[%swap3A_1289, %swap3A_1290, %swap3A_1291] {strides = array<i32>} : memref<5x640x32xf32, #tpu.memory_space<vmem>>, vector<1x1x16xf32>,
        %swap3A_1293 = vector.shape_cast %swap3A_1292 : vector<1x1x16xf32> to vector<16xf32>
        %swap3A_1294 = vector.shape_cast %mul3A_1285 : vector<16xf32> to vector<1x1x16xf32>
        tpu.vector_store %arg6[%swap3A_1289, %swap3A_1290, %swap3A_1291], %swap3A_1294 {strides = array<i32>} : memref<5x640x32xf32, #tpu.memory_space<vmem>>, vector<1x1x16xf32>,
        %add3A_1295 = arith.constant 2 : i32
        %add3A_1296 = arith.addi %mul3A_1216, %add3A_1295 : i32
        %get3A_1297 = arith.constant 2 : i32
        %get3A_1298 = arith.index_cast %get3A_1297 : i32 to index
        %get3A_1299 = arith.index_cast %add3A_1296 : i32 to index
        %get3A_1300 = arith.constant 0 : index
        %get3A_1301 = tpu.vector_load %arg6[%get3A_1298, %get3A_1299, %get3A_1300] {strides = array<i32>} : memref<5x640x32xf32, #tpu.memory_space<vmem>>, vector<1x1x16xf32>,
        %get3A_1302 = vector.shape_cast %get3A_1301 : vector<1x1x16xf32> to vector<16xf32>
        %mul3A_1303 = arith.constant 5.65685415 : f32
        %mul3A_1304 = vector.broadcast %mul3A_1303 : f32 to vector<16xf32>
        %mul3A_1305 = arith.mulf %get3A_1302, %mul3A_1304 : vector<16xf32>
        %add3A_1306 = arith.constant 2 : i32
        %add3A_1307 = arith.addi %mul3A_1216, %add3A_1306 : i32
        %swap3A_1308 = arith.constant 2 : i32
        %swap3A_1309 = arith.index_cast %swap3A_1308 : i32 to index
        %swap3A_1310 = arith.index_cast %add3A_1307 : i32 to index
        %swap3A_1311 = arith.constant 0 : index
        %swap3A_1312 = tpu.vector_load %arg6[%swap3A_1309, %swap3A_1310, %swap3A_1311] {strides = array<i32>} : memref<5x640x32xf32, #tpu.memory_space<vmem>>, vector<1x1x16xf32>,
        %swap3A_1313 = vector.shape_cast %swap3A_1312 : vector<1x1x16xf32> to vector<16xf32>
        %swap3A_1314 = vector.shape_cast %mul3A_1305 : vector<16xf32> to vector<1x1x16xf32>
        tpu.vector_store %arg6[%swap3A_1309, %swap3A_1310, %swap3A_1311], %swap3A_1314 {strides = array<i32>} : memref<5x640x32xf32, #tpu.memory_space<vmem>>, vector<1x1x16xf32>,
        %add3A_1315 = arith.constant 2 : i32
        %add3A_1316 = arith.addi %mul3A_1216, %add3A_1315 : i32
        %get3A_1317 = arith.constant 2 : i32
        %get3A_1318 = arith.index_cast %get3A_1317 : i32 to index
        %get3A_1319 = arith.index_cast %add3A_1316 : i32 to index
        %get3A_1320 = arith.constant 16 : index
        %get3A_1321 = tpu.vector_load %arg6[%get3A_1318, %get3A_1319, %get3A_1320] {strides = array<i32>} : memref<5x640x32xf32, #tpu.memory_space<vmem>>, vector<1x1x16xf32>,
        %get3A_1322 = vector.shape_cast %get3A_1321 : vector<1x1x16xf32> to vector<16xf32>
        %mul3A_1323 = arith.constant 5.65685415 : f32
        %mul3A_1324 = vector.broadcast %mul3A_1323 : f32 to vector<16xf32>
        %mul3A_1325 = arith.mulf %get3A_1322, %mul3A_1324 : vector<16xf32>
        %add3A_1326 = arith.constant 2 : i32
        %add3A_1327 = arith.addi %mul3A_1216, %add3A_1326 : i32
        %swap3A_1328 = arith.constant 2 : i32
        %swap3A_1329 = arith.index_cast %swap3A_1328 : i32 to index
        %swap3A_1330 = arith.index_cast %add3A_1327 : i32 to index
        %swap3A_1331 = arith.constant 16 : index
        %swap3A_1332 = tpu.vector_load %arg6[%swap3A_1329, %swap3A_1330, %swap3A_1331] {strides = array<i32>} : memref<5x640x32xf32, #tpu.memory_space<vmem>>, vector<1x1x16xf32>,
        %swap3A_1333 = vector.shape_cast %swap3A_1332 : vector<1x1x16xf32> to vector<16xf32>
        %swap3A_1334 = vector.shape_cast %mul3A_1325 : vector<16xf32> to vector<1x1x16xf32>
        tpu.vector_store %arg6[%swap3A_1329, %swap3A_1330, %swap3A_1331], %swap3A_1334 {strides = array<i32>} : memref<5x640x32xf32, #tpu.memory_space<vmem>>, vector<1x1x16xf32>,
        %add3A_1335 = arith.constant 3 : i32
        %add3A_1336 = arith.addi %mul3A_1216, %add3A_1335 : i32
        %get3A_1337 = arith.constant 2 : i32
        %get3A_1338 = arith.index_cast %get3A_1337 : i32 to index
        %get3A_1339 = arith.index_cast %add3A_1336 : i32 to index
        %get3A_1340 = arith.constant 0 : index
        %get3A_1341 = tpu.vector_load %arg6[%get3A_1338, %get3A_1339, %get3A_1340] {strides = array<i32>} : memref<5x640x32xf32, #tpu.memory_space<vmem>>, vector<1x1x16xf32>,
        %get3A_1342 = vector.shape_cast %get3A_1341 : vector<1x1x16xf32> to vector<16xf32>
        %mul3A_1343 = arith.constant 5.65685415 : f32
        %mul3A_1344 = vector.broadcast %mul3A_1343 : f32 to vector<16xf32>
        %mul3A_1345 = arith.mulf %get3A_1342, %mul3A_1344 : vector<16xf32>
        %add3A_1346 = arith.constant 3 : i32
        %add3A_1347 = arith.addi %mul3A_1216, %add3A_1346 : i32
        %swap3A_1348 = arith.constant 2 : i32
        %swap3A_1349 = arith.index_cast %swap3A_1348 : i32 to index
        %swap3A_1350 = arith.index_cast %add3A_1347 : i32 to index
        %swap3A_1351 = arith.constant 0 : index
        %swap3A_1352 = tpu.vector_load %arg6[%swap3A_1349, %swap3A_1350, %swap3A_1351] {strides = array<i32>} : memref<5x640x32xf32, #tpu.memory_space<vmem>>, vector<1x1x16xf32>,
        %swap3A_1353 = vector.shape_cast %swap3A_1352 : vector<1x1x16xf32> to vector<16xf32>
        %swap3A_1354 = vector.shape_cast %mul3A_1345 : vector<16xf32> to vector<1x1x16xf32>
        tpu.vector_store %arg6[%swap3A_1349, %swap3A_1350, %swap3A_1351], %swap3A_1354 {strides = array<i32>} : memref<5x640x32xf32, #tpu.memory_space<vmem>>, vector<1x1x16xf32>,
        %add3A_1355 = arith.constant 3 : i32
        %add3A_1356 = arith.addi %mul3A_1216, %add3A_1355 : i32
        %get3A_1357 = arith.constant 2 : i32
        %get3A_1358 = arith.index_cast %get3A_1357 : i32 to index
        %get3A_1359 = arith.index_cast %add3A_1356 : i32 to index
        %get3A_1360 = arith.constant 16 : index
        %get3A_1361 = tpu.vector_load %arg6[%get3A_1358, %get3A_1359, %get3A_1360] {strides = array<i32>} : memref<5x640x32xf32, #tpu.memory_space<vmem>>, vector<1x1x16xf32>,
        %get3A_1362 = vector.shape_cast %get3A_1361 : vector<1x1x16xf32> to vector<16xf32>
        %mul3A_1363 = arith.constant 5.65685415 : f32
        %mul3A_1364 = vector.broadcast %mul3A_1363 : f32 to vector<16xf32>
        %mul3A_1365 = arith.mulf %get3A_1362, %mul3A_1364 : vector<16xf32>
        %add3A_1366 = arith.constant 3 : i32
        %add3A_1367 = arith.addi %mul3A_1216, %add3A_1366 : i32
        %swap3A_1368 = arith.constant 2 : i32
        %swap3A_1369 = arith.index_cast %swap3A_1368 : i32 to index
        %swap3A_1370 = arith.index_cast %add3A_1367 : i32 to index
        %swap3A_1371 = arith.constant 16 : index
        %swap3A_1372 = tpu.vector_load %arg6[%swap3A_1369, %swap3A_1370, %swap3A_1371] {strides = array<i32>} : memref<5x640x32xf32, #tpu.memory_space<vmem>>, vector<1x1x16xf32>,
        %swap3A_1373 = vector.shape_cast %swap3A_1372 : vector<1x1x16xf32> to vector<16xf32>
        %swap3A_1374 = vector.shape_cast %mul3A_1365 : vector<16xf32> to vector<1x1x16xf32>
        tpu.vector_store %arg6[%swap3A_1369, %swap3A_1370, %swap3A_1371], %swap3A_1374 {strides = array<i32>} : memref<5x640x32xf32, #tpu.memory_space<vmem>>, vector<1x1x16xf32>,
        %add3A_1375 = arith.constant 4 : i32
        %add3A_1376 = arith.addi %mul3A_1216, %add3A_1375 : i32
        %get3A_1377 = arith.constant 2 : i32
        %get3A_1378 = arith.index_cast %get3A_1377 : i32 to index
        %get3A_1379 = arith.index_cast %add3A_1376 : i32 to index
        %get3A_1380 = arith.constant 0 : index
        %get3A_1381 = tpu.vector_load %arg6[%get3A_1378, %get3A_1379, %get3A_1380] {strides = array<i32>} : memref<5x640x32xf32, #tpu.memory_space<vmem>>, vector<1x1x16xf32>,
        %get3A_1382 = vector.shape_cast %get3A_1381 : vector<1x1x16xf32> to vector<16xf32>
        %mul3A_1383 = arith.constant 5.65685415 : f32
        %mul3A_1384 = vector.broadcast %mul3A_1383 : f32 to vector<16xf32>
        %mul3A_1385 = arith.mulf %get3A_1382, %mul3A_1384 : vector<16xf32>
        %add3A_1386 = arith.constant 4 : i32
        %add3A_1387 = arith.addi %mul3A_1216, %add3A_1386 : i32
        %swap3A_1388 = arith.constant 2 : i32
        %swap3A_1389 = arith.index_cast %swap3A_1388 : i32 to index
        %swap3A_1390 = arith.index_cast %add3A_1387 : i32 to index
        %swap3A_1391 = arith.constant 0 : index
        %swap3A_1392 = tpu.vector_load %arg6[%swap3A_1389, %swap3A_1390, %swap3A_1391] {strides = array<i32>} : memref<5x640x32xf32, #tpu.memory_space<vmem>>, vector<1x1x16xf32>,
        %swap3A_1393 = vector.shape_cast %swap3A_1392 : vector<1x1x16xf32> to vector<16xf32>
        %swap3A_1394 = vector.shape_cast %mul3A_1385 : vector<16xf32> to vector<1x1x16xf32>
        tpu.vector_store %arg6[%swap3A_1389, %swap3A_1390, %swap3A_1391], %swap3A_1394 {strides = array<i32>} : memref<5x640x32xf32, #tpu.memory_space<vmem>>, vector<1x1x16xf32>,
        %add3A_1395 = arith.constant 4 : i32
        %add3A_1396 = arith.addi %mul3A_1216, %add3A_1395 : i32
        %get3A_1397 = arith.constant 2 : i32
        %get3A_1398 = arith.index_cast %get3A_1397 : i32 to index
        %get3A_1399 = arith.index_cast %add3A_1396 : i32 to index
        %get3A_1400 = arith.constant 16 : index
        %get3A_1401 = tpu.vector_load %arg6[%get3A_1398, %get3A_1399, %get3A_1400] {strides = array<i32>} : memref<5x640x32xf32, #tpu.memory_space<vmem>>, vector<1x1x16xf32>,
        %get3A_1402 = vector.shape_cast %get3A_1401 : vector<1x1x16xf32> to vector<16xf32>
        %mul3A_1403 = arith.constant 5.65685415 : f32
        %mul3A_1404 = vector.broadcast %mul3A_1403 : f32 to vector<16xf32>
        %mul3A_1405 = arith.mulf %get3A_1402, %mul3A_1404 : vector<16xf32>
        %add3A_1406 = arith.constant 4 : i32
        %add3A_1407 = arith.addi %mul3A_1216, %add3A_1406 : i32
        %swap3A_1408 = arith.constant 2 : i32
        %swap3A_1409 = arith.index_cast %swap3A_1408 : i32 to index
        %swap3A_1410 = arith.index_cast %add3A_1407 : i32 to index
        %swap3A_1411 = arith.constant 16 : index
        %swap3A_1412 = tpu.vector_load %arg6[%swap3A_1409, %swap3A_1410, %swap3A_1411] {strides = array<i32>} : memref<5x640x32xf32, #tpu.memory_space<vmem>>, vector<1x1x16xf32>,
        %swap3A_1413 = vector.shape_cast %swap3A_1412 : vector<1x1x16xf32> to vector<16xf32>
        %swap3A_1414 = vector.shape_cast %mul3A_1405 : vector<16xf32> to vector<1x1x16xf32>
        tpu.vector_store %arg6[%swap3A_1409, %swap3A_1410, %swap3A_1411], %swap3A_1414 {strides = array<i32>} : memref<5x640x32xf32, #tpu.memory_space<vmem>>, vector<1x1x16xf32>,
        %add3A_1415 = arith.constant 5 : i32
        %add3A_1416 = arith.addi %mul3A_1216, %add3A_1415 : i32
        %get3A_1417 = arith.constant 2 : i32
        %get3A_1418 = arith.index_cast %get3A_1417 : i32 to index
        %get3A_1419 = arith.index_cast %add3A_1416 : i32 to index
        %get3A_1420 = arith.constant 0 : index
        %get3A_1421 = tpu.vector_load %arg6[%get3A_1418, %get3A_1419, %get3A_1420] {strides = array<i32>} : memref<5x640x32xf32, #tpu.memory_space<vmem>>, vector<1x1x16xf32>,
        %get3A_1422 = vector.shape_cast %get3A_1421 : vector<1x1x16xf32> to vector<16xf32>
        %mul3A_1423 = arith.constant 5.65685415 : f32
        %mul3A_1424 = vector.broadcast %mul3A_1423 : f32 to vector<16xf32>
        %mul3A_1425 = arith.mulf %get3A_1422, %mul3A_1424 : vector<16xf32>
        %add3A_1426 = arith.constant 5 : i32
        %add3A_1427 = arith.addi %mul3A_1216, %add3A_1426 : i32
        %swap3A_1428 = arith.constant 2 : i32
        %swap3A_1429 = arith.index_cast %swap3A_1428 : i32 to index
        %swap3A_1430 = arith.index_cast %add3A_1427 : i32 to index
        %swap3A_1431 = arith.constant 0 : index
        %swap3A_1432 = tpu.vector_load %arg6[%swap3A_1429, %swap3A_1430, %swap3A_1431] {strides = array<i32>} : memref<5x640x32xf32, #tpu.memory_space<vmem>>, vector<1x1x16xf32>,
        %swap3A_1433 = vector.shape_cast %swap3A_1432 : vector<1x1x16xf32> to vector<16xf32>
        %swap3A_1434 = vector.shape_cast %mul3A_1425 : vector<16xf32> to vector<1x1x16xf32>
        tpu.vector_store %arg6[%swap3A_1429, %swap3A_1430, %swap3A_1431], %swap3A_1434 {strides = array<i32>} : memref<5x640x32xf32, #tpu.memory_space<vmem>>, vector<1x1x16xf32>,
        %add3A_1435 = arith.constant 5 : i32
        %add3A_1436 = arith.addi %mul3A_1216, %add3A_1435 : i32
        %get3A_1437 = arith.constant 2 : i32
        %get3A_1438 = arith.index_cast %get3A_1437 : i32 to index
        %get3A_1439 = arith.index_cast %add3A_1436 : i32 to index
        %get3A_1440 = arith.constant 16 : index
        %get3A_1441 = tpu.vector_load %arg6[%get3A_1438, %get3A_1439, %get3A_1440] {strides = array<i32>} : memref<5x640x32xf32, #tpu.memory_space<vmem>>, vector<1x1x16xf32>,
        %get3A_1442 = vector.shape_cast %get3A_1441 : vector<1x1x16xf32> to vector<16xf32>
        %mul3A_1443 = arith.constant 5.65685415 : f32
        %mul3A_1444 = vector.broadcast %mul3A_1443 : f32 to vector<16xf32>
        %mul3A_1445 = arith.mulf %get3A_1442, %mul3A_1444 : vector<16xf32>
        %add3A_1446 = arith.constant 5 : i32
        %add3A_1447 = arith.addi %mul3A_1216, %add3A_1446 : i32
        %swap3A_1448 = arith.constant 2 : i32
        %swap3A_1449 = arith.index_cast %swap3A_1448 : i32 to index
        %swap3A_1450 = arith.index_cast %add3A_1447 : i32 to index
        %swap3A_1451 = arith.constant 16 : index
        %swap3A_1452 = tpu.vector_load %arg6[%swap3A_1449, %swap3A_1450, %swap3A_1451] {strides = array<i32>} : memref<5x640x32xf32, #tpu.memory_space<vmem>>, vector<1x1x16xf32>,
        %swap3A_1453 = vector.shape_cast %swap3A_1452 : vector<1x1x16xf32> to vector<16xf32>
        %swap3A_1454 = vector.shape_cast %mul3A_1445 : vector<16xf32> to vector<1x1x16xf32>
        tpu.vector_store %arg6[%swap3A_1449, %swap3A_1450, %swap3A_1451], %swap3A_1454 {strides = array<i32>} : memref<5x640x32xf32, #tpu.memory_space<vmem>>, vector<1x1x16xf32>,
        %add3A_1455 = arith.constant 6 : i32
        %add3A_1456 = arith.addi %mul3A_1216, %add3A_1455 : i32
        %get3A_1457 = arith.constant 2 : i32
        %get3A_1458 = arith.index_cast %get3A_1457 : i32 to index
        %get3A_1459 = arith.index_cast %add3A_1456 : i32 to index
        %get3A_1460 = arith.constant 0 : index
        %get3A_1461 = tpu.vector_load %arg6[%get3A_1458, %get3A_1459, %get3A_1460] {strides = array<i32>} : memref<5x640x32xf32, #tpu.memory_space<vmem>>, vector<1x1x16xf32>,
        %get3A_1462 = vector.shape_cast %get3A_1461 : vector<1x1x16xf32> to vector<16xf32>
        %mul3A_1463 = arith.constant 5.65685415 : f32
        %mul3A_1464 = vector.broadcast %mul3A_1463 : f32 to vector<16xf32>
        %mul3A_1465 = arith.mulf %get3A_1462, %mul3A_1464 : vector<16xf32>
        %add3A_1466 = arith.constant 6 : i32
        %add3A_1467 = arith.addi %mul3A_1216, %add3A_1466 : i32
        %swap3A_1468 = arith.constant 2 : i32
        %swap3A_1469 = arith.index_cast %swap3A_1468 : i32 to index
        %swap3A_1470 = arith.index_cast %add3A_1467 : i32 to index
        %swap3A_1471 = arith.constant 0 : index
        %swap3A_1472 = tpu.vector_load %arg6[%swap3A_1469, %swap3A_1470, %swap3A_1471] {strides = array<i32>} : memref<5x640x32xf32, #tpu.memory_space<vmem>>, vector<1x1x16xf32>,
        %swap3A_1473 = vector.shape_cast %swap3A_1472 : vector<1x1x16xf32> to vector<16xf32>
        %swap3A_1474 = vector.shape_cast %mul3A_1465 : vector<16xf32> to vector<1x1x16xf32>
        tpu.vector_store %arg6[%swap3A_1469, %swap3A_1470, %swap3A_1471], %swap3A_1474 {strides = array<i32>} : memref<5x640x32xf32, #tpu.memory_space<vmem>>, vector<1x1x16xf32>,
        %add3A_1475 = arith.constant 6 : i32
        %add3A_1476 = arith.addi %mul3A_1216, %add3A_1475 : i32
        %get3A_1477 = arith.constant 2 : i32
        %get3A_1478 = arith.index_cast %get3A_1477 : i32 to index
        %get3A_1479 = arith.index_cast %add3A_1476 : i32 to index
        %get3A_1480 = arith.constant 16 : index
        %get3A_1481 = tpu.vector_load %arg6[%get3A_1478, %get3A_1479, %get3A_1480] {strides = array<i32>} : memref<5x640x32xf32, #tpu.memory_space<vmem>>, vector<1x1x16xf32>,
        %get3A_1482 = vector.shape_cast %get3A_1481 : vector<1x1x16xf32> to vector<16xf32>
        %mul3A_1483 = arith.constant 5.65685415 : f32
        %mul3A_1484 = vector.broadcast %mul3A_1483 : f32 to vector<16xf32>
        %mul3A_1485 = arith.mulf %get3A_1482, %mul3A_1484 : vector<16xf32>
        %add3A_1486 = arith.constant 6 : i32
        %add3A_1487 = arith.addi %mul3A_1216, %add3A_1486 : i32
        %swap3A_1488 = arith.constant 2 : i32
        %swap3A_1489 = arith.index_cast %swap3A_1488 : i32 to index
        %swap3A_1490 = arith.index_cast %add3A_1487 : i32 to index
        %swap3A_1491 = arith.constant 16 : index
        %swap3A_1492 = tpu.vector_load %arg6[%swap3A_1489, %swap3A_1490, %swap3A_1491] {strides = array<i32>} : memref<5x640x32xf32, #tpu.memory_space<vmem>>, vector<1x1x16xf32>,
        %swap3A_1493 = vector.shape_cast %swap3A_1492 : vector<1x1x16xf32> to vector<16xf32>
        %swap3A_1494 = vector.shape_cast %mul3A_1485 : vector<16xf32> to vector<1x1x16xf32>
        tpu.vector_store %arg6[%swap3A_1489, %swap3A_1490, %swap3A_1491], %swap3A_1494 {strides = array<i32>} : memref<5x640x32xf32, #tpu.memory_space<vmem>>, vector<1x1x16xf32>,
        %add3A_1495 = arith.constant 7 : i32
        %add3A_1496 = arith.addi %mul3A_1216, %add3A_1495 : i32
        %get3A_1497 = arith.constant 2 : i32
        %get3A_1498 = arith.index_cast %get3A_1497 : i32 to index
        %get3A_1499 = arith.index_cast %add3A_1496 : i32 to index
        %get3A_1500 = arith.constant 0 : index
        %get3A_1501 = tpu.vector_load %arg6[%get3A_1498, %get3A_1499, %get3A_1500] {strides = array<i32>} : memref<5x640x32xf32, #tpu.memory_space<vmem>>, vector<1x1x16xf32>,
        %get3A_1502 = vector.shape_cast %get3A_1501 : vector<1x1x16xf32> to vector<16xf32>
        %mul3A_1503 = arith.constant 5.65685415 : f32
        %mul3A_1504 = vector.broadcast %mul3A_1503 : f32 to vector<16xf32>
        %mul3A_1505 = arith.mulf %get3A_1502, %mul3A_1504 : vector<16xf32>
        %add3A_1506 = arith.constant 7 : i32
        %add3A_1507 = arith.addi %mul3A_1216, %add3A_1506 : i32
        %swap3A_1508 = arith.constant 2 : i32
        %swap3A_1509 = arith.index_cast %swap3A_1508 : i32 to index
        %swap3A_1510 = arith.index_cast %add3A_1507 : i32 to index
        %swap3A_1511 = arith.constant 0 : index
        %swap3A_1512 = tpu.vector_load %arg6[%swap3A_1509, %swap3A_1510, %swap3A_1511] {strides = array<i32>} : memref<5x640x32xf32, #tpu.memory_space<vmem>>, vector<1x1x16xf32>,
        %swap3A_1513 = vector.shape_cast %swap3A_1512 : vector<1x1x16xf32> to vector<16xf32>
        %swap3A_1514 = vector.shape_cast %mul3A_1505 : vector<16xf32> to vector<1x1x16xf32>
        tpu.vector_store %arg6[%swap3A_1509, %swap3A_1510, %swap3A_1511], %swap3A_1514 {strides = array<i32>} : memref<5x640x32xf32, #tpu.memory_space<vmem>>, vector<1x1x16xf32>,
        %add3A_1515 = arith.constant 7 : i32
        %add3A_1516 = arith.addi %mul3A_1216, %add3A_1515 : i32
        %get3A_1517 = arith.constant 2 : i32
        %get3A_1518 = arith.index_cast %get3A_1517 : i32 to index
        %get3A_1519 = arith.index_cast %add3A_1516 : i32 to index
        %get3A_1520 = arith.constant 16 : index
        %get3A_1521 = tpu.vector_load %arg6[%get3A_1518, %get3A_1519, %get3A_1520] {strides = array<i32>} : memref<5x640x32xf32, #tpu.memory_space<vmem>>, vector<1x1x16xf32>,
        %get3A_1522 = vector.shape_cast %get3A_1521 : vector<1x1x16xf32> to vector<16xf32>
        %mul3A_1523 = arith.constant 5.65685415 : f32
        %mul3A_1524 = vector.broadcast %mul3A_1523 : f32 to vector<16xf32>
        %mul3A_1525 = arith.mulf %get3A_1522, %mul3A_1524 : vector<16xf32>
        %add3A_1526 = arith.constant 7 : i32
        %add3A_1527 = arith.addi %mul3A_1216, %add3A_1526 : i32
        %swap3A_1528 = arith.constant 2 : i32
        %swap3A_1529 = arith.index_cast %swap3A_1528 : i32 to index
        %swap3A_1530 = arith.index_cast %add3A_1527 : i32 to index
        %swap3A_1531 = arith.constant 16 : index
        %swap3A_1532 = tpu.vector_load %arg6[%swap3A_1529, %swap3A_1530, %swap3A_1531] {strides = array<i32>} : memref<5x640x32xf32, #tpu.memory_space<vmem>>, vector<1x1x16xf32>,
        %swap3A_1533 = vector.shape_cast %swap3A_1532 : vector<1x1x16xf32> to vector<16xf32>
        %swap3A_1534 = vector.shape_cast %mul3A_1525 : vector<16xf32> to vector<1x1x16xf32>
        tpu.vector_store %arg6[%swap3A_1529, %swap3A_1530, %swap3A_1531], %swap3A_1534 {strides = array<i32>} : memref<5x640x32xf32, #tpu.memory_space<vmem>>, vector<1x1x16xf32>,
      }
      %scan3A_784 = arith.constant 80 : i32
      %mul3A_785 = arith.constant 16 : i32
      %mul3A_786 = arith.muli %scan3A_377, %mul3A_785 : i32
      %add3A_787 = arith.addi %mul3A_4, %mul3A_786 : i32
      %add3A_788 = arith.constant 6 : i32
      %add3A_789 = arith.addi %add3A_787, %add3A_788 : i32
      %add3A_790 = arith.constant 7 : i32
      %add3A_791 = arith.addi %add3A_787, %add3A_790 : i32
      %add3A_792 = arith.constant 8 : i32
      %add3A_793 = arith.addi %add3A_787, %add3A_792 : i32
      %add3A_794 = arith.constant 9 : i32
      %add3A_795 = arith.addi %add3A_787, %add3A_794 : i32
      %dma_start3A_796 = arith.constant 2 : i32
      %dma_start3A_797 = arith.constant 0 : i32
      %dma_start3A_798 = arith.constant 0 : i32
      %dma_start3A_799 = tpu.memref_slice %arg6[%dma_start3A_796, %dma_start3A_797, %dma_start3A_798] : memref<5x640x32xf32, #tpu.memory_space<vmem>> -> memref<1x120x32xf32, #tpu.memory_space<vmem>>
      %dma_start3A_800 = tpu.memref_squeeze %dma_start3A_799 : memref<1x120x32xf32, #tpu.memory_space<vmem>> -> memref<120x32xf32, #tpu.memory_space<vmem>>
      %dma_start3A_801 = arith.constant 80 : i32
      %dma_start3A_802 = arith.constant 0 : i32
      %dma_start3A_803 = tpu.memref_slice %arg4[%add3A_789, %dma_start3A_801, %dma_start3A_802] : memref<4096x200x32xf32, #tpu.memory_space<hbm>> -> memref<1x120x32xf32, #tpu.memory_space<hbm>>
      %dma_start3A_804 = tpu.memref_squeeze %dma_start3A_803 : memref<1x120x32xf32, #tpu.memory_space<hbm>> -> memref<120x32xf32, #tpu.memory_space<hbm>>
      %dma_start3A_805 = arith.constant 80 : i32
      %dma_start3A_806 = arith.constant 0 : i32
      %dma_start3A_807 = tpu.memref_slice %arg4[%add3A_789, %dma_start3A_805, %dma_start3A_806] : memref<4096x200x32xf32, #tpu.memory_space<hbm>> -> memref<1x120x32xf32, #tpu.memory_space<hbm>>
      %dma_start3A_808 = tpu.memref_squeeze %dma_start3A_807 : memref<1x120x32xf32, #tpu.memory_space<hbm>> -> memref<120x32xf32, #tpu.memory_space<hbm>>
      %dma_start3A_809 = arith.constant 0 : i32
      %dma_start3A_810 = arith.constant 0 : i32
      %dma_start3A_811 = tpu.memref_slice %arg6[%dma_start3A_796, %dma_start3A_809, %dma_start3A_810] : memref<5x640x32xf32, #tpu.memory_space<vmem>> -> memref<1x120x32xf32, #tpu.memory_space<vmem>>
      %dma_start3A_812 = tpu.memref_squeeze %dma_start3A_811 : memref<1x120x32xf32, #tpu.memory_space<vmem>> -> memref<120x32xf32, #tpu.memory_space<vmem>>
      tpu.enqueue_dma source(%dma_start3A_812 : memref<120x32xf32, #tpu.memory_space<vmem>>) target(%dma_start3A_808 : memref<120x32xf32, #tpu.memory_space<hbm>>) target_semaphore(%arg14 : memref<!tpu.dma_semaphore, #tpu.memory_space<semaphore_mem>>)
      %dma_start3A_813 = arith.constant 2 : i32
      %dma_start3A_814 = arith.constant 120 : i32
      %dma_start3A_815 = arith.constant 0 : i32
      %dma_start3A_816 = tpu.memref_slice %arg6[%dma_start3A_813, %dma_start3A_814, %dma_start3A_815] : memref<5x640x32xf32, #tpu.memory_space<vmem>> -> memref<1x200x32xf32, #tpu.memory_space<vmem>>
      %dma_start3A_817 = tpu.memref_squeeze %dma_start3A_816 : memref<1x200x32xf32, #tpu.memory_space<vmem>> -> memref<200x32xf32, #tpu.memory_space<vmem>>
      %dma_start3A_818 = arith.constant 0 : i32
      %dma_start3A_819 = arith.constant 0 : i32
      %dma_start3A_820 = tpu.memref_slice %arg4[%add3A_791, %dma_start3A_818, %dma_start3A_819] : memref<4096x200x32xf32, #tpu.memory_space<hbm>> -> memref<1x200x32xf32, #tpu.memory_space<hbm>>
      %dma_start3A_821 = tpu.memref_squeeze %dma_start3A_820 : memref<1x200x32xf32, #tpu.memory_space<hbm>> -> memref<200x32xf32, #tpu.memory_space<hbm>>
      %dma_start3A_822 = arith.constant 0 : i32
      %dma_start3A_823 = arith.constant 0 : i32
      %dma_start3A_824 = tpu.memref_slice %arg4[%add3A_791, %dma_start3A_822, %dma_start3A_823] : memref<4096x200x32xf32, #tpu.memory_space<hbm>> -> memref<1x200x32xf32, #tpu.memory_space<hbm>>
      %dma_start3A_825 = tpu.memref_squeeze %dma_start3A_824 : memref<1x200x32xf32, #tpu.memory_space<hbm>> -> memref<200x32xf32, #tpu.memory_space<hbm>>
      %dma_start3A_826 = arith.constant 120 : i32
      %dma_start3A_827 = arith.constant 0 : i32
      %dma_start3A_828 = tpu.memref_slice %arg6[%dma_start3A_813, %dma_start3A_826, %dma_start3A_827] : memref<5x640x32xf32, #tpu.memory_space<vmem>> -> memref<1x200x32xf32, #tpu.memory_space<vmem>>
      %dma_start3A_829 = tpu.memref_squeeze %dma_start3A_828 : memref<1x200x32xf32, #tpu.memory_space<vmem>> -> memref<200x32xf32, #tpu.memory_space<vmem>>
      tpu.enqueue_dma source(%dma_start3A_829 : memref<200x32xf32, #tpu.memory_space<vmem>>) target(%dma_start3A_825 : memref<200x32xf32, #tpu.memory_space<hbm>>) target_semaphore(%arg14 : memref<!tpu.dma_semaphore, #tpu.memory_space<semaphore_mem>>)
      %dma_start3A_830 = arith.constant 2 : i32
      %dma_start3A_831 = arith.constant 320 : i32
      %dma_start3A_832 = arith.constant 0 : i32
      %dma_start3A_833 = tpu.memref_slice %arg6[%dma_start3A_830, %dma_start3A_831, %dma_start3A_832] : memref<5x640x32xf32, #tpu.memory_space<vmem>> -> memref<1x200x32xf32, #tpu.memory_space<vmem>>
      %dma_start3A_834 = tpu.memref_squeeze %dma_start3A_833 : memref<1x200x32xf32, #tpu.memory_space<vmem>> -> memref<200x32xf32, #tpu.memory_space<vmem>>
      %dma_start3A_835 = arith.constant 0 : i32
      %dma_start3A_836 = arith.constant 0 : i32
      %dma_start3A_837 = tpu.memref_slice %arg4[%add3A_793, %dma_start3A_835, %dma_start3A_836] : memref<4096x200x32xf32, #tpu.memory_space<hbm>> -> memref<1x200x32xf32, #tpu.memory_space<hbm>>
      %dma_start3A_838 = tpu.memref_squeeze %dma_start3A_837 : memref<1x200x32xf32, #tpu.memory_space<hbm>> -> memref<200x32xf32, #tpu.memory_space<hbm>>
      %dma_start3A_839 = arith.constant 0 : i32
      %dma_start3A_840 = arith.constant 0 : i32
      %dma_start3A_841 = tpu.memref_slice %arg4[%add3A_793, %dma_start3A_839, %dma_start3A_840] : memref<4096x200x32xf32, #tpu.memory_space<hbm>> -> memref<1x200x32xf32, #tpu.memory_space<hbm>>
      %dma_start3A_842 = tpu.memref_squeeze %dma_start3A_841 : memref<1x200x32xf32, #tpu.memory_space<hbm>> -> memref<200x32xf32, #tpu.memory_space<hbm>>
      %dma_start3A_843 = arith.constant 320 : i32
      %dma_start3A_844 = arith.constant 0 : i32
      %dma_start3A_845 = tpu.memref_slice %arg6[%dma_start3A_830, %dma_start3A_843, %dma_start3A_844] : memref<5x640x32xf32, #tpu.memory_space<vmem>> -> memref<1x200x32xf32, #tpu.memory_space<vmem>>
      %dma_start3A_846 = tpu.memref_squeeze %dma_start3A_845 : memref<1x200x32xf32, #tpu.memory_space<vmem>> -> memref<200x32xf32, #tpu.memory_space<vmem>>
      tpu.enqueue_dma source(%dma_start3A_846 : memref<200x32xf32, #tpu.memory_space<vmem>>) target(%dma_start3A_842 : memref<200x32xf32, #tpu.memory_space<hbm>>) target_semaphore(%arg14 : memref<!tpu.dma_semaphore, #tpu.memory_space<semaphore_mem>>)
      %dma_start3A_847 = arith.constant 2 : i32
      %dma_start3A_848 = arith.constant 520 : i32
      %dma_start3A_849 = arith.constant 0 : i32
      %dma_start3A_850 = tpu.memref_slice %arg6[%dma_start3A_847, %dma_start3A_848, %dma_start3A_849] : memref<5x640x32xf32, #tpu.memory_space<vmem>> -> memref<1x120x32xf32, #tpu.memory_space<vmem>>
      %dma_start3A_851 = tpu.memref_squeeze %dma_start3A_850 : memref<1x120x32xf32, #tpu.memory_space<vmem>> -> memref<120x32xf32, #tpu.memory_space<vmem>>
      %dma_start3A_852 = arith.constant 0 : i32
      %dma_start3A_853 = arith.constant 0 : i32
      %dma_start3A_854 = tpu.memref_slice %arg4[%add3A_795, %dma_start3A_852, %dma_start3A_853] : memref<4096x200x32xf32, #tpu.memory_space<hbm>> -> memref<1x120x32xf32, #tpu.memory_space<hbm>>
      %dma_start3A_855 = tpu.memref_squeeze %dma_start3A_854 : memref<1x120x32xf32, #tpu.memory_space<hbm>> -> memref<120x32xf32, #tpu.memory_space<hbm>>
      %dma_start3A_856 = arith.constant 0 : i32
      %dma_start3A_857 = arith.constant 0 : i32
      %dma_start3A_858 = tpu.memref_slice %arg4[%add3A_795, %dma_start3A_856, %dma_start3A_857] : memref<4096x200x32xf32, #tpu.memory_space<hbm>> -> memref<1x120x32xf32, #tpu.memory_space<hbm>>
      %dma_start3A_859 = tpu.memref_squeeze %dma_start3A_858 : memref<1x120x32xf32, #tpu.memory_space<hbm>> -> memref<120x32xf32, #tpu.memory_space<hbm>>
      %dma_start3A_860 = arith.constant 520 : i32
      %dma_start3A_861 = arith.constant 0 : i32
      %dma_start3A_862 = tpu.memref_slice %arg6[%dma_start3A_847, %dma_start3A_860, %dma_start3A_861] : memref<5x640x32xf32, #tpu.memory_space<vmem>> -> memref<1x120x32xf32, #tpu.memory_space<vmem>>
      %dma_start3A_863 = tpu.memref_squeeze %dma_start3A_862 : memref<1x120x32xf32, #tpu.memory_space<vmem>> -> memref<120x32xf32, #tpu.memory_space<vmem>>
      tpu.enqueue_dma source(%dma_start3A_863 : memref<120x32xf32, #tpu.memory_space<vmem>>) target(%dma_start3A_859 : memref<120x32xf32, #tpu.memory_space<hbm>>) target_semaphore(%arg14 : memref<!tpu.dma_semaphore, #tpu.memory_space<semaphore_mem>>)
      %add3A_864 = arith.constant 2 : i32
      %add3A_865 = arith.addi %add3A_713, %add3A_864 : i32
      %add3A_866 = arith.constant -1 : i32
      %add3A_867 = arith.addi %scan3A_377, %add3A_866 : i32
      %ge3A_868 = arith.constant 5 : i32
      %ge3A_869 = arith.cmpi sge, %add3A_865, %ge3A_868 : i32
      %convert_element_type3A_870 = arith.extui %ge3A_869 : i1 to i32
      %cond3A_871 = arith.constant 0 : i32
      %cond3A_872 = arith.cmpi ne, %convert_element_type3A_870, %cond3A_871 : i32
      scf.if %cond3A_872 {
        %mul3A_1214 = arith.constant 16 : i32
        %mul3A_1215 = arith.muli %add3A_867, %mul3A_1214 : i32
        %add3A_1216 = arith.addi %mul3A_4, %mul3A_1215 : i32
        %add3A_1217 = arith.constant 12 : i32
        %add3A_1218 = arith.addi %add3A_1216, %add3A_1217 : i32
        %add3A_1219 = arith.constant 13 : i32
        %add3A_1220 = arith.addi %add3A_1216, %add3A_1219 : i32
        %add3A_1221 = arith.constant 14 : i32
        %add3A_1222 = arith.addi %add3A_1216, %add3A_1221 : i32
        %add3A_1223 = arith.constant 15 : i32
        %add3A_1224 = arith.addi %add3A_1216, %add3A_1223 : i32
        %dma_wait3A_1225 = arith.constant 4 : i32
        %dma_wait3A_1226 = arith.constant 0 : i32
        %dma_wait3A_1227 = arith.constant 0 : i32
        %dma_wait3A_1228 = tpu.memref_slice %arg6[%dma_wait3A_1225, %dma_wait3A_1226, %dma_wait3A_1227] : memref<5x640x32xf32, #tpu.memory_space<vmem>> -> memref<1x40x32xf32, #tpu.memory_space<vmem>>
        %dma_wait3A_1229 = tpu.memref_squeeze %dma_wait3A_1228 : memref<1x40x32xf32, #tpu.memory_space<vmem>> -> memref<40x32xf32, #tpu.memory_space<vmem>>
        %dma_wait3A_1230 = arith.constant 160 : i32
        %dma_wait3A_1231 = arith.constant 0 : i32
        %dma_wait3A_1232 = tpu.memref_slice %arg4[%add3A_1218, %dma_wait3A_1230, %dma_wait3A_1231] : memref<4096x200x32xf32, #tpu.memory_space<hbm>> -> memref<1x40x32xf32, #tpu.memory_space<hbm>>
        %dma_wait3A_1233 = tpu.memref_squeeze %dma_wait3A_1232 : memref<1x40x32xf32, #tpu.memory_space<hbm>> -> memref<40x32xf32, #tpu.memory_space<hbm>>
        %dma_wait3A_1234 = arith.constant 160 : i32
        %dma_wait3A_1235 = arith.constant 0 : i32
        %dma_wait3A_1236 = tpu.memref_slice %arg4[%add3A_1218, %dma_wait3A_1234, %dma_wait3A_1235] : memref<4096x200x32xf32, #tpu.memory_space<hbm>> -> memref<1x40x32xf32, #tpu.memory_space<hbm>>
        %dma_wait3A_1237 = tpu.memref_squeeze %dma_wait3A_1236 : memref<1x40x32xf32, #tpu.memory_space<hbm>> -> memref<40x32xf32, #tpu.memory_space<hbm>>
        %dma_wait3A_1238 = arith.constant 0 : i32
        %dma_wait3A_1239 = arith.constant 0 : i32
        %dma_wait3A_1240 = tpu.memref_slice %arg6[%dma_wait3A_1225, %dma_wait3A_1238, %dma_wait3A_1239] : memref<5x640x32xf32, #tpu.memory_space<vmem>> -> memref<1x40x32xf32, #tpu.memory_space<vmem>>
        %dma_wait3A_1241 = tpu.memref_squeeze %dma_wait3A_1240 : memref<1x40x32xf32, #tpu.memory_space<vmem>> -> memref<40x32xf32, #tpu.memory_space<vmem>>
        tpu.wait_dma2 semaphore(%arg16 : memref<!tpu.dma_semaphore, #tpu.memory_space<semaphore_mem>>) src(%dma_wait3A_1241 : memref<40x32xf32, #tpu.memory_space<vmem>>) dst(%dma_wait3A_1237 : memref<40x32xf32, #tpu.memory_space<hbm>>)
        %dma_wait3A_1242 = arith.constant 4 : i32
        %dma_wait3A_1243 = arith.constant 40 : i32
        %dma_wait3A_1244 = arith.constant 0 : i32
        %dma_wait3A_1245 = tpu.memref_slice %arg6[%dma_wait3A_1242, %dma_wait3A_1243, %dma_wait3A_1244] : memref<5x640x32xf32, #tpu.memory_space<vmem>> -> memref<1x200x32xf32, #tpu.memory_space<vmem>>
        %dma_wait3A_1246 = tpu.memref_squeeze %dma_wait3A_1245 : memref<1x200x32xf32, #tpu.memory_space<vmem>> -> memref<200x32xf32, #tpu.memory_space<vmem>>
        %dma_wait3A_1247 = arith.constant 0 : i32
        %dma_wait3A_1248 = arith.constant 0 : i32
        %dma_wait3A_1249 = tpu.memref_slice %arg4[%add3A_1220, %dma_wait3A_1247, %dma_wait3A_1248] : memref<4096x200x32xf32, #tpu.memory_space<hbm>> -> memref<1x200x32xf32, #tpu.memory_space<hbm>>
        %dma_wait3A_1250 = tpu.memref_squeeze %dma_wait3A_1249 : memref<1x200x32xf32, #tpu.memory_space<hbm>> -> memref<200x32xf32, #tpu.memory_space<hbm>>
        %dma_wait3A_1251 = arith.constant 0 : i32
        %dma_wait3A_1252 = arith.constant 0 : i32
        %dma_wait3A_1253 = tpu.memref_slice %arg4[%add3A_1220, %dma_wait3A_1251, %dma_wait3A_1252] : memref<4096x200x32xf32, #tpu.memory_space<hbm>> -> memref<1x200x32xf32, #tpu.memory_space<hbm>>
        %dma_wait3A_1254 = tpu.memref_squeeze %dma_wait3A_1253 : memref<1x200x32xf32, #tpu.memory_space<hbm>> -> memref<200x32xf32, #tpu.memory_space<hbm>>
        %dma_wait3A_1255 = arith.constant 40 : i32
        %dma_wait3A_1256 = arith.constant 0 : i32
        %dma_wait3A_1257 = tpu.memref_slice %arg6[%dma_wait3A_1242, %dma_wait3A_1255, %dma_wait3A_1256] : memref<5x640x32xf32, #tpu.memory_space<vmem>> -> memref<1x200x32xf32, #tpu.memory_space<vmem>>
        %dma_wait3A_1258 = tpu.memref_squeeze %dma_wait3A_1257 : memref<1x200x32xf32, #tpu.memory_space<vmem>> -> memref<200x32xf32, #tpu.memory_space<vmem>>
        tpu.wait_dma2 semaphore(%arg16 : memref<!tpu.dma_semaphore, #tpu.memory_space<semaphore_mem>>) src(%dma_wait3A_1258 : memref<200x32xf32, #tpu.memory_space<vmem>>) dst(%dma_wait3A_1254 : memref<200x32xf32, #tpu.memory_space<hbm>>)
        %dma_wait3A_1259 = arith.constant 4 : i32
        %dma_wait3A_1260 = arith.constant 240 : i32
        %dma_wait3A_1261 = arith.constant 0 : i32
        %dma_wait3A_1262 = tpu.memref_slice %arg6[%dma_wait3A_1259, %dma_wait3A_1260, %dma_wait3A_1261] : memref<5x640x32xf32, #tpu.memory_space<vmem>> -> memref<1x200x32xf32, #tpu.memory_space<vmem>>
        %dma_wait3A_1263 = tpu.memref_squeeze %dma_wait3A_1262 : memref<1x200x32xf32, #tpu.memory_space<vmem>> -> memref<200x32xf32, #tpu.memory_space<vmem>>
        %dma_wait3A_1264 = arith.constant 0 : i32
        %dma_wait3A_1265 = arith.constant 0 : i32
        %dma_wait3A_1266 = tpu.memref_slice %arg4[%add3A_1222, %dma_wait3A_1264, %dma_wait3A_1265] : memref<4096x200x32xf32, #tpu.memory_space<hbm>> -> memref<1x200x32xf32, #tpu.memory_space<hbm>>
        %dma_wait3A_1267 = tpu.memref_squeeze %dma_wait3A_1266 : memref<1x200x32xf32, #tpu.memory_space<hbm>> -> memref<200x32xf32, #tpu.memory_space<hbm>>
        %dma_wait3A_1268 = arith.constant 0 : i32
        %dma_wait3A_1269 = arith.constant 0 : i32
        %dma_wait3A_1270 = tpu.memref_slice %arg4[%add3A_1222, %dma_wait3A_1268, %dma_wait3A_1269] : memref<4096x200x32xf32, #tpu.memory_space<hbm>> -> memref<1x200x32xf32, #tpu.memory_space<hbm>>
        %dma_wait3A_1271 = tpu.memref_squeeze %dma_wait3A_1270 : memref<1x200x32xf32, #tpu.memory_space<hbm>> -> memref<200x32xf32, #tpu.memory_space<hbm>>
        %dma_wait3A_1272 = arith.constant 240 : i32
        %dma_wait3A_1273 = arith.constant 0 : i32
        %dma_wait3A_1274 = tpu.memref_slice %arg6[%dma_wait3A_1259, %dma_wait3A_1272, %dma_wait3A_1273] : memref<5x640x32xf32, #tpu.memory_space<vmem>> -> memref<1x200x32xf32, #tpu.memory_space<vmem>>
        %dma_wait3A_1275 = tpu.memref_squeeze %dma_wait3A_1274 : memref<1x200x32xf32, #tpu.memory_space<vmem>> -> memref<200x32xf32, #tpu.memory_space<vmem>>
        tpu.wait_dma2 semaphore(%arg16 : memref<!tpu.dma_semaphore, #tpu.memory_space<semaphore_mem>>) src(%dma_wait3A_1275 : memref<200x32xf32, #tpu.memory_space<vmem>>) dst(%dma_wait3A_1271 : memref<200x32xf32, #tpu.memory_space<hbm>>)
        %dma_wait3A_1276 = arith.constant 4 : i32
        %dma_wait3A_1277 = arith.constant 440 : i32
        %dma_wait3A_1278 = arith.constant 0 : i32
        %dma_wait3A_1279 = tpu.memref_slice %arg6[%dma_wait3A_1276, %dma_wait3A_1277, %dma_wait3A_1278] : memref<5x640x32xf32, #tpu.memory_space<vmem>> -> memref<1x200x32xf32, #tpu.memory_space<vmem>>
        %dma_wait3A_1280 = tpu.memref_squeeze %dma_wait3A_1279 : memref<1x200x32xf32, #tpu.memory_space<vmem>> -> memref<200x32xf32, #tpu.memory_space<vmem>>
        %dma_wait3A_1281 = arith.constant 0 : i32
        %dma_wait3A_1282 = arith.constant 0 : i32
        %dma_wait3A_1283 = tpu.memref_slice %arg4[%add3A_1224, %dma_wait3A_1281, %dma_wait3A_1282] : memref<4096x200x32xf32, #tpu.memory_space<hbm>> -> memref<1x200x32xf32, #tpu.memory_space<hbm>>
        %dma_wait3A_1284 = tpu.memref_squeeze %dma_wait3A_1283 : memref<1x200x32xf32, #tpu.memory_space<hbm>> -> memref<200x32xf32, #tpu.memory_space<hbm>>
        %dma_wait3A_1285 = arith.constant 0 : i32
        %dma_wait3A_1286 = arith.constant 0 : i32
        %dma_wait3A_1287 = tpu.memref_slice %arg4[%add3A_1224, %dma_wait3A_1285, %dma_wait3A_1286] : memref<4096x200x32xf32, #tpu.memory_space<hbm>> -> memref<1x200x32xf32, #tpu.memory_space<hbm>>
        %dma_wait3A_1288 = tpu.memref_squeeze %dma_wait3A_1287 : memref<1x200x32xf32, #tpu.memory_space<hbm>> -> memref<200x32xf32, #tpu.memory_space<hbm>>
        %dma_wait3A_1289 = arith.constant 440 : i32
        %dma_wait3A_1290 = arith.constant 0 : i32
        %dma_wait3A_1291 = tpu.memref_slice %arg6[%dma_wait3A_1276, %dma_wait3A_1289, %dma_wait3A_1290] : memref<5x640x32xf32, #tpu.memory_space<vmem>> -> memref<1x200x32xf32, #tpu.memory_space<vmem>>
        %dma_wait3A_1292 = tpu.memref_squeeze %dma_wait3A_1291 : memref<1x200x32xf32, #tpu.memory_space<vmem>> -> memref<200x32xf32, #tpu.memory_space<vmem>>
        tpu.wait_dma2 semaphore(%arg16 : memref<!tpu.dma_semaphore, #tpu.memory_space<semaphore_mem>>) src(%dma_wait3A_1292 : memref<200x32xf32, #tpu.memory_space<vmem>>) dst(%dma_wait3A_1288 : memref<200x32xf32, #tpu.memory_space<hbm>>)
      } else {
      }
      %lt3A_873 = arith.constant 40 : i32
      %lt3A_874 = arith.cmpi slt, %add3A_865, %lt3A_873 : i32
      %convert_element_type3A_875 = arith.extui %lt3A_874 : i1 to i32
      %cond3A_876 = arith.constant 0 : i32
      %cond3A_877 = arith.cmpi ne, %convert_element_type3A_875, %cond3A_876 : i32
      scf.if %cond3A_877 {
        %mul3A_1214 = arith.constant 5 : i32
        %mul3A_1215 = arith.muli %add3A_865, %mul3A_1214 : i32
        %add3A_1216 = arith.addi %mul3A_2, %mul3A_1215 : i32
        %run_scoped3A_1217 = arith.constant 4 : i32
        "tpu.region"() ({
          %run_scoped3A_1283 = tpu.sem_alloc : memref<!tpu.dma_semaphore, #tpu.memory_space<semaphore_mem>>
          %dma_start3A_1284 = arith.constant 0 : i32
          %dma_start3A_1285 = arith.constant 0 : i32
          %dma_start3A_1286 = tpu.memref_slice %arg5[%run_scoped3A_1217, %dma_start3A_1284, %dma_start3A_1285] : memref<5x5x128xi32, #tpu.memory_space<vmem>> -> memref<1x5x128xi32, #tpu.memory_space<vmem>>
          %dma_start3A_1287 = tpu.memref_squeeze %dma_start3A_1286 : memref<1x5x128xi32, #tpu.memory_space<vmem>> -> memref<5x128xi32, #tpu.memory_space<vmem>>
          %dma_start3A_1288 = arith.constant 0 : i32
          %dma_start3A_1289 = tpu.memref_slice %arg3[%add3A_1216, %dma_start3A_1288] : memref<6400x128xi32, #tpu.memory_space<hbm>> -> memref<5x128xi32, #tpu.memory_space<hbm>>
          %dma_start3A_1290 = arith.constant 0 : i32
          %dma_start3A_1291 = arith.constant 0 : i32
          %dma_start3A_1292 = tpu.memref_slice %arg5[%run_scoped3A_1217, %dma_start3A_1290, %dma_start3A_1291] : memref<5x5x128xi32, #tpu.memory_space<vmem>> -> memref<1x5x128xi32, #tpu.memory_space<vmem>>
          %dma_start3A_1293 = tpu.memref_squeeze %dma_start3A_1292 : memref<1x5x128xi32, #tpu.memory_space<vmem>> -> memref<5x128xi32, #tpu.memory_space<vmem>>
          %dma_start3A_1294 = arith.constant 0 : i32
          %dma_start3A_1295 = tpu.memref_slice %arg3[%add3A_1216, %dma_start3A_1294] : memref<6400x128xi32, #tpu.memory_space<hbm>> -> memref<5x128xi32, #tpu.memory_space<hbm>>
          tpu.enqueue_dma source(%dma_start3A_1295 : memref<5x128xi32, #tpu.memory_space<hbm>>) target(%dma_start3A_1293 : memref<5x128xi32, #tpu.memory_space<vmem>>) target_semaphore(%run_scoped3A_1283 : memref<!tpu.dma_semaphore, #tpu.memory_space<semaphore_mem>>)
          %dma_wait3A_1296 = arith.constant 0 : i32
          %dma_wait3A_1297 = arith.constant 0 : i32
          %dma_wait3A_1298 = tpu.memref_slice %arg5[%run_scoped3A_1217, %dma_wait3A_1296, %dma_wait3A_1297] : memref<5x5x128xi32, #tpu.memory_space<vmem>> -> memref<1x5x128xi32, #tpu.memory_space<vmem>>
          %dma_wait3A_1299 = tpu.memref_squeeze %dma_wait3A_1298 : memref<1x5x128xi32, #tpu.memory_space<vmem>> -> memref<5x128xi32, #tpu.memory_space<vmem>>
          %dma_wait3A_1300 = arith.constant 0 : i32
          %dma_wait3A_1301 = tpu.memref_slice %arg3[%add3A_1216, %dma_wait3A_1300] : memref<6400x128xi32, #tpu.memory_space<hbm>> -> memref<5x128xi32, #tpu.memory_space<hbm>>
          %dma_wait3A_1302 = arith.constant 0 : i32
          %dma_wait3A_1303 = arith.constant 0 : i32
          %dma_wait3A_1304 = tpu.memref_slice %arg5[%run_scoped3A_1217, %dma_wait3A_1302, %dma_wait3A_1303] : memref<5x5x128xi32, #tpu.memory_space<vmem>> -> memref<1x5x128xi32, #tpu.memory_space<vmem>>
          %dma_wait3A_1305 = tpu.memref_squeeze %dma_wait3A_1304 : memref<1x5x128xi32, #tpu.memory_space<vmem>> -> memref<5x128xi32, #tpu.memory_space<vmem>>
          %dma_wait3A_1306 = arith.constant 0 : i32
          %dma_wait3A_1307 = tpu.memref_slice %arg3[%add3A_1216, %dma_wait3A_1306] : memref<6400x128xi32, #tpu.memory_space<hbm>> -> memref<5x128xi32, #tpu.memory_space<hbm>>
          tpu.wait_dma2 semaphore(%run_scoped3A_1283 : memref<!tpu.dma_semaphore, #tpu.memory_space<semaphore_mem>>) src(%dma_wait3A_1307 : memref<5x128xi32, #tpu.memory_space<hbm>>) dst(%dma_wait3A_1305 : memref<5x128xi32, #tpu.memory_space<vmem>>)
          tpu.yield
        }) : () -> ()
        %dma_start3A_1218 = arith.constant 4 : i32
        %dma_start3A_1219 = arith.constant 0 : i32
        %dma_start3A_1220 = arith.constant 4 : i32
        %dma_start3A_1221 = arith.constant 0 : i32
        %dma_start3A_1222 = arith.constant 0 : i32
        %dma_start3A_1223 = tpu.memref_slice %arg6[%dma_start3A_1220, %dma_start3A_1221, %dma_start3A_1222] : memref<5x640x32xf32, #tpu.memory_space<vmem>> -> memref<1x128x32xf32, #tpu.memory_space<vmem>>
        %dma_start3A_1224 = tpu.memref_squeeze %dma_start3A_1223 : memref<1x128x32xf32, #tpu.memory_space<vmem>> -> memref<128x32xf32, #tpu.memory_space<vmem>>
        %dma_start3A_1225 = arith.constant 0 : i32
        %dma_start3A_1226 = tpu.memref_slice %arg5[%dma_start3A_1218, %dma_start3A_1219, %dma_start3A_1225] : memref<5x5x128xi32, #tpu.memory_space<vmem>> -> memref<1x1x128xi32, #tpu.memory_space<vmem>>
        %dma_start3A_1227 = tpu.memref_squeeze %dma_start3A_1226 : memref<1x1x128xi32, #tpu.memory_space<vmem>> -> memref<128xi32, #tpu.memory_space<vmem>>
        %dma_start3A_1228 = arith.constant 0 : i32
        %dma_start3A_1229 = arith.constant 0 : i32
        %dma_start3A_1230 = tpu.memref_slice %arg2[%dma_start3A_1228, %dma_start3A_1229] : memref<1000000x32xf32, #tpu.memory_space<hbm>> -> memref<1000000x32xf32, #tpu.memory_space<hbm>>
        tpu.enqueue_indirect_dma source(%dma_start3A_1230 : memref<1000000x32xf32, #tpu.memory_space<hbm>>) target(%dma_start3A_1224 : memref<128x32xf32, #tpu.memory_space<vmem>>) offsets(%dma_start3A_1227 : memref<128xi32, #tpu.memory_space<vmem>>) semaphore(%arg11 : memref<!tpu.dma_semaphore, #tpu.memory_space<semaphore_mem>>)
        %dma_start3A_1231 = arith.constant 4 : i32
        %dma_start3A_1232 = arith.constant 1 : i32
        %dma_start3A_1233 = arith.constant 4 : i32
        %dma_start3A_1234 = arith.constant 128 : i32
        %dma_start3A_1235 = arith.constant 0 : i32
        %dma_start3A_1236 = tpu.memref_slice %arg6[%dma_start3A_1233, %dma_start3A_1234, %dma_start3A_1235] : memref<5x640x32xf32, #tpu.memory_space<vmem>> -> memref<1x128x32xf32, #tpu.memory_space<vmem>>
        %dma_start3A_1237 = tpu.memref_squeeze %dma_start3A_1236 : memref<1x128x32xf32, #tpu.memory_space<vmem>> -> memref<128x32xf32, #tpu.memory_space<vmem>>
        %dma_start3A_1238 = arith.constant 0 : i32
        %dma_start3A_1239 = tpu.memref_slice %arg5[%dma_start3A_1231, %dma_start3A_1232, %dma_start3A_1238] : memref<5x5x128xi32, #tpu.memory_space<vmem>> -> memref<1x1x128xi32, #tpu.memory_space<vmem>>
        %dma_start3A_1240 = tpu.memref_squeeze %dma_start3A_1239 : memref<1x1x128xi32, #tpu.memory_space<vmem>> -> memref<128xi32, #tpu.memory_space<vmem>>
        %dma_start3A_1241 = arith.constant 0 : i32
        %dma_start3A_1242 = arith.constant 0 : i32
        %dma_start3A_1243 = tpu.memref_slice %arg2[%dma_start3A_1241, %dma_start3A_1242] : memref<1000000x32xf32, #tpu.memory_space<hbm>> -> memref<1000000x32xf32, #tpu.memory_space<hbm>>
        tpu.enqueue_indirect_dma source(%dma_start3A_1243 : memref<1000000x32xf32, #tpu.memory_space<hbm>>) target(%dma_start3A_1237 : memref<128x32xf32, #tpu.memory_space<vmem>>) offsets(%dma_start3A_1240 : memref<128xi32, #tpu.memory_space<vmem>>) semaphore(%arg11 : memref<!tpu.dma_semaphore, #tpu.memory_space<semaphore_mem>>)
        %dma_start3A_1244 = arith.constant 4 : i32
        %dma_start3A_1245 = arith.constant 2 : i32
        %dma_start3A_1246 = arith.constant 4 : i32
        %dma_start3A_1247 = arith.constant 256 : i32
        %dma_start3A_1248 = arith.constant 0 : i32
        %dma_start3A_1249 = tpu.memref_slice %arg6[%dma_start3A_1246, %dma_start3A_1247, %dma_start3A_1248] : memref<5x640x32xf32, #tpu.memory_space<vmem>> -> memref<1x128x32xf32, #tpu.memory_space<vmem>>
        %dma_start3A_1250 = tpu.memref_squeeze %dma_start3A_1249 : memref<1x128x32xf32, #tpu.memory_space<vmem>> -> memref<128x32xf32, #tpu.memory_space<vmem>>
        %dma_start3A_1251 = arith.constant 0 : i32
        %dma_start3A_1252 = tpu.memref_slice %arg5[%dma_start3A_1244, %dma_start3A_1245, %dma_start3A_1251] : memref<5x5x128xi32, #tpu.memory_space<vmem>> -> memref<1x1x128xi32, #tpu.memory_space<vmem>>
        %dma_start3A_1253 = tpu.memref_squeeze %dma_start3A_1252 : memref<1x1x128xi32, #tpu.memory_space<vmem>> -> memref<128xi32, #tpu.memory_space<vmem>>
        %dma_start3A_1254 = arith.constant 0 : i32
        %dma_start3A_1255 = arith.constant 0 : i32
        %dma_start3A_1256 = tpu.memref_slice %arg2[%dma_start3A_1254, %dma_start3A_1255] : memref<1000000x32xf32, #tpu.memory_space<hbm>> -> memref<1000000x32xf32, #tpu.memory_space<hbm>>
        tpu.enqueue_indirect_dma source(%dma_start3A_1256 : memref<1000000x32xf32, #tpu.memory_space<hbm>>) target(%dma_start3A_1250 : memref<128x32xf32, #tpu.memory_space<vmem>>) offsets(%dma_start3A_1253 : memref<128xi32, #tpu.memory_space<vmem>>) semaphore(%arg11 : memref<!tpu.dma_semaphore, #tpu.memory_space<semaphore_mem>>)
        %dma_start3A_1257 = arith.constant 4 : i32
        %dma_start3A_1258 = arith.constant 3 : i32
        %dma_start3A_1259 = arith.constant 4 : i32
        %dma_start3A_1260 = arith.constant 384 : i32
        %dma_start3A_1261 = arith.constant 0 : i32
        %dma_start3A_1262 = tpu.memref_slice %arg6[%dma_start3A_1259, %dma_start3A_1260, %dma_start3A_1261] : memref<5x640x32xf32, #tpu.memory_space<vmem>> -> memref<1x128x32xf32, #tpu.memory_space<vmem>>
        %dma_start3A_1263 = tpu.memref_squeeze %dma_start3A_1262 : memref<1x128x32xf32, #tpu.memory_space<vmem>> -> memref<128x32xf32, #tpu.memory_space<vmem>>
        %dma_start3A_1264 = arith.constant 0 : i32
        %dma_start3A_1265 = tpu.memref_slice %arg5[%dma_start3A_1257, %dma_start3A_1258, %dma_start3A_1264] : memref<5x5x128xi32, #tpu.memory_space<vmem>> -> memref<1x1x128xi32, #tpu.memory_space<vmem>>
        %dma_start3A_1266 = tpu.memref_squeeze %dma_start3A_1265 : memref<1x1x128xi32, #tpu.memory_space<vmem>> -> memref<128xi32, #tpu.memory_space<vmem>>
        %dma_start3A_1267 = arith.constant 0 : i32
        %dma_start3A_1268 = arith.constant 0 : i32
        %dma_start3A_1269 = tpu.memref_slice %arg2[%dma_start3A_1267, %dma_start3A_1268] : memref<1000000x32xf32, #tpu.memory_space<hbm>> -> memref<1000000x32xf32, #tpu.memory_space<hbm>>
        tpu.enqueue_indirect_dma source(%dma_start3A_1269 : memref<1000000x32xf32, #tpu.memory_space<hbm>>) target(%dma_start3A_1263 : memref<128x32xf32, #tpu.memory_space<vmem>>) offsets(%dma_start3A_1266 : memref<128xi32, #tpu.memory_space<vmem>>) semaphore(%arg11 : memref<!tpu.dma_semaphore, #tpu.memory_space<semaphore_mem>>)
        %dma_start3A_1270 = arith.constant 4 : i32
        %dma_start3A_1271 = arith.constant 4 : i32
        %dma_start3A_1272 = arith.constant 4 : i32
        %dma_start3A_1273 = arith.constant 512 : i32
        %dma_start3A_1274 = arith.constant 0 : i32
        %dma_start3A_1275 = tpu.memref_slice %arg6[%dma_start3A_1272, %dma_start3A_1273, %dma_start3A_1274] : memref<5x640x32xf32, #tpu.memory_space<vmem>> -> memref<1x128x32xf32, #tpu.memory_space<vmem>>
        %dma_start3A_1276 = tpu.memref_squeeze %dma_start3A_1275 : memref<1x128x32xf32, #tpu.memory_space<vmem>> -> memref<128x32xf32, #tpu.memory_space<vmem>>
        %dma_start3A_1277 = arith.constant 0 : i32
        %dma_start3A_1278 = tpu.memref_slice %arg5[%dma_start3A_1270, %dma_start3A_1271, %dma_start3A_1277] : memref<5x5x128xi32, #tpu.memory_space<vmem>> -> memref<1x1x128xi32, #tpu.memory_space<vmem>>
        %dma_start3A_1279 = tpu.memref_squeeze %dma_start3A_1278 : memref<1x1x128xi32, #tpu.memory_space<vmem>> -> memref<128xi32, #tpu.memory_space<vmem>>
        %dma_start3A_1280 = arith.constant 0 : i32
        %dma_start3A_1281 = arith.constant 0 : i32
        %dma_start3A_1282 = tpu.memref_slice %arg2[%dma_start3A_1280, %dma_start3A_1281] : memref<1000000x32xf32, #tpu.memory_space<hbm>> -> memref<1000000x32xf32, #tpu.memory_space<hbm>>
        tpu.enqueue_indirect_dma source(%dma_start3A_1282 : memref<1000000x32xf32, #tpu.memory_space<hbm>>) target(%dma_start3A_1276 : memref<128x32xf32, #tpu.memory_space<vmem>>) offsets(%dma_start3A_1279 : memref<128xi32, #tpu.memory_space<vmem>>) semaphore(%arg11 : memref<!tpu.dma_semaphore, #tpu.memory_space<semaphore_mem>>)
      } else {
      }
      %mul3A_878 = arith.constant 5 : i32
      %mul3A_879 = arith.muli %scan3A_377, %mul3A_878 : i32
      %add3A_880 = arith.constant 3 : i32
      %add3A_881 = arith.addi %mul3A_879, %add3A_880 : i32
      %dma_wait3A_882 = arith.constant 3 : i32
      %dma_wait3A_883 = arith.constant 0 : i32
      %dma_wait3A_884 = arith.constant 3 : i32
      %dma_wait3A_885 = arith.constant 0 : i32
      %dma_wait3A_886 = arith.constant 0 : i32
      %dma_wait3A_887 = tpu.memref_slice %arg6[%dma_wait3A_884, %dma_wait3A_885, %dma_wait3A_886] : memref<5x640x32xf32, #tpu.memory_space<vmem>> -> memref<1x128x32xf32, #tpu.memory_space<vmem>>
      %dma_wait3A_888 = tpu.memref_squeeze %dma_wait3A_887 : memref<1x128x32xf32, #tpu.memory_space<vmem>> -> memref<128x32xf32, #tpu.memory_space<vmem>>
      %dma_wait3A_889 = arith.constant 0 : i32
      %dma_wait3A_890 = tpu.memref_slice %arg5[%dma_wait3A_882, %dma_wait3A_883, %dma_wait3A_889] : memref<5x5x128xi32, #tpu.memory_space<vmem>> -> memref<1x1x128xi32, #tpu.memory_space<vmem>>
      %dma_wait3A_891 = tpu.memref_squeeze %dma_wait3A_890 : memref<1x1x128xi32, #tpu.memory_space<vmem>> -> memref<128xi32, #tpu.memory_space<vmem>>
      %dma_wait3A_892 = arith.constant 0 : i32
      %dma_wait3A_893 = arith.constant 0 : i32
      %dma_wait3A_894 = tpu.memref_slice %arg2[%dma_wait3A_892, %dma_wait3A_893] : memref<1000000x32xf32, #tpu.memory_space<hbm>> -> memref<1000000x32xf32, #tpu.memory_space<hbm>>
      tpu.wait_indirect_dma semaphore(%arg10 : memref<!tpu.dma_semaphore, #tpu.memory_space<semaphore_mem>>) src(%dma_wait3A_894 : memref<1000000x32xf32, #tpu.memory_space<hbm>>) dst(%dma_wait3A_888 : memref<128x32xf32, #tpu.memory_space<vmem>>)
      %dma_wait3A_895 = arith.constant 3 : i32
      %dma_wait3A_896 = arith.constant 1 : i32
      %dma_wait3A_897 = arith.constant 3 : i32
      %dma_wait3A_898 = arith.constant 128 : i32
      %dma_wait3A_899 = arith.constant 0 : i32
      %dma_wait3A_900 = tpu.memref_slice %arg6[%dma_wait3A_897, %dma_wait3A_898, %dma_wait3A_899] : memref<5x640x32xf32, #tpu.memory_space<vmem>> -> memref<1x128x32xf32, #tpu.memory_space<vmem>>
      %dma_wait3A_901 = tpu.memref_squeeze %dma_wait3A_900 : memref<1x128x32xf32, #tpu.memory_space<vmem>> -> memref<128x32xf32, #tpu.memory_space<vmem>>
      %dma_wait3A_902 = arith.constant 0 : i32
      %dma_wait3A_903 = tpu.memref_slice %arg5[%dma_wait3A_895, %dma_wait3A_896, %dma_wait3A_902] : memref<5x5x128xi32, #tpu.memory_space<vmem>> -> memref<1x1x128xi32, #tpu.memory_space<vmem>>
      %dma_wait3A_904 = tpu.memref_squeeze %dma_wait3A_903 : memref<1x1x128xi32, #tpu.memory_space<vmem>> -> memref<128xi32, #tpu.memory_space<vmem>>
      %dma_wait3A_905 = arith.constant 0 : i32
      %dma_wait3A_906 = arith.constant 0 : i32
      %dma_wait3A_907 = tpu.memref_slice %arg2[%dma_wait3A_905, %dma_wait3A_906] : memref<1000000x32xf32, #tpu.memory_space<hbm>> -> memref<1000000x32xf32, #tpu.memory_space<hbm>>
      tpu.wait_indirect_dma semaphore(%arg10 : memref<!tpu.dma_semaphore, #tpu.memory_space<semaphore_mem>>) src(%dma_wait3A_907 : memref<1000000x32xf32, #tpu.memory_space<hbm>>) dst(%dma_wait3A_901 : memref<128x32xf32, #tpu.memory_space<vmem>>)
      %dma_wait3A_908 = arith.constant 3 : i32
      %dma_wait3A_909 = arith.constant 2 : i32
      %dma_wait3A_910 = arith.constant 3 : i32
      %dma_wait3A_911 = arith.constant 256 : i32
      %dma_wait3A_912 = arith.constant 0 : i32
      %dma_wait3A_913 = tpu.memref_slice %arg6[%dma_wait3A_910, %dma_wait3A_911, %dma_wait3A_912] : memref<5x640x32xf32, #tpu.memory_space<vmem>> -> memref<1x128x32xf32, #tpu.memory_space<vmem>>
      %dma_wait3A_914 = tpu.memref_squeeze %dma_wait3A_913 : memref<1x128x32xf32, #tpu.memory_space<vmem>> -> memref<128x32xf32, #tpu.memory_space<vmem>>
      %dma_wait3A_915 = arith.constant 0 : i32
      %dma_wait3A_916 = tpu.memref_slice %arg5[%dma_wait3A_908, %dma_wait3A_909, %dma_wait3A_915] : memref<5x5x128xi32, #tpu.memory_space<vmem>> -> memref<1x1x128xi32, #tpu.memory_space<vmem>>
      %dma_wait3A_917 = tpu.memref_squeeze %dma_wait3A_916 : memref<1x1x128xi32, #tpu.memory_space<vmem>> -> memref<128xi32, #tpu.memory_space<vmem>>
      %dma_wait3A_918 = arith.constant 0 : i32
      %dma_wait3A_919 = arith.constant 0 : i32
      %dma_wait3A_920 = tpu.memref_slice %arg2[%dma_wait3A_918, %dma_wait3A_919] : memref<1000000x32xf32, #tpu.memory_space<hbm>> -> memref<1000000x32xf32, #tpu.memory_space<hbm>>
      tpu.wait_indirect_dma semaphore(%arg10 : memref<!tpu.dma_semaphore, #tpu.memory_space<semaphore_mem>>) src(%dma_wait3A_920 : memref<1000000x32xf32, #tpu.memory_space<hbm>>) dst(%dma_wait3A_914 : memref<128x32xf32, #tpu.memory_space<vmem>>)
      %dma_wait3A_921 = arith.constant 3 : i32
      %dma_wait3A_922 = arith.constant 3 : i32
      %dma_wait3A_923 = arith.constant 3 : i32
      %dma_wait3A_924 = arith.constant 384 : i32
      %dma_wait3A_925 = arith.constant 0 : i32
      %dma_wait3A_926 = tpu.memref_slice %arg6[%dma_wait3A_923, %dma_wait3A_924, %dma_wait3A_925] : memref<5x640x32xf32, #tpu.memory_space<vmem>> -> memref<1x128x32xf32, #tpu.memory_space<vmem>>
      %dma_wait3A_927 = tpu.memref_squeeze %dma_wait3A_926 : memref<1x128x32xf32, #tpu.memory_space<vmem>> -> memref<128x32xf32, #tpu.memory_space<vmem>>
      %dma_wait3A_928 = arith.constant 0 : i32
      %dma_wait3A_929 = tpu.memref_slice %arg5[%dma_wait3A_921, %dma_wait3A_922, %dma_wait3A_928] : memref<5x5x128xi32, #tpu.memory_space<vmem>> -> memref<1x1x128xi32, #tpu.memory_space<vmem>>
      %dma_wait3A_930 = tpu.memref_squeeze %dma_wait3A_929 : memref<1x1x128xi32, #tpu.memory_space<vmem>> -> memref<128xi32, #tpu.memory_space<vmem>>
      %dma_wait3A_931 = arith.constant 0 : i32
      %dma_wait3A_932 = arith.constant 0 : i32
      %dma_wait3A_933 = tpu.memref_slice %arg2[%dma_wait3A_931, %dma_wait3A_932] : memref<1000000x32xf32, #tpu.memory_space<hbm>> -> memref<1000000x32xf32, #tpu.memory_space<hbm>>
      tpu.wait_indirect_dma semaphore(%arg10 : memref<!tpu.dma_semaphore, #tpu.memory_space<semaphore_mem>>) src(%dma_wait3A_933 : memref<1000000x32xf32, #tpu.memory_space<hbm>>) dst(%dma_wait3A_927 : memref<128x32xf32, #tpu.memory_space<vmem>>)
      %dma_wait3A_934 = arith.constant 3 : i32
      %dma_wait3A_935 = arith.constant 4 : i32
      %dma_wait3A_936 = arith.constant 3 : i32
      %dma_wait3A_937 = arith.constant 512 : i32
      %dma_wait3A_938 = arith.constant 0 : i32
      %dma_wait3A_939 = tpu.memref_slice %arg6[%dma_wait3A_936, %dma_wait3A_937, %dma_wait3A_938] : memref<5x640x32xf32, #tpu.memory_space<vmem>> -> memref<1x128x32xf32, #tpu.memory_space<vmem>>
      %dma_wait3A_940 = tpu.memref_squeeze %dma_wait3A_939 : memref<1x128x32xf32, #tpu.memory_space<vmem>> -> memref<128x32xf32, #tpu.memory_space<vmem>>
      %dma_wait3A_941 = arith.constant 0 : i32
      %dma_wait3A_942 = tpu.memref_slice %arg5[%dma_wait3A_934, %dma_wait3A_935, %dma_wait3A_941] : memref<5x5x128xi32, #tpu.memory_space<vmem>> -> memref<1x1x128xi32, #tpu.memory_space<vmem>>
      %dma_wait3A_943 = tpu.memref_squeeze %dma_wait3A_942 : memref<1x1x128xi32, #tpu.memory_space<vmem>> -> memref<128xi32, #tpu.memory_space<vmem>>
      %dma_wait3A_944 = arith.constant 0 : i32
      %dma_wait3A_945 = arith.constant 0 : i32
      %dma_wait3A_946 = tpu.memref_slice %arg2[%dma_wait3A_944, %dma_wait3A_945] : memref<1000000x32xf32, #tpu.memory_space<hbm>> -> memref<1000000x32xf32, #tpu.memory_space<hbm>>
      tpu.wait_indirect_dma semaphore(%arg10 : memref<!tpu.dma_semaphore, #tpu.memory_space<semaphore_mem>>) src(%dma_wait3A_946 : memref<1000000x32xf32, #tpu.memory_space<hbm>>) dst(%dma_wait3A_940 : memref<128x32xf32, #tpu.memory_space<vmem>>)
      %scan3A_947 = arith.constant 0 : i32
      %scan3A_948 = arith.constant 0 : i32
      %scan3A_949 = arith.constant 80 : i32
      %scan3A_950 = arith.addi %scan3A_948, %scan3A_949 : i32
      %scan3A_951 = arith.constant 1 : i32
      scf.for %scan3A_1214 = %scan3A_948 to %scan3A_950 step %scan3A_951  : i32 {
        %mul3A_1215 = arith.constant 8 : i32
        %mul3A_1216 = arith.muli %scan3A_1214, %mul3A_1215 : i32
        %add3A_1217 = arith.constant 0 : i32
        %add3A_1218 = arith.addi %mul3A_1216, %add3A_1217 : i32
        %get3A = arith.constant 3 : i32
        %get3A_1219 = arith.index_cast %get3A : i32 to index
        %get3A_1220 = arith.index_cast %add3A_1218 : i32 to index
        %get3A_1221 = arith.constant 0 : index
        %get3A_1222 = tpu.vector_load %arg6[%get3A_1219, %get3A_1220, %get3A_1221] {strides = array<i32>} : memref<5x640x32xf32, #tpu.memory_space<vmem>>, vector<1x1x16xf32>,
        %get3A_1223 = vector.shape_cast %get3A_1222 : vector<1x1x16xf32> to vector<16xf32>
        %mul3A_1224 = arith.constant 5.65685415 : f32
        %mul3A_1225 = vector.broadcast %mul3A_1224 : f32 to vector<16xf32>
        %mul3A_1226 = arith.mulf %get3A_1223, %mul3A_1225 : vector<16xf32>
        %add3A_1227 = arith.constant 0 : i32
        %add3A_1228 = arith.addi %mul3A_1216, %add3A_1227 : i32
        %swap3A = arith.constant 3 : i32
        %swap3A_1229 = arith.index_cast %swap3A : i32 to index
        %swap3A_1230 = arith.index_cast %add3A_1228 : i32 to index
        %swap3A_1231 = arith.constant 0 : index
        %swap3A_1232 = tpu.vector_load %arg6[%swap3A_1229, %swap3A_1230, %swap3A_1231] {strides = array<i32>} : memref<5x640x32xf32, #tpu.memory_space<vmem>>, vector<1x1x16xf32>,
        %swap3A_1233 = vector.shape_cast %swap3A_1232 : vector<1x1x16xf32> to vector<16xf32>
        %swap3A_1234 = vector.shape_cast %mul3A_1226 : vector<16xf32> to vector<1x1x16xf32>
        tpu.vector_store %arg6[%swap3A_1229, %swap3A_1230, %swap3A_1231], %swap3A_1234 {strides = array<i32>} : memref<5x640x32xf32, #tpu.memory_space<vmem>>, vector<1x1x16xf32>,
        %add3A_1235 = arith.constant 0 : i32
        %add3A_1236 = arith.addi %mul3A_1216, %add3A_1235 : i32
        %get3A_1237 = arith.constant 3 : i32
        %get3A_1238 = arith.index_cast %get3A_1237 : i32 to index
        %get3A_1239 = arith.index_cast %add3A_1236 : i32 to index
        %get3A_1240 = arith.constant 16 : index
        %get3A_1241 = tpu.vector_load %arg6[%get3A_1238, %get3A_1239, %get3A_1240] {strides = array<i32>} : memref<5x640x32xf32, #tpu.memory_space<vmem>>, vector<1x1x16xf32>,
        %get3A_1242 = vector.shape_cast %get3A_1241 : vector<1x1x16xf32> to vector<16xf32>
        %mul3A_1243 = arith.constant 5.65685415 : f32
        %mul3A_1244 = vector.broadcast %mul3A_1243 : f32 to vector<16xf32>
        %mul3A_1245 = arith.mulf %get3A_1242, %mul3A_1244 : vector<16xf32>
        %add3A_1246 = arith.constant 0 : i32
        %add3A_1247 = arith.addi %mul3A_1216, %add3A_1246 : i32
        %swap3A_1248 = arith.constant 3 : i32
        %swap3A_1249 = arith.index_cast %swap3A_1248 : i32 to index
        %swap3A_1250 = arith.index_cast %add3A_1247 : i32 to index
        %swap3A_1251 = arith.constant 16 : index
        %swap3A_1252 = tpu.vector_load %arg6[%swap3A_1249, %swap3A_1250, %swap3A_1251] {strides = array<i32>} : memref<5x640x32xf32, #tpu.memory_space<vmem>>, vector<1x1x16xf32>,
        %swap3A_1253 = vector.shape_cast %swap3A_1252 : vector<1x1x16xf32> to vector<16xf32>
        %swap3A_1254 = vector.shape_cast %mul3A_1245 : vector<16xf32> to vector<1x1x16xf32>
        tpu.vector_store %arg6[%swap3A_1249, %swap3A_1250, %swap3A_1251], %swap3A_1254 {strides = array<i32>} : memref<5x640x32xf32, #tpu.memory_space<vmem>>, vector<1x1x16xf32>,
        %add3A_1255 = arith.constant 1 : i32
        %add3A_1256 = arith.addi %mul3A_1216, %add3A_1255 : i32
        %get3A_1257 = arith.constant 3 : i32
        %get3A_1258 = arith.index_cast %get3A_1257 : i32 to index
        %get3A_1259 = arith.index_cast %add3A_1256 : i32 to index
        %get3A_1260 = arith.constant 0 : index
        %get3A_1261 = tpu.vector_load %arg6[%get3A_1258, %get3A_1259, %get3A_1260] {strides = array<i32>} : memref<5x640x32xf32, #tpu.memory_space<vmem>>, vector<1x1x16xf32>,
        %get3A_1262 = vector.shape_cast %get3A_1261 : vector<1x1x16xf32> to vector<16xf32>
        %mul3A_1263 = arith.constant 5.65685415 : f32
        %mul3A_1264 = vector.broadcast %mul3A_1263 : f32 to vector<16xf32>
        %mul3A_1265 = arith.mulf %get3A_1262, %mul3A_1264 : vector<16xf32>
        %add3A_1266 = arith.constant 1 : i32
        %add3A_1267 = arith.addi %mul3A_1216, %add3A_1266 : i32
        %swap3A_1268 = arith.constant 3 : i32
        %swap3A_1269 = arith.index_cast %swap3A_1268 : i32 to index
        %swap3A_1270 = arith.index_cast %add3A_1267 : i32 to index
        %swap3A_1271 = arith.constant 0 : index
        %swap3A_1272 = tpu.vector_load %arg6[%swap3A_1269, %swap3A_1270, %swap3A_1271] {strides = array<i32>} : memref<5x640x32xf32, #tpu.memory_space<vmem>>, vector<1x1x16xf32>,
        %swap3A_1273 = vector.shape_cast %swap3A_1272 : vector<1x1x16xf32> to vector<16xf32>
        %swap3A_1274 = vector.shape_cast %mul3A_1265 : vector<16xf32> to vector<1x1x16xf32>
        tpu.vector_store %arg6[%swap3A_1269, %swap3A_1270, %swap3A_1271], %swap3A_1274 {strides = array<i32>} : memref<5x640x32xf32, #tpu.memory_space<vmem>>, vector<1x1x16xf32>,
        %add3A_1275 = arith.constant 1 : i32
        %add3A_1276 = arith.addi %mul3A_1216, %add3A_1275 : i32
        %get3A_1277 = arith.constant 3 : i32
        %get3A_1278 = arith.index_cast %get3A_1277 : i32 to index
        %get3A_1279 = arith.index_cast %add3A_1276 : i32 to index
        %get3A_1280 = arith.constant 16 : index
        %get3A_1281 = tpu.vector_load %arg6[%get3A_1278, %get3A_1279, %get3A_1280] {strides = array<i32>} : memref<5x640x32xf32, #tpu.memory_space<vmem>>, vector<1x1x16xf32>,
        %get3A_1282 = vector.shape_cast %get3A_1281 : vector<1x1x16xf32> to vector<16xf32>
        %mul3A_1283 = arith.constant 5.65685415 : f32
        %mul3A_1284 = vector.broadcast %mul3A_1283 : f32 to vector<16xf32>
        %mul3A_1285 = arith.mulf %get3A_1282, %mul3A_1284 : vector<16xf32>
        %add3A_1286 = arith.constant 1 : i32
        %add3A_1287 = arith.addi %mul3A_1216, %add3A_1286 : i32
        %swap3A_1288 = arith.constant 3 : i32
        %swap3A_1289 = arith.index_cast %swap3A_1288 : i32 to index
        %swap3A_1290 = arith.index_cast %add3A_1287 : i32 to index
        %swap3A_1291 = arith.constant 16 : index
        %swap3A_1292 = tpu.vector_load %arg6[%swap3A_1289, %swap3A_1290, %swap3A_1291] {strides = array<i32>} : memref<5x640x32xf32, #tpu.memory_space<vmem>>, vector<1x1x16xf32>,
        %swap3A_1293 = vector.shape_cast %swap3A_1292 : vector<1x1x16xf32> to vector<16xf32>
        %swap3A_1294 = vector.shape_cast %mul3A_1285 : vector<16xf32> to vector<1x1x16xf32>
        tpu.vector_store %arg6[%swap3A_1289, %swap3A_1290, %swap3A_1291], %swap3A_1294 {strides = array<i32>} : memref<5x640x32xf32, #tpu.memory_space<vmem>>, vector<1x1x16xf32>,
        %add3A_1295 = arith.constant 2 : i32
        %add3A_1296 = arith.addi %mul3A_1216, %add3A_1295 : i32
        %get3A_1297 = arith.constant 3 : i32
        %get3A_1298 = arith.index_cast %get3A_1297 : i32 to index
        %get3A_1299 = arith.index_cast %add3A_1296 : i32 to index
        %get3A_1300 = arith.constant 0 : index
        %get3A_1301 = tpu.vector_load %arg6[%get3A_1298, %get3A_1299, %get3A_1300] {strides = array<i32>} : memref<5x640x32xf32, #tpu.memory_space<vmem>>, vector<1x1x16xf32>,
        %get3A_1302 = vector.shape_cast %get3A_1301 : vector<1x1x16xf32> to vector<16xf32>
        %mul3A_1303 = arith.constant 5.65685415 : f32
        %mul3A_1304 = vector.broadcast %mul3A_1303 : f32 to vector<16xf32>
        %mul3A_1305 = arith.mulf %get3A_1302, %mul3A_1304 : vector<16xf32>
        %add3A_1306 = arith.constant 2 : i32
        %add3A_1307 = arith.addi %mul3A_1216, %add3A_1306 : i32
        %swap3A_1308 = arith.constant 3 : i32
        %swap3A_1309 = arith.index_cast %swap3A_1308 : i32 to index
        %swap3A_1310 = arith.index_cast %add3A_1307 : i32 to index
        %swap3A_1311 = arith.constant 0 : index
        %swap3A_1312 = tpu.vector_load %arg6[%swap3A_1309, %swap3A_1310, %swap3A_1311] {strides = array<i32>} : memref<5x640x32xf32, #tpu.memory_space<vmem>>, vector<1x1x16xf32>,
        %swap3A_1313 = vector.shape_cast %swap3A_1312 : vector<1x1x16xf32> to vector<16xf32>
        %swap3A_1314 = vector.shape_cast %mul3A_1305 : vector<16xf32> to vector<1x1x16xf32>
        tpu.vector_store %arg6[%swap3A_1309, %swap3A_1310, %swap3A_1311], %swap3A_1314 {strides = array<i32>} : memref<5x640x32xf32, #tpu.memory_space<vmem>>, vector<1x1x16xf32>,
        %add3A_1315 = arith.constant 2 : i32
        %add3A_1316 = arith.addi %mul3A_1216, %add3A_1315 : i32
        %get3A_1317 = arith.constant 3 : i32
        %get3A_1318 = arith.index_cast %get3A_1317 : i32 to index
        %get3A_1319 = arith.index_cast %add3A_1316 : i32 to index
        %get3A_1320 = arith.constant 16 : index
        %get3A_1321 = tpu.vector_load %arg6[%get3A_1318, %get3A_1319, %get3A_1320] {strides = array<i32>} : memref<5x640x32xf32, #tpu.memory_space<vmem>>, vector<1x1x16xf32>,
        %get3A_1322 = vector.shape_cast %get3A_1321 : vector<1x1x16xf32> to vector<16xf32>
        %mul3A_1323 = arith.constant 5.65685415 : f32
        %mul3A_1324 = vector.broadcast %mul3A_1323 : f32 to vector<16xf32>
        %mul3A_1325 = arith.mulf %get3A_1322, %mul3A_1324 : vector<16xf32>
        %add3A_1326 = arith.constant 2 : i32
        %add3A_1327 = arith.addi %mul3A_1216, %add3A_1326 : i32
        %swap3A_1328 = arith.constant 3 : i32
        %swap3A_1329 = arith.index_cast %swap3A_1328 : i32 to index
        %swap3A_1330 = arith.index_cast %add3A_1327 : i32 to index
        %swap3A_1331 = arith.constant 16 : index
        %swap3A_1332 = tpu.vector_load %arg6[%swap3A_1329, %swap3A_1330, %swap3A_1331] {strides = array<i32>} : memref<5x640x32xf32, #tpu.memory_space<vmem>>, vector<1x1x16xf32>,
        %swap3A_1333 = vector.shape_cast %swap3A_1332 : vector<1x1x16xf32> to vector<16xf32>
        %swap3A_1334 = vector.shape_cast %mul3A_1325 : vector<16xf32> to vector<1x1x16xf32>
        tpu.vector_store %arg6[%swap3A_1329, %swap3A_1330, %swap3A_1331], %swap3A_1334 {strides = array<i32>} : memref<5x640x32xf32, #tpu.memory_space<vmem>>, vector<1x1x16xf32>,
        %add3A_1335 = arith.constant 3 : i32
        %add3A_1336 = arith.addi %mul3A_1216, %add3A_1335 : i32
        %get3A_1337 = arith.constant 3 : i32
        %get3A_1338 = arith.index_cast %get3A_1337 : i32 to index
        %get3A_1339 = arith.index_cast %add3A_1336 : i32 to index
        %get3A_1340 = arith.constant 0 : index
        %get3A_1341 = tpu.vector_load %arg6[%get3A_1338, %get3A_1339, %get3A_1340] {strides = array<i32>} : memref<5x640x32xf32, #tpu.memory_space<vmem>>, vector<1x1x16xf32>,
        %get3A_1342 = vector.shape_cast %get3A_1341 : vector<1x1x16xf32> to vector<16xf32>
        %mul3A_1343 = arith.constant 5.65685415 : f32
        %mul3A_1344 = vector.broadcast %mul3A_1343 : f32 to vector<16xf32>
        %mul3A_1345 = arith.mulf %get3A_1342, %mul3A_1344 : vector<16xf32>
        %add3A_1346 = arith.constant 3 : i32
        %add3A_1347 = arith.addi %mul3A_1216, %add3A_1346 : i32
        %swap3A_1348 = arith.constant 3 : i32
        %swap3A_1349 = arith.index_cast %swap3A_1348 : i32 to index
        %swap3A_1350 = arith.index_cast %add3A_1347 : i32 to index
        %swap3A_1351 = arith.constant 0 : index
        %swap3A_1352 = tpu.vector_load %arg6[%swap3A_1349, %swap3A_1350, %swap3A_1351] {strides = array<i32>} : memref<5x640x32xf32, #tpu.memory_space<vmem>>, vector<1x1x16xf32>,
        %swap3A_1353 = vector.shape_cast %swap3A_1352 : vector<1x1x16xf32> to vector<16xf32>
        %swap3A_1354 = vector.shape_cast %mul3A_1345 : vector<16xf32> to vector<1x1x16xf32>
        tpu.vector_store %arg6[%swap3A_1349, %swap3A_1350, %swap3A_1351], %swap3A_1354 {strides = array<i32>} : memref<5x640x32xf32, #tpu.memory_space<vmem>>, vector<1x1x16xf32>,
        %add3A_1355 = arith.constant 3 : i32
        %add3A_1356 = arith.addi %mul3A_1216, %add3A_1355 : i32
        %get3A_1357 = arith.constant 3 : i32
        %get3A_1358 = arith.index_cast %get3A_1357 : i32 to index
        %get3A_1359 = arith.index_cast %add3A_1356 : i32 to index
        %get3A_1360 = arith.constant 16 : index
        %get3A_1361 = tpu.vector_load %arg6[%get3A_1358, %get3A_1359, %get3A_1360] {strides = array<i32>} : memref<5x640x32xf32, #tpu.memory_space<vmem>>, vector<1x1x16xf32>,
        %get3A_1362 = vector.shape_cast %get3A_1361 : vector<1x1x16xf32> to vector<16xf32>
        %mul3A_1363 = arith.constant 5.65685415 : f32
        %mul3A_1364 = vector.broadcast %mul3A_1363 : f32 to vector<16xf32>
        %mul3A_1365 = arith.mulf %get3A_1362, %mul3A_1364 : vector<16xf32>
        %add3A_1366 = arith.constant 3 : i32
        %add3A_1367 = arith.addi %mul3A_1216, %add3A_1366 : i32
        %swap3A_1368 = arith.constant 3 : i32
        %swap3A_1369 = arith.index_cast %swap3A_1368 : i32 to index
        %swap3A_1370 = arith.index_cast %add3A_1367 : i32 to index
        %swap3A_1371 = arith.constant 16 : index
        %swap3A_1372 = tpu.vector_load %arg6[%swap3A_1369, %swap3A_1370, %swap3A_1371] {strides = array<i32>} : memref<5x640x32xf32, #tpu.memory_space<vmem>>, vector<1x1x16xf32>,
        %swap3A_1373 = vector.shape_cast %swap3A_1372 : vector<1x1x16xf32> to vector<16xf32>
        %swap3A_1374 = vector.shape_cast %mul3A_1365 : vector<16xf32> to vector<1x1x16xf32>
        tpu.vector_store %arg6[%swap3A_1369, %swap3A_1370, %swap3A_1371], %swap3A_1374 {strides = array<i32>} : memref<5x640x32xf32, #tpu.memory_space<vmem>>, vector<1x1x16xf32>,
        %add3A_1375 = arith.constant 4 : i32
        %add3A_1376 = arith.addi %mul3A_1216, %add3A_1375 : i32
        %get3A_1377 = arith.constant 3 : i32
        %get3A_1378 = arith.index_cast %get3A_1377 : i32 to index
        %get3A_1379 = arith.index_cast %add3A_1376 : i32 to index
        %get3A_1380 = arith.constant 0 : index
        %get3A_1381 = tpu.vector_load %arg6[%get3A_1378, %get3A_1379, %get3A_1380] {strides = array<i32>} : memref<5x640x32xf32, #tpu.memory_space<vmem>>, vector<1x1x16xf32>,
        %get3A_1382 = vector.shape_cast %get3A_1381 : vector<1x1x16xf32> to vector<16xf32>
        %mul3A_1383 = arith.constant 5.65685415 : f32
        %mul3A_1384 = vector.broadcast %mul3A_1383 : f32 to vector<16xf32>
        %mul3A_1385 = arith.mulf %get3A_1382, %mul3A_1384 : vector<16xf32>
        %add3A_1386 = arith.constant 4 : i32
        %add3A_1387 = arith.addi %mul3A_1216, %add3A_1386 : i32
        %swap3A_1388 = arith.constant 3 : i32
        %swap3A_1389 = arith.index_cast %swap3A_1388 : i32 to index
        %swap3A_1390 = arith.index_cast %add3A_1387 : i32 to index
        %swap3A_1391 = arith.constant 0 : index
        %swap3A_1392 = tpu.vector_load %arg6[%swap3A_1389, %swap3A_1390, %swap3A_1391] {strides = array<i32>} : memref<5x640x32xf32, #tpu.memory_space<vmem>>, vector<1x1x16xf32>,
        %swap3A_1393 = vector.shape_cast %swap3A_1392 : vector<1x1x16xf32> to vector<16xf32>
        %swap3A_1394 = vector.shape_cast %mul3A_1385 : vector<16xf32> to vector<1x1x16xf32>
        tpu.vector_store %arg6[%swap3A_1389, %swap3A_1390, %swap3A_1391], %swap3A_1394 {strides = array<i32>} : memref<5x640x32xf32, #tpu.memory_space<vmem>>, vector<1x1x16xf32>,
        %add3A_1395 = arith.constant 4 : i32
        %add3A_1396 = arith.addi %mul3A_1216, %add3A_1395 : i32
        %get3A_1397 = arith.constant 3 : i32
        %get3A_1398 = arith.index_cast %get3A_1397 : i32 to index
        %get3A_1399 = arith.index_cast %add3A_1396 : i32 to index
        %get3A_1400 = arith.constant 16 : index
        %get3A_1401 = tpu.vector_load %arg6[%get3A_1398, %get3A_1399, %get3A_1400] {strides = array<i32>} : memref<5x640x32xf32, #tpu.memory_space<vmem>>, vector<1x1x16xf32>,
        %get3A_1402 = vector.shape_cast %get3A_1401 : vector<1x1x16xf32> to vector<16xf32>
        %mul3A_1403 = arith.constant 5.65685415 : f32
        %mul3A_1404 = vector.broadcast %mul3A_1403 : f32 to vector<16xf32>
        %mul3A_1405 = arith.mulf %get3A_1402, %mul3A_1404 : vector<16xf32>
        %add3A_1406 = arith.constant 4 : i32
        %add3A_1407 = arith.addi %mul3A_1216, %add3A_1406 : i32
        %swap3A_1408 = arith.constant 3 : i32
        %swap3A_1409 = arith.index_cast %swap3A_1408 : i32 to index
        %swap3A_1410 = arith.index_cast %add3A_1407 : i32 to index
        %swap3A_1411 = arith.constant 16 : index
        %swap3A_1412 = tpu.vector_load %arg6[%swap3A_1409, %swap3A_1410, %swap3A_1411] {strides = array<i32>} : memref<5x640x32xf32, #tpu.memory_space<vmem>>, vector<1x1x16xf32>,
        %swap3A_1413 = vector.shape_cast %swap3A_1412 : vector<1x1x16xf32> to vector<16xf32>
        %swap3A_1414 = vector.shape_cast %mul3A_1405 : vector<16xf32> to vector<1x1x16xf32>
        tpu.vector_store %arg6[%swap3A_1409, %swap3A_1410, %swap3A_1411], %swap3A_1414 {strides = array<i32>} : memref<5x640x32xf32, #tpu.memory_space<vmem>>, vector<1x1x16xf32>,
        %add3A_1415 = arith.constant 5 : i32
        %add3A_1416 = arith.addi %mul3A_1216, %add3A_1415 : i32
        %get3A_1417 = arith.constant 3 : i32
        %get3A_1418 = arith.index_cast %get3A_1417 : i32 to index
        %get3A_1419 = arith.index_cast %add3A_1416 : i32 to index
        %get3A_1420 = arith.constant 0 : index
        %get3A_1421 = tpu.vector_load %arg6[%get3A_1418, %get3A_1419, %get3A_1420] {strides = array<i32>} : memref<5x640x32xf32, #tpu.memory_space<vmem>>, vector<1x1x16xf32>,
        %get3A_1422 = vector.shape_cast %get3A_1421 : vector<1x1x16xf32> to vector<16xf32>
        %mul3A_1423 = arith.constant 5.65685415 : f32
        %mul3A_1424 = vector.broadcast %mul3A_1423 : f32 to vector<16xf32>
        %mul3A_1425 = arith.mulf %get3A_1422, %mul3A_1424 : vector<16xf32>
        %add3A_1426 = arith.constant 5 : i32
        %add3A_1427 = arith.addi %mul3A_1216, %add3A_1426 : i32
        %swap3A_1428 = arith.constant 3 : i32
        %swap3A_1429 = arith.index_cast %swap3A_1428 : i32 to index
        %swap3A_1430 = arith.index_cast %add3A_1427 : i32 to index
        %swap3A_1431 = arith.constant 0 : index
        %swap3A_1432 = tpu.vector_load %arg6[%swap3A_1429, %swap3A_1430, %swap3A_1431] {strides = array<i32>} : memref<5x640x32xf32, #tpu.memory_space<vmem>>, vector<1x1x16xf32>,
        %swap3A_1433 = vector.shape_cast %swap3A_1432 : vector<1x1x16xf32> to vector<16xf32>
        %swap3A_1434 = vector.shape_cast %mul3A_1425 : vector<16xf32> to vector<1x1x16xf32>
        tpu.vector_store %arg6[%swap3A_1429, %swap3A_1430, %swap3A_1431], %swap3A_1434 {strides = array<i32>} : memref<5x640x32xf32, #tpu.memory_space<vmem>>, vector<1x1x16xf32>,
        %add3A_1435 = arith.constant 5 : i32
        %add3A_1436 = arith.addi %mul3A_1216, %add3A_1435 : i32
        %get3A_1437 = arith.constant 3 : i32
        %get3A_1438 = arith.index_cast %get3A_1437 : i32 to index
        %get3A_1439 = arith.index_cast %add3A_1436 : i32 to index
        %get3A_1440 = arith.constant 16 : index
        %get3A_1441 = tpu.vector_load %arg6[%get3A_1438, %get3A_1439, %get3A_1440] {strides = array<i32>} : memref<5x640x32xf32, #tpu.memory_space<vmem>>, vector<1x1x16xf32>,
        %get3A_1442 = vector.shape_cast %get3A_1441 : vector<1x1x16xf32> to vector<16xf32>
        %mul3A_1443 = arith.constant 5.65685415 : f32
        %mul3A_1444 = vector.broadcast %mul3A_1443 : f32 to vector<16xf32>
        %mul3A_1445 = arith.mulf %get3A_1442, %mul3A_1444 : vector<16xf32>
        %add3A_1446 = arith.constant 5 : i32
        %add3A_1447 = arith.addi %mul3A_1216, %add3A_1446 : i32
        %swap3A_1448 = arith.constant 3 : i32
        %swap3A_1449 = arith.index_cast %swap3A_1448 : i32 to index
        %swap3A_1450 = arith.index_cast %add3A_1447 : i32 to index
        %swap3A_1451 = arith.constant 16 : index
        %swap3A_1452 = tpu.vector_load %arg6[%swap3A_1449, %swap3A_1450, %swap3A_1451] {strides = array<i32>} : memref<5x640x32xf32, #tpu.memory_space<vmem>>, vector<1x1x16xf32>,
        %swap3A_1453 = vector.shape_cast %swap3A_1452 : vector<1x1x16xf32> to vector<16xf32>
        %swap3A_1454 = vector.shape_cast %mul3A_1445 : vector<16xf32> to vector<1x1x16xf32>
        tpu.vector_store %arg6[%swap3A_1449, %swap3A_1450, %swap3A_1451], %swap3A_1454 {strides = array<i32>} : memref<5x640x32xf32, #tpu.memory_space<vmem>>, vector<1x1x16xf32>,
        %add3A_1455 = arith.constant 6 : i32
        %add3A_1456 = arith.addi %mul3A_1216, %add3A_1455 : i32
        %get3A_1457 = arith.constant 3 : i32
        %get3A_1458 = arith.index_cast %get3A_1457 : i32 to index
        %get3A_1459 = arith.index_cast %add3A_1456 : i32 to index
        %get3A_1460 = arith.constant 0 : index
        %get3A_1461 = tpu.vector_load %arg6[%get3A_1458, %get3A_1459, %get3A_1460] {strides = array<i32>} : memref<5x640x32xf32, #tpu.memory_space<vmem>>, vector<1x1x16xf32>,
        %get3A_1462 = vector.shape_cast %get3A_1461 : vector<1x1x16xf32> to vector<16xf32>
        %mul3A_1463 = arith.constant 5.65685415 : f32
        %mul3A_1464 = vector.broadcast %mul3A_1463 : f32 to vector<16xf32>
        %mul3A_1465 = arith.mulf %get3A_1462, %mul3A_1464 : vector<16xf32>
        %add3A_1466 = arith.constant 6 : i32
        %add3A_1467 = arith.addi %mul3A_1216, %add3A_1466 : i32
        %swap3A_1468 = arith.constant 3 : i32
        %swap3A_1469 = arith.index_cast %swap3A_1468 : i32 to index
        %swap3A_1470 = arith.index_cast %add3A_1467 : i32 to index
        %swap3A_1471 = arith.constant 0 : index
        %swap3A_1472 = tpu.vector_load %arg6[%swap3A_1469, %swap3A_1470, %swap3A_1471] {strides = array<i32>} : memref<5x640x32xf32, #tpu.memory_space<vmem>>, vector<1x1x16xf32>,
        %swap3A_1473 = vector.shape_cast %swap3A_1472 : vector<1x1x16xf32> to vector<16xf32>
        %swap3A_1474 = vector.shape_cast %mul3A_1465 : vector<16xf32> to vector<1x1x16xf32>
        tpu.vector_store %arg6[%swap3A_1469, %swap3A_1470, %swap3A_1471], %swap3A_1474 {strides = array<i32>} : memref<5x640x32xf32, #tpu.memory_space<vmem>>, vector<1x1x16xf32>,
        %add3A_1475 = arith.constant 6 : i32
        %add3A_1476 = arith.addi %mul3A_1216, %add3A_1475 : i32
        %get3A_1477 = arith.constant 3 : i32
        %get3A_1478 = arith.index_cast %get3A_1477 : i32 to index
        %get3A_1479 = arith.index_cast %add3A_1476 : i32 to index
        %get3A_1480 = arith.constant 16 : index
        %get3A_1481 = tpu.vector_load %arg6[%get3A_1478, %get3A_1479, %get3A_1480] {strides = array<i32>} : memref<5x640x32xf32, #tpu.memory_space<vmem>>, vector<1x1x16xf32>,
        %get3A_1482 = vector.shape_cast %get3A_1481 : vector<1x1x16xf32> to vector<16xf32>
        %mul3A_1483 = arith.constant 5.65685415 : f32
        %mul3A_1484 = vector.broadcast %mul3A_1483 : f32 to vector<16xf32>
        %mul3A_1485 = arith.mulf %get3A_1482, %mul3A_1484 : vector<16xf32>
        %add3A_1486 = arith.constant 6 : i32
        %add3A_1487 = arith.addi %mul3A_1216, %add3A_1486 : i32
        %swap3A_1488 = arith.constant 3 : i32
        %swap3A_1489 = arith.index_cast %swap3A_1488 : i32 to index
        %swap3A_1490 = arith.index_cast %add3A_1487 : i32 to index
        %swap3A_1491 = arith.constant 16 : index
        %swap3A_1492 = tpu.vector_load %arg6[%swap3A_1489, %swap3A_1490, %swap3A_1491] {strides = array<i32>} : memref<5x640x32xf32, #tpu.memory_space<vmem>>, vector<1x1x16xf32>,
        %swap3A_1493 = vector.shape_cast %swap3A_1492 : vector<1x1x16xf32> to vector<16xf32>
        %swap3A_1494 = vector.shape_cast %mul3A_1485 : vector<16xf32> to vector<1x1x16xf32>
        tpu.vector_store %arg6[%swap3A_1489, %swap3A_1490, %swap3A_1491], %swap3A_1494 {strides = array<i32>} : memref<5x640x32xf32, #tpu.memory_space<vmem>>, vector<1x1x16xf32>,
        %add3A_1495 = arith.constant 7 : i32
        %add3A_1496 = arith.addi %mul3A_1216, %add3A_1495 : i32
        %get3A_1497 = arith.constant 3 : i32
        %get3A_1498 = arith.index_cast %get3A_1497 : i32 to index
        %get3A_1499 = arith.index_cast %add3A_1496 : i32 to index
        %get3A_1500 = arith.constant 0 : index
        %get3A_1501 = tpu.vector_load %arg6[%get3A_1498, %get3A_1499, %get3A_1500] {strides = array<i32>} : memref<5x640x32xf32, #tpu.memory_space<vmem>>, vector<1x1x16xf32>,
        %get3A_1502 = vector.shape_cast %get3A_1501 : vector<1x1x16xf32> to vector<16xf32>
        %mul3A_1503 = arith.constant 5.65685415 : f32
        %mul3A_1504 = vector.broadcast %mul3A_1503 : f32 to vector<16xf32>
        %mul3A_1505 = arith.mulf %get3A_1502, %mul3A_1504 : vector<16xf32>
        %add3A_1506 = arith.constant 7 : i32
        %add3A_1507 = arith.addi %mul3A_1216, %add3A_1506 : i32
        %swap3A_1508 = arith.constant 3 : i32
        %swap3A_1509 = arith.index_cast %swap3A_1508 : i32 to index
        %swap3A_1510 = arith.index_cast %add3A_1507 : i32 to index
        %swap3A_1511 = arith.constant 0 : index
        %swap3A_1512 = tpu.vector_load %arg6[%swap3A_1509, %swap3A_1510, %swap3A_1511] {strides = array<i32>} : memref<5x640x32xf32, #tpu.memory_space<vmem>>, vector<1x1x16xf32>,
        %swap3A_1513 = vector.shape_cast %swap3A_1512 : vector<1x1x16xf32> to vector<16xf32>
        %swap3A_1514 = vector.shape_cast %mul3A_1505 : vector<16xf32> to vector<1x1x16xf32>
        tpu.vector_store %arg6[%swap3A_1509, %swap3A_1510, %swap3A_1511], %swap3A_1514 {strides = array<i32>} : memref<5x640x32xf32, #tpu.memory_space<vmem>>, vector<1x1x16xf32>,
        %add3A_1515 = arith.constant 7 : i32
        %add3A_1516 = arith.addi %mul3A_1216, %add3A_1515 : i32
        %get3A_1517 = arith.constant 3 : i32
        %get3A_1518 = arith.index_cast %get3A_1517 : i32 to index
        %get3A_1519 = arith.index_cast %add3A_1516 : i32 to index
        %get3A_1520 = arith.constant 16 : index
        %get3A_1521 = tpu.vector_load %arg6[%get3A_1518, %get3A_1519, %get3A_1520] {strides = array<i32>} : memref<5x640x32xf32, #tpu.memory_space<vmem>>, vector<1x1x16xf32>,
        %get3A_1522 = vector.shape_cast %get3A_1521 : vector<1x1x16xf32> to vector<16xf32>
        %mul3A_1523 = arith.constant 5.65685415 : f32
        %mul3A_1524 = vector.broadcast %mul3A_1523 : f32 to vector<16xf32>
        %mul3A_1525 = arith.mulf %get3A_1522, %mul3A_1524 : vector<16xf32>
        %add3A_1526 = arith.constant 7 : i32
        %add3A_1527 = arith.addi %mul3A_1216, %add3A_1526 : i32
        %swap3A_1528 = arith.constant 3 : i32
        %swap3A_1529 = arith.index_cast %swap3A_1528 : i32 to index
        %swap3A_1530 = arith.index_cast %add3A_1527 : i32 to index
        %swap3A_1531 = arith.constant 16 : index
        %swap3A_1532 = tpu.vector_load %arg6[%swap3A_1529, %swap3A_1530, %swap3A_1531] {strides = array<i32>} : memref<5x640x32xf32, #tpu.memory_space<vmem>>, vector<1x1x16xf32>,
        %swap3A_1533 = vector.shape_cast %swap3A_1532 : vector<1x1x16xf32> to vector<16xf32>
        %swap3A_1534 = vector.shape_cast %mul3A_1525 : vector<16xf32> to vector<1x1x16xf32>
        tpu.vector_store %arg6[%swap3A_1529, %swap3A_1530, %swap3A_1531], %swap3A_1534 {strides = array<i32>} : memref<5x640x32xf32, #tpu.memory_space<vmem>>, vector<1x1x16xf32>,
      }
      %scan3A_952 = arith.constant 80 : i32
      %mul3A_953 = arith.constant 16 : i32
      %mul3A_954 = arith.muli %scan3A_377, %mul3A_953 : i32
      %add3A_955 = arith.addi %mul3A_4, %mul3A_954 : i32
      %add3A_956 = arith.constant 9 : i32
      %add3A_957 = arith.addi %add3A_955, %add3A_956 : i32
      %add3A_958 = arith.constant 10 : i32
      %add3A_959 = arith.addi %add3A_955, %add3A_958 : i32
      %add3A_960 = arith.constant 11 : i32
      %add3A_961 = arith.addi %add3A_955, %add3A_960 : i32
      %add3A_962 = arith.constant 12 : i32
      %add3A_963 = arith.addi %add3A_955, %add3A_962 : i32
      %dma_start3A_964 = arith.constant 3 : i32
      %dma_start3A_965 = arith.constant 0 : i32
      %dma_start3A_966 = arith.constant 0 : i32
      %dma_start3A_967 = tpu.memref_slice %arg6[%dma_start3A_964, %dma_start3A_965, %dma_start3A_966] : memref<5x640x32xf32, #tpu.memory_space<vmem>> -> memref<1x80x32xf32, #tpu.memory_space<vmem>>
      %dma_start3A_968 = tpu.memref_squeeze %dma_start3A_967 : memref<1x80x32xf32, #tpu.memory_space<vmem>> -> memref<80x32xf32, #tpu.memory_space<vmem>>
      %dma_start3A_969 = arith.constant 120 : i32
      %dma_start3A_970 = arith.constant 0 : i32
      %dma_start3A_971 = tpu.memref_slice %arg4[%add3A_957, %dma_start3A_969, %dma_start3A_970] : memref<4096x200x32xf32, #tpu.memory_space<hbm>> -> memref<1x80x32xf32, #tpu.memory_space<hbm>>
      %dma_start3A_972 = tpu.memref_squeeze %dma_start3A_971 : memref<1x80x32xf32, #tpu.memory_space<hbm>> -> memref<80x32xf32, #tpu.memory_space<hbm>>
      %dma_start3A_973 = arith.constant 120 : i32
      %dma_start3A_974 = arith.constant 0 : i32
      %dma_start3A_975 = tpu.memref_slice %arg4[%add3A_957, %dma_start3A_973, %dma_start3A_974] : memref<4096x200x32xf32, #tpu.memory_space<hbm>> -> memref<1x80x32xf32, #tpu.memory_space<hbm>>
      %dma_start3A_976 = tpu.memref_squeeze %dma_start3A_975 : memref<1x80x32xf32, #tpu.memory_space<hbm>> -> memref<80x32xf32, #tpu.memory_space<hbm>>
      %dma_start3A_977 = arith.constant 0 : i32
      %dma_start3A_978 = arith.constant 0 : i32
      %dma_start3A_979 = tpu.memref_slice %arg6[%dma_start3A_964, %dma_start3A_977, %dma_start3A_978] : memref<5x640x32xf32, #tpu.memory_space<vmem>> -> memref<1x80x32xf32, #tpu.memory_space<vmem>>
      %dma_start3A_980 = tpu.memref_squeeze %dma_start3A_979 : memref<1x80x32xf32, #tpu.memory_space<vmem>> -> memref<80x32xf32, #tpu.memory_space<vmem>>
      tpu.enqueue_dma source(%dma_start3A_980 : memref<80x32xf32, #tpu.memory_space<vmem>>) target(%dma_start3A_976 : memref<80x32xf32, #tpu.memory_space<hbm>>) target_semaphore(%arg15 : memref<!tpu.dma_semaphore, #tpu.memory_space<semaphore_mem>>)
      %dma_start3A_981 = arith.constant 3 : i32
      %dma_start3A_982 = arith.constant 80 : i32
      %dma_start3A_983 = arith.constant 0 : i32
      %dma_start3A_984 = tpu.memref_slice %arg6[%dma_start3A_981, %dma_start3A_982, %dma_start3A_983] : memref<5x640x32xf32, #tpu.memory_space<vmem>> -> memref<1x200x32xf32, #tpu.memory_space<vmem>>
      %dma_start3A_985 = tpu.memref_squeeze %dma_start3A_984 : memref<1x200x32xf32, #tpu.memory_space<vmem>> -> memref<200x32xf32, #tpu.memory_space<vmem>>
      %dma_start3A_986 = arith.constant 0 : i32
      %dma_start3A_987 = arith.constant 0 : i32
      %dma_start3A_988 = tpu.memref_slice %arg4[%add3A_959, %dma_start3A_986, %dma_start3A_987] : memref<4096x200x32xf32, #tpu.memory_space<hbm>> -> memref<1x200x32xf32, #tpu.memory_space<hbm>>
      %dma_start3A_989 = tpu.memref_squeeze %dma_start3A_988 : memref<1x200x32xf32, #tpu.memory_space<hbm>> -> memref<200x32xf32, #tpu.memory_space<hbm>>
      %dma_start3A_990 = arith.constant 0 : i32
      %dma_start3A_991 = arith.constant 0 : i32
      %dma_start3A_992 = tpu.memref_slice %arg4[%add3A_959, %dma_start3A_990, %dma_start3A_991] : memref<4096x200x32xf32, #tpu.memory_space<hbm>> -> memref<1x200x32xf32, #tpu.memory_space<hbm>>
      %dma_start3A_993 = tpu.memref_squeeze %dma_start3A_992 : memref<1x200x32xf32, #tpu.memory_space<hbm>> -> memref<200x32xf32, #tpu.memory_space<hbm>>
      %dma_start3A_994 = arith.constant 80 : i32
      %dma_start3A_995 = arith.constant 0 : i32
      %dma_start3A_996 = tpu.memref_slice %arg6[%dma_start3A_981, %dma_start3A_994, %dma_start3A_995] : memref<5x640x32xf32, #tpu.memory_space<vmem>> -> memref<1x200x32xf32, #tpu.memory_space<vmem>>
      %dma_start3A_997 = tpu.memref_squeeze %dma_start3A_996 : memref<1x200x32xf32, #tpu.memory_space<vmem>> -> memref<200x32xf32, #tpu.memory_space<vmem>>
      tpu.enqueue_dma source(%dma_start3A_997 : memref<200x32xf32, #tpu.memory_space<vmem>>) target(%dma_start3A_993 : memref<200x32xf32, #tpu.memory_space<hbm>>) target_semaphore(%arg15 : memref<!tpu.dma_semaphore, #tpu.memory_space<semaphore_mem>>)
      %dma_start3A_998 = arith.constant 3 : i32
      %dma_start3A_999 = arith.constant 280 : i32
      %dma_start3A_1000 = arith.constant 0 : i32
      %dma_start3A_1001 = tpu.memref_slice %arg6[%dma_start3A_998, %dma_start3A_999, %dma_start3A_1000] : memref<5x640x32xf32, #tpu.memory_space<vmem>> -> memref<1x200x32xf32, #tpu.memory_space<vmem>>
      %dma_start3A_1002 = tpu.memref_squeeze %dma_start3A_1001 : memref<1x200x32xf32, #tpu.memory_space<vmem>> -> memref<200x32xf32, #tpu.memory_space<vmem>>
      %dma_start3A_1003 = arith.constant 0 : i32
      %dma_start3A_1004 = arith.constant 0 : i32
      %dma_start3A_1005 = tpu.memref_slice %arg4[%add3A_961, %dma_start3A_1003, %dma_start3A_1004] : memref<4096x200x32xf32, #tpu.memory_space<hbm>> -> memref<1x200x32xf32, #tpu.memory_space<hbm>>
      %dma_start3A_1006 = tpu.memref_squeeze %dma_start3A_1005 : memref<1x200x32xf32, #tpu.memory_space<hbm>> -> memref<200x32xf32, #tpu.memory_space<hbm>>
      %dma_start3A_1007 = arith.constant 0 : i32
      %dma_start3A_1008 = arith.constant 0 : i32
      %dma_start3A_1009 = tpu.memref_slice %arg4[%add3A_961, %dma_start3A_1007, %dma_start3A_1008] : memref<4096x200x32xf32, #tpu.memory_space<hbm>> -> memref<1x200x32xf32, #tpu.memory_space<hbm>>
      %dma_start3A_1010 = tpu.memref_squeeze %dma_start3A_1009 : memref<1x200x32xf32, #tpu.memory_space<hbm>> -> memref<200x32xf32, #tpu.memory_space<hbm>>
      %dma_start3A_1011 = arith.constant 280 : i32
      %dma_start3A_1012 = arith.constant 0 : i32
      %dma_start3A_1013 = tpu.memref_slice %arg6[%dma_start3A_998, %dma_start3A_1011, %dma_start3A_1012] : memref<5x640x32xf32, #tpu.memory_space<vmem>> -> memref<1x200x32xf32, #tpu.memory_space<vmem>>
      %dma_start3A_1014 = tpu.memref_squeeze %dma_start3A_1013 : memref<1x200x32xf32, #tpu.memory_space<vmem>> -> memref<200x32xf32, #tpu.memory_space<vmem>>
      tpu.enqueue_dma source(%dma_start3A_1014 : memref<200x32xf32, #tpu.memory_space<vmem>>) target(%dma_start3A_1010 : memref<200x32xf32, #tpu.memory_space<hbm>>) target_semaphore(%arg15 : memref<!tpu.dma_semaphore, #tpu.memory_space<semaphore_mem>>)
      %dma_start3A_1015 = arith.constant 3 : i32
      %dma_start3A_1016 = arith.constant 480 : i32
      %dma_start3A_1017 = arith.constant 0 : i32
      %dma_start3A_1018 = tpu.memref_slice %arg6[%dma_start3A_1015, %dma_start3A_1016, %dma_start3A_1017] : memref<5x640x32xf32, #tpu.memory_space<vmem>> -> memref<1x160x32xf32, #tpu.memory_space<vmem>>
      %dma_start3A_1019 = tpu.memref_squeeze %dma_start3A_1018 : memref<1x160x32xf32, #tpu.memory_space<vmem>> -> memref<160x32xf32, #tpu.memory_space<vmem>>
      %dma_start3A_1020 = arith.constant 0 : i32
      %dma_start3A_1021 = arith.constant 0 : i32
      %dma_start3A_1022 = tpu.memref_slice %arg4[%add3A_963, %dma_start3A_1020, %dma_start3A_1021] : memref<4096x200x32xf32, #tpu.memory_space<hbm>> -> memref<1x160x32xf32, #tpu.memory_space<hbm>>
      %dma_start3A_1023 = tpu.memref_squeeze %dma_start3A_1022 : memref<1x160x32xf32, #tpu.memory_space<hbm>> -> memref<160x32xf32, #tpu.memory_space<hbm>>
      %dma_start3A_1024 = arith.constant 0 : i32
      %dma_start3A_1025 = arith.constant 0 : i32
      %dma_start3A_1026 = tpu.memref_slice %arg4[%add3A_963, %dma_start3A_1024, %dma_start3A_1025] : memref<4096x200x32xf32, #tpu.memory_space<hbm>> -> memref<1x160x32xf32, #tpu.memory_space<hbm>>
      %dma_start3A_1027 = tpu.memref_squeeze %dma_start3A_1026 : memref<1x160x32xf32, #tpu.memory_space<hbm>> -> memref<160x32xf32, #tpu.memory_space<hbm>>
      %dma_start3A_1028 = arith.constant 480 : i32
      %dma_start3A_1029 = arith.constant 0 : i32
      %dma_start3A_1030 = tpu.memref_slice %arg6[%dma_start3A_1015, %dma_start3A_1028, %dma_start3A_1029] : memref<5x640x32xf32, #tpu.memory_space<vmem>> -> memref<1x160x32xf32, #tpu.memory_space<vmem>>
      %dma_start3A_1031 = tpu.memref_squeeze %dma_start3A_1030 : memref<1x160x32xf32, #tpu.memory_space<vmem>> -> memref<160x32xf32, #tpu.memory_space<vmem>>
      tpu.enqueue_dma source(%dma_start3A_1031 : memref<160x32xf32, #tpu.memory_space<vmem>>) target(%dma_start3A_1027 : memref<160x32xf32, #tpu.memory_space<hbm>>) target_semaphore(%arg15 : memref<!tpu.dma_semaphore, #tpu.memory_space<semaphore_mem>>)
      %add3A_1032 = arith.constant 2 : i32
      %add3A_1033 = arith.addi %add3A_881, %add3A_1032 : i32
      %add3A_1034 = arith.constant 0 : i32
      %add3A_1035 = arith.addi %scan3A_377, %add3A_1034 : i32
      %ge3A_1036 = arith.constant 5 : i32
      %ge3A_1037 = arith.cmpi sge, %add3A_1033, %ge3A_1036 : i32
      %convert_element_type3A_1038 = arith.extui %ge3A_1037 : i1 to i32
      %cond3A_1039 = arith.constant 0 : i32
      %cond3A_1040 = arith.cmpi ne, %convert_element_type3A_1038, %cond3A_1039 : i32
      scf.if %cond3A_1040 {
        %mul3A_1214 = arith.constant 16 : i32
        %mul3A_1215 = arith.muli %add3A_1035, %mul3A_1214 : i32
        %add3A_1216 = arith.addi %mul3A_4, %mul3A_1215 : i32
        %add3A_1217 = arith.constant 0 : i32
        %add3A_1218 = arith.addi %add3A_1216, %add3A_1217 : i32
        %add3A_1219 = arith.constant 1 : i32
        %add3A_1220 = arith.addi %add3A_1216, %add3A_1219 : i32
        %add3A_1221 = arith.constant 2 : i32
        %add3A_1222 = arith.addi %add3A_1216, %add3A_1221 : i32
        %add3A_1223 = arith.constant 3 : i32
        %add3A_1224 = arith.addi %add3A_1216, %add3A_1223 : i32
        %dma_wait3A_1225 = arith.constant 0 : i32
        %dma_wait3A_1226 = arith.constant 0 : i32
        %dma_wait3A_1227 = arith.constant 0 : i32
        %dma_wait3A_1228 = tpu.memref_slice %arg6[%dma_wait3A_1225, %dma_wait3A_1226, %dma_wait3A_1227] : memref<5x640x32xf32, #tpu.memory_space<vmem>> -> memref<1x200x32xf32, #tpu.memory_space<vmem>>
        %dma_wait3A_1229 = tpu.memref_squeeze %dma_wait3A_1228 : memref<1x200x32xf32, #tpu.memory_space<vmem>> -> memref<200x32xf32, #tpu.memory_space<vmem>>
        %dma_wait3A_1230 = arith.constant 0 : i32
        %dma_wait3A_1231 = arith.constant 0 : i32
        %dma_wait3A_1232 = tpu.memref_slice %arg4[%add3A_1218, %dma_wait3A_1230, %dma_wait3A_1231] : memref<4096x200x32xf32, #tpu.memory_space<hbm>> -> memref<1x200x32xf32, #tpu.memory_space<hbm>>
        %dma_wait3A_1233 = tpu.memref_squeeze %dma_wait3A_1232 : memref<1x200x32xf32, #tpu.memory_space<hbm>> -> memref<200x32xf32, #tpu.memory_space<hbm>>
        %dma_wait3A_1234 = arith.constant 0 : i32
        %dma_wait3A_1235 = arith.constant 0 : i32
        %dma_wait3A_1236 = tpu.memref_slice %arg4[%add3A_1218, %dma_wait3A_1234, %dma_wait3A_1235] : memref<4096x200x32xf32, #tpu.memory_space<hbm>> -> memref<1x200x32xf32, #tpu.memory_space<hbm>>
        %dma_wait3A_1237 = tpu.memref_squeeze %dma_wait3A_1236 : memref<1x200x32xf32, #tpu.memory_space<hbm>> -> memref<200x32xf32, #tpu.memory_space<hbm>>
        %dma_wait3A_1238 = arith.constant 0 : i32
        %dma_wait3A_1239 = arith.constant 0 : i32
        %dma_wait3A_1240 = tpu.memref_slice %arg6[%dma_wait3A_1225, %dma_wait3A_1238, %dma_wait3A_1239] : memref<5x640x32xf32, #tpu.memory_space<vmem>> -> memref<1x200x32xf32, #tpu.memory_space<vmem>>
        %dma_wait3A_1241 = tpu.memref_squeeze %dma_wait3A_1240 : memref<1x200x32xf32, #tpu.memory_space<vmem>> -> memref<200x32xf32, #tpu.memory_space<vmem>>
        tpu.wait_dma2 semaphore(%arg12 : memref<!tpu.dma_semaphore, #tpu.memory_space<semaphore_mem>>) src(%dma_wait3A_1241 : memref<200x32xf32, #tpu.memory_space<vmem>>) dst(%dma_wait3A_1237 : memref<200x32xf32, #tpu.memory_space<hbm>>)
        %dma_wait3A_1242 = arith.constant 0 : i32
        %dma_wait3A_1243 = arith.constant 200 : i32
        %dma_wait3A_1244 = arith.constant 0 : i32
        %dma_wait3A_1245 = tpu.memref_slice %arg6[%dma_wait3A_1242, %dma_wait3A_1243, %dma_wait3A_1244] : memref<5x640x32xf32, #tpu.memory_space<vmem>> -> memref<1x200x32xf32, #tpu.memory_space<vmem>>
        %dma_wait3A_1246 = tpu.memref_squeeze %dma_wait3A_1245 : memref<1x200x32xf32, #tpu.memory_space<vmem>> -> memref<200x32xf32, #tpu.memory_space<vmem>>
        %dma_wait3A_1247 = arith.constant 0 : i32
        %dma_wait3A_1248 = arith.constant 0 : i32
        %dma_wait3A_1249 = tpu.memref_slice %arg4[%add3A_1220, %dma_wait3A_1247, %dma_wait3A_1248] : memref<4096x200x32xf32, #tpu.memory_space<hbm>> -> memref<1x200x32xf32, #tpu.memory_space<hbm>>
        %dma_wait3A_1250 = tpu.memref_squeeze %dma_wait3A_1249 : memref<1x200x32xf32, #tpu.memory_space<hbm>> -> memref<200x32xf32, #tpu.memory_space<hbm>>
        %dma_wait3A_1251 = arith.constant 0 : i32
        %dma_wait3A_1252 = arith.constant 0 : i32
        %dma_wait3A_1253 = tpu.memref_slice %arg4[%add3A_1220, %dma_wait3A_1251, %dma_wait3A_1252] : memref<4096x200x32xf32, #tpu.memory_space<hbm>> -> memref<1x200x32xf32, #tpu.memory_space<hbm>>
        %dma_wait3A_1254 = tpu.memref_squeeze %dma_wait3A_1253 : memref<1x200x32xf32, #tpu.memory_space<hbm>> -> memref<200x32xf32, #tpu.memory_space<hbm>>
        %dma_wait3A_1255 = arith.constant 200 : i32
        %dma_wait3A_1256 = arith.constant 0 : i32
        %dma_wait3A_1257 = tpu.memref_slice %arg6[%dma_wait3A_1242, %dma_wait3A_1255, %dma_wait3A_1256] : memref<5x640x32xf32, #tpu.memory_space<vmem>> -> memref<1x200x32xf32, #tpu.memory_space<vmem>>
        %dma_wait3A_1258 = tpu.memref_squeeze %dma_wait3A_1257 : memref<1x200x32xf32, #tpu.memory_space<vmem>> -> memref<200x32xf32, #tpu.memory_space<vmem>>
        tpu.wait_dma2 semaphore(%arg12 : memref<!tpu.dma_semaphore, #tpu.memory_space<semaphore_mem>>) src(%dma_wait3A_1258 : memref<200x32xf32, #tpu.memory_space<vmem>>) dst(%dma_wait3A_1254 : memref<200x32xf32, #tpu.memory_space<hbm>>)
        %dma_wait3A_1259 = arith.constant 0 : i32
        %dma_wait3A_1260 = arith.constant 400 : i32
        %dma_wait3A_1261 = arith.constant 0 : i32
        %dma_wait3A_1262 = tpu.memref_slice %arg6[%dma_wait3A_1259, %dma_wait3A_1260, %dma_wait3A_1261] : memref<5x640x32xf32, #tpu.memory_space<vmem>> -> memref<1x200x32xf32, #tpu.memory_space<vmem>>
        %dma_wait3A_1263 = tpu.memref_squeeze %dma_wait3A_1262 : memref<1x200x32xf32, #tpu.memory_space<vmem>> -> memref<200x32xf32, #tpu.memory_space<vmem>>
        %dma_wait3A_1264 = arith.constant 0 : i32
        %dma_wait3A_1265 = arith.constant 0 : i32
        %dma_wait3A_1266 = tpu.memref_slice %arg4[%add3A_1222, %dma_wait3A_1264, %dma_wait3A_1265] : memref<4096x200x32xf32, #tpu.memory_space<hbm>> -> memref<1x200x32xf32, #tpu.memory_space<hbm>>
        %dma_wait3A_1267 = tpu.memref_squeeze %dma_wait3A_1266 : memref<1x200x32xf32, #tpu.memory_space<hbm>> -> memref<200x32xf32, #tpu.memory_space<hbm>>
        %dma_wait3A_1268 = arith.constant 0 : i32
        %dma_wait3A_1269 = arith.constant 0 : i32
        %dma_wait3A_1270 = tpu.memref_slice %arg4[%add3A_1222, %dma_wait3A_1268, %dma_wait3A_1269] : memref<4096x200x32xf32, #tpu.memory_space<hbm>> -> memref<1x200x32xf32, #tpu.memory_space<hbm>>
        %dma_wait3A_1271 = tpu.memref_squeeze %dma_wait3A_1270 : memref<1x200x32xf32, #tpu.memory_space<hbm>> -> memref<200x32xf32, #tpu.memory_space<hbm>>
        %dma_wait3A_1272 = arith.constant 400 : i32
        %dma_wait3A_1273 = arith.constant 0 : i32
        %dma_wait3A_1274 = tpu.memref_slice %arg6[%dma_wait3A_1259, %dma_wait3A_1272, %dma_wait3A_1273] : memref<5x640x32xf32, #tpu.memory_space<vmem>> -> memref<1x200x32xf32, #tpu.memory_space<vmem>>
        %dma_wait3A_1275 = tpu.memref_squeeze %dma_wait3A_1274 : memref<1x200x32xf32, #tpu.memory_space<vmem>> -> memref<200x32xf32, #tpu.memory_space<vmem>>
        tpu.wait_dma2 semaphore(%arg12 : memref<!tpu.dma_semaphore, #tpu.memory_space<semaphore_mem>>) src(%dma_wait3A_1275 : memref<200x32xf32, #tpu.memory_space<vmem>>) dst(%dma_wait3A_1271 : memref<200x32xf32, #tpu.memory_space<hbm>>)
        %dma_wait3A_1276 = arith.constant 0 : i32
        %dma_wait3A_1277 = arith.constant 600 : i32
        %dma_wait3A_1278 = arith.constant 0 : i32
        %dma_wait3A_1279 = tpu.memref_slice %arg6[%dma_wait3A_1276, %dma_wait3A_1277, %dma_wait3A_1278] : memref<5x640x32xf32, #tpu.memory_space<vmem>> -> memref<1x40x32xf32, #tpu.memory_space<vmem>>
        %dma_wait3A_1280 = tpu.memref_squeeze %dma_wait3A_1279 : memref<1x40x32xf32, #tpu.memory_space<vmem>> -> memref<40x32xf32, #tpu.memory_space<vmem>>
        %dma_wait3A_1281 = arith.constant 0 : i32
        %dma_wait3A_1282 = arith.constant 0 : i32
        %dma_wait3A_1283 = tpu.memref_slice %arg4[%add3A_1224, %dma_wait3A_1281, %dma_wait3A_1282] : memref<4096x200x32xf32, #tpu.memory_space<hbm>> -> memref<1x40x32xf32, #tpu.memory_space<hbm>>
        %dma_wait3A_1284 = tpu.memref_squeeze %dma_wait3A_1283 : memref<1x40x32xf32, #tpu.memory_space<hbm>> -> memref<40x32xf32, #tpu.memory_space<hbm>>
        %dma_wait3A_1285 = arith.constant 0 : i32
        %dma_wait3A_1286 = arith.constant 0 : i32
        %dma_wait3A_1287 = tpu.memref_slice %arg4[%add3A_1224, %dma_wait3A_1285, %dma_wait3A_1286] : memref<4096x200x32xf32, #tpu.memory_space<hbm>> -> memref<1x40x32xf32, #tpu.memory_space<hbm>>
        %dma_wait3A_1288 = tpu.memref_squeeze %dma_wait3A_1287 : memref<1x40x32xf32, #tpu.memory_space<hbm>> -> memref<40x32xf32, #tpu.memory_space<hbm>>
        %dma_wait3A_1289 = arith.constant 600 : i32
        %dma_wait3A_1290 = arith.constant 0 : i32
        %dma_wait3A_1291 = tpu.memref_slice %arg6[%dma_wait3A_1276, %dma_wait3A_1289, %dma_wait3A_1290] : memref<5x640x32xf32, #tpu.memory_space<vmem>> -> memref<1x40x32xf32, #tpu.memory_space<vmem>>
        %dma_wait3A_1292 = tpu.memref_squeeze %dma_wait3A_1291 : memref<1x40x32xf32, #tpu.memory_space<vmem>> -> memref<40x32xf32, #tpu.memory_space<vmem>>
        tpu.wait_dma2 semaphore(%arg12 : memref<!tpu.dma_semaphore, #tpu.memory_space<semaphore_mem>>) src(%dma_wait3A_1292 : memref<40x32xf32, #tpu.memory_space<vmem>>) dst(%dma_wait3A_1288 : memref<40x32xf32, #tpu.memory_space<hbm>>)
      } else {
      }
      %lt3A_1041 = arith.constant 40 : i32
      %lt3A_1042 = arith.cmpi slt, %add3A_1033, %lt3A_1041 : i32
      %convert_element_type3A_1043 = arith.extui %lt3A_1042 : i1 to i32
      %cond3A_1044 = arith.constant 0 : i32
      %cond3A_1045 = arith.cmpi ne, %convert_element_type3A_1043, %cond3A_1044 : i32
      scf.if %cond3A_1045 {
        %mul3A_1214 = arith.constant 5 : i32
        %mul3A_1215 = arith.muli %add3A_1033, %mul3A_1214 : i32
        %add3A_1216 = arith.addi %mul3A_2, %mul3A_1215 : i32
        %run_scoped3A_1217 = arith.constant 0 : i32
        "tpu.region"() ({
          %run_scoped3A_1283 = tpu.sem_alloc : memref<!tpu.dma_semaphore, #tpu.memory_space<semaphore_mem>>
          %dma_start3A_1284 = arith.constant 0 : i32
          %dma_start3A_1285 = arith.constant 0 : i32
          %dma_start3A_1286 = tpu.memref_slice %arg5[%run_scoped3A_1217, %dma_start3A_1284, %dma_start3A_1285] : memref<5x5x128xi32, #tpu.memory_space<vmem>> -> memref<1x5x128xi32, #tpu.memory_space<vmem>>
          %dma_start3A_1287 = tpu.memref_squeeze %dma_start3A_1286 : memref<1x5x128xi32, #tpu.memory_space<vmem>> -> memref<5x128xi32, #tpu.memory_space<vmem>>
          %dma_start3A_1288 = arith.constant 0 : i32
          %dma_start3A_1289 = tpu.memref_slice %arg3[%add3A_1216, %dma_start3A_1288] : memref<6400x128xi32, #tpu.memory_space<hbm>> -> memref<5x128xi32, #tpu.memory_space<hbm>>
          %dma_start3A_1290 = arith.constant 0 : i32
          %dma_start3A_1291 = arith.constant 0 : i32
          %dma_start3A_1292 = tpu.memref_slice %arg5[%run_scoped3A_1217, %dma_start3A_1290, %dma_start3A_1291] : memref<5x5x128xi32, #tpu.memory_space<vmem>> -> memref<1x5x128xi32, #tpu.memory_space<vmem>>
          %dma_start3A_1293 = tpu.memref_squeeze %dma_start3A_1292 : memref<1x5x128xi32, #tpu.memory_space<vmem>> -> memref<5x128xi32, #tpu.memory_space<vmem>>
          %dma_start3A_1294 = arith.constant 0 : i32
          %dma_start3A_1295 = tpu.memref_slice %arg3[%add3A_1216, %dma_start3A_1294] : memref<6400x128xi32, #tpu.memory_space<hbm>> -> memref<5x128xi32, #tpu.memory_space<hbm>>
          tpu.enqueue_dma source(%dma_start3A_1295 : memref<5x128xi32, #tpu.memory_space<hbm>>) target(%dma_start3A_1293 : memref<5x128xi32, #tpu.memory_space<vmem>>) target_semaphore(%run_scoped3A_1283 : memref<!tpu.dma_semaphore, #tpu.memory_space<semaphore_mem>>)
          %dma_wait3A_1296 = arith.constant 0 : i32
          %dma_wait3A_1297 = arith.constant 0 : i32
          %dma_wait3A_1298 = tpu.memref_slice %arg5[%run_scoped3A_1217, %dma_wait3A_1296, %dma_wait3A_1297] : memref<5x5x128xi32, #tpu.memory_space<vmem>> -> memref<1x5x128xi32, #tpu.memory_space<vmem>>
          %dma_wait3A_1299 = tpu.memref_squeeze %dma_wait3A_1298 : memref<1x5x128xi32, #tpu.memory_space<vmem>> -> memref<5x128xi32, #tpu.memory_space<vmem>>
          %dma_wait3A_1300 = arith.constant 0 : i32
          %dma_wait3A_1301 = tpu.memref_slice %arg3[%add3A_1216, %dma_wait3A_1300] : memref<6400x128xi32, #tpu.memory_space<hbm>> -> memref<5x128xi32, #tpu.memory_space<hbm>>
          %dma_wait3A_1302 = arith.constant 0 : i32
          %dma_wait3A_1303 = arith.constant 0 : i32
          %dma_wait3A_1304 = tpu.memref_slice %arg5[%run_scoped3A_1217, %dma_wait3A_1302, %dma_wait3A_1303] : memref<5x5x128xi32, #tpu.memory_space<vmem>> -> memref<1x5x128xi32, #tpu.memory_space<vmem>>
          %dma_wait3A_1305 = tpu.memref_squeeze %dma_wait3A_1304 : memref<1x5x128xi32, #tpu.memory_space<vmem>> -> memref<5x128xi32, #tpu.memory_space<vmem>>
          %dma_wait3A_1306 = arith.constant 0 : i32
          %dma_wait3A_1307 = tpu.memref_slice %arg3[%add3A_1216, %dma_wait3A_1306] : memref<6400x128xi32, #tpu.memory_space<hbm>> -> memref<5x128xi32, #tpu.memory_space<hbm>>
          tpu.wait_dma2 semaphore(%run_scoped3A_1283 : memref<!tpu.dma_semaphore, #tpu.memory_space<semaphore_mem>>) src(%dma_wait3A_1307 : memref<5x128xi32, #tpu.memory_space<hbm>>) dst(%dma_wait3A_1305 : memref<5x128xi32, #tpu.memory_space<vmem>>)
          tpu.yield
        }) : () -> ()
        %dma_start3A_1218 = arith.constant 0 : i32
        %dma_start3A_1219 = arith.constant 0 : i32
        %dma_start3A_1220 = arith.constant 0 : i32
        %dma_start3A_1221 = arith.constant 0 : i32
        %dma_start3A_1222 = arith.constant 0 : i32
        %dma_start3A_1223 = tpu.memref_slice %arg6[%dma_start3A_1220, %dma_start3A_1221, %dma_start3A_1222] : memref<5x640x32xf32, #tpu.memory_space<vmem>> -> memref<1x128x32xf32, #tpu.memory_space<vmem>>
        %dma_start3A_1224 = tpu.memref_squeeze %dma_start3A_1223 : memref<1x128x32xf32, #tpu.memory_space<vmem>> -> memref<128x32xf32, #tpu.memory_space<vmem>>
        %dma_start3A_1225 = arith.constant 0 : i32
        %dma_start3A_1226 = tpu.memref_slice %arg5[%dma_start3A_1218, %dma_start3A_1219, %dma_start3A_1225] : memref<5x5x128xi32, #tpu.memory_space<vmem>> -> memref<1x1x128xi32, #tpu.memory_space<vmem>>
        %dma_start3A_1227 = tpu.memref_squeeze %dma_start3A_1226 : memref<1x1x128xi32, #tpu.memory_space<vmem>> -> memref<128xi32, #tpu.memory_space<vmem>>
        %dma_start3A_1228 = arith.constant 0 : i32
        %dma_start3A_1229 = arith.constant 0 : i32
        %dma_start3A_1230 = tpu.memref_slice %arg2[%dma_start3A_1228, %dma_start3A_1229] : memref<1000000x32xf32, #tpu.memory_space<hbm>> -> memref<1000000x32xf32, #tpu.memory_space<hbm>>
        tpu.enqueue_indirect_dma source(%dma_start3A_1230 : memref<1000000x32xf32, #tpu.memory_space<hbm>>) target(%dma_start3A_1224 : memref<128x32xf32, #tpu.memory_space<vmem>>) offsets(%dma_start3A_1227 : memref<128xi32, #tpu.memory_space<vmem>>) semaphore(%arg7 : memref<!tpu.dma_semaphore, #tpu.memory_space<semaphore_mem>>)
        %dma_start3A_1231 = arith.constant 0 : i32
        %dma_start3A_1232 = arith.constant 1 : i32
        %dma_start3A_1233 = arith.constant 0 : i32
        %dma_start3A_1234 = arith.constant 128 : i32
        %dma_start3A_1235 = arith.constant 0 : i32
        %dma_start3A_1236 = tpu.memref_slice %arg6[%dma_start3A_1233, %dma_start3A_1234, %dma_start3A_1235] : memref<5x640x32xf32, #tpu.memory_space<vmem>> -> memref<1x128x32xf32, #tpu.memory_space<vmem>>
        %dma_start3A_1237 = tpu.memref_squeeze %dma_start3A_1236 : memref<1x128x32xf32, #tpu.memory_space<vmem>> -> memref<128x32xf32, #tpu.memory_space<vmem>>
        %dma_start3A_1238 = arith.constant 0 : i32
        %dma_start3A_1239 = tpu.memref_slice %arg5[%dma_start3A_1231, %dma_start3A_1232, %dma_start3A_1238] : memref<5x5x128xi32, #tpu.memory_space<vmem>> -> memref<1x1x128xi32, #tpu.memory_space<vmem>>
        %dma_start3A_1240 = tpu.memref_squeeze %dma_start3A_1239 : memref<1x1x128xi32, #tpu.memory_space<vmem>> -> memref<128xi32, #tpu.memory_space<vmem>>
        %dma_start3A_1241 = arith.constant 0 : i32
        %dma_start3A_1242 = arith.constant 0 : i32
        %dma_start3A_1243 = tpu.memref_slice %arg2[%dma_start3A_1241, %dma_start3A_1242] : memref<1000000x32xf32, #tpu.memory_space<hbm>> -> memref<1000000x32xf32, #tpu.memory_space<hbm>>
        tpu.enqueue_indirect_dma source(%dma_start3A_1243 : memref<1000000x32xf32, #tpu.memory_space<hbm>>) target(%dma_start3A_1237 : memref<128x32xf32, #tpu.memory_space<vmem>>) offsets(%dma_start3A_1240 : memref<128xi32, #tpu.memory_space<vmem>>) semaphore(%arg7 : memref<!tpu.dma_semaphore, #tpu.memory_space<semaphore_mem>>)
        %dma_start3A_1244 = arith.constant 0 : i32
        %dma_start3A_1245 = arith.constant 2 : i32
        %dma_start3A_1246 = arith.constant 0 : i32
        %dma_start3A_1247 = arith.constant 256 : i32
        %dma_start3A_1248 = arith.constant 0 : i32
        %dma_start3A_1249 = tpu.memref_slice %arg6[%dma_start3A_1246, %dma_start3A_1247, %dma_start3A_1248] : memref<5x640x32xf32, #tpu.memory_space<vmem>> -> memref<1x128x32xf32, #tpu.memory_space<vmem>>
        %dma_start3A_1250 = tpu.memref_squeeze %dma_start3A_1249 : memref<1x128x32xf32, #tpu.memory_space<vmem>> -> memref<128x32xf32, #tpu.memory_space<vmem>>
        %dma_start3A_1251 = arith.constant 0 : i32
        %dma_start3A_1252 = tpu.memref_slice %arg5[%dma_start3A_1244, %dma_start3A_1245, %dma_start3A_1251] : memref<5x5x128xi32, #tpu.memory_space<vmem>> -> memref<1x1x128xi32, #tpu.memory_space<vmem>>
        %dma_start3A_1253 = tpu.memref_squeeze %dma_start3A_1252 : memref<1x1x128xi32, #tpu.memory_space<vmem>> -> memref<128xi32, #tpu.memory_space<vmem>>
        %dma_start3A_1254 = arith.constant 0 : i32
        %dma_start3A_1255 = arith.constant 0 : i32
        %dma_start3A_1256 = tpu.memref_slice %arg2[%dma_start3A_1254, %dma_start3A_1255] : memref<1000000x32xf32, #tpu.memory_space<hbm>> -> memref<1000000x32xf32, #tpu.memory_space<hbm>>
        tpu.enqueue_indirect_dma source(%dma_start3A_1256 : memref<1000000x32xf32, #tpu.memory_space<hbm>>) target(%dma_start3A_1250 : memref<128x32xf32, #tpu.memory_space<vmem>>) offsets(%dma_start3A_1253 : memref<128xi32, #tpu.memory_space<vmem>>) semaphore(%arg7 : memref<!tpu.dma_semaphore, #tpu.memory_space<semaphore_mem>>)
        %dma_start3A_1257 = arith.constant 0 : i32
        %dma_start3A_1258 = arith.constant 3 : i32
        %dma_start3A_1259 = arith.constant 0 : i32
        %dma_start3A_1260 = arith.constant 384 : i32
        %dma_start3A_1261 = arith.constant 0 : i32
        %dma_start3A_1262 = tpu.memref_slice %arg6[%dma_start3A_1259, %dma_start3A_1260, %dma_start3A_1261] : memref<5x640x32xf32, #tpu.memory_space<vmem>> -> memref<1x128x32xf32, #tpu.memory_space<vmem>>
        %dma_start3A_1263 = tpu.memref_squeeze %dma_start3A_1262 : memref<1x128x32xf32, #tpu.memory_space<vmem>> -> memref<128x32xf32, #tpu.memory_space<vmem>>
        %dma_start3A_1264 = arith.constant 0 : i32
        %dma_start3A_1265 = tpu.memref_slice %arg5[%dma_start3A_1257, %dma_start3A_1258, %dma_start3A_1264] : memref<5x5x128xi32, #tpu.memory_space<vmem>> -> memref<1x1x128xi32, #tpu.memory_space<vmem>>
        %dma_start3A_1266 = tpu.memref_squeeze %dma_start3A_1265 : memref<1x1x128xi32, #tpu.memory_space<vmem>> -> memref<128xi32, #tpu.memory_space<vmem>>
        %dma_start3A_1267 = arith.constant 0 : i32
        %dma_start3A_1268 = arith.constant 0 : i32
        %dma_start3A_1269 = tpu.memref_slice %arg2[%dma_start3A_1267, %dma_start3A_1268] : memref<1000000x32xf32, #tpu.memory_space<hbm>> -> memref<1000000x32xf32, #tpu.memory_space<hbm>>
        tpu.enqueue_indirect_dma source(%dma_start3A_1269 : memref<1000000x32xf32, #tpu.memory_space<hbm>>) target(%dma_start3A_1263 : memref<128x32xf32, #tpu.memory_space<vmem>>) offsets(%dma_start3A_1266 : memref<128xi32, #tpu.memory_space<vmem>>) semaphore(%arg7 : memref<!tpu.dma_semaphore, #tpu.memory_space<semaphore_mem>>)
        %dma_start3A_1270 = arith.constant 0 : i32
        %dma_start3A_1271 = arith.constant 4 : i32
        %dma_start3A_1272 = arith.constant 0 : i32
        %dma_start3A_1273 = arith.constant 512 : i32
        %dma_start3A_1274 = arith.constant 0 : i32
        %dma_start3A_1275 = tpu.memref_slice %arg6[%dma_start3A_1272, %dma_start3A_1273, %dma_start3A_1274] : memref<5x640x32xf32, #tpu.memory_space<vmem>> -> memref<1x128x32xf32, #tpu.memory_space<vmem>>
        %dma_start3A_1276 = tpu.memref_squeeze %dma_start3A_1275 : memref<1x128x32xf32, #tpu.memory_space<vmem>> -> memref<128x32xf32, #tpu.memory_space<vmem>>
        %dma_start3A_1277 = arith.constant 0 : i32
        %dma_start3A_1278 = tpu.memref_slice %arg5[%dma_start3A_1270, %dma_start3A_1271, %dma_start3A_1277] : memref<5x5x128xi32, #tpu.memory_space<vmem>> -> memref<1x1x128xi32, #tpu.memory_space<vmem>>
        %dma_start3A_1279 = tpu.memref_squeeze %dma_start3A_1278 : memref<1x1x128xi32, #tpu.memory_space<vmem>> -> memref<128xi32, #tpu.memory_space<vmem>>
        %dma_start3A_1280 = arith.constant 0 : i32
        %dma_start3A_1281 = arith.constant 0 : i32
        %dma_start3A_1282 = tpu.memref_slice %arg2[%dma_start3A_1280, %dma_start3A_1281] : memref<1000000x32xf32, #tpu.memory_space<hbm>> -> memref<1000000x32xf32, #tpu.memory_space<hbm>>
        tpu.enqueue_indirect_dma source(%dma_start3A_1282 : memref<1000000x32xf32, #tpu.memory_space<hbm>>) target(%dma_start3A_1276 : memref<128x32xf32, #tpu.memory_space<vmem>>) offsets(%dma_start3A_1279 : memref<128xi32, #tpu.memory_space<vmem>>) semaphore(%arg7 : memref<!tpu.dma_semaphore, #tpu.memory_space<semaphore_mem>>)
      } else {
      }
      %mul3A_1046 = arith.constant 5 : i32
      %mul3A_1047 = arith.muli %scan3A_377, %mul3A_1046 : i32
      %add3A_1048 = arith.constant 4 : i32
      %add3A_1049 = arith.addi %mul3A_1047, %add3A_1048 : i32
      %dma_wait3A_1050 = arith.constant 4 : i32
      %dma_wait3A_1051 = arith.constant 0 : i32
      %dma_wait3A_1052 = arith.constant 4 : i32
      %dma_wait3A_1053 = arith.constant 0 : i32
      %dma_wait3A_1054 = arith.constant 0 : i32
      %dma_wait3A_1055 = tpu.memref_slice %arg6[%dma_wait3A_1052, %dma_wait3A_1053, %dma_wait3A_1054] : memref<5x640x32xf32, #tpu.memory_space<vmem>> -> memref<1x128x32xf32, #tpu.memory_space<vmem>>
      %dma_wait3A_1056 = tpu.memref_squeeze %dma_wait3A_1055 : memref<1x128x32xf32, #tpu.memory_space<vmem>> -> memref<128x32xf32, #tpu.memory_space<vmem>>
      %dma_wait3A_1057 = arith.constant 0 : i32
      %dma_wait3A_1058 = tpu.memref_slice %arg5[%dma_wait3A_1050, %dma_wait3A_1051, %dma_wait3A_1057] : memref<5x5x128xi32, #tpu.memory_space<vmem>> -> memref<1x1x128xi32, #tpu.memory_space<vmem>>
      %dma_wait3A_1059 = tpu.memref_squeeze %dma_wait3A_1058 : memref<1x1x128xi32, #tpu.memory_space<vmem>> -> memref<128xi32, #tpu.memory_space<vmem>>
      %dma_wait3A_1060 = arith.constant 0 : i32
      %dma_wait3A_1061 = arith.constant 0 : i32
      %dma_wait3A_1062 = tpu.memref_slice %arg2[%dma_wait3A_1060, %dma_wait3A_1061] : memref<1000000x32xf32, #tpu.memory_space<hbm>> -> memref<1000000x32xf32, #tpu.memory_space<hbm>>
      tpu.wait_indirect_dma semaphore(%arg11 : memref<!tpu.dma_semaphore, #tpu.memory_space<semaphore_mem>>) src(%dma_wait3A_1062 : memref<1000000x32xf32, #tpu.memory_space<hbm>>) dst(%dma_wait3A_1056 : memref<128x32xf32, #tpu.memory_space<vmem>>)
      %dma_wait3A_1063 = arith.constant 4 : i32
      %dma_wait3A_1064 = arith.constant 1 : i32
      %dma_wait3A_1065 = arith.constant 4 : i32
      %dma_wait3A_1066 = arith.constant 128 : i32
      %dma_wait3A_1067 = arith.constant 0 : i32
      %dma_wait3A_1068 = tpu.memref_slice %arg6[%dma_wait3A_1065, %dma_wait3A_1066, %dma_wait3A_1067] : memref<5x640x32xf32, #tpu.memory_space<vmem>> -> memref<1x128x32xf32, #tpu.memory_space<vmem>>
      %dma_wait3A_1069 = tpu.memref_squeeze %dma_wait3A_1068 : memref<1x128x32xf32, #tpu.memory_space<vmem>> -> memref<128x32xf32, #tpu.memory_space<vmem>>
      %dma_wait3A_1070 = arith.constant 0 : i32
      %dma_wait3A_1071 = tpu.memref_slice %arg5[%dma_wait3A_1063, %dma_wait3A_1064, %dma_wait3A_1070] : memref<5x5x128xi32, #tpu.memory_space<vmem>> -> memref<1x1x128xi32, #tpu.memory_space<vmem>>
      %dma_wait3A_1072 = tpu.memref_squeeze %dma_wait3A_1071 : memref<1x1x128xi32, #tpu.memory_space<vmem>> -> memref<128xi32, #tpu.memory_space<vmem>>
      %dma_wait3A_1073 = arith.constant 0 : i32
      %dma_wait3A_1074 = arith.constant 0 : i32
      %dma_wait3A_1075 = tpu.memref_slice %arg2[%dma_wait3A_1073, %dma_wait3A_1074] : memref<1000000x32xf32, #tpu.memory_space<hbm>> -> memref<1000000x32xf32, #tpu.memory_space<hbm>>
      tpu.wait_indirect_dma semaphore(%arg11 : memref<!tpu.dma_semaphore, #tpu.memory_space<semaphore_mem>>) src(%dma_wait3A_1075 : memref<1000000x32xf32, #tpu.memory_space<hbm>>) dst(%dma_wait3A_1069 : memref<128x32xf32, #tpu.memory_space<vmem>>)
      %dma_wait3A_1076 = arith.constant 4 : i32
      %dma_wait3A_1077 = arith.constant 2 : i32
      %dma_wait3A_1078 = arith.constant 4 : i32
      %dma_wait3A_1079 = arith.constant 256 : i32
      %dma_wait3A_1080 = arith.constant 0 : i32
      %dma_wait3A_1081 = tpu.memref_slice %arg6[%dma_wait3A_1078, %dma_wait3A_1079, %dma_wait3A_1080] : memref<5x640x32xf32, #tpu.memory_space<vmem>> -> memref<1x128x32xf32, #tpu.memory_space<vmem>>
      %dma_wait3A_1082 = tpu.memref_squeeze %dma_wait3A_1081 : memref<1x128x32xf32, #tpu.memory_space<vmem>> -> memref<128x32xf32, #tpu.memory_space<vmem>>
      %dma_wait3A_1083 = arith.constant 0 : i32
      %dma_wait3A_1084 = tpu.memref_slice %arg5[%dma_wait3A_1076, %dma_wait3A_1077, %dma_wait3A_1083] : memref<5x5x128xi32, #tpu.memory_space<vmem>> -> memref<1x1x128xi32, #tpu.memory_space<vmem>>
      %dma_wait3A_1085 = tpu.memref_squeeze %dma_wait3A_1084 : memref<1x1x128xi32, #tpu.memory_space<vmem>> -> memref<128xi32, #tpu.memory_space<vmem>>
      %dma_wait3A_1086 = arith.constant 0 : i32
      %dma_wait3A_1087 = arith.constant 0 : i32
      %dma_wait3A_1088 = tpu.memref_slice %arg2[%dma_wait3A_1086, %dma_wait3A_1087] : memref<1000000x32xf32, #tpu.memory_space<hbm>> -> memref<1000000x32xf32, #tpu.memory_space<hbm>>
      tpu.wait_indirect_dma semaphore(%arg11 : memref<!tpu.dma_semaphore, #tpu.memory_space<semaphore_mem>>) src(%dma_wait3A_1088 : memref<1000000x32xf32, #tpu.memory_space<hbm>>) dst(%dma_wait3A_1082 : memref<128x32xf32, #tpu.memory_space<vmem>>)
      %dma_wait3A_1089 = arith.constant 4 : i32
      %dma_wait3A_1090 = arith.constant 3 : i32
      %dma_wait3A_1091 = arith.constant 4 : i32
      %dma_wait3A_1092 = arith.constant 384 : i32
      %dma_wait3A_1093 = arith.constant 0 : i32
      %dma_wait3A_1094 = tpu.memref_slice %arg6[%dma_wait3A_1091, %dma_wait3A_1092, %dma_wait3A_1093] : memref<5x640x32xf32, #tpu.memory_space<vmem>> -> memref<1x128x32xf32, #tpu.memory_space<vmem>>
      %dma_wait3A_1095 = tpu.memref_squeeze %dma_wait3A_1094 : memref<1x128x32xf32, #tpu.memory_space<vmem>> -> memref<128x32xf32, #tpu.memory_space<vmem>>
      %dma_wait3A_1096 = arith.constant 0 : i32
      %dma_wait3A_1097 = tpu.memref_slice %arg5[%dma_wait3A_1089, %dma_wait3A_1090, %dma_wait3A_1096] : memref<5x5x128xi32, #tpu.memory_space<vmem>> -> memref<1x1x128xi32, #tpu.memory_space<vmem>>
      %dma_wait3A_1098 = tpu.memref_squeeze %dma_wait3A_1097 : memref<1x1x128xi32, #tpu.memory_space<vmem>> -> memref<128xi32, #tpu.memory_space<vmem>>
      %dma_wait3A_1099 = arith.constant 0 : i32
      %dma_wait3A_1100 = arith.constant 0 : i32
      %dma_wait3A_1101 = tpu.memref_slice %arg2[%dma_wait3A_1099, %dma_wait3A_1100] : memref<1000000x32xf32, #tpu.memory_space<hbm>> -> memref<1000000x32xf32, #tpu.memory_space<hbm>>
      tpu.wait_indirect_dma semaphore(%arg11 : memref<!tpu.dma_semaphore, #tpu.memory_space<semaphore_mem>>) src(%dma_wait3A_1101 : memref<1000000x32xf32, #tpu.memory_space<hbm>>) dst(%dma_wait3A_1095 : memref<128x32xf32, #tpu.memory_space<vmem>>)
      %dma_wait3A_1102 = arith.constant 4 : i32
      %dma_wait3A_1103 = arith.constant 4 : i32
      %dma_wait3A_1104 = arith.constant 4 : i32
      %dma_wait3A_1105 = arith.constant 512 : i32
      %dma_wait3A_1106 = arith.constant 0 : i32
      %dma_wait3A_1107 = tpu.memref_slice %arg6[%dma_wait3A_1104, %dma_wait3A_1105, %dma_wait3A_1106] : memref<5x640x32xf32, #tpu.memory_space<vmem>> -> memref<1x128x32xf32, #tpu.memory_space<vmem>>
      %dma_wait3A_1108 = tpu.memref_squeeze %dma_wait3A_1107 : memref<1x128x32xf32, #tpu.memory_space<vmem>> -> memref<128x32xf32, #tpu.memory_space<vmem>>
      %dma_wait3A_1109 = arith.constant 0 : i32
      %dma_wait3A_1110 = tpu.memref_slice %arg5[%dma_wait3A_1102, %dma_wait3A_1103, %dma_wait3A_1109] : memref<5x5x128xi32, #tpu.memory_space<vmem>> -> memref<1x1x128xi32, #tpu.memory_space<vmem>>
      %dma_wait3A_1111 = tpu.memref_squeeze %dma_wait3A_1110 : memref<1x1x128xi32, #tpu.memory_space<vmem>> -> memref<128xi32, #tpu.memory_space<vmem>>
      %dma_wait3A_1112 = arith.constant 0 : i32
      %dma_wait3A_1113 = arith.constant 0 : i32
      %dma_wait3A_1114 = tpu.memref_slice %arg2[%dma_wait3A_1112, %dma_wait3A_1113] : memref<1000000x32xf32, #tpu.memory_space<hbm>> -> memref<1000000x32xf32, #tpu.memory_space<hbm>>
      tpu.wait_indirect_dma semaphore(%arg11 : memref<!tpu.dma_semaphore, #tpu.memory_space<semaphore_mem>>) src(%dma_wait3A_1114 : memref<1000000x32xf32, #tpu.memory_space<hbm>>) dst(%dma_wait3A_1108 : memref<128x32xf32, #tpu.memory_space<vmem>>)
      %scan3A_1115 = arith.constant 0 : i32
      %scan3A_1116 = arith.constant 0 : i32
      %scan3A_1117 = arith.constant 80 : i32
      %scan3A_1118 = arith.addi %scan3A_1116, %scan3A_1117 : i32
      %scan3A_1119 = arith.constant 1 : i32
      scf.for %scan3A_1214 = %scan3A_1116 to %scan3A_1118 step %scan3A_1119  : i32 {
        %mul3A_1215 = arith.constant 8 : i32
        %mul3A_1216 = arith.muli %scan3A_1214, %mul3A_1215 : i32
        %add3A_1217 = arith.constant 0 : i32
        %add3A_1218 = arith.addi %mul3A_1216, %add3A_1217 : i32
        %get3A = arith.constant 4 : i32
        %get3A_1219 = arith.index_cast %get3A : i32 to index
        %get3A_1220 = arith.index_cast %add3A_1218 : i32 to index
        %get3A_1221 = arith.constant 0 : index
        %get3A_1222 = tpu.vector_load %arg6[%get3A_1219, %get3A_1220, %get3A_1221] {strides = array<i32>} : memref<5x640x32xf32, #tpu.memory_space<vmem>>, vector<1x1x16xf32>,
        %get3A_1223 = vector.shape_cast %get3A_1222 : vector<1x1x16xf32> to vector<16xf32>
        %mul3A_1224 = arith.constant 5.65685415 : f32
        %mul3A_1225 = vector.broadcast %mul3A_1224 : f32 to vector<16xf32>
        %mul3A_1226 = arith.mulf %get3A_1223, %mul3A_1225 : vector<16xf32>
        %add3A_1227 = arith.constant 0 : i32
        %add3A_1228 = arith.addi %mul3A_1216, %add3A_1227 : i32
        %swap3A = arith.constant 4 : i32
        %swap3A_1229 = arith.index_cast %swap3A : i32 to index
        %swap3A_1230 = arith.index_cast %add3A_1228 : i32 to index
        %swap3A_1231 = arith.constant 0 : index
        %swap3A_1232 = tpu.vector_load %arg6[%swap3A_1229, %swap3A_1230, %swap3A_1231] {strides = array<i32>} : memref<5x640x32xf32, #tpu.memory_space<vmem>>, vector<1x1x16xf32>,
        %swap3A_1233 = vector.shape_cast %swap3A_1232 : vector<1x1x16xf32> to vector<16xf32>
        %swap3A_1234 = vector.shape_cast %mul3A_1226 : vector<16xf32> to vector<1x1x16xf32>
        tpu.vector_store %arg6[%swap3A_1229, %swap3A_1230, %swap3A_1231], %swap3A_1234 {strides = array<i32>} : memref<5x640x32xf32, #tpu.memory_space<vmem>>, vector<1x1x16xf32>,
        %add3A_1235 = arith.constant 0 : i32
        %add3A_1236 = arith.addi %mul3A_1216, %add3A_1235 : i32
        %get3A_1237 = arith.constant 4 : i32
        %get3A_1238 = arith.index_cast %get3A_1237 : i32 to index
        %get3A_1239 = arith.index_cast %add3A_1236 : i32 to index
        %get3A_1240 = arith.constant 16 : index
        %get3A_1241 = tpu.vector_load %arg6[%get3A_1238, %get3A_1239, %get3A_1240] {strides = array<i32>} : memref<5x640x32xf32, #tpu.memory_space<vmem>>, vector<1x1x16xf32>,
        %get3A_1242 = vector.shape_cast %get3A_1241 : vector<1x1x16xf32> to vector<16xf32>
        %mul3A_1243 = arith.constant 5.65685415 : f32
        %mul3A_1244 = vector.broadcast %mul3A_1243 : f32 to vector<16xf32>
        %mul3A_1245 = arith.mulf %get3A_1242, %mul3A_1244 : vector<16xf32>
        %add3A_1246 = arith.constant 0 : i32
        %add3A_1247 = arith.addi %mul3A_1216, %add3A_1246 : i32
        %swap3A_1248 = arith.constant 4 : i32
        %swap3A_1249 = arith.index_cast %swap3A_1248 : i32 to index
        %swap3A_1250 = arith.index_cast %add3A_1247 : i32 to index
        %swap3A_1251 = arith.constant 16 : index
        %swap3A_1252 = tpu.vector_load %arg6[%swap3A_1249, %swap3A_1250, %swap3A_1251] {strides = array<i32>} : memref<5x640x32xf32, #tpu.memory_space<vmem>>, vector<1x1x16xf32>,
        %swap3A_1253 = vector.shape_cast %swap3A_1252 : vector<1x1x16xf32> to vector<16xf32>
        %swap3A_1254 = vector.shape_cast %mul3A_1245 : vector<16xf32> to vector<1x1x16xf32>
        tpu.vector_store %arg6[%swap3A_1249, %swap3A_1250, %swap3A_1251], %swap3A_1254 {strides = array<i32>} : memref<5x640x32xf32, #tpu.memory_space<vmem>>, vector<1x1x16xf32>,
        %add3A_1255 = arith.constant 1 : i32
        %add3A_1256 = arith.addi %mul3A_1216, %add3A_1255 : i32
        %get3A_1257 = arith.constant 4 : i32
        %get3A_1258 = arith.index_cast %get3A_1257 : i32 to index
        %get3A_1259 = arith.index_cast %add3A_1256 : i32 to index
        %get3A_1260 = arith.constant 0 : index
        %get3A_1261 = tpu.vector_load %arg6[%get3A_1258, %get3A_1259, %get3A_1260] {strides = array<i32>} : memref<5x640x32xf32, #tpu.memory_space<vmem>>, vector<1x1x16xf32>,
        %get3A_1262 = vector.shape_cast %get3A_1261 : vector<1x1x16xf32> to vector<16xf32>
        %mul3A_1263 = arith.constant 5.65685415 : f32
        %mul3A_1264 = vector.broadcast %mul3A_1263 : f32 to vector<16xf32>
        %mul3A_1265 = arith.mulf %get3A_1262, %mul3A_1264 : vector<16xf32>
        %add3A_1266 = arith.constant 1 : i32
        %add3A_1267 = arith.addi %mul3A_1216, %add3A_1266 : i32
        %swap3A_1268 = arith.constant 4 : i32
        %swap3A_1269 = arith.index_cast %swap3A_1268 : i32 to index
        %swap3A_1270 = arith.index_cast %add3A_1267 : i32 to index
        %swap3A_1271 = arith.constant 0 : index
        %swap3A_1272 = tpu.vector_load %arg6[%swap3A_1269, %swap3A_1270, %swap3A_1271] {strides = array<i32>} : memref<5x640x32xf32, #tpu.memory_space<vmem>>, vector<1x1x16xf32>,
        %swap3A_1273 = vector.shape_cast %swap3A_1272 : vector<1x1x16xf32> to vector<16xf32>
        %swap3A_1274 = vector.shape_cast %mul3A_1265 : vector<16xf32> to vector<1x1x16xf32>
        tpu.vector_store %arg6[%swap3A_1269, %swap3A_1270, %swap3A_1271], %swap3A_1274 {strides = array<i32>} : memref<5x640x32xf32, #tpu.memory_space<vmem>>, vector<1x1x16xf32>,
        %add3A_1275 = arith.constant 1 : i32
        %add3A_1276 = arith.addi %mul3A_1216, %add3A_1275 : i32
        %get3A_1277 = arith.constant 4 : i32
        %get3A_1278 = arith.index_cast %get3A_1277 : i32 to index
        %get3A_1279 = arith.index_cast %add3A_1276 : i32 to index
        %get3A_1280 = arith.constant 16 : index
        %get3A_1281 = tpu.vector_load %arg6[%get3A_1278, %get3A_1279, %get3A_1280] {strides = array<i32>} : memref<5x640x32xf32, #tpu.memory_space<vmem>>, vector<1x1x16xf32>,
        %get3A_1282 = vector.shape_cast %get3A_1281 : vector<1x1x16xf32> to vector<16xf32>
        %mul3A_1283 = arith.constant 5.65685415 : f32
        %mul3A_1284 = vector.broadcast %mul3A_1283 : f32 to vector<16xf32>
        %mul3A_1285 = arith.mulf %get3A_1282, %mul3A_1284 : vector<16xf32>
        %add3A_1286 = arith.constant 1 : i32
        %add3A_1287 = arith.addi %mul3A_1216, %add3A_1286 : i32
        %swap3A_1288 = arith.constant 4 : i32
        %swap3A_1289 = arith.index_cast %swap3A_1288 : i32 to index
        %swap3A_1290 = arith.index_cast %add3A_1287 : i32 to index
        %swap3A_1291 = arith.constant 16 : index
        %swap3A_1292 = tpu.vector_load %arg6[%swap3A_1289, %swap3A_1290, %swap3A_1291] {strides = array<i32>} : memref<5x640x32xf32, #tpu.memory_space<vmem>>, vector<1x1x16xf32>,
        %swap3A_1293 = vector.shape_cast %swap3A_1292 : vector<1x1x16xf32> to vector<16xf32>
        %swap3A_1294 = vector.shape_cast %mul3A_1285 : vector<16xf32> to vector<1x1x16xf32>
        tpu.vector_store %arg6[%swap3A_1289, %swap3A_1290, %swap3A_1291], %swap3A_1294 {strides = array<i32>} : memref<5x640x32xf32, #tpu.memory_space<vmem>>, vector<1x1x16xf32>,
        %add3A_1295 = arith.constant 2 : i32
        %add3A_1296 = arith.addi %mul3A_1216, %add3A_1295 : i32
        %get3A_1297 = arith.constant 4 : i32
        %get3A_1298 = arith.index_cast %get3A_1297 : i32 to index
        %get3A_1299 = arith.index_cast %add3A_1296 : i32 to index
        %get3A_1300 = arith.constant 0 : index
        %get3A_1301 = tpu.vector_load %arg6[%get3A_1298, %get3A_1299, %get3A_1300] {strides = array<i32>} : memref<5x640x32xf32, #tpu.memory_space<vmem>>, vector<1x1x16xf32>,
        %get3A_1302 = vector.shape_cast %get3A_1301 : vector<1x1x16xf32> to vector<16xf32>
        %mul3A_1303 = arith.constant 5.65685415 : f32
        %mul3A_1304 = vector.broadcast %mul3A_1303 : f32 to vector<16xf32>
        %mul3A_1305 = arith.mulf %get3A_1302, %mul3A_1304 : vector<16xf32>
        %add3A_1306 = arith.constant 2 : i32
        %add3A_1307 = arith.addi %mul3A_1216, %add3A_1306 : i32
        %swap3A_1308 = arith.constant 4 : i32
        %swap3A_1309 = arith.index_cast %swap3A_1308 : i32 to index
        %swap3A_1310 = arith.index_cast %add3A_1307 : i32 to index
        %swap3A_1311 = arith.constant 0 : index
        %swap3A_1312 = tpu.vector_load %arg6[%swap3A_1309, %swap3A_1310, %swap3A_1311] {strides = array<i32>} : memref<5x640x32xf32, #tpu.memory_space<vmem>>, vector<1x1x16xf32>,
        %swap3A_1313 = vector.shape_cast %swap3A_1312 : vector<1x1x16xf32> to vector<16xf32>
        %swap3A_1314 = vector.shape_cast %mul3A_1305 : vector<16xf32> to vector<1x1x16xf32>
        tpu.vector_store %arg6[%swap3A_1309, %swap3A_1310, %swap3A_1311], %swap3A_1314 {strides = array<i32>} : memref<5x640x32xf32, #tpu.memory_space<vmem>>, vector<1x1x16xf32>,
        %add3A_1315 = arith.constant 2 : i32
        %add3A_1316 = arith.addi %mul3A_1216, %add3A_1315 : i32
        %get3A_1317 = arith.constant 4 : i32
        %get3A_1318 = arith.index_cast %get3A_1317 : i32 to index
        %get3A_1319 = arith.index_cast %add3A_1316 : i32 to index
        %get3A_1320 = arith.constant 16 : index
        %get3A_1321 = tpu.vector_load %arg6[%get3A_1318, %get3A_1319, %get3A_1320] {strides = array<i32>} : memref<5x640x32xf32, #tpu.memory_space<vmem>>, vector<1x1x16xf32>,
        %get3A_1322 = vector.shape_cast %get3A_1321 : vector<1x1x16xf32> to vector<16xf32>
        %mul3A_1323 = arith.constant 5.65685415 : f32
        %mul3A_1324 = vector.broadcast %mul3A_1323 : f32 to vector<16xf32>
        %mul3A_1325 = arith.mulf %get3A_1322, %mul3A_1324 : vector<16xf32>
        %add3A_1326 = arith.constant 2 : i32
        %add3A_1327 = arith.addi %mul3A_1216, %add3A_1326 : i32
        %swap3A_1328 = arith.constant 4 : i32
        %swap3A_1329 = arith.index_cast %swap3A_1328 : i32 to index
        %swap3A_1330 = arith.index_cast %add3A_1327 : i32 to index
        %swap3A_1331 = arith.constant 16 : index
        %swap3A_1332 = tpu.vector_load %arg6[%swap3A_1329, %swap3A_1330, %swap3A_1331] {strides = array<i32>} : memref<5x640x32xf32, #tpu.memory_space<vmem>>, vector<1x1x16xf32>,
        %swap3A_1333 = vector.shape_cast %swap3A_1332 : vector<1x1x16xf32> to vector<16xf32>
        %swap3A_1334 = vector.shape_cast %mul3A_1325 : vector<16xf32> to vector<1x1x16xf32>
        tpu.vector_store %arg6[%swap3A_1329, %swap3A_1330, %swap3A_1331], %swap3A_1334 {strides = array<i32>} : memref<5x640x32xf32, #tpu.memory_space<vmem>>, vector<1x1x16xf32>,
        %add3A_1335 = arith.constant 3 : i32
        %add3A_1336 = arith.addi %mul3A_1216, %add3A_1335 : i32
        %get3A_1337 = arith.constant 4 : i32
        %get3A_1338 = arith.index_cast %get3A_1337 : i32 to index
        %get3A_1339 = arith.index_cast %add3A_1336 : i32 to index
        %get3A_1340 = arith.constant 0 : index
        %get3A_1341 = tpu.vector_load %arg6[%get3A_1338, %get3A_1339, %get3A_1340] {strides = array<i32>} : memref<5x640x32xf32, #tpu.memory_space<vmem>>, vector<1x1x16xf32>,
        %get3A_1342 = vector.shape_cast %get3A_1341 : vector<1x1x16xf32> to vector<16xf32>
        %mul3A_1343 = arith.constant 5.65685415 : f32
        %mul3A_1344 = vector.broadcast %mul3A_1343 : f32 to vector<16xf32>
        %mul3A_1345 = arith.mulf %get3A_1342, %mul3A_1344 : vector<16xf32>
        %add3A_1346 = arith.constant 3 : i32
        %add3A_1347 = arith.addi %mul3A_1216, %add3A_1346 : i32
        %swap3A_1348 = arith.constant 4 : i32
        %swap3A_1349 = arith.index_cast %swap3A_1348 : i32 to index
        %swap3A_1350 = arith.index_cast %add3A_1347 : i32 to index
        %swap3A_1351 = arith.constant 0 : index
        %swap3A_1352 = tpu.vector_load %arg6[%swap3A_1349, %swap3A_1350, %swap3A_1351] {strides = array<i32>} : memref<5x640x32xf32, #tpu.memory_space<vmem>>, vector<1x1x16xf32>,
        %swap3A_1353 = vector.shape_cast %swap3A_1352 : vector<1x1x16xf32> to vector<16xf32>
        %swap3A_1354 = vector.shape_cast %mul3A_1345 : vector<16xf32> to vector<1x1x16xf32>
        tpu.vector_store %arg6[%swap3A_1349, %swap3A_1350, %swap3A_1351], %swap3A_1354 {strides = array<i32>} : memref<5x640x32xf32, #tpu.memory_space<vmem>>, vector<1x1x16xf32>,
        %add3A_1355 = arith.constant 3 : i32
        %add3A_1356 = arith.addi %mul3A_1216, %add3A_1355 : i32
        %get3A_1357 = arith.constant 4 : i32
        %get3A_1358 = arith.index_cast %get3A_1357 : i32 to index
        %get3A_1359 = arith.index_cast %add3A_1356 : i32 to index
        %get3A_1360 = arith.constant 16 : index
        %get3A_1361 = tpu.vector_load %arg6[%get3A_1358, %get3A_1359, %get3A_1360] {strides = array<i32>} : memref<5x640x32xf32, #tpu.memory_space<vmem>>, vector<1x1x16xf32>,
        %get3A_1362 = vector.shape_cast %get3A_1361 : vector<1x1x16xf32> to vector<16xf32>
        %mul3A_1363 = arith.constant 5.65685415 : f32
        %mul3A_1364 = vector.broadcast %mul3A_1363 : f32 to vector<16xf32>
        %mul3A_1365 = arith.mulf %get3A_1362, %mul3A_1364 : vector<16xf32>
        %add3A_1366 = arith.constant 3 : i32
        %add3A_1367 = arith.addi %mul3A_1216, %add3A_1366 : i32
        %swap3A_1368 = arith.constant 4 : i32
        %swap3A_1369 = arith.index_cast %swap3A_1368 : i32 to index
        %swap3A_1370 = arith.index_cast %add3A_1367 : i32 to index
        %swap3A_1371 = arith.constant 16 : index
        %swap3A_1372 = tpu.vector_load %arg6[%swap3A_1369, %swap3A_1370, %swap3A_1371] {strides = array<i32>} : memref<5x640x32xf32, #tpu.memory_space<vmem>>, vector<1x1x16xf32>,
        %swap3A_1373 = vector.shape_cast %swap3A_1372 : vector<1x1x16xf32> to vector<16xf32>
        %swap3A_1374 = vector.shape_cast %mul3A_1365 : vector<16xf32> to vector<1x1x16xf32>
        tpu.vector_store %arg6[%swap3A_1369, %swap3A_1370, %swap3A_1371], %swap3A_1374 {strides = array<i32>} : memref<5x640x32xf32, #tpu.memory_space<vmem>>, vector<1x1x16xf32>,
        %add3A_1375 = arith.constant 4 : i32
        %add3A_1376 = arith.addi %mul3A_1216, %add3A_1375 : i32
        %get3A_1377 = arith.constant 4 : i32
        %get3A_1378 = arith.index_cast %get3A_1377 : i32 to index
        %get3A_1379 = arith.index_cast %add3A_1376 : i32 to index
        %get3A_1380 = arith.constant 0 : index
        %get3A_1381 = tpu.vector_load %arg6[%get3A_1378, %get3A_1379, %get3A_1380] {strides = array<i32>} : memref<5x640x32xf32, #tpu.memory_space<vmem>>, vector<1x1x16xf32>,
        %get3A_1382 = vector.shape_cast %get3A_1381 : vector<1x1x16xf32> to vector<16xf32>
        %mul3A_1383 = arith.constant 5.65685415 : f32
        %mul3A_1384 = vector.broadcast %mul3A_1383 : f32 to vector<16xf32>
        %mul3A_1385 = arith.mulf %get3A_1382, %mul3A_1384 : vector<16xf32>
        %add3A_1386 = arith.constant 4 : i32
        %add3A_1387 = arith.addi %mul3A_1216, %add3A_1386 : i32
        %swap3A_1388 = arith.constant 4 : i32
        %swap3A_1389 = arith.index_cast %swap3A_1388 : i32 to index
        %swap3A_1390 = arith.index_cast %add3A_1387 : i32 to index
        %swap3A_1391 = arith.constant 0 : index
        %swap3A_1392 = tpu.vector_load %arg6[%swap3A_1389, %swap3A_1390, %swap3A_1391] {strides = array<i32>} : memref<5x640x32xf32, #tpu.memory_space<vmem>>, vector<1x1x16xf32>,
        %swap3A_1393 = vector.shape_cast %swap3A_1392 : vector<1x1x16xf32> to vector<16xf32>
        %swap3A_1394 = vector.shape_cast %mul3A_1385 : vector<16xf32> to vector<1x1x16xf32>
        tpu.vector_store %arg6[%swap3A_1389, %swap3A_1390, %swap3A_1391], %swap3A_1394 {strides = array<i32>} : memref<5x640x32xf32, #tpu.memory_space<vmem>>, vector<1x1x16xf32>,
        %add3A_1395 = arith.constant 4 : i32
        %add3A_1396 = arith.addi %mul3A_1216, %add3A_1395 : i32
        %get3A_1397 = arith.constant 4 : i32
        %get3A_1398 = arith.index_cast %get3A_1397 : i32 to index
        %get3A_1399 = arith.index_cast %add3A_1396 : i32 to index
        %get3A_1400 = arith.constant 16 : index
        %get3A_1401 = tpu.vector_load %arg6[%get3A_1398, %get3A_1399, %get3A_1400] {strides = array<i32>} : memref<5x640x32xf32, #tpu.memory_space<vmem>>, vector<1x1x16xf32>,
        %get3A_1402 = vector.shape_cast %get3A_1401 : vector<1x1x16xf32> to vector<16xf32>
        %mul3A_1403 = arith.constant 5.65685415 : f32
        %mul3A_1404 = vector.broadcast %mul3A_1403 : f32 to vector<16xf32>
        %mul3A_1405 = arith.mulf %get3A_1402, %mul3A_1404 : vector<16xf32>
        %add3A_1406 = arith.constant 4 : i32
        %add3A_1407 = arith.addi %mul3A_1216, %add3A_1406 : i32
        %swap3A_1408 = arith.constant 4 : i32
        %swap3A_1409 = arith.index_cast %swap3A_1408 : i32 to index
        %swap3A_1410 = arith.index_cast %add3A_1407 : i32 to index
        %swap3A_1411 = arith.constant 16 : index
        %swap3A_1412 = tpu.vector_load %arg6[%swap3A_1409, %swap3A_1410, %swap3A_1411] {strides = array<i32>} : memref<5x640x32xf32, #tpu.memory_space<vmem>>, vector<1x1x16xf32>,
        %swap3A_1413 = vector.shape_cast %swap3A_1412 : vector<1x1x16xf32> to vector<16xf32>
        %swap3A_1414 = vector.shape_cast %mul3A_1405 : vector<16xf32> to vector<1x1x16xf32>
        tpu.vector_store %arg6[%swap3A_1409, %swap3A_1410, %swap3A_1411], %swap3A_1414 {strides = array<i32>} : memref<5x640x32xf32, #tpu.memory_space<vmem>>, vector<1x1x16xf32>,
        %add3A_1415 = arith.constant 5 : i32
        %add3A_1416 = arith.addi %mul3A_1216, %add3A_1415 : i32
        %get3A_1417 = arith.constant 4 : i32
        %get3A_1418 = arith.index_cast %get3A_1417 : i32 to index
        %get3A_1419 = arith.index_cast %add3A_1416 : i32 to index
        %get3A_1420 = arith.constant 0 : index
        %get3A_1421 = tpu.vector_load %arg6[%get3A_1418, %get3A_1419, %get3A_1420] {strides = array<i32>} : memref<5x640x32xf32, #tpu.memory_space<vmem>>, vector<1x1x16xf32>,
        %get3A_1422 = vector.shape_cast %get3A_1421 : vector<1x1x16xf32> to vector<16xf32>
        %mul3A_1423 = arith.constant 5.65685415 : f32
        %mul3A_1424 = vector.broadcast %mul3A_1423 : f32 to vector<16xf32>
        %mul3A_1425 = arith.mulf %get3A_1422, %mul3A_1424 : vector<16xf32>
        %add3A_1426 = arith.constant 5 : i32
        %add3A_1427 = arith.addi %mul3A_1216, %add3A_1426 : i32
        %swap3A_1428 = arith.constant 4 : i32
        %swap3A_1429 = arith.index_cast %swap3A_1428 : i32 to index
        %swap3A_1430 = arith.index_cast %add3A_1427 : i32 to index
        %swap3A_1431 = arith.constant 0 : index
        %swap3A_1432 = tpu.vector_load %arg6[%swap3A_1429, %swap3A_1430, %swap3A_1431] {strides = array<i32>} : memref<5x640x32xf32, #tpu.memory_space<vmem>>, vector<1x1x16xf32>,
        %swap3A_1433 = vector.shape_cast %swap3A_1432 : vector<1x1x16xf32> to vector<16xf32>
        %swap3A_1434 = vector.shape_cast %mul3A_1425 : vector<16xf32> to vector<1x1x16xf32>
        tpu.vector_store %arg6[%swap3A_1429, %swap3A_1430, %swap3A_1431], %swap3A_1434 {strides = array<i32>} : memref<5x640x32xf32, #tpu.memory_space<vmem>>, vector<1x1x16xf32>,
        %add3A_1435 = arith.constant 5 : i32
        %add3A_1436 = arith.addi %mul3A_1216, %add3A_1435 : i32
        %get3A_1437 = arith.constant 4 : i32
        %get3A_1438 = arith.index_cast %get3A_1437 : i32 to index
        %get3A_1439 = arith.index_cast %add3A_1436 : i32 to index
        %get3A_1440 = arith.constant 16 : index
        %get3A_1441 = tpu.vector_load %arg6[%get3A_1438, %get3A_1439, %get3A_1440] {strides = array<i32>} : memref<5x640x32xf32, #tpu.memory_space<vmem>>, vector<1x1x16xf32>,
        %get3A_1442 = vector.shape_cast %get3A_1441 : vector<1x1x16xf32> to vector<16xf32>
        %mul3A_1443 = arith.constant 5.65685415 : f32
        %mul3A_1444 = vector.broadcast %mul3A_1443 : f32 to vector<16xf32>
        %mul3A_1445 = arith.mulf %get3A_1442, %mul3A_1444 : vector<16xf32>
        %add3A_1446 = arith.constant 5 : i32
        %add3A_1447 = arith.addi %mul3A_1216, %add3A_1446 : i32
        %swap3A_1448 = arith.constant 4 : i32
        %swap3A_1449 = arith.index_cast %swap3A_1448 : i32 to index
        %swap3A_1450 = arith.index_cast %add3A_1447 : i32 to index
        %swap3A_1451 = arith.constant 16 : index
        %swap3A_1452 = tpu.vector_load %arg6[%swap3A_1449, %swap3A_1450, %swap3A_1451] {strides = array<i32>} : memref<5x640x32xf32, #tpu.memory_space<vmem>>, vector<1x1x16xf32>,
        %swap3A_1453 = vector.shape_cast %swap3A_1452 : vector<1x1x16xf32> to vector<16xf32>
        %swap3A_1454 = vector.shape_cast %mul3A_1445 : vector<16xf32> to vector<1x1x16xf32>
        tpu.vector_store %arg6[%swap3A_1449, %swap3A_1450, %swap3A_1451], %swap3A_1454 {strides = array<i32>} : memref<5x640x32xf32, #tpu.memory_space<vmem>>, vector<1x1x16xf32>,
        %add3A_1455 = arith.constant 6 : i32
        %add3A_1456 = arith.addi %mul3A_1216, %add3A_1455 : i32
        %get3A_1457 = arith.constant 4 : i32
        %get3A_1458 = arith.index_cast %get3A_1457 : i32 to index
        %get3A_1459 = arith.index_cast %add3A_1456 : i32 to index
        %get3A_1460 = arith.constant 0 : index
        %get3A_1461 = tpu.vector_load %arg6[%get3A_1458, %get3A_1459, %get3A_1460] {strides = array<i32>} : memref<5x640x32xf32, #tpu.memory_space<vmem>>, vector<1x1x16xf32>,
        %get3A_1462 = vector.shape_cast %get3A_1461 : vector<1x1x16xf32> to vector<16xf32>
        %mul3A_1463 = arith.constant 5.65685415 : f32
        %mul3A_1464 = vector.broadcast %mul3A_1463 : f32 to vector<16xf32>
        %mul3A_1465 = arith.mulf %get3A_1462, %mul3A_1464 : vector<16xf32>
        %add3A_1466 = arith.constant 6 : i32
        %add3A_1467 = arith.addi %mul3A_1216, %add3A_1466 : i32
        %swap3A_1468 = arith.constant 4 : i32
        %swap3A_1469 = arith.index_cast %swap3A_1468 : i32 to index
        %swap3A_1470 = arith.index_cast %add3A_1467 : i32 to index
        %swap3A_1471 = arith.constant 0 : index
        %swap3A_1472 = tpu.vector_load %arg6[%swap3A_1469, %swap3A_1470, %swap3A_1471] {strides = array<i32>} : memref<5x640x32xf32, #tpu.memory_space<vmem>>, vector<1x1x16xf32>,
        %swap3A_1473 = vector.shape_cast %swap3A_1472 : vector<1x1x16xf32> to vector<16xf32>
        %swap3A_1474 = vector.shape_cast %mul3A_1465 : vector<16xf32> to vector<1x1x16xf32>
        tpu.vector_store %arg6[%swap3A_1469, %swap3A_1470, %swap3A_1471], %swap3A_1474 {strides = array<i32>} : memref<5x640x32xf32, #tpu.memory_space<vmem>>, vector<1x1x16xf32>,
        %add3A_1475 = arith.constant 6 : i32
        %add3A_1476 = arith.addi %mul3A_1216, %add3A_1475 : i32
        %get3A_1477 = arith.constant 4 : i32
        %get3A_1478 = arith.index_cast %get3A_1477 : i32 to index
        %get3A_1479 = arith.index_cast %add3A_1476 : i32 to index
        %get3A_1480 = arith.constant 16 : index
        %get3A_1481 = tpu.vector_load %arg6[%get3A_1478, %get3A_1479, %get3A_1480] {strides = array<i32>} : memref<5x640x32xf32, #tpu.memory_space<vmem>>, vector<1x1x16xf32>,
        %get3A_1482 = vector.shape_cast %get3A_1481 : vector<1x1x16xf32> to vector<16xf32>
        %mul3A_1483 = arith.constant 5.65685415 : f32
        %mul3A_1484 = vector.broadcast %mul3A_1483 : f32 to vector<16xf32>
        %mul3A_1485 = arith.mulf %get3A_1482, %mul3A_1484 : vector<16xf32>
        %add3A_1486 = arith.constant 6 : i32
        %add3A_1487 = arith.addi %mul3A_1216, %add3A_1486 : i32
        %swap3A_1488 = arith.constant 4 : i32
        %swap3A_1489 = arith.index_cast %swap3A_1488 : i32 to index
        %swap3A_1490 = arith.index_cast %add3A_1487 : i32 to index
        %swap3A_1491 = arith.constant 16 : index
        %swap3A_1492 = tpu.vector_load %arg6[%swap3A_1489, %swap3A_1490, %swap3A_1491] {strides = array<i32>} : memref<5x640x32xf32, #tpu.memory_space<vmem>>, vector<1x1x16xf32>,
        %swap3A_1493 = vector.shape_cast %swap3A_1492 : vector<1x1x16xf32> to vector<16xf32>
        %swap3A_1494 = vector.shape_cast %mul3A_1485 : vector<16xf32> to vector<1x1x16xf32>
        tpu.vector_store %arg6[%swap3A_1489, %swap3A_1490, %swap3A_1491], %swap3A_1494 {strides = array<i32>} : memref<5x640x32xf32, #tpu.memory_space<vmem>>, vector<1x1x16xf32>,
        %add3A_1495 = arith.constant 7 : i32
        %add3A_1496 = arith.addi %mul3A_1216, %add3A_1495 : i32
        %get3A_1497 = arith.constant 4 : i32
        %get3A_1498 = arith.index_cast %get3A_1497 : i32 to index
        %get3A_1499 = arith.index_cast %add3A_1496 : i32 to index
        %get3A_1500 = arith.constant 0 : index
        %get3A_1501 = tpu.vector_load %arg6[%get3A_1498, %get3A_1499, %get3A_1500] {strides = array<i32>} : memref<5x640x32xf32, #tpu.memory_space<vmem>>, vector<1x1x16xf32>,
        %get3A_1502 = vector.shape_cast %get3A_1501 : vector<1x1x16xf32> to vector<16xf32>
        %mul3A_1503 = arith.constant 5.65685415 : f32
        %mul3A_1504 = vector.broadcast %mul3A_1503 : f32 to vector<16xf32>
        %mul3A_1505 = arith.mulf %get3A_1502, %mul3A_1504 : vector<16xf32>
        %add3A_1506 = arith.constant 7 : i32
        %add3A_1507 = arith.addi %mul3A_1216, %add3A_1506 : i32
        %swap3A_1508 = arith.constant 4 : i32
        %swap3A_1509 = arith.index_cast %swap3A_1508 : i32 to index
        %swap3A_1510 = arith.index_cast %add3A_1507 : i32 to index
        %swap3A_1511 = arith.constant 0 : index
        %swap3A_1512 = tpu.vector_load %arg6[%swap3A_1509, %swap3A_1510, %swap3A_1511] {strides = array<i32>} : memref<5x640x32xf32, #tpu.memory_space<vmem>>, vector<1x1x16xf32>,
        %swap3A_1513 = vector.shape_cast %swap3A_1512 : vector<1x1x16xf32> to vector<16xf32>
        %swap3A_1514 = vector.shape_cast %mul3A_1505 : vector<16xf32> to vector<1x1x16xf32>
        tpu.vector_store %arg6[%swap3A_1509, %swap3A_1510, %swap3A_1511], %swap3A_1514 {strides = array<i32>} : memref<5x640x32xf32, #tpu.memory_space<vmem>>, vector<1x1x16xf32>,
        %add3A_1515 = arith.constant 7 : i32
        %add3A_1516 = arith.addi %mul3A_1216, %add3A_1515 : i32
        %get3A_1517 = arith.constant 4 : i32
        %get3A_1518 = arith.index_cast %get3A_1517 : i32 to index
        %get3A_1519 = arith.index_cast %add3A_1516 : i32 to index
        %get3A_1520 = arith.constant 16 : index
        %get3A_1521 = tpu.vector_load %arg6[%get3A_1518, %get3A_1519, %get3A_1520] {strides = array<i32>} : memref<5x640x32xf32, #tpu.memory_space<vmem>>, vector<1x1x16xf32>,
        %get3A_1522 = vector.shape_cast %get3A_1521 : vector<1x1x16xf32> to vector<16xf32>
        %mul3A_1523 = arith.constant 5.65685415 : f32
        %mul3A_1524 = vector.broadcast %mul3A_1523 : f32 to vector<16xf32>
        %mul3A_1525 = arith.mulf %get3A_1522, %mul3A_1524 : vector<16xf32>
        %add3A_1526 = arith.constant 7 : i32
        %add3A_1527 = arith.addi %mul3A_1216, %add3A_1526 : i32
        %swap3A_1528 = arith.constant 4 : i32
        %swap3A_1529 = arith.index_cast %swap3A_1528 : i32 to index
        %swap3A_1530 = arith.index_cast %add3A_1527 : i32 to index
        %swap3A_1531 = arith.constant 16 : index
        %swap3A_1532 = tpu.vector_load %arg6[%swap3A_1529, %swap3A_1530, %swap3A_1531] {strides = array<i32>} : memref<5x640x32xf32, #tpu.memory_space<vmem>>, vector<1x1x16xf32>,
        %swap3A_1533 = vector.shape_cast %swap3A_1532 : vector<1x1x16xf32> to vector<16xf32>
        %swap3A_1534 = vector.shape_cast %mul3A_1525 : vector<16xf32> to vector<1x1x16xf32>
        tpu.vector_store %arg6[%swap3A_1529, %swap3A_1530, %swap3A_1531], %swap3A_1534 {strides = array<i32>} : memref<5x640x32xf32, #tpu.memory_space<vmem>>, vector<1x1x16xf32>,
      }
      %scan3A_1120 = arith.constant 80 : i32
      %mul3A_1121 = arith.constant 16 : i32
      %mul3A_1122 = arith.muli %scan3A_377, %mul3A_1121 : i32
      %add3A_1123 = arith.addi %mul3A_4, %mul3A_1122 : i32
      %add3A_1124 = arith.constant 12 : i32
      %add3A_1125 = arith.addi %add3A_1123, %add3A_1124 : i32
      %add3A_1126 = arith.constant 13 : i32
      %add3A_1127 = arith.addi %add3A_1123, %add3A_1126 : i32
      %add3A_1128 = arith.constant 14 : i32
      %add3A_1129 = arith.addi %add3A_1123, %add3A_1128 : i32
      %add3A_1130 = arith.constant 15 : i32
      %add3A_1131 = arith.addi %add3A_1123, %add3A_1130 : i32
      %dma_start3A_1132 = arith.constant 4 : i32
      %dma_start3A_1133 = arith.constant 0 : i32
      %dma_start3A_1134 = arith.constant 0 : i32
      %dma_start3A_1135 = tpu.memref_slice %arg6[%dma_start3A_1132, %dma_start3A_1133, %dma_start3A_1134] : memref<5x640x32xf32, #tpu.memory_space<vmem>> -> memref<1x40x32xf32, #tpu.memory_space<vmem>>
      %dma_start3A_1136 = tpu.memref_squeeze %dma_start3A_1135 : memref<1x40x32xf32, #tpu.memory_space<vmem>> -> memref<40x32xf32, #tpu.memory_space<vmem>>
      %dma_start3A_1137 = arith.constant 160 : i32
      %dma_start3A_1138 = arith.constant 0 : i32
      %dma_start3A_1139 = tpu.memref_slice %arg4[%add3A_1125, %dma_start3A_1137, %dma_start3A_1138] : memref<4096x200x32xf32, #tpu.memory_space<hbm>> -> memref<1x40x32xf32, #tpu.memory_space<hbm>>
      %dma_start3A_1140 = tpu.memref_squeeze %dma_start3A_1139 : memref<1x40x32xf32, #tpu.memory_space<hbm>> -> memref<40x32xf32, #tpu.memory_space<hbm>>
      %dma_start3A_1141 = arith.constant 160 : i32
      %dma_start3A_1142 = arith.constant 0 : i32
      %dma_start3A_1143 = tpu.memref_slice %arg4[%add3A_1125, %dma_start3A_1141, %dma_start3A_1142] : memref<4096x200x32xf32, #tpu.memory_space<hbm>> -> memref<1x40x32xf32, #tpu.memory_space<hbm>>
      %dma_start3A_1144 = tpu.memref_squeeze %dma_start3A_1143 : memref<1x40x32xf32, #tpu.memory_space<hbm>> -> memref<40x32xf32, #tpu.memory_space<hbm>>
      %dma_start3A_1145 = arith.constant 0 : i32
      %dma_start3A_1146 = arith.constant 0 : i32
      %dma_start3A_1147 = tpu.memref_slice %arg6[%dma_start3A_1132, %dma_start3A_1145, %dma_start3A_1146] : memref<5x640x32xf32, #tpu.memory_space<vmem>> -> memref<1x40x32xf32, #tpu.memory_space<vmem>>
      %dma_start3A_1148 = tpu.memref_squeeze %dma_start3A_1147 : memref<1x40x32xf32, #tpu.memory_space<vmem>> -> memref<40x32xf32, #tpu.memory_space<vmem>>
      tpu.enqueue_dma source(%dma_start3A_1148 : memref<40x32xf32, #tpu.memory_space<vmem>>) target(%dma_start3A_1144 : memref<40x32xf32, #tpu.memory_space<hbm>>) target_semaphore(%arg16 : memref<!tpu.dma_semaphore, #tpu.memory_space<semaphore_mem>>)
      %dma_start3A_1149 = arith.constant 4 : i32
      %dma_start3A_1150 = arith.constant 40 : i32
      %dma_start3A_1151 = arith.constant 0 : i32
      %dma_start3A_1152 = tpu.memref_slice %arg6[%dma_start3A_1149, %dma_start3A_1150, %dma_start3A_1151] : memref<5x640x32xf32, #tpu.memory_space<vmem>> -> memref<1x200x32xf32, #tpu.memory_space<vmem>>
      %dma_start3A_1153 = tpu.memref_squeeze %dma_start3A_1152 : memref<1x200x32xf32, #tpu.memory_space<vmem>> -> memref<200x32xf32, #tpu.memory_space<vmem>>
      %dma_start3A_1154 = arith.constant 0 : i32
      %dma_start3A_1155 = arith.constant 0 : i32
      %dma_start3A_1156 = tpu.memref_slice %arg4[%add3A_1127, %dma_start3A_1154, %dma_start3A_1155] : memref<4096x200x32xf32, #tpu.memory_space<hbm>> -> memref<1x200x32xf32, #tpu.memory_space<hbm>>
      %dma_start3A_1157 = tpu.memref_squeeze %dma_start3A_1156 : memref<1x200x32xf32, #tpu.memory_space<hbm>> -> memref<200x32xf32, #tpu.memory_space<hbm>>
      %dma_start3A_1158 = arith.constant 0 : i32
      %dma_start3A_1159 = arith.constant 0 : i32
      %dma_start3A_1160 = tpu.memref_slice %arg4[%add3A_1127, %dma_start3A_1158, %dma_start3A_1159] : memref<4096x200x32xf32, #tpu.memory_space<hbm>> -> memref<1x200x32xf32, #tpu.memory_space<hbm>>
      %dma_start3A_1161 = tpu.memref_squeeze %dma_start3A_1160 : memref<1x200x32xf32, #tpu.memory_space<hbm>> -> memref<200x32xf32, #tpu.memory_space<hbm>>
      %dma_start3A_1162 = arith.constant 40 : i32
      %dma_start3A_1163 = arith.constant 0 : i32
      %dma_start3A_1164 = tpu.memref_slice %arg6[%dma_start3A_1149, %dma_start3A_1162, %dma_start3A_1163] : memref<5x640x32xf32, #tpu.memory_space<vmem>> -> memref<1x200x32xf32, #tpu.memory_space<vmem>>
      %dma_start3A_1165 = tpu.memref_squeeze %dma_start3A_1164 : memref<1x200x32xf32, #tpu.memory_space<vmem>> -> memref<200x32xf32, #tpu.memory_space<vmem>>
      tpu.enqueue_dma source(%dma_start3A_1165 : memref<200x32xf32, #tpu.memory_space<vmem>>) target(%dma_start3A_1161 : memref<200x32xf32, #tpu.memory_space<hbm>>) target_semaphore(%arg16 : memref<!tpu.dma_semaphore, #tpu.memory_space<semaphore_mem>>)
      %dma_start3A_1166 = arith.constant 4 : i32
      %dma_start3A_1167 = arith.constant 240 : i32
      %dma_start3A_1168 = arith.constant 0 : i32
      %dma_start3A_1169 = tpu.memref_slice %arg6[%dma_start3A_1166, %dma_start3A_1167, %dma_start3A_1168] : memref<5x640x32xf32, #tpu.memory_space<vmem>> -> memref<1x200x32xf32, #tpu.memory_space<vmem>>
      %dma_start3A_1170 = tpu.memref_squeeze %dma_start3A_1169 : memref<1x200x32xf32, #tpu.memory_space<vmem>> -> memref<200x32xf32, #tpu.memory_space<vmem>>
      %dma_start3A_1171 = arith.constant 0 : i32
      %dma_start3A_1172 = arith.constant 0 : i32
      %dma_start3A_1173 = tpu.memref_slice %arg4[%add3A_1129, %dma_start3A_1171, %dma_start3A_1172] : memref<4096x200x32xf32, #tpu.memory_space<hbm>> -> memref<1x200x32xf32, #tpu.memory_space<hbm>>
      %dma_start3A_1174 = tpu.memref_squeeze %dma_start3A_1173 : memref<1x200x32xf32, #tpu.memory_space<hbm>> -> memref<200x32xf32, #tpu.memory_space<hbm>>
      %dma_start3A_1175 = arith.constant 0 : i32
      %dma_start3A_1176 = arith.constant 0 : i32
      %dma_start3A_1177 = tpu.memref_slice %arg4[%add3A_1129, %dma_start3A_1175, %dma_start3A_1176] : memref<4096x200x32xf32, #tpu.memory_space<hbm>> -> memref<1x200x32xf32, #tpu.memory_space<hbm>>
      %dma_start3A_1178 = tpu.memref_squeeze %dma_start3A_1177 : memref<1x200x32xf32, #tpu.memory_space<hbm>> -> memref<200x32xf32, #tpu.memory_space<hbm>>
      %dma_start3A_1179 = arith.constant 240 : i32
      %dma_start3A_1180 = arith.constant 0 : i32
      %dma_start3A_1181 = tpu.memref_slice %arg6[%dma_start3A_1166, %dma_start3A_1179, %dma_start3A_1180] : memref<5x640x32xf32, #tpu.memory_space<vmem>> -> memref<1x200x32xf32, #tpu.memory_space<vmem>>
      %dma_start3A_1182 = tpu.memref_squeeze %dma_start3A_1181 : memref<1x200x32xf32, #tpu.memory_space<vmem>> -> memref<200x32xf32, #tpu.memory_space<vmem>>
      tpu.enqueue_dma source(%dma_start3A_1182 : memref<200x32xf32, #tpu.memory_space<vmem>>) target(%dma_start3A_1178 : memref<200x32xf32, #tpu.memory_space<hbm>>) target_semaphore(%arg16 : memref<!tpu.dma_semaphore, #tpu.memory_space<semaphore_mem>>)
      %dma_start3A_1183 = arith.constant 4 : i32
      %dma_start3A_1184 = arith.constant 440 : i32
      %dma_start3A_1185 = arith.constant 0 : i32
      %dma_start3A_1186 = tpu.memref_slice %arg6[%dma_start3A_1183, %dma_start3A_1184, %dma_start3A_1185] : memref<5x640x32xf32, #tpu.memory_space<vmem>> -> memref<1x200x32xf32, #tpu.memory_space<vmem>>
      %dma_start3A_1187 = tpu.memref_squeeze %dma_start3A_1186 : memref<1x200x32xf32, #tpu.memory_space<vmem>> -> memref<200x32xf32, #tpu.memory_space<vmem>>
      %dma_start3A_1188 = arith.constant 0 : i32
      %dma_start3A_1189 = arith.constant 0 : i32
      %dma_start3A_1190 = tpu.memref_slice %arg4[%add3A_1131, %dma_start3A_1188, %dma_start3A_1189] : memref<4096x200x32xf32, #tpu.memory_space<hbm>> -> memref<1x200x32xf32, #tpu.memory_space<hbm>>
      %dma_start3A_1191 = tpu.memref_squeeze %dma_start3A_1190 : memref<1x200x32xf32, #tpu.memory_space<hbm>> -> memref<200x32xf32, #tpu.memory_space<hbm>>
      %dma_start3A_1192 = arith.constant 0 : i32
      %dma_start3A_1193 = arith.constant 0 : i32
      %dma_start3A_1194 = tpu.memref_slice %arg4[%add3A_1131, %dma_start3A_1192, %dma_start3A_1193] : memref<4096x200x32xf32, #tpu.memory_space<hbm>> -> memref<1x200x32xf32, #tpu.memory_space<hbm>>
      %dma_start3A_1195 = tpu.memref_squeeze %dma_start3A_1194 : memref<1x200x32xf32, #tpu.memory_space<hbm>> -> memref<200x32xf32, #tpu.memory_space<hbm>>
      %dma_start3A_1196 = arith.constant 440 : i32
      %dma_start3A_1197 = arith.constant 0 : i32
      %dma_start3A_1198 = tpu.memref_slice %arg6[%dma_start3A_1183, %dma_start3A_1196, %dma_start3A_1197] : memref<5x640x32xf32, #tpu.memory_space<vmem>> -> memref<1x200x32xf32, #tpu.memory_space<vmem>>
      %dma_start3A_1199 = tpu.memref_squeeze %dma_start3A_1198 : memref<1x200x32xf32, #tpu.memory_space<vmem>> -> memref<200x32xf32, #tpu.memory_space<vmem>>
      tpu.enqueue_dma source(%dma_start3A_1199 : memref<200x32xf32, #tpu.memory_space<vmem>>) target(%dma_start3A_1195 : memref<200x32xf32, #tpu.memory_space<hbm>>) target_semaphore(%arg16 : memref<!tpu.dma_semaphore, #tpu.memory_space<semaphore_mem>>)
      %add3A_1200 = arith.constant 2 : i32
      %add3A_1201 = arith.addi %add3A_1049, %add3A_1200 : i32
      %add3A_1202 = arith.constant 0 : i32
      %add3A_1203 = arith.addi %scan3A_377, %add3A_1202 : i32
      %ge3A_1204 = arith.constant 5 : i32
      %ge3A_1205 = arith.cmpi sge, %add3A_1201, %ge3A_1204 : i32
      %convert_element_type3A_1206 = arith.extui %ge3A_1205 : i1 to i32
      %cond3A_1207 = arith.constant 0 : i32
      %cond3A_1208 = arith.cmpi ne, %convert_element_type3A_1206, %cond3A_1207 : i32
      scf.if %cond3A_1208 {
        %mul3A_1214 = arith.constant 16 : i32
        %mul3A_1215 = arith.muli %add3A_1203, %mul3A_1214 : i32
        %add3A_1216 = arith.addi %mul3A_4, %mul3A_1215 : i32
        %add3A_1217 = arith.constant 3 : i32
        %add3A_1218 = arith.addi %add3A_1216, %add3A_1217 : i32
        %add3A_1219 = arith.constant 4 : i32
        %add3A_1220 = arith.addi %add3A_1216, %add3A_1219 : i32
        %add3A_1221 = arith.constant 5 : i32
        %add3A_1222 = arith.addi %add3A_1216, %add3A_1221 : i32
        %add3A_1223 = arith.constant 6 : i32
        %add3A_1224 = arith.addi %add3A_1216, %add3A_1223 : i32
        %dma_wait3A_1225 = arith.constant 1 : i32
        %dma_wait3A_1226 = arith.constant 0 : i32
        %dma_wait3A_1227 = arith.constant 0 : i32
        %dma_wait3A_1228 = tpu.memref_slice %arg6[%dma_wait3A_1225, %dma_wait3A_1226, %dma_wait3A_1227] : memref<5x640x32xf32, #tpu.memory_space<vmem>> -> memref<1x160x32xf32, #tpu.memory_space<vmem>>
        %dma_wait3A_1229 = tpu.memref_squeeze %dma_wait3A_1228 : memref<1x160x32xf32, #tpu.memory_space<vmem>> -> memref<160x32xf32, #tpu.memory_space<vmem>>
        %dma_wait3A_1230 = arith.constant 40 : i32
        %dma_wait3A_1231 = arith.constant 0 : i32
        %dma_wait3A_1232 = tpu.memref_slice %arg4[%add3A_1218, %dma_wait3A_1230, %dma_wait3A_1231] : memref<4096x200x32xf32, #tpu.memory_space<hbm>> -> memref<1x160x32xf32, #tpu.memory_space<hbm>>
        %dma_wait3A_1233 = tpu.memref_squeeze %dma_wait3A_1232 : memref<1x160x32xf32, #tpu.memory_space<hbm>> -> memref<160x32xf32, #tpu.memory_space<hbm>>
        %dma_wait3A_1234 = arith.constant 40 : i32
        %dma_wait3A_1235 = arith.constant 0 : i32
        %dma_wait3A_1236 = tpu.memref_slice %arg4[%add3A_1218, %dma_wait3A_1234, %dma_wait3A_1235] : memref<4096x200x32xf32, #tpu.memory_space<hbm>> -> memref<1x160x32xf32, #tpu.memory_space<hbm>>
        %dma_wait3A_1237 = tpu.memref_squeeze %dma_wait3A_1236 : memref<1x160x32xf32, #tpu.memory_space<hbm>> -> memref<160x32xf32, #tpu.memory_space<hbm>>
        %dma_wait3A_1238 = arith.constant 0 : i32
        %dma_wait3A_1239 = arith.constant 0 : i32
        %dma_wait3A_1240 = tpu.memref_slice %arg6[%dma_wait3A_1225, %dma_wait3A_1238, %dma_wait3A_1239] : memref<5x640x32xf32, #tpu.memory_space<vmem>> -> memref<1x160x32xf32, #tpu.memory_space<vmem>>
        %dma_wait3A_1241 = tpu.memref_squeeze %dma_wait3A_1240 : memref<1x160x32xf32, #tpu.memory_space<vmem>> -> memref<160x32xf32, #tpu.memory_space<vmem>>
        tpu.wait_dma2 semaphore(%arg13 : memref<!tpu.dma_semaphore, #tpu.memory_space<semaphore_mem>>) src(%dma_wait3A_1241 : memref<160x32xf32, #tpu.memory_space<vmem>>) dst(%dma_wait3A_1237 : memref<160x32xf32, #tpu.memory_space<hbm>>)
        %dma_wait3A_1242 = arith.constant 1 : i32
        %dma_wait3A_1243 = arith.constant 160 : i32
        %dma_wait3A_1244 = arith.constant 0 : i32
        %dma_wait3A_1245 = tpu.memref_slice %arg6[%dma_wait3A_1242, %dma_wait3A_1243, %dma_wait3A_1244] : memref<5x640x32xf32, #tpu.memory_space<vmem>> -> memref<1x200x32xf32, #tpu.memory_space<vmem>>
        %dma_wait3A_1246 = tpu.memref_squeeze %dma_wait3A_1245 : memref<1x200x32xf32, #tpu.memory_space<vmem>> -> memref<200x32xf32, #tpu.memory_space<vmem>>
        %dma_wait3A_1247 = arith.constant 0 : i32
        %dma_wait3A_1248 = arith.constant 0 : i32
        %dma_wait3A_1249 = tpu.memref_slice %arg4[%add3A_1220, %dma_wait3A_1247, %dma_wait3A_1248] : memref<4096x200x32xf32, #tpu.memory_space<hbm>> -> memref<1x200x32xf32, #tpu.memory_space<hbm>>
        %dma_wait3A_1250 = tpu.memref_squeeze %dma_wait3A_1249 : memref<1x200x32xf32, #tpu.memory_space<hbm>> -> memref<200x32xf32, #tpu.memory_space<hbm>>
        %dma_wait3A_1251 = arith.constant 0 : i32
        %dma_wait3A_1252 = arith.constant 0 : i32
        %dma_wait3A_1253 = tpu.memref_slice %arg4[%add3A_1220, %dma_wait3A_1251, %dma_wait3A_1252] : memref<4096x200x32xf32, #tpu.memory_space<hbm>> -> memref<1x200x32xf32, #tpu.memory_space<hbm>>
        %dma_wait3A_1254 = tpu.memref_squeeze %dma_wait3A_1253 : memref<1x200x32xf32, #tpu.memory_space<hbm>> -> memref<200x32xf32, #tpu.memory_space<hbm>>
        %dma_wait3A_1255 = arith.constant 160 : i32
        %dma_wait3A_1256 = arith.constant 0 : i32
        %dma_wait3A_1257 = tpu.memref_slice %arg6[%dma_wait3A_1242, %dma_wait3A_1255, %dma_wait3A_1256] : memref<5x640x32xf32, #tpu.memory_space<vmem>> -> memref<1x200x32xf32, #tpu.memory_space<vmem>>
        %dma_wait3A_1258 = tpu.memref_squeeze %dma_wait3A_1257 : memref<1x200x32xf32, #tpu.memory_space<vmem>> -> memref<200x32xf32, #tpu.memory_space<vmem>>
        tpu.wait_dma2 semaphore(%arg13 : memref<!tpu.dma_semaphore, #tpu.memory_space<semaphore_mem>>) src(%dma_wait3A_1258 : memref<200x32xf32, #tpu.memory_space<vmem>>) dst(%dma_wait3A_1254 : memref<200x32xf32, #tpu.memory_space<hbm>>)
        %dma_wait3A_1259 = arith.constant 1 : i32
        %dma_wait3A_1260 = arith.constant 360 : i32
        %dma_wait3A_1261 = arith.constant 0 : i32
        %dma_wait3A_1262 = tpu.memref_slice %arg6[%dma_wait3A_1259, %dma_wait3A_1260, %dma_wait3A_1261] : memref<5x640x32xf32, #tpu.memory_space<vmem>> -> memref<1x200x32xf32, #tpu.memory_space<vmem>>
        %dma_wait3A_1263 = tpu.memref_squeeze %dma_wait3A_1262 : memref<1x200x32xf32, #tpu.memory_space<vmem>> -> memref<200x32xf32, #tpu.memory_space<vmem>>
        %dma_wait3A_1264 = arith.constant 0 : i32
        %dma_wait3A_1265 = arith.constant 0 : i32
        %dma_wait3A_1266 = tpu.memref_slice %arg4[%add3A_1222, %dma_wait3A_1264, %dma_wait3A_1265] : memref<4096x200x32xf32, #tpu.memory_space<hbm>> -> memref<1x200x32xf32, #tpu.memory_space<hbm>>
        %dma_wait3A_1267 = tpu.memref_squeeze %dma_wait3A_1266 : memref<1x200x32xf32, #tpu.memory_space<hbm>> -> memref<200x32xf32, #tpu.memory_space<hbm>>
        %dma_wait3A_1268 = arith.constant 0 : i32
        %dma_wait3A_1269 = arith.constant 0 : i32
        %dma_wait3A_1270 = tpu.memref_slice %arg4[%add3A_1222, %dma_wait3A_1268, %dma_wait3A_1269] : memref<4096x200x32xf32, #tpu.memory_space<hbm>> -> memref<1x200x32xf32, #tpu.memory_space<hbm>>
        %dma_wait3A_1271 = tpu.memref_squeeze %dma_wait3A_1270 : memref<1x200x32xf32, #tpu.memory_space<hbm>> -> memref<200x32xf32, #tpu.memory_space<hbm>>
        %dma_wait3A_1272 = arith.constant 360 : i32
        %dma_wait3A_1273 = arith.constant 0 : i32
        %dma_wait3A_1274 = tpu.memref_slice %arg6[%dma_wait3A_1259, %dma_wait3A_1272, %dma_wait3A_1273] : memref<5x640x32xf32, #tpu.memory_space<vmem>> -> memref<1x200x32xf32, #tpu.memory_space<vmem>>
        %dma_wait3A_1275 = tpu.memref_squeeze %dma_wait3A_1274 : memref<1x200x32xf32, #tpu.memory_space<vmem>> -> memref<200x32xf32, #tpu.memory_space<vmem>>
        tpu.wait_dma2 semaphore(%arg13 : memref<!tpu.dma_semaphore, #tpu.memory_space<semaphore_mem>>) src(%dma_wait3A_1275 : memref<200x32xf32, #tpu.memory_space<vmem>>) dst(%dma_wait3A_1271 : memref<200x32xf32, #tpu.memory_space<hbm>>)
        %dma_wait3A_1276 = arith.constant 1 : i32
        %dma_wait3A_1277 = arith.constant 560 : i32
        %dma_wait3A_1278 = arith.constant 0 : i32
        %dma_wait3A_1279 = tpu.memref_slice %arg6[%dma_wait3A_1276, %dma_wait3A_1277, %dma_wait3A_1278] : memref<5x640x32xf32, #tpu.memory_space<vmem>> -> memref<1x80x32xf32, #tpu.memory_space<vmem>>
        %dma_wait3A_1280 = tpu.memref_squeeze %dma_wait3A_1279 : memref<1x80x32xf32, #tpu.memory_space<vmem>> -> memref<80x32xf32, #tpu.memory_space<vmem>>
        %dma_wait3A_1281 = arith.constant 0 : i32
        %dma_wait3A_1282 = arith.constant 0 : i32
        %dma_wait3A_1283 = tpu.memref_slice %arg4[%add3A_1224, %dma_wait3A_1281, %dma_wait3A_1282] : memref<4096x200x32xf32, #tpu.memory_space<hbm>> -> memref<1x80x32xf32, #tpu.memory_space<hbm>>
        %dma_wait3A_1284 = tpu.memref_squeeze %dma_wait3A_1283 : memref<1x80x32xf32, #tpu.memory_space<hbm>> -> memref<80x32xf32, #tpu.memory_space<hbm>>
        %dma_wait3A_1285 = arith.constant 0 : i32
        %dma_wait3A_1286 = arith.constant 0 : i32
        %dma_wait3A_1287 = tpu.memref_slice %arg4[%add3A_1224, %dma_wait3A_1285, %dma_wait3A_1286] : memref<4096x200x32xf32, #tpu.memory_space<hbm>> -> memref<1x80x32xf32, #tpu.memory_space<hbm>>
        %dma_wait3A_1288 = tpu.memref_squeeze %dma_wait3A_1287 : memref<1x80x32xf32, #tpu.memory_space<hbm>> -> memref<80x32xf32, #tpu.memory_space<hbm>>
        %dma_wait3A_1289 = arith.constant 560 : i32
        %dma_wait3A_1290 = arith.constant 0 : i32
        %dma_wait3A_1291 = tpu.memref_slice %arg6[%dma_wait3A_1276, %dma_wait3A_1289, %dma_wait3A_1290] : memref<5x640x32xf32, #tpu.memory_space<vmem>> -> memref<1x80x32xf32, #tpu.memory_space<vmem>>
        %dma_wait3A_1292 = tpu.memref_squeeze %dma_wait3A_1291 : memref<1x80x32xf32, #tpu.memory_space<vmem>> -> memref<80x32xf32, #tpu.memory_space<vmem>>
        tpu.wait_dma2 semaphore(%arg13 : memref<!tpu.dma_semaphore, #tpu.memory_space<semaphore_mem>>) src(%dma_wait3A_1292 : memref<80x32xf32, #tpu.memory_space<vmem>>) dst(%dma_wait3A_1288 : memref<80x32xf32, #tpu.memory_space<hbm>>)
      } else {
      }
      %lt3A_1209 = arith.constant 40 : i32
      %lt3A_1210 = arith.cmpi slt, %add3A_1201, %lt3A_1209 : i32
      %convert_element_type3A_1211 = arith.extui %lt3A_1210 : i1 to i32
      %cond3A_1212 = arith.constant 0 : i32
      %cond3A_1213 = arith.cmpi ne, %convert_element_type3A_1211, %cond3A_1212 : i32
      scf.if %cond3A_1213 {
        %mul3A_1214 = arith.constant 5 : i32
        %mul3A_1215 = arith.muli %add3A_1201, %mul3A_1214 : i32
        %add3A_1216 = arith.addi %mul3A_2, %mul3A_1215 : i32
        %run_scoped3A_1217 = arith.constant 1 : i32
        "tpu.region"() ({
          %run_scoped3A_1283 = tpu.sem_alloc : memref<!tpu.dma_semaphore, #tpu.memory_space<semaphore_mem>>
          %dma_start3A_1284 = arith.constant 0 : i32
          %dma_start3A_1285 = arith.constant 0 : i32
          %dma_start3A_1286 = tpu.memref_slice %arg5[%run_scoped3A_1217, %dma_start3A_1284, %dma_start3A_1285] : memref<5x5x128xi32, #tpu.memory_space<vmem>> -> memref<1x5x128xi32, #tpu.memory_space<vmem>>
          %dma_start3A_1287 = tpu.memref_squeeze %dma_start3A_1286 : memref<1x5x128xi32, #tpu.memory_space<vmem>> -> memref<5x128xi32, #tpu.memory_space<vmem>>
          %dma_start3A_1288 = arith.constant 0 : i32
          %dma_start3A_1289 = tpu.memref_slice %arg3[%add3A_1216, %dma_start3A_1288] : memref<6400x128xi32, #tpu.memory_space<hbm>> -> memref<5x128xi32, #tpu.memory_space<hbm>>
          %dma_start3A_1290 = arith.constant 0 : i32
          %dma_start3A_1291 = arith.constant 0 : i32
          %dma_start3A_1292 = tpu.memref_slice %arg5[%run_scoped3A_1217, %dma_start3A_1290, %dma_start3A_1291] : memref<5x5x128xi32, #tpu.memory_space<vmem>> -> memref<1x5x128xi32, #tpu.memory_space<vmem>>
          %dma_start3A_1293 = tpu.memref_squeeze %dma_start3A_1292 : memref<1x5x128xi32, #tpu.memory_space<vmem>> -> memref<5x128xi32, #tpu.memory_space<vmem>>
          %dma_start3A_1294 = arith.constant 0 : i32
          %dma_start3A_1295 = tpu.memref_slice %arg3[%add3A_1216, %dma_start3A_1294] : memref<6400x128xi32, #tpu.memory_space<hbm>> -> memref<5x128xi32, #tpu.memory_space<hbm>>
          tpu.enqueue_dma source(%dma_start3A_1295 : memref<5x128xi32, #tpu.memory_space<hbm>>) target(%dma_start3A_1293 : memref<5x128xi32, #tpu.memory_space<vmem>>) target_semaphore(%run_scoped3A_1283 : memref<!tpu.dma_semaphore, #tpu.memory_space<semaphore_mem>>)
          %dma_wait3A_1296 = arith.constant 0 : i32
          %dma_wait3A_1297 = arith.constant 0 : i32
          %dma_wait3A_1298 = tpu.memref_slice %arg5[%run_scoped3A_1217, %dma_wait3A_1296, %dma_wait3A_1297] : memref<5x5x128xi32, #tpu.memory_space<vmem>> -> memref<1x5x128xi32, #tpu.memory_space<vmem>>
          %dma_wait3A_1299 = tpu.memref_squeeze %dma_wait3A_1298 : memref<1x5x128xi32, #tpu.memory_space<vmem>> -> memref<5x128xi32, #tpu.memory_space<vmem>>
          %dma_wait3A_1300 = arith.constant 0 : i32
          %dma_wait3A_1301 = tpu.memref_slice %arg3[%add3A_1216, %dma_wait3A_1300] : memref<6400x128xi32, #tpu.memory_space<hbm>> -> memref<5x128xi32, #tpu.memory_space<hbm>>
          %dma_wait3A_1302 = arith.constant 0 : i32
          %dma_wait3A_1303 = arith.constant 0 : i32
          %dma_wait3A_1304 = tpu.memref_slice %arg5[%run_scoped3A_1217, %dma_wait3A_1302, %dma_wait3A_1303] : memref<5x5x128xi32, #tpu.memory_space<vmem>> -> memref<1x5x128xi32, #tpu.memory_space<vmem>>
          %dma_wait3A_1305 = tpu.memref_squeeze %dma_wait3A_1304 : memref<1x5x128xi32, #tpu.memory_space<vmem>> -> memref<5x128xi32, #tpu.memory_space<vmem>>
          %dma_wait3A_1306 = arith.constant 0 : i32
          %dma_wait3A_1307 = tpu.memref_slice %arg3[%add3A_1216, %dma_wait3A_1306] : memref<6400x128xi32, #tpu.memory_space<hbm>> -> memref<5x128xi32, #tpu.memory_space<hbm>>
          tpu.wait_dma2 semaphore(%run_scoped3A_1283 : memref<!tpu.dma_semaphore, #tpu.memory_space<semaphore_mem>>) src(%dma_wait3A_1307 : memref<5x128xi32, #tpu.memory_space<hbm>>) dst(%dma_wait3A_1305 : memref<5x128xi32, #tpu.memory_space<vmem>>)
          tpu.yield
        }) : () -> ()
        %dma_start3A_1218 = arith.constant 1 : i32
        %dma_start3A_1219 = arith.constant 0 : i32
        %dma_start3A_1220 = arith.constant 1 : i32
        %dma_start3A_1221 = arith.constant 0 : i32
        %dma_start3A_1222 = arith.constant 0 : i32
        %dma_start3A_1223 = tpu.memref_slice %arg6[%dma_start3A_1220, %dma_start3A_1221, %dma_start3A_1222] : memref<5x640x32xf32, #tpu.memory_space<vmem>> -> memref<1x128x32xf32, #tpu.memory_space<vmem>>
        %dma_start3A_1224 = tpu.memref_squeeze %dma_start3A_1223 : memref<1x128x32xf32, #tpu.memory_space<vmem>> -> memref<128x32xf32, #tpu.memory_space<vmem>>
        %dma_start3A_1225 = arith.constant 0 : i32
        %dma_start3A_1226 = tpu.memref_slice %arg5[%dma_start3A_1218, %dma_start3A_1219, %dma_start3A_1225] : memref<5x5x128xi32, #tpu.memory_space<vmem>> -> memref<1x1x128xi32, #tpu.memory_space<vmem>>
        %dma_start3A_1227 = tpu.memref_squeeze %dma_start3A_1226 : memref<1x1x128xi32, #tpu.memory_space<vmem>> -> memref<128xi32, #tpu.memory_space<vmem>>
        %dma_start3A_1228 = arith.constant 0 : i32
        %dma_start3A_1229 = arith.constant 0 : i32
        %dma_start3A_1230 = tpu.memref_slice %arg2[%dma_start3A_1228, %dma_start3A_1229] : memref<1000000x32xf32, #tpu.memory_space<hbm>> -> memref<1000000x32xf32, #tpu.memory_space<hbm>>
        tpu.enqueue_indirect_dma source(%dma_start3A_1230 : memref<1000000x32xf32, #tpu.memory_space<hbm>>) target(%dma_start3A_1224 : memref<128x32xf32, #tpu.memory_space<vmem>>) offsets(%dma_start3A_1227 : memref<128xi32, #tpu.memory_space<vmem>>) semaphore(%arg8 : memref<!tpu.dma_semaphore, #tpu.memory_space<semaphore_mem>>)
        %dma_start3A_1231 = arith.constant 1 : i32
        %dma_start3A_1232 = arith.constant 1 : i32
        %dma_start3A_1233 = arith.constant 1 : i32
        %dma_start3A_1234 = arith.constant 128 : i32
        %dma_start3A_1235 = arith.constant 0 : i32
        %dma_start3A_1236 = tpu.memref_slice %arg6[%dma_start3A_1233, %dma_start3A_1234, %dma_start3A_1235] : memref<5x640x32xf32, #tpu.memory_space<vmem>> -> memref<1x128x32xf32, #tpu.memory_space<vmem>>
        %dma_start3A_1237 = tpu.memref_squeeze %dma_start3A_1236 : memref<1x128x32xf32, #tpu.memory_space<vmem>> -> memref<128x32xf32, #tpu.memory_space<vmem>>
        %dma_start3A_1238 = arith.constant 0 : i32
        %dma_start3A_1239 = tpu.memref_slice %arg5[%dma_start3A_1231, %dma_start3A_1232, %dma_start3A_1238] : memref<5x5x128xi32, #tpu.memory_space<vmem>> -> memref<1x1x128xi32, #tpu.memory_space<vmem>>
        %dma_start3A_1240 = tpu.memref_squeeze %dma_start3A_1239 : memref<1x1x128xi32, #tpu.memory_space<vmem>> -> memref<128xi32, #tpu.memory_space<vmem>>
        %dma_start3A_1241 = arith.constant 0 : i32
        %dma_start3A_1242 = arith.constant 0 : i32
        %dma_start3A_1243 = tpu.memref_slice %arg2[%dma_start3A_1241, %dma_start3A_1242] : memref<1000000x32xf32, #tpu.memory_space<hbm>> -> memref<1000000x32xf32, #tpu.memory_space<hbm>>
        tpu.enqueue_indirect_dma source(%dma_start3A_1243 : memref<1000000x32xf32, #tpu.memory_space<hbm>>) target(%dma_start3A_1237 : memref<128x32xf32, #tpu.memory_space<vmem>>) offsets(%dma_start3A_1240 : memref<128xi32, #tpu.memory_space<vmem>>) semaphore(%arg8 : memref<!tpu.dma_semaphore, #tpu.memory_space<semaphore_mem>>)
        %dma_start3A_1244 = arith.constant 1 : i32
        %dma_start3A_1245 = arith.constant 2 : i32
        %dma_start3A_1246 = arith.constant 1 : i32
        %dma_start3A_1247 = arith.constant 256 : i32
        %dma_start3A_1248 = arith.constant 0 : i32
        %dma_start3A_1249 = tpu.memref_slice %arg6[%dma_start3A_1246, %dma_start3A_1247, %dma_start3A_1248] : memref<5x640x32xf32, #tpu.memory_space<vmem>> -> memref<1x128x32xf32, #tpu.memory_space<vmem>>
        %dma_start3A_1250 = tpu.memref_squeeze %dma_start3A_1249 : memref<1x128x32xf32, #tpu.memory_space<vmem>> -> memref<128x32xf32, #tpu.memory_space<vmem>>
        %dma_start3A_1251 = arith.constant 0 : i32
        %dma_start3A_1252 = tpu.memref_slice %arg5[%dma_start3A_1244, %dma_start3A_1245, %dma_start3A_1251] : memref<5x5x128xi32, #tpu.memory_space<vmem>> -> memref<1x1x128xi32, #tpu.memory_space<vmem>>
        %dma_start3A_1253 = tpu.memref_squeeze %dma_start3A_1252 : memref<1x1x128xi32, #tpu.memory_space<vmem>> -> memref<128xi32, #tpu.memory_space<vmem>>
        %dma_start3A_1254 = arith.constant 0 : i32
        %dma_start3A_1255 = arith.constant 0 : i32
        %dma_start3A_1256 = tpu.memref_slice %arg2[%dma_start3A_1254, %dma_start3A_1255] : memref<1000000x32xf32, #tpu.memory_space<hbm>> -> memref<1000000x32xf32, #tpu.memory_space<hbm>>
        tpu.enqueue_indirect_dma source(%dma_start3A_1256 : memref<1000000x32xf32, #tpu.memory_space<hbm>>) target(%dma_start3A_1250 : memref<128x32xf32, #tpu.memory_space<vmem>>) offsets(%dma_start3A_1253 : memref<128xi32, #tpu.memory_space<vmem>>) semaphore(%arg8 : memref<!tpu.dma_semaphore, #tpu.memory_space<semaphore_mem>>)
        %dma_start3A_1257 = arith.constant 1 : i32
        %dma_start3A_1258 = arith.constant 3 : i32
        %dma_start3A_1259 = arith.constant 1 : i32
        %dma_start3A_1260 = arith.constant 384 : i32
        %dma_start3A_1261 = arith.constant 0 : i32
        %dma_start3A_1262 = tpu.memref_slice %arg6[%dma_start3A_1259, %dma_start3A_1260, %dma_start3A_1261] : memref<5x640x32xf32, #tpu.memory_space<vmem>> -> memref<1x128x32xf32, #tpu.memory_space<vmem>>
        %dma_start3A_1263 = tpu.memref_squeeze %dma_start3A_1262 : memref<1x128x32xf32, #tpu.memory_space<vmem>> -> memref<128x32xf32, #tpu.memory_space<vmem>>
        %dma_start3A_1264 = arith.constant 0 : i32
        %dma_start3A_1265 = tpu.memref_slice %arg5[%dma_start3A_1257, %dma_start3A_1258, %dma_start3A_1264] : memref<5x5x128xi32, #tpu.memory_space<vmem>> -> memref<1x1x128xi32, #tpu.memory_space<vmem>>
        %dma_start3A_1266 = tpu.memref_squeeze %dma_start3A_1265 : memref<1x1x128xi32, #tpu.memory_space<vmem>> -> memref<128xi32, #tpu.memory_space<vmem>>
        %dma_start3A_1267 = arith.constant 0 : i32
        %dma_start3A_1268 = arith.constant 0 : i32
        %dma_start3A_1269 = tpu.memref_slice %arg2[%dma_start3A_1267, %dma_start3A_1268] : memref<1000000x32xf32, #tpu.memory_space<hbm>> -> memref<1000000x32xf32, #tpu.memory_space<hbm>>
        tpu.enqueue_indirect_dma source(%dma_start3A_1269 : memref<1000000x32xf32, #tpu.memory_space<hbm>>) target(%dma_start3A_1263 : memref<128x32xf32, #tpu.memory_space<vmem>>) offsets(%dma_start3A_1266 : memref<128xi32, #tpu.memory_space<vmem>>) semaphore(%arg8 : memref<!tpu.dma_semaphore, #tpu.memory_space<semaphore_mem>>)
        %dma_start3A_1270 = arith.constant 1 : i32
        %dma_start3A_1271 = arith.constant 4 : i32
        %dma_start3A_1272 = arith.constant 1 : i32
        %dma_start3A_1273 = arith.constant 512 : i32
        %dma_start3A_1274 = arith.constant 0 : i32
        %dma_start3A_1275 = tpu.memref_slice %arg6[%dma_start3A_1272, %dma_start3A_1273, %dma_start3A_1274] : memref<5x640x32xf32, #tpu.memory_space<vmem>> -> memref<1x128x32xf32, #tpu.memory_space<vmem>>
        %dma_start3A_1276 = tpu.memref_squeeze %dma_start3A_1275 : memref<1x128x32xf32, #tpu.memory_space<vmem>> -> memref<128x32xf32, #tpu.memory_space<vmem>>
        %dma_start3A_1277 = arith.constant 0 : i32
        %dma_start3A_1278 = tpu.memref_slice %arg5[%dma_start3A_1270, %dma_start3A_1271, %dma_start3A_1277] : memref<5x5x128xi32, #tpu.memory_space<vmem>> -> memref<1x1x128xi32, #tpu.memory_space<vmem>>
        %dma_start3A_1279 = tpu.memref_squeeze %dma_start3A_1278 : memref<1x1x128xi32, #tpu.memory_space<vmem>> -> memref<128xi32, #tpu.memory_space<vmem>>
        %dma_start3A_1280 = arith.constant 0 : i32
        %dma_start3A_1281 = arith.constant 0 : i32
        %dma_start3A_1282 = tpu.memref_slice %arg2[%dma_start3A_1280, %dma_start3A_1281] : memref<1000000x32xf32, #tpu.memory_space<hbm>> -> memref<1000000x32xf32, #tpu.memory_space<hbm>>
        tpu.enqueue_indirect_dma source(%dma_start3A_1282 : memref<1000000x32xf32, #tpu.memory_space<hbm>>) target(%dma_start3A_1276 : memref<128x32xf32, #tpu.memory_space<vmem>>) offsets(%dma_start3A_1279 : memref<128xi32, #tpu.memory_space<vmem>>) semaphore(%arg8 : memref<!tpu.dma_semaphore, #tpu.memory_space<semaphore_mem>>)
      } else {
      }
    }
    %scan3A_143 = arith.constant 8 : i32
    %add3A_144 = arith.constant 112 : i32
    %add3A_145 = arith.addi %mul3A_4, %add3A_144 : i32
    %add3A_146 = arith.constant 6 : i32
    %add3A_147 = arith.addi %add3A_145, %add3A_146 : i32
    %add3A_148 = arith.constant 7 : i32
    %add3A_149 = arith.addi %add3A_145, %add3A_148 : i32
    %add3A_150 = arith.constant 8 : i32
    %add3A_151 = arith.addi %add3A_145, %add3A_150 : i32
    %add3A_152 = arith.constant 9 : i32
    %add3A_153 = arith.addi %add3A_145, %add3A_152 : i32
    %dma_wait3A = arith.constant 2 : i32
    %dma_wait3A_154 = arith.constant 0 : i32
    %dma_wait3A_155 = arith.constant 0 : i32
    %dma_wait3A_156 = tpu.memref_slice %arg6[%dma_wait3A, %dma_wait3A_154, %dma_wait3A_155] : memref<5x640x32xf32, #tpu.memory_space<vmem>> -> memref<1x120x32xf32, #tpu.memory_space<vmem>>
    %dma_wait3A_157 = tpu.memref_squeeze %dma_wait3A_156 : memref<1x120x32xf32, #tpu.memory_space<vmem>> -> memref<120x32xf32, #tpu.memory_space<vmem>>
    %dma_wait3A_158 = arith.constant 80 : i32
    %dma_wait3A_159 = arith.constant 0 : i32
    %dma_wait3A_160 = tpu.memref_slice %arg4[%add3A_147, %dma_wait3A_158, %dma_wait3A_159] : memref<4096x200x32xf32, #tpu.memory_space<hbm>> -> memref<1x120x32xf32, #tpu.memory_space<hbm>>
    %dma_wait3A_161 = tpu.memref_squeeze %dma_wait3A_160 : memref<1x120x32xf32, #tpu.memory_space<hbm>> -> memref<120x32xf32, #tpu.memory_space<hbm>>
    %dma_wait3A_162 = arith.constant 80 : i32
    %dma_wait3A_163 = arith.constant 0 : i32
    %dma_wait3A_164 = tpu.memref_slice %arg4[%add3A_147, %dma_wait3A_162, %dma_wait3A_163] : memref<4096x200x32xf32, #tpu.memory_space<hbm>> -> memref<1x120x32xf32, #tpu.memory_space<hbm>>
    %dma_wait3A_165 = tpu.memref_squeeze %dma_wait3A_164 : memref<1x120x32xf32, #tpu.memory_space<hbm>> -> memref<120x32xf32, #tpu.memory_space<hbm>>
    %dma_wait3A_166 = arith.constant 0 : i32
    %dma_wait3A_167 = arith.constant 0 : i32
    %dma_wait3A_168 = tpu.memref_slice %arg6[%dma_wait3A, %dma_wait3A_166, %dma_wait3A_167] : memref<5x640x32xf32, #tpu.memory_space<vmem>> -> memref<1x120x32xf32, #tpu.memory_space<vmem>>
    %dma_wait3A_169 = tpu.memref_squeeze %dma_wait3A_168 : memref<1x120x32xf32, #tpu.memory_space<vmem>> -> memref<120x32xf32, #tpu.memory_space<vmem>>
    tpu.wait_dma2 semaphore(%arg14 : memref<!tpu.dma_semaphore, #tpu.memory_space<semaphore_mem>>) src(%dma_wait3A_169 : memref<120x32xf32, #tpu.memory_space<vmem>>) dst(%dma_wait3A_165 : memref<120x32xf32, #tpu.memory_space<hbm>>)
    %dma_wait3A_170 = arith.constant 2 : i32
    %dma_wait3A_171 = arith.constant 120 : i32
    %dma_wait3A_172 = arith.constant 0 : i32
    %dma_wait3A_173 = tpu.memref_slice %arg6[%dma_wait3A_170, %dma_wait3A_171, %dma_wait3A_172] : memref<5x640x32xf32, #tpu.memory_space<vmem>> -> memref<1x200x32xf32, #tpu.memory_space<vmem>>
    %dma_wait3A_174 = tpu.memref_squeeze %dma_wait3A_173 : memref<1x200x32xf32, #tpu.memory_space<vmem>> -> memref<200x32xf32, #tpu.memory_space<vmem>>
    %dma_wait3A_175 = arith.constant 0 : i32
    %dma_wait3A_176 = arith.constant 0 : i32
    %dma_wait3A_177 = tpu.memref_slice %arg4[%add3A_149, %dma_wait3A_175, %dma_wait3A_176] : memref<4096x200x32xf32, #tpu.memory_space<hbm>> -> memref<1x200x32xf32, #tpu.memory_space<hbm>>
    %dma_wait3A_178 = tpu.memref_squeeze %dma_wait3A_177 : memref<1x200x32xf32, #tpu.memory_space<hbm>> -> memref<200x32xf32, #tpu.memory_space<hbm>>
    %dma_wait3A_179 = arith.constant 0 : i32
    %dma_wait3A_180 = arith.constant 0 : i32
    %dma_wait3A_181 = tpu.memref_slice %arg4[%add3A_149, %dma_wait3A_179, %dma_wait3A_180] : memref<4096x200x32xf32, #tpu.memory_space<hbm>> -> memref<1x200x32xf32, #tpu.memory_space<hbm>>
    %dma_wait3A_182 = tpu.memref_squeeze %dma_wait3A_181 : memref<1x200x32xf32, #tpu.memory_space<hbm>> -> memref<200x32xf32, #tpu.memory_space<hbm>>
    %dma_wait3A_183 = arith.constant 120 : i32
    %dma_wait3A_184 = arith.constant 0 : i32
    %dma_wait3A_185 = tpu.memref_slice %arg6[%dma_wait3A_170, %dma_wait3A_183, %dma_wait3A_184] : memref<5x640x32xf32, #tpu.memory_space<vmem>> -> memref<1x200x32xf32, #tpu.memory_space<vmem>>
    %dma_wait3A_186 = tpu.memref_squeeze %dma_wait3A_185 : memref<1x200x32xf32, #tpu.memory_space<vmem>> -> memref<200x32xf32, #tpu.memory_space<vmem>>
    tpu.wait_dma2 semaphore(%arg14 : memref<!tpu.dma_semaphore, #tpu.memory_space<semaphore_mem>>) src(%dma_wait3A_186 : memref<200x32xf32, #tpu.memory_space<vmem>>) dst(%dma_wait3A_182 : memref<200x32xf32, #tpu.memory_space<hbm>>)
    %dma_wait3A_187 = arith.constant 2 : i32
    %dma_wait3A_188 = arith.constant 320 : i32
    %dma_wait3A_189 = arith.constant 0 : i32
    %dma_wait3A_190 = tpu.memref_slice %arg6[%dma_wait3A_187, %dma_wait3A_188, %dma_wait3A_189] : memref<5x640x32xf32, #tpu.memory_space<vmem>> -> memref<1x200x32xf32, #tpu.memory_space<vmem>>
    %dma_wait3A_191 = tpu.memref_squeeze %dma_wait3A_190 : memref<1x200x32xf32, #tpu.memory_space<vmem>> -> memref<200x32xf32, #tpu.memory_space<vmem>>
    %dma_wait3A_192 = arith.constant 0 : i32
    %dma_wait3A_193 = arith.constant 0 : i32
    %dma_wait3A_194 = tpu.memref_slice %arg4[%add3A_151, %dma_wait3A_192, %dma_wait3A_193] : memref<4096x200x32xf32, #tpu.memory_space<hbm>> -> memref<1x200x32xf32, #tpu.memory_space<hbm>>
    %dma_wait3A_195 = tpu.memref_squeeze %dma_wait3A_194 : memref<1x200x32xf32, #tpu.memory_space<hbm>> -> memref<200x32xf32, #tpu.memory_space<hbm>>
    %dma_wait3A_196 = arith.constant 0 : i32
    %dma_wait3A_197 = arith.constant 0 : i32
    %dma_wait3A_198 = tpu.memref_slice %arg4[%add3A_151, %dma_wait3A_196, %dma_wait3A_197] : memref<4096x200x32xf32, #tpu.memory_space<hbm>> -> memref<1x200x32xf32, #tpu.memory_space<hbm>>
    %dma_wait3A_199 = tpu.memref_squeeze %dma_wait3A_198 : memref<1x200x32xf32, #tpu.memory_space<hbm>> -> memref<200x32xf32, #tpu.memory_space<hbm>>
    %dma_wait3A_200 = arith.constant 320 : i32
    %dma_wait3A_201 = arith.constant 0 : i32
    %dma_wait3A_202 = tpu.memref_slice %arg6[%dma_wait3A_187, %dma_wait3A_200, %dma_wait3A_201] : memref<5x640x32xf32, #tpu.memory_space<vmem>> -> memref<1x200x32xf32, #tpu.memory_space<vmem>>
    %dma_wait3A_203 = tpu.memref_squeeze %dma_wait3A_202 : memref<1x200x32xf32, #tpu.memory_space<vmem>> -> memref<200x32xf32, #tpu.memory_space<vmem>>
    tpu.wait_dma2 semaphore(%arg14 : memref<!tpu.dma_semaphore, #tpu.memory_space<semaphore_mem>>) src(%dma_wait3A_203 : memref<200x32xf32, #tpu.memory_space<vmem>>) dst(%dma_wait3A_199 : memref<200x32xf32, #tpu.memory_space<hbm>>)
    %dma_wait3A_204 = arith.constant 2 : i32
    %dma_wait3A_205 = arith.constant 520 : i32
    %dma_wait3A_206 = arith.constant 0 : i32
    %dma_wait3A_207 = tpu.memref_slice %arg6[%dma_wait3A_204, %dma_wait3A_205, %dma_wait3A_206] : memref<5x640x32xf32, #tpu.memory_space<vmem>> -> memref<1x120x32xf32, #tpu.memory_space<vmem>>
    %dma_wait3A_208 = tpu.memref_squeeze %dma_wait3A_207 : memref<1x120x32xf32, #tpu.memory_space<vmem>> -> memref<120x32xf32, #tpu.memory_space<vmem>>
    %dma_wait3A_209 = arith.constant 0 : i32
    %dma_wait3A_210 = arith.constant 0 : i32
    %dma_wait3A_211 = tpu.memref_slice %arg4[%add3A_153, %dma_wait3A_209, %dma_wait3A_210] : memref<4096x200x32xf32, #tpu.memory_space<hbm>> -> memref<1x120x32xf32, #tpu.memory_space<hbm>>
    %dma_wait3A_212 = tpu.memref_squeeze %dma_wait3A_211 : memref<1x120x32xf32, #tpu.memory_space<hbm>> -> memref<120x32xf32, #tpu.memory_space<hbm>>
    %dma_wait3A_213 = arith.constant 0 : i32
    %dma_wait3A_214 = arith.constant 0 : i32
    %dma_wait3A_215 = tpu.memref_slice %arg4[%add3A_153, %dma_wait3A_213, %dma_wait3A_214] : memref<4096x200x32xf32, #tpu.memory_space<hbm>> -> memref<1x120x32xf32, #tpu.memory_space<hbm>>
    %dma_wait3A_216 = tpu.memref_squeeze %dma_wait3A_215 : memref<1x120x32xf32, #tpu.memory_space<hbm>> -> memref<120x32xf32, #tpu.memory_space<hbm>>
    %dma_wait3A_217 = arith.constant 520 : i32
    %dma_wait3A_218 = arith.constant 0 : i32
    %dma_wait3A_219 = tpu.memref_slice %arg6[%dma_wait3A_204, %dma_wait3A_217, %dma_wait3A_218] : memref<5x640x32xf32, #tpu.memory_space<vmem>> -> memref<1x120x32xf32, #tpu.memory_space<vmem>>
    %dma_wait3A_220 = tpu.memref_squeeze %dma_wait3A_219 : memref<1x120x32xf32, #tpu.memory_space<vmem>> -> memref<120x32xf32, #tpu.memory_space<vmem>>
    tpu.wait_dma2 semaphore(%arg14 : memref<!tpu.dma_semaphore, #tpu.memory_space<semaphore_mem>>) src(%dma_wait3A_220 : memref<120x32xf32, #tpu.memory_space<vmem>>) dst(%dma_wait3A_216 : memref<120x32xf32, #tpu.memory_space<hbm>>)
    %add3A_221 = arith.constant 112 : i32
    %add3A_222 = arith.addi %mul3A_4, %add3A_221 : i32
    %add3A_223 = arith.constant 9 : i32
    %add3A_224 = arith.addi %add3A_222, %add3A_223 : i32
    %add3A_225 = arith.constant 10 : i32
    %add3A_226 = arith.addi %add3A_222, %add3A_225 : i32
    %add3A_227 = arith.constant 11 : i32
    %add3A_228 = arith.addi %add3A_222, %add3A_227 : i32
    %add3A_229 = arith.constant 12 : i32
    %add3A_230 = arith.addi %add3A_222, %add3A_229 : i32
    %dma_wait3A_231 = arith.constant 3 : i32
    %dma_wait3A_232 = arith.constant 0 : i32
    %dma_wait3A_233 = arith.constant 0 : i32
    %dma_wait3A_234 = tpu.memref_slice %arg6[%dma_wait3A_231, %dma_wait3A_232, %dma_wait3A_233] : memref<5x640x32xf32, #tpu.memory_space<vmem>> -> memref<1x80x32xf32, #tpu.memory_space<vmem>>
    %dma_wait3A_235 = tpu.memref_squeeze %dma_wait3A_234 : memref<1x80x32xf32, #tpu.memory_space<vmem>> -> memref<80x32xf32, #tpu.memory_space<vmem>>
    %dma_wait3A_236 = arith.constant 120 : i32
    %dma_wait3A_237 = arith.constant 0 : i32
    %dma_wait3A_238 = tpu.memref_slice %arg4[%add3A_224, %dma_wait3A_236, %dma_wait3A_237] : memref<4096x200x32xf32, #tpu.memory_space<hbm>> -> memref<1x80x32xf32, #tpu.memory_space<hbm>>
    %dma_wait3A_239 = tpu.memref_squeeze %dma_wait3A_238 : memref<1x80x32xf32, #tpu.memory_space<hbm>> -> memref<80x32xf32, #tpu.memory_space<hbm>>
    %dma_wait3A_240 = arith.constant 120 : i32
    %dma_wait3A_241 = arith.constant 0 : i32
    %dma_wait3A_242 = tpu.memref_slice %arg4[%add3A_224, %dma_wait3A_240, %dma_wait3A_241] : memref<4096x200x32xf32, #tpu.memory_space<hbm>> -> memref<1x80x32xf32, #tpu.memory_space<hbm>>
    %dma_wait3A_243 = tpu.memref_squeeze %dma_wait3A_242 : memref<1x80x32xf32, #tpu.memory_space<hbm>> -> memref<80x32xf32, #tpu.memory_space<hbm>>
    %dma_wait3A_244 = arith.constant 0 : i32
    %dma_wait3A_245 = arith.constant 0 : i32
    %dma_wait3A_246 = tpu.memref_slice %arg6[%dma_wait3A_231, %dma_wait3A_244, %dma_wait3A_245] : memref<5x640x32xf32, #tpu.memory_space<vmem>> -> memref<1x80x32xf32, #tpu.memory_space<vmem>>
    %dma_wait3A_247 = tpu.memref_squeeze %dma_wait3A_246 : memref<1x80x32xf32, #tpu.memory_space<vmem>> -> memref<80x32xf32, #tpu.memory_space<vmem>>
    tpu.wait_dma2 semaphore(%arg15 : memref<!tpu.dma_semaphore, #tpu.memory_space<semaphore_mem>>) src(%dma_wait3A_247 : memref<80x32xf32, #tpu.memory_space<vmem>>) dst(%dma_wait3A_243 : memref<80x32xf32, #tpu.memory_space<hbm>>)
    %dma_wait3A_248 = arith.constant 3 : i32
    %dma_wait3A_249 = arith.constant 80 : i32
    %dma_wait3A_250 = arith.constant 0 : i32
    %dma_wait3A_251 = tpu.memref_slice %arg6[%dma_wait3A_248, %dma_wait3A_249, %dma_wait3A_250] : memref<5x640x32xf32, #tpu.memory_space<vmem>> -> memref<1x200x32xf32, #tpu.memory_space<vmem>>
    %dma_wait3A_252 = tpu.memref_squeeze %dma_wait3A_251 : memref<1x200x32xf32, #tpu.memory_space<vmem>> -> memref<200x32xf32, #tpu.memory_space<vmem>>
    %dma_wait3A_253 = arith.constant 0 : i32
    %dma_wait3A_254 = arith.constant 0 : i32
    %dma_wait3A_255 = tpu.memref_slice %arg4[%add3A_226, %dma_wait3A_253, %dma_wait3A_254] : memref<4096x200x32xf32, #tpu.memory_space<hbm>> -> memref<1x200x32xf32, #tpu.memory_space<hbm>>
    %dma_wait3A_256 = tpu.memref_squeeze %dma_wait3A_255 : memref<1x200x32xf32, #tpu.memory_space<hbm>> -> memref<200x32xf32, #tpu.memory_space<hbm>>
    %dma_wait3A_257 = arith.constant 0 : i32
    %dma_wait3A_258 = arith.constant 0 : i32
    %dma_wait3A_259 = tpu.memref_slice %arg4[%add3A_226, %dma_wait3A_257, %dma_wait3A_258] : memref<4096x200x32xf32, #tpu.memory_space<hbm>> -> memref<1x200x32xf32, #tpu.memory_space<hbm>>
    %dma_wait3A_260 = tpu.memref_squeeze %dma_wait3A_259 : memref<1x200x32xf32, #tpu.memory_space<hbm>> -> memref<200x32xf32, #tpu.memory_space<hbm>>
    %dma_wait3A_261 = arith.constant 80 : i32
    %dma_wait3A_262 = arith.constant 0 : i32
    %dma_wait3A_263 = tpu.memref_slice %arg6[%dma_wait3A_248, %dma_wait3A_261, %dma_wait3A_262] : memref<5x640x32xf32, #tpu.memory_space<vmem>> -> memref<1x200x32xf32, #tpu.memory_space<vmem>>
    %dma_wait3A_264 = tpu.memref_squeeze %dma_wait3A_263 : memref<1x200x32xf32, #tpu.memory_space<vmem>> -> memref<200x32xf32, #tpu.memory_space<vmem>>
    tpu.wait_dma2 semaphore(%arg15 : memref<!tpu.dma_semaphore, #tpu.memory_space<semaphore_mem>>) src(%dma_wait3A_264 : memref<200x32xf32, #tpu.memory_space<vmem>>) dst(%dma_wait3A_260 : memref<200x32xf32, #tpu.memory_space<hbm>>)
    %dma_wait3A_265 = arith.constant 3 : i32
    %dma_wait3A_266 = arith.constant 280 : i32
    %dma_wait3A_267 = arith.constant 0 : i32
    %dma_wait3A_268 = tpu.memref_slice %arg6[%dma_wait3A_265, %dma_wait3A_266, %dma_wait3A_267] : memref<5x640x32xf32, #tpu.memory_space<vmem>> -> memref<1x200x32xf32, #tpu.memory_space<vmem>>
    %dma_wait3A_269 = tpu.memref_squeeze %dma_wait3A_268 : memref<1x200x32xf32, #tpu.memory_space<vmem>> -> memref<200x32xf32, #tpu.memory_space<vmem>>
    %dma_wait3A_270 = arith.constant 0 : i32
    %dma_wait3A_271 = arith.constant 0 : i32
    %dma_wait3A_272 = tpu.memref_slice %arg4[%add3A_228, %dma_wait3A_270, %dma_wait3A_271] : memref<4096x200x32xf32, #tpu.memory_space<hbm>> -> memref<1x200x32xf32, #tpu.memory_space<hbm>>
    %dma_wait3A_273 = tpu.memref_squeeze %dma_wait3A_272 : memref<1x200x32xf32, #tpu.memory_space<hbm>> -> memref<200x32xf32, #tpu.memory_space<hbm>>
    %dma_wait3A_274 = arith.constant 0 : i32
    %dma_wait3A_275 = arith.constant 0 : i32
    %dma_wait3A_276 = tpu.memref_slice %arg4[%add3A_228, %dma_wait3A_274, %dma_wait3A_275] : memref<4096x200x32xf32, #tpu.memory_space<hbm>> -> memref<1x200x32xf32, #tpu.memory_space<hbm>>
    %dma_wait3A_277 = tpu.memref_squeeze %dma_wait3A_276 : memref<1x200x32xf32, #tpu.memory_space<hbm>> -> memref<200x32xf32, #tpu.memory_space<hbm>>
    %dma_wait3A_278 = arith.constant 280 : i32
    %dma_wait3A_279 = arith.constant 0 : i32
    %dma_wait3A_280 = tpu.memref_slice %arg6[%dma_wait3A_265, %dma_wait3A_278, %dma_wait3A_279] : memref<5x640x32xf32, #tpu.memory_space<vmem>> -> memref<1x200x32xf32, #tpu.memory_space<vmem>>
    %dma_wait3A_281 = tpu.memref_squeeze %dma_wait3A_280 : memref<1x200x32xf32, #tpu.memory_space<vmem>> -> memref<200x32xf32, #tpu.memory_space<vmem>>
    tpu.wait_dma2 semaphore(%arg15 : memref<!tpu.dma_semaphore, #tpu.memory_space<semaphore_mem>>) src(%dma_wait3A_281 : memref<200x32xf32, #tpu.memory_space<vmem>>) dst(%dma_wait3A_277 : memref<200x32xf32, #tpu.memory_space<hbm>>)
    %dma_wait3A_282 = arith.constant 3 : i32
    %dma_wait3A_283 = arith.constant 480 : i32
    %dma_wait3A_284 = arith.constant 0 : i32
    %dma_wait3A_285 = tpu.memref_slice %arg6[%dma_wait3A_282, %dma_wait3A_283, %dma_wait3A_284] : memref<5x640x32xf32, #tpu.memory_space<vmem>> -> memref<1x160x32xf32, #tpu.memory_space<vmem>>
    %dma_wait3A_286 = tpu.memref_squeeze %dma_wait3A_285 : memref<1x160x32xf32, #tpu.memory_space<vmem>> -> memref<160x32xf32, #tpu.memory_space<vmem>>
    %dma_wait3A_287 = arith.constant 0 : i32
    %dma_wait3A_288 = arith.constant 0 : i32
    %dma_wait3A_289 = tpu.memref_slice %arg4[%add3A_230, %dma_wait3A_287, %dma_wait3A_288] : memref<4096x200x32xf32, #tpu.memory_space<hbm>> -> memref<1x160x32xf32, #tpu.memory_space<hbm>>
    %dma_wait3A_290 = tpu.memref_squeeze %dma_wait3A_289 : memref<1x160x32xf32, #tpu.memory_space<hbm>> -> memref<160x32xf32, #tpu.memory_space<hbm>>
    %dma_wait3A_291 = arith.constant 0 : i32
    %dma_wait3A_292 = arith.constant 0 : i32
    %dma_wait3A_293 = tpu.memref_slice %arg4[%add3A_230, %dma_wait3A_291, %dma_wait3A_292] : memref<4096x200x32xf32, #tpu.memory_space<hbm>> -> memref<1x160x32xf32, #tpu.memory_space<hbm>>
    %dma_wait3A_294 = tpu.memref_squeeze %dma_wait3A_293 : memref<1x160x32xf32, #tpu.memory_space<hbm>> -> memref<160x32xf32, #tpu.memory_space<hbm>>
    %dma_wait3A_295 = arith.constant 480 : i32
    %dma_wait3A_296 = arith.constant 0 : i32
    %dma_wait3A_297 = tpu.memref_slice %arg6[%dma_wait3A_282, %dma_wait3A_295, %dma_wait3A_296] : memref<5x640x32xf32, #tpu.memory_space<vmem>> -> memref<1x160x32xf32, #tpu.memory_space<vmem>>
    %dma_wait3A_298 = tpu.memref_squeeze %dma_wait3A_297 : memref<1x160x32xf32, #tpu.memory_space<vmem>> -> memref<160x32xf32, #tpu.memory_space<vmem>>
    tpu.wait_dma2 semaphore(%arg15 : memref<!tpu.dma_semaphore, #tpu.memory_space<semaphore_mem>>) src(%dma_wait3A_298 : memref<160x32xf32, #tpu.memory_space<vmem>>) dst(%dma_wait3A_294 : memref<160x32xf32, #tpu.memory_space<hbm>>)
    %add3A_299 = arith.constant 112 : i32
    %add3A_300 = arith.addi %mul3A_4, %add3A_299 : i32
    %add3A_301 = arith.constant 12 : i32
    %add3A_302 = arith.addi %add3A_300, %add3A_301 : i32
    %add3A_303 = arith.constant 13 : i32
    %add3A_304 = arith.addi %add3A_300, %add3A_303 : i32
    %add3A_305 = arith.constant 14 : i32
    %add3A_306 = arith.addi %add3A_300, %add3A_305 : i32
    %add3A_307 = arith.constant 15 : i32
    %add3A_308 = arith.addi %add3A_300, %add3A_307 : i32
    %dma_wait3A_309 = arith.constant 4 : i32
    %dma_wait3A_310 = arith.constant 0 : i32
    %dma_wait3A_311 = arith.constant 0 : i32
    %dma_wait3A_312 = tpu.memref_slice %arg6[%dma_wait3A_309, %dma_wait3A_310, %dma_wait3A_311] : memref<5x640x32xf32, #tpu.memory_space<vmem>> -> memref<1x40x32xf32, #tpu.memory_space<vmem>>
    %dma_wait3A_313 = tpu.memref_squeeze %dma_wait3A_312 : memref<1x40x32xf32, #tpu.memory_space<vmem>> -> memref<40x32xf32, #tpu.memory_space<vmem>>
    %dma_wait3A_314 = arith.constant 160 : i32
    %dma_wait3A_315 = arith.constant 0 : i32
    %dma_wait3A_316 = tpu.memref_slice %arg4[%add3A_302, %dma_wait3A_314, %dma_wait3A_315] : memref<4096x200x32xf32, #tpu.memory_space<hbm>> -> memref<1x40x32xf32, #tpu.memory_space<hbm>>
    %dma_wait3A_317 = tpu.memref_squeeze %dma_wait3A_316 : memref<1x40x32xf32, #tpu.memory_space<hbm>> -> memref<40x32xf32, #tpu.memory_space<hbm>>
    %dma_wait3A_318 = arith.constant 160 : i32
    %dma_wait3A_319 = arith.constant 0 : i32
    %dma_wait3A_320 = tpu.memref_slice %arg4[%add3A_302, %dma_wait3A_318, %dma_wait3A_319] : memref<4096x200x32xf32, #tpu.memory_space<hbm>> -> memref<1x40x32xf32, #tpu.memory_space<hbm>>
    %dma_wait3A_321 = tpu.memref_squeeze %dma_wait3A_320 : memref<1x40x32xf32, #tpu.memory_space<hbm>> -> memref<40x32xf32, #tpu.memory_space<hbm>>
    %dma_wait3A_322 = arith.constant 0 : i32
    %dma_wait3A_323 = arith.constant 0 : i32
    %dma_wait3A_324 = tpu.memref_slice %arg6[%dma_wait3A_309, %dma_wait3A_322, %dma_wait3A_323] : memref<5x640x32xf32, #tpu.memory_space<vmem>> -> memref<1x40x32xf32, #tpu.memory_space<vmem>>
    %dma_wait3A_325 = tpu.memref_squeeze %dma_wait3A_324 : memref<1x40x32xf32, #tpu.memory_space<vmem>> -> memref<40x32xf32, #tpu.memory_space<vmem>>
    tpu.wait_dma2 semaphore(%arg16 : memref<!tpu.dma_semaphore, #tpu.memory_space<semaphore_mem>>) src(%dma_wait3A_325 : memref<40x32xf32, #tpu.memory_space<vmem>>) dst(%dma_wait3A_321 : memref<40x32xf32, #tpu.memory_space<hbm>>)
    %dma_wait3A_326 = arith.constant 4 : i32
    %dma_wait3A_327 = arith.constant 40 : i32
    %dma_wait3A_328 = arith.constant 0 : i32
    %dma_wait3A_329 = tpu.memref_slice %arg6[%dma_wait3A_326, %dma_wait3A_327, %dma_wait3A_328] : memref<5x640x32xf32, #tpu.memory_space<vmem>> -> memref<1x200x32xf32, #tpu.memory_space<vmem>>
    %dma_wait3A_330 = tpu.memref_squeeze %dma_wait3A_329 : memref<1x200x32xf32, #tpu.memory_space<vmem>> -> memref<200x32xf32, #tpu.memory_space<vmem>>
    %dma_wait3A_331 = arith.constant 0 : i32
    %dma_wait3A_332 = arith.constant 0 : i32
    %dma_wait3A_333 = tpu.memref_slice %arg4[%add3A_304, %dma_wait3A_331, %dma_wait3A_332] : memref<4096x200x32xf32, #tpu.memory_space<hbm>> -> memref<1x200x32xf32, #tpu.memory_space<hbm>>
    %dma_wait3A_334 = tpu.memref_squeeze %dma_wait3A_333 : memref<1x200x32xf32, #tpu.memory_space<hbm>> -> memref<200x32xf32, #tpu.memory_space<hbm>>
    %dma_wait3A_335 = arith.constant 0 : i32
    %dma_wait3A_336 = arith.constant 0 : i32
    %dma_wait3A_337 = tpu.memref_slice %arg4[%add3A_304, %dma_wait3A_335, %dma_wait3A_336] : memref<4096x200x32xf32, #tpu.memory_space<hbm>> -> memref<1x200x32xf32, #tpu.memory_space<hbm>>
    %dma_wait3A_338 = tpu.memref_squeeze %dma_wait3A_337 : memref<1x200x32xf32, #tpu.memory_space<hbm>> -> memref<200x32xf32, #tpu.memory_space<hbm>>
    %dma_wait3A_339 = arith.constant 40 : i32
    %dma_wait3A_340 = arith.constant 0 : i32
    %dma_wait3A_341 = tpu.memref_slice %arg6[%dma_wait3A_326, %dma_wait3A_339, %dma_wait3A_340] : memref<5x640x32xf32, #tpu.memory_space<vmem>> -> memref<1x200x32xf32, #tpu.memory_space<vmem>>
    %dma_wait3A_342 = tpu.memref_squeeze %dma_wait3A_341 : memref<1x200x32xf32, #tpu.memory_space<vmem>> -> memref<200x32xf32, #tpu.memory_space<vmem>>
    tpu.wait_dma2 semaphore(%arg16 : memref<!tpu.dma_semaphore, #tpu.memory_space<semaphore_mem>>) src(%dma_wait3A_342 : memref<200x32xf32, #tpu.memory_space<vmem>>) dst(%dma_wait3A_338 : memref<200x32xf32, #tpu.memory_space<hbm>>)
    %dma_wait3A_343 = arith.constant 4 : i32
    %dma_wait3A_344 = arith.constant 240 : i32
    %dma_wait3A_345 = arith.constant 0 : i32
    %dma_wait3A_346 = tpu.memref_slice %arg6[%dma_wait3A_343, %dma_wait3A_344, %dma_wait3A_345] : memref<5x640x32xf32, #tpu.memory_space<vmem>> -> memref<1x200x32xf32, #tpu.memory_space<vmem>>
    %dma_wait3A_347 = tpu.memref_squeeze %dma_wait3A_346 : memref<1x200x32xf32, #tpu.memory_space<vmem>> -> memref<200x32xf32, #tpu.memory_space<vmem>>
    %dma_wait3A_348 = arith.constant 0 : i32
    %dma_wait3A_349 = arith.constant 0 : i32
    %dma_wait3A_350 = tpu.memref_slice %arg4[%add3A_306, %dma_wait3A_348, %dma_wait3A_349] : memref<4096x200x32xf32, #tpu.memory_space<hbm>> -> memref<1x200x32xf32, #tpu.memory_space<hbm>>
    %dma_wait3A_351 = tpu.memref_squeeze %dma_wait3A_350 : memref<1x200x32xf32, #tpu.memory_space<hbm>> -> memref<200x32xf32, #tpu.memory_space<hbm>>
    %dma_wait3A_352 = arith.constant 0 : i32
    %dma_wait3A_353 = arith.constant 0 : i32
    %dma_wait3A_354 = tpu.memref_slice %arg4[%add3A_306, %dma_wait3A_352, %dma_wait3A_353] : memref<4096x200x32xf32, #tpu.memory_space<hbm>> -> memref<1x200x32xf32, #tpu.memory_space<hbm>>
    %dma_wait3A_355 = tpu.memref_squeeze %dma_wait3A_354 : memref<1x200x32xf32, #tpu.memory_space<hbm>> -> memref<200x32xf32, #tpu.memory_space<hbm>>
    %dma_wait3A_356 = arith.constant 240 : i32
    %dma_wait3A_357 = arith.constant 0 : i32
    %dma_wait3A_358 = tpu.memref_slice %arg6[%dma_wait3A_343, %dma_wait3A_356, %dma_wait3A_357] : memref<5x640x32xf32, #tpu.memory_space<vmem>> -> memref<1x200x32xf32, #tpu.memory_space<vmem>>
    %dma_wait3A_359 = tpu.memref_squeeze %dma_wait3A_358 : memref<1x200x32xf32, #tpu.memory_space<vmem>> -> memref<200x32xf32, #tpu.memory_space<vmem>>
    tpu.wait_dma2 semaphore(%arg16 : memref<!tpu.dma_semaphore, #tpu.memory_space<semaphore_mem>>) src(%dma_wait3A_359 : memref<200x32xf32, #tpu.memory_space<vmem>>) dst(%dma_wait3A_355 : memref<200x32xf32, #tpu.memory_space<hbm>>)
    %dma_wait3A_360 = arith.constant 4 : i32
    %dma_wait3A_361 = arith.constant 440 : i32
    %dma_wait3A_362 = arith.constant 0 : i32
    %dma_wait3A_363 = tpu.memref_slice %arg6[%dma_wait3A_360, %dma_wait3A_361, %dma_wait3A_362] : memref<5x640x32xf32, #tpu.memory_space<vmem>> -> memref<1x200x32xf32, #tpu.memory_space<vmem>>
    %dma_wait3A_364 = tpu.memref_squeeze %dma_wait3A_363 : memref<1x200x32xf32, #tpu.memory_space<vmem>> -> memref<200x32xf32, #tpu.memory_space<vmem>>
    %dma_wait3A_365 = arith.constant 0 : i32
    %dma_wait3A_366 = arith.constant 0 : i32
    %dma_wait3A_367 = tpu.memref_slice %arg4[%add3A_308, %dma_wait3A_365, %dma_wait3A_366] : memref<4096x200x32xf32, #tpu.memory_space<hbm>> -> memref<1x200x32xf32, #tpu.memory_space<hbm>>
    %dma_wait3A_368 = tpu.memref_squeeze %dma_wait3A_367 : memref<1x200x32xf32, #tpu.memory_space<hbm>> -> memref<200x32xf32, #tpu.memory_space<hbm>>
    %dma_wait3A_369 = arith.constant 0 : i32
    %dma_wait3A_370 = arith.constant 0 : i32
    %dma_wait3A_371 = tpu.memref_slice %arg4[%add3A_308, %dma_wait3A_369, %dma_wait3A_370] : memref<4096x200x32xf32, #tpu.memory_space<hbm>> -> memref<1x200x32xf32, #tpu.memory_space<hbm>>
    %dma_wait3A_372 = tpu.memref_squeeze %dma_wait3A_371 : memref<1x200x32xf32, #tpu.memory_space<hbm>> -> memref<200x32xf32, #tpu.memory_space<hbm>>
    %dma_wait3A_373 = arith.constant 440 : i32
    %dma_wait3A_374 = arith.constant 0 : i32
    %dma_wait3A_375 = tpu.memref_slice %arg6[%dma_wait3A_360, %dma_wait3A_373, %dma_wait3A_374] : memref<5x640x32xf32, #tpu.memory_space<vmem>> -> memref<1x200x32xf32, #tpu.memory_space<vmem>>
    %dma_wait3A_376 = tpu.memref_squeeze %dma_wait3A_375 : memref<1x200x32xf32, #tpu.memory_space<vmem>> -> memref<200x32xf32, #tpu.memory_space<vmem>>
    tpu.wait_dma2 semaphore(%arg16 : memref<!tpu.dma_semaphore, #tpu.memory_space<semaphore_mem>>) src(%dma_wait3A_376 : memref<200x32xf32, #tpu.memory_space<vmem>>) dst(%dma_wait3A_372 : memref<200x32xf32, #tpu.memory_space<hbm>>)
    return
  }
}

</mosaic_0001>

<sc_bundles>
// kernel: kernel.3.cloned.1.call-start
scs
__scs_entry_jumppad:
0x0: {  	(pc) =	sbr.rel $0x88, $3  }
0x1: {  	(tag) =	ssettag $0x0;
	lr =	simm.s32 $0x1  }
0x2: {  	[smem:$0x3F9F] =	sst lr;
	_ =	strace $0xD0000000  }
0x3: {  	_ = 	snop  }
0x4: {  	_ = 	snop  }
0x5: {  	_ = 	snop  }
0x6: {  	_ = 	snop  }
0x7: {  	_ = 	snop  }
__scs_overlays_trampoline_lowered:
0x8: {  	[smem:$0x3FAE] =	sst s0  }
0x9: {  	[smem:$0x3FAF] =	sst s1  }
0xa: {  	[smem:$0x3FB0] =	sst s2  }
0xb: {  	[smem:$0x3FB1] =	sst s3  }
0xc: {  	[smem:$0x3FB2] =	sst s4  }
0xd: {  	[smem:$0x3FB3] =	sst s5  }
0xe: {  	[smem:$0x3FB4] =	sst s6  }
0xf: {  	[smem:$0x3FB5] =	sst s7  }
0x10: {  	[smem:$0x3FB6] =	sst s8  }
0x11: {  	[smem:$0x3FB7] =	sst s9;
	s0 =	simm.s32 @!p0 $0x0  }
0x12: {  	s1 =	sld [smem:$0x3F9D];
	s0 =	simm.s32 @p0 $0x1  }
0x13: {  	[smem:$0x3FB8] =	sst s0;
	s0 =	simm.s32 @!p1 $0x0  }
0x14: {  	s2 =	sld [smem:$0x3F9C];
	s0 =	simm.s32 @p1 $0x1  }
0x15: {  	[smem:$0x3FB9] =	sst s0;
	s0 =	simm.s32 @!p2 $0x0  }
0x16: {  	s3 =	sld [smem:$0x3FDB];
	s0 =	simm.s32 @p2 $0x1  }
0x17: {  	s4 =	simm.s32 $0x1BF5;
	[smem:$0x3FBB] =	sst s0  }
0x18: {  	s0 =	sld [smem:$0x3F9E];
	_ =	swait.ge [sflag:s4], $0x0  }
0x19: {  	s7 =	sld [smem:$0x3F9F]  }
0x1a: {  	s8 =	sadd.s32 $0xFFFFE003, lr  }
0x1b: {  	s9 =	sadd.s32 $0xFFFFFEF7, lr;
	s5 =	simm.s32 $0xFFFFFFFF;
	p2 =	slt.u32 s8, $0xFFFFF086  }
0x1c: {  	p1 =	slt.u32 s9, $0xF7A;
	s5 =	simm.s32 @!p2 $0x0  }
0x1d: {  	s5 =	simm.s32 @p1 $0x1;
	p0 =	seq.s32 s7, s2  }
0x1e: {  	s7 =	smul.u32 @!p0 $0xF7A, s2;
	p2 =	seq.s32 @!p0 s5, $0x0  }
0x1f: {  	s9 =	smul.u32 $0xF7A, s1;
	s8 =	simm.s32 @!p0 $0x1BF5;
	p2 =	por !p2, p0  }
0x20: {  	[sflag:s8] =	ssyncset.s32 @!p0 $0xFFFFF086;
	s6 =	sadd.s32 @!p0 s3, s7;
	s7 =	simm.s32 @!p0 $0x108  }
0x21: {  	s3 =	sadd.s32 s3, s9;
	s6 =	sadd.s32 @!p0 $0x88, s6;
	s7 =	simm.s32 @p2 $0x1082  }
0x22: {  	[simem:s7], [sflag:s8] =	dma.local @!p0 [hbm:s6], $0xF7A  }
0x23: {  	s9 =	sor.u32 $0xD0000000, s2;
	s6 =	simm.s32 $0x108;
	_ =	swait.ge @!p0 [sflag:s8], $0x0  }
0x24: {  	s3 =	sadd.s32 $0x88, s3;
	s6 =	simm.s32 @!p1 $0x1082;
	[sflag:s4] =	ssyncset.s32 $0xFFFFF086  }
0x25: {  	[simem:s6], [sflag:s4] =	dma.local [hbm:s3], $0xF7A  }
0x26: {  	[smem:$0x3F9F] =	sst s1;
	(tag) =	ssettag s2;
	_ =	strace s9  }
0x27: {  	s1 =	sld [smem:$0x3FAF]  }
0x28: {  	s2 =	sld [smem:$0x3FB0]  }
0x29: {  	s4 =	sld [smem:$0x3FB2]  }
0x2a: {  	p0 =	seq.s32 s5, $0x0;
	s5 =	sld [smem:$0x3FB3]  }
0x2b: {  	s6 =	sld [smem:$0x3FB4]  }
0x2c: {  	s7 =	sld [smem:$0x3FB5]  }
0x2d: {  	s3 =	simm.s32 $0x108;
	s8 =	sld [smem:$0x3FB6]  }
0x2e: {  	s3 =	simm.s32 @!p0 $0x1082;
	s9 =	sld [smem:$0x3FB7]  }
0x2f: {  	lr =	sadd.s32 s0, s3;
	s0 =	sld [smem:$0x3FAE]  }
0x30: {  	s3 =	sld [smem:$0x3FB1]  }
0x31: {  	[smem:$0x3FBA] =	sst s10  }
0x32: {  	s10 =	sld [smem:$0x3FB8];
	_ =	sdelay $0x3  }
0x33: {  	p0 =	seq.s32 s10, $0x1;
	s10 =	sld [smem:$0x3FBA];
	_ =	sdelay $0x3  }
0x34: {  	[smem:$0x3FBA] =	sst s10  }
0x35: {  	s10 =	sld [smem:$0x3FB9];
	_ =	sdelay $0x3  }
0x36: {  	p1 =	seq.s32 s10, $0x1;
	s10 =	sld [smem:$0x3FBA];
	_ =	sdelay $0x3  }
0x37: {  	[smem:$0x3FBA] =	sst s10  }
0x38: {  	s10 =	sld [smem:$0x3FBB]  }
0x39: {  	_ = 	snop;
	(pc) =	sbr.ind lr, $3  }
0x3a: {  	_ = 	snop  }
0x3b: {  	_ = 	snop  }
0x3c: {  	p2 =	seq.s32 s10, $0x1;
	s10 =	sld [smem:$0x3FBA]  }
0x3d: {  	_ =	shalt  }
0x3e: {  	_ =	shalt  }
0x3f: {  	_ =	shalt  }
0x40: {  	_ =	shalt  }
0x41: {  	_ =	shalt  }
0x42: {  	_ =	shalt  }
0x43: {  	_ =	shalt  }
0x44: {  	_ =	shalt  }
0x45: {  	_ =	shalt  }
0x46: {  	_ =	shalt  }
0x47: {  	_ =	shalt  }
0x48: {  	_ =	shalt  }
0x49: {  	_ =	shalt  }
0x4a: {  	_ =	shalt  }
0x4b: {  	_ =	shalt  }
0x4c: {  	_ =	shalt  }
0x4d: {  	_ =	shalt  }
0x4e: {  	_ =	shalt  }
0x4f: {  	_ =	shalt  }
0x50: {  	_ =	shalt  }
0x51: {  	_ =	shalt  }
0x52: {  	_ =	shalt  }
0x53: {  	_ =	shalt  }
0x54: {  	_ =	shalt  }
0x55: {  	_ =	shalt  }
0x56: {  	_ =	shalt  }
0x57: {  	_ =	shalt  }
0x58: {  	_ =	shalt  }
0x59: {  	_ =	shalt  }
0x5a: {  	_ =	shalt  }
0x5b: {  	_ =	shalt  }
0x5c: {  	_ =	shalt  }
0x5d: {  	_ =	shalt  }
0x5e: {  	_ =	shalt  }
0x5f: {  	_ =	shalt  }
0x60: {  	_ =	shalt  }
0x61: {  	_ =	shalt  }
0x62: {  	_ =	shalt  }
0x63: {  	_ =	shalt  }
0x64: {  	_ =	shalt  }
0x65: {  	_ =	shalt  }
0x66: {  	_ =	shalt  }
0x67: {  	_ =	shalt  }
0x68: {  	_ =	shalt  }
0x69: {  	_ =	shalt  }
0x6a: {  	_ =	shalt  }
0x6b: {  	_ =	shalt  }
0x6c: {  	_ =	shalt  }
0x6d: {  	_ =	shalt  }
0x6e: {  	_ =	shalt  }
0x6f: {  	_ =	shalt  }
0x70: {  	_ =	shalt  }
0x71: {  	_ =	shalt  }
0x72: {  	_ =	shalt  }
0x73: {  	_ =	shalt  }
0x74: {  	_ =	shalt  }
0x75: {  	_ =	shalt  }
0x76: {  	_ =	shalt  }
0x77: {  	_ =	shalt  }
0x78: {  	_ =	shalt  }
0x79: {  	_ =	shalt  }
0x7a: {  	_ =	shalt  }
0x7b: {  	_ =	shalt  }
0x7c: {  	_ =	shalt  }
0x7d: {  	_ =	shalt  }
0x7e: {  	_ =	shalt  }
0x7f: {  	_ =	shalt  }
0x80: {  	_ =	shalt  }
0x81: {  	_ =	shalt  }
0x82: {  	_ =	shalt  }
0x83: {  	_ =	shalt  }
0x84: {  	_ =	shalt  }
0x85: {  	_ =	shalt  }
0x86: {  	_ =	shalt  }
0x87: {  	_ =	shalt  }
.Lfunc_end0:
.L_simem_size_0:
called_computation.1_lowered:
.L_overlay_start_0:
0x88: {  	s2 =	sld [smem:$0x3FD9]  }
0x89: {  	s3 =	sld [smem:$0x3FFE];
	_ =	sdelay $0x1  }
0x8a: {  	s1 =	srdreg.scid  }
0x8b: {  	s0 =	sand.u32 $0x1, s1  }
0x8c: {  	s17 =	sshll.u32 s0, $0xA;
	s2 =	sadd.s32 s3, s2  }
0x8d: {  	s2 =	sadd.s32 s2, s17  }
0x8e: {  	[smem:$0x3FC6] =	sst s2  }
0x8f: {  	_ = 	snop  }
0x90: {  	s2 =	sld [smem:$0x3FD0];
	(tm) =	ssettm $0x1  }
0x91: {  	s18 =	sld [smem:$0x3FFB];
	_ =	sdelay $0x3  }
0x92: {  	_ =	strace s18  }
0x93: {  	s3 =	sld [smem:$0x3FFC];
	_ =	sdelay $0x3  }
0x94: {  	_ =	strace s3  }
0x95: {  	s3 =	sld [smem:$0x3FFD];
	_ =	sdelay $0x3  }
0x96: {  	_ =	strace s3  }
0x97: {  	_ =	strace $0x8FFFFFFF  }
0x98: {  	s19 =	sld [smem:$0x3FDB];
	_ =	sdelay $0x1  }
0x99: {  	s4 =	simm.s32 $_scs_section_size  }
0x9a: {  	s5 =	simm.s32 $_size__tile_overlayer_lowered;
	s6 =	simm.s32 $_tile_overlayer_lowered  }
0x9b: {  	s22 =	simm.s32 $0x1BFF;
	s21 =	sshll.u32 s6, $0x1;
	s3 =	sadd.s32 s4, s19  }
0x9c: {  	s7 =	simm.s32 $0x0;
	s20 =	sshll.u32 s5, $0x1;
	s5 =	sadd.s32 s21, s3  }
0x9d: {  	[timem:s7], [sflag:s22] =	dma.local [hbm:s5], s20  }
0x9e: {  	_ =	swait.ge [sflag:s22], s20  }
0x9f: {  	s4 =	ssub.s32 $0x0, s20;
	[sflag:s22] =	ssyncset.done $0x0  }
0xa0: {  	[sflag:s22] =	ssyncadd.s32 s4;
	_ =	sdelay $0x1  }
0xa1: {  	s23 =	simm.s32 $0x1B8B  }
0xa2: {  	_ =	swait.ge [sflag:s23], $0x1  }
0xa3: {  	[sflag:s23] =	ssyncset.done $0x0  }
0xa4: {  	s25 =	simm.s32 $0x1B8E;
	s24 =	sld [smem:$0x3FFE];
	[sflag:s23] =	ssyncadd.s32 $0xFFFFFFFF  }
0xa5: {  	s26 =	simm.s32 $execute0_lowered;
	[smem:$0x3FD2] =	sst s25  }
0xa6: {  	s5 =	sshll.u32 s26, $0x1;
	_ =	strace $0x80000046;
	[dreg:$0x1] =	wrdreg $0xFFFFFFFF  }
0xa7: {  	s28 =	simm.s32 $_size_execute0_lowered;
	s3 =	sadd.s32 s3, s5;
	[dreg:$0x0] =	wrdreg $0x0  }
0xa8: {  	s5 =	sshll.u32 s28, $0x1;
	[dreg:$0x2] =	wrdreg s3  }
0xa9: {  	[dreg:$0x3] =	wrdreg s5  }
0xaa: {  	[dreg:$0x4] =	wrdreg $0xC0  }
0xab: {  	_ =	task [dreg:s7], $0x5FFFF  }
0xac: {  	[dreg:$0x1] =	wrdreg $0xFFFFFFFF  }
0xad: {  	[dreg:$0x0] =	wrdreg $0x60  }
0xae: {  	[dreg:$0x2] =	wrdreg s24  }
0xaf: {  	[dreg:$0x3] =	wrdreg s2  }
0xb0: {  	[dreg:$0x4] =	wrdreg $0x9  }
0xb1: {  	_ =	task.clear_ibuf [dreg:s7], $0x5FFFF;
	_ =	strace $0x90000046  }
0xb2: {  	s29 =	simm.s32 $0x9;
	_ =	strace $0x80000048  }
0xb3: {  	_ =	swait.ge [sflag:s29], $0x1  }
0xb4: {  	[sflag:s29] =	ssyncadd.s32 $0xFFFFFFFF  }
0xb5: {  	_ =	strace $0x90000048  }
0xb6: {  	_ =	sfence  }
0xb7: {  	s30 =	sld [smem:$0x0];
	_ =	sdelay $0x2  }
0xb8: {  	s31 =	sshll.u32 s1, $0xD;
	s1 =	sshrl.u32 s1, $0x2  }
0xb9: {  	s3 =	sand.u32 $0x4000, s31;
	s1 =	sadd.s32 s1, s30  }
0xba: {  	s0 =	sor.u32 s3, s0;
	s1 =	sshll.u32 s1, $0x11  }
0xbb: {  	s0 =	sor.u32 s1, s0  }
0xbc: {  	s0 =	sadd.s32 $0x8F2B, s0  }
0xbd: {  	[sflag:s0] =	ssyncadd.remote.s32 $0x1  }
0xbe: {  	_ =	sfence.sel $0xFFFF  }
0xbf: {  	[dreg:$0x0] =	wrdreg $0xFFFFFFFF;
	(pc) =	sbr.abs _section_cstart, $3  }
0xc0: {  	[dreg:$0x1] =	wrdreg $0xFFFFFFFF  }
0xc1: {  	_ =	task.clear_ibuf [dreg:s7], $0x2FFFF;
	_ =	strace $0x9FFFFFFF  }
0xc2: {  	(tm) =	ssettm $0x7FFFFFFF  }
0xc3: {  	_ =	shalt  }
tec
execute0_lowered:
.L_overlay_start_1:
0x0: {  	(tag) =	ssettag $0x1  }
0x1: {  	s0 =	rddreg [dreg:$0x0]  }
0x2: {  	s1 =	srdreg.scid;
	s2 =	stileid.u32  }
0x3: {  	s3 =	simm.s32 $0x0;
	s15 =	simm.s32 $0xB;
	s16 =	simm.s32 $0x80  }
0x4: {  	s20 =	simm.s32 $0x1;
	s24 =	simm.s32 $0x500;
	s18 =	simm.s32 $0x2  }
0x5: {  	s23 =	simm.s32 $0x780;
	s14 =	simm.s32 $0xFC80;
	s19 =	simm.s32 $0x3  }
0x6: {  	s28 =	simm.s32 $0xA00;
	s29 =	simm.s32 $0x14C80;
	s30 =	simm.s32 $0x4  }
0x7: {  	s17 =	simm.s32 $0x6;
	s1 =	sand.u32 $0x1, s1;
	s4 =	sshll.u32 s2, $0x1  }
0x8: {  	s21 =	simm.s32 $0x5;
	[smem:$0x7FF] =	sst s3;
	s6 =	sor.u32 s1, s4  }
0x9: {  	s5 =	sadd.s32 $0xF42E00, s0;
	s1 =	ssub.s32 $0x2, s1;
	s7 =	smul.u32 $0xC80, s6  }
0xa: {  	_ =	strace $0x80000047;
	s8 =	sshrl.u32 s1, $0x1;
	s13 =	smul.u32 $0xC8, s6  }
0xb: {  	s4 =	sadd.s32 $0xA00, s0;
	s25 =	ssub.s32 s1, s8;
	s8 =	simm.s32 $0xAC80  }
0xc: {  	s26 =	sadd.s32 s4, s7;
	s7 =	sshll.u32 s6, $0x7;
	s9 =	sadd.s32 $0xA, s13  }
.Ltmp0:
0xd: {  	s10 =	sadd.s32 $0xF, s13;
	s11 =	sadd.s32 $0x14, s13;
	(pc) =	sbr.rel .LBB2_1-.Ltmp0, $4  }
0xe: {  	s12 =	sadd.s32 $0x19, s13;
	s31 =	sadd.s32 $0x1E, s13;
	[dreg:$0x3] =	wrdreg s26  }
0xf: {  	s0 =	smax.u32 s25, $0x1;
	s25 =	simm.s32 $0x280;
	[dreg:$0x5] =	wrdreg s31  }
0x10: {  	s6 =	simm.s32 $0x0;
	s1 =	sadd.s32 $0x50, s26;
	[dreg:$0x6] =	wrdreg s0  }
0x11: {  	s26 =	simm.s32 $0x5C80;
	s0 =	simm.s32 $0x7;
	[dreg:$0x4] =	wrdreg s1  }
.LBB2_14:
0x12: {  	s1 =	simm.s32 $0x8  }
0x13: {  	_ =	swait.ge [sflag:s1], $0xF00  }
0x14: {  	[sflag:s1] =	ssyncset.done $0x0  }
0x15: {  	[sflag:s1] =	ssyncadd.s32 $0xFFFFF100  }
0x16: {  	_ =	swait.ge [sflag:s1], $0x1900  }
0x17: {  	[sflag:s1] =	ssyncset.done $0x0  }
0x18: {  	[sflag:s1] =	ssyncadd.s32 $0xFFFFE700  }
0x19: {  	_ =	swait.ge [sflag:s1], $0x1900  }
0x1a: {  	[sflag:s1] =	ssyncset.done $0x0  }
0x1b: {  	[sflag:s1] =	ssyncadd.s32 $0xFFFFE700  }
0x1c: {  	_ =	swait.ge [sflag:s1], $0xF00  }
0x1d: {  	[sflag:s1] =	ssyncset.done $0x0  }
0x1e: {  	s22 =	simm.s32 $0x9;
	[sflag:s1] =	ssyncadd.s32 $0xFFFFF100  }
0x1f: {  	_ =	swait.ge [sflag:s22], $0xA00  }
0x20: {  	[sflag:s22] =	ssyncset.done $0x0  }
0x21: {  	[sflag:s22] =	ssyncadd.s32 $0xFFFFF600  }
0x22: {  	_ =	swait.ge [sflag:s22], $0x1900  }
0x23: {  	[sflag:s22] =	ssyncset.done $0x0  }
0x24: {  	[sflag:s22] =	ssyncadd.s32 $0xFFFFE700  }
0x25: {  	_ =	swait.ge [sflag:s22], $0x1900  }
0x26: {  	[sflag:s22] =	ssyncset.done $0x0  }
0x27: {  	[sflag:s22] =	ssyncadd.s32 $0xFFFFE700  }
0x28: {  	_ =	swait.ge [sflag:s22], $0x1400  }
0x29: {  	[sflag:s22] =	ssyncset.done $0x0  }
0x2a: {  	s2 =	simm.s32 $0xA;
	[sflag:s22] =	ssyncadd.s32 $0xFFFFEC00  }
0x2b: {  	_ =	swait.ge [sflag:s2], $0x500  }
0x2c: {  	[sflag:s2] =	ssyncset.done $0x0  }
0x2d: {  	[sflag:s2] =	ssyncadd.s32 $0xFFFFFB00  }
0x2e: {  	_ =	swait.ge [sflag:s2], $0x1900  }
0x2f: {  	[sflag:s2] =	ssyncset.done $0x0  }
0x30: {  	[sflag:s2] =	ssyncadd.s32 $0xFFFFE700  }
0x31: {  	_ =	swait.ge [sflag:s2], $0x1900  }
0x32: {  	[sflag:s2] =	ssyncset.done $0x0  }
0x33: {  	[sflag:s2] =	ssyncadd.s32 $0xFFFFE700  }
0x34: {  	_ =	swait.ge [sflag:s2], $0x1900  }
0x35: {  	s6 =	rddreg [dreg:$0x7]  }
0x36: {  	s31 =	rddreg [dreg:$0x6];
	s6 =	sadd.s32 $0x1, s6  }
0x37: {  	p0 =	sne.s32 s6, s31  }
.Ltmp1:
0x38: {  	_ = 	snop;
	(pc) =	sbr.rel @!p0 .LBB2_15-.Ltmp1, $3  }
0x39: {  	_ =	sdelay $0x1  }
0x3a: {  	[sflag:s2] =	ssyncset.done $0x0  }
0x3b: {  	[sflag:s2] =	ssyncadd.s32 $0xFFFFE700  }
.LBB2_1:
0x3c: {  	[dreg:$0x7] =	wrdreg s6  }
0x3d: {  	s1 =	rddreg [dreg:$0x3]  }
0x3e: {  	[tilespmem:s3], [sflag:$0xB] =	stream.linear.gather [hbm4b:s1+s3], $0x280, $0x38;
	[tilespmem:$0x19C80] =	vst v63  }
0x3f: {  	_ =	swait.ge [sflag:s15], $0x280  }
0x40: {  	[sflag:s15] =	ssyncset.done $0x0  }
0x41: {  	s13 =	simm.s32 $0xC80;
	[sflag:s15] =	ssyncadd.s32 $0xFFFFFD80  }
0x42: {  	[tilespmem:s13], [sflag:$0x1] =	stream.indirect.gather [hbm4b:s5+s16], $0x20, s3, s16, $0xb8;
	[tilespmem:$0x19C80] =	vst v63  }
0x43: {  	s22 =	simm.s32 $0x1C80  }
0x44: {  	[tilespmem:s22], [sflag:$0x1] =	stream.indirect.gather [hbm4b:s5+s16], $0x20, s16, s16, $0xb8;
	[tilespmem:$0x19C80] =	vst v63  }
0x45: {  	s31 =	simm.s32 $0x100;
	s2 =	simm.s32 $0x2C80  }
0x46: {  	[tilespmem:s2], [sflag:$0x1] =	stream.indirect.gather [hbm4b:s5+s16], $0x20, s31, s16, $0xb8;
	[tilespmem:$0x19C80] =	vst v63  }
0x47: {  	s6 =	simm.s32 $0x180;
	s13 =	simm.s32 $0x3C80  }
0x48: {  	[tilespmem:s13], [sflag:$0x1] =	stream.indirect.gather [hbm4b:s5+s16], $0x20, s6, s16, $0xb8;
	[tilespmem:$0x19C80] =	vst v63  }
0x49: {  	s22 =	simm.s32 $0x200;
	s31 =	simm.s32 $0x4C80  }
0x4a: {  	[tilespmem:s31], [sflag:$0x1] =	stream.indirect.gather [hbm4b:s5+s16], $0x20, s22, s16, $0xb8;
	[tilespmem:$0x19C80] =	vst v63  }
0x4b: {  	s2 =	rddreg [dreg:$0x4]  }
0x4c: {  	[tilespmem:s25], [sflag:$0xB] =	stream.linear.gather [hbm4b:s2+s3], $0x280, $0x38;
	[tilespmem:$0x19C80] =	vst v63  }
0x4d: {  	_ =	swait.ge [sflag:s15], $0x280  }
0x4e: {  	[sflag:s15] =	ssyncset.done $0x0  }
0x4f: {  	[sflag:s15] =	ssyncadd.s32 $0xFFFFFD80  }
0x50: {  	[tilespmem:s26], [sflag:$0x2] =	stream.indirect.gather [hbm4b:s5+s16], $0x20, s25, s16, $0xb8;
	[tilespmem:$0x19C80] =	vst v63  }
0x51: {  	s6 =	simm.s32 $0x300;
	s13 =	simm.s32 $0x6C80  }
0x52: {  	[tilespmem:s13], [sflag:$0x2] =	stream.indirect.gather [hbm4b:s5+s16], $0x20, s6, s16, $0xb8;
	[tilespmem:$0x19C80] =	vst v63  }
0x53: {  	s22 =	simm.s32 $0x380;
	s31 =	simm.s32 $0x7C80  }
0x54: {  	[tilespmem:s31], [sflag:$0x2] =	stream.indirect.gather [hbm4b:s5+s16], $0x20, s22, s16, $0xb8;
	[tilespmem:$0x19C80] =	vst v63  }
0x55: {  	s6 =	simm.s32 $0x400;
	s13 =	simm.s32 $0x8C80  }
0x56: {  	[tilespmem:s13], [sflag:$0x2] =	stream.indirect.gather [hbm4b:s5+s16], $0x20, s6, s16, $0xb8;
	[tilespmem:$0x19C80] =	vst v63  }
0x57: {  	s1 =	simm.s32 $0x0;
	s22 =	simm.s32 $0x480;
	s31 =	simm.s32 $0x9C80  }
0x58: {  	[tilespmem:s31], [sflag:$0x2] =	stream.indirect.gather [hbm4b:s5+s16], $0x20, s22, s16, $0xb8;
	[tilespmem:$0x19C80] =	vst v63  }
.LBB2_2:
0x59: {  	_ =	swait.ge [sflag:s20], $0x1000  }
0x5a: {  	[sflag:s20] =	ssyncset.done $0x0  }
0x5b: {  	[sflag:s20] =	ssyncadd.s32 $0xFFFFF000  }
0x5c: {  	_ =	swait.ge [sflag:s20], $0x1000  }
0x5d: {  	[sflag:s20] =	ssyncset.done $0x0  }
0x5e: {  	[sflag:s20] =	ssyncadd.s32 $0xFFFFF000  }
0x5f: {  	_ =	swait.ge [sflag:s20], $0x1000  }
0x60: {  	[sflag:s20] =	ssyncset.done $0x0  }
0x61: {  	[sflag:s20] =	ssyncadd.s32 $0xFFFFF000  }
0x62: {  	_ =	swait.ge [sflag:s20], $0x1000  }
0x63: {  	[sflag:s20] =	ssyncset.done $0x0  }
0x64: {  	[sflag:s20] =	ssyncadd.s32 $0xFFFFF000  }
0x65: {  	_ =	swait.ge [sflag:s20], $0x1000  }
0x66: {  	[sflag:s20] =	ssyncset.done $0x0  }
0x67: {  	s6 =	simm.s32 $0x0;
	[sflag:s20] =	ssyncadd.s32 $0xFFFFF000  }
0x68: {  	v0 =	vld [tilespmem:s6+$0xC80]  }
0x69: {  	v1 =	vld [tilespmem:s6+$0xC90]  }
0x6a: {  	v2 =	vld [tilespmem:s6+$0xCA0]  }
0x6b: {  	v3 =	vld [tilespmem:s6+$0xCB0]  }
0x6c: {  	v4 =	vld [tilespmem:s6+$0xCC0]  }
0x6d: {  	v5 =	vld [tilespmem:s6+$0xCD0];
	v0 =	vmul.f32 $5.656854150e+00, v0  }
0x6e: {  	v6 =	vld [tilespmem:s6+$0xCE0];
	v1 =	vmul.f32 $5.656854150e+00, v1  }
0x6f: {  	v7 =	vld [tilespmem:s6+$0xCF0];
	[tilespmem:s6+$0xC80] =	vst v0;
	v0 =	vmul.f32 $5.656854150e+00, v2  }
0x70: {  	v8 =	vld [tilespmem:s6+$0xD00];
	[tilespmem:s6+$0xC90] =	vst v1;
	v1 =	vmul.f32 $5.656854150e+00, v3  }
0x71: {  	v9 =	vld [tilespmem:s6+$0xD10];
	[tilespmem:s6+$0xCA0] =	vst v0;
	v0 =	vmul.f32 $5.656854150e+00, v4  }
0x72: {  	v2 =	vmul.f32 $5.656854150e+00, v5;
	[tilespmem:s6+$0xCB0] =	vst v1;
	v1 =	vld [tilespmem:s6+$0xD20]  }
0x73: {  	v3 =	vmul.f32 $5.656854150e+00, v6;
	[tilespmem:s6+$0xCC0] =	vst v0;
	v0 =	vld [tilespmem:s6+$0xD30]  }
0x74: {  	[tilespmem:s6+$0xCD0] =	vst v2;
	v2 =	vld [tilespmem:s6+$0xD40];
	v4 =	vmul.f32 $5.656854150e+00, v7  }
0x75: {  	v6 =	vmul.f32 $5.656854150e+00, v8;
	[tilespmem:s6+$0xCE0] =	vst v3;
	v3 =	vld [tilespmem:s6+$0xD50]  }
0x76: {  	s22 =	simm.s32 $0x400;
	v5 =	vmul.f32 $5.656854150e+00, v9;
	[tilespmem:s6+$0xCF0] =	vst v4;
	v4 =	vld [tilespmem:s6+$0xD60]  }
.LBB2_3:
0x77: {  	s13 =	sshra.s32 s22, $0x2;
	p0 =	sne.s32 s22, $0x13C00;
	[tilespmem:s6+$0xD00] =	vst v6;
	v1 =	vmul.f32 $5.656854150e+00, v1;
	v6 =	vld [tilespmem:s6+$0xD70]  }
0x78: {  	v7 =	vld [tilespmem:s13+$0xC80];
	[tilespmem:s6+$0xD10] =	vst v5;
	v0 =	vmul.f32 $5.656854150e+00, v0  }
0x79: {  	v5 =	vld [tilespmem:s13+$0xC90];
	[tilespmem:s6+$0xD20] =	vst v1;
	v1 =	vmul.f32 $5.656854150e+00, v2  }
0x7a: {  	v2 =	vld [tilespmem:s13+$0xCA0];
	[tilespmem:s6+$0xD30] =	vst v0;
	v0 =	vmul.f32 $5.656854150e+00, v3  }
0x7b: {  	v3 =	vld [tilespmem:s13+$0xCB0];
	[tilespmem:s6+$0xD40] =	vst v1;
	v1 =	vmul.f32 $5.656854150e+00, v4  }
0x7c: {  	v4 =	vld [tilespmem:s13+$0xCC0];
	[tilespmem:s6+$0xD50] =	vst v0;
	v0 =	vmul.f32 $5.656854150e+00, v6  }
0x7d: {  	v6 =	vmul.f32 $5.656854150e+00, v7;
	v7 =	vld [tilespmem:s13+$0xCD0];
	[tilespmem:s6+$0xD60] =	vst v1  }
0x7e: {  	v1 =	vmul.f32 $5.656854150e+00, v5;
	v5 =	vld [tilespmem:s13+$0xCE0];
	[tilespmem:s6+$0xD70] =	vst v0;
	s6 =	smov.u32 s13  }
0x7f: {  	[tilespmem:s6+$0xC80] =	vst v6;
	v0 =	vmul.f32 $5.656854150e+00, v2;
	v2 =	vld [tilespmem:s6+$0xCF0]  }
0x80: {  	[tilespmem:s6+$0xC90] =	vst v1;
	v1 =	vmul.f32 $5.656854150e+00, v3;
	v3 =	vld [tilespmem:s6+$0xD00]  }
0x81: {  	[tilespmem:s6+$0xCA0] =	vst v0;
	v0 =	vmul.f32 $5.656854150e+00, v4;
	v4 =	vld [tilespmem:s6+$0xD10]  }
.Ltmp2:
0x82: {  	[tilespmem:s6+$0xCB0] =	vst v1;
	v6 =	vmul.f32 $5.656854150e+00, v7;
	v1 =	vld [tilespmem:s6+$0xD20];
	(pc) =	sbr.rel @p0 .LBB2_3-.Ltmp2, $4  }
0x83: {  	[tilespmem:s6+$0xCC0] =	vst v0;
	v5 =	vmul.f32 $5.656854150e+00, v5;
	v0 =	vld [tilespmem:s6+$0xD30]  }
0x84: {  	[tilespmem:s6+$0xCD0] =	vst v6;
	v7 =	vmul.f32 $5.656854150e+00, v2;
	v2 =	vld [tilespmem:s6+$0xD40]  }
0x85: {  	[tilespmem:s6+$0xCE0] =	vst v5;
	v6 =	vmul.f32 $5.656854150e+00, v3;
	v3 =	vld [tilespmem:s6+$0xD50]  }
0x86: {  	s22 =	sadd.s32 $0x400, s22;
	[tilespmem:s6+$0xCF0] =	vst v7;
	v5 =	vmul.f32 $5.656854150e+00, v4;
	v4 =	vld [tilespmem:s6+$0xD60]  }
0x87: {  	[tilespmem:s6+$0xD00] =	vst v6;
	v1 =	vmul.f32 $5.656854150e+00, v1;
	v6 =	vld [tilespmem:s6+$0xD70]  }
0x88: {  	[tilespmem:s6+$0xD10] =	vst v5;
	v0 =	vmul.f32 $5.656854150e+00, v0  }
0x89: {  	[tilespmem:s6+$0xD20] =	vst v1;
	v1 =	vmul.f32 $5.656854150e+00, v2  }
0x8a: {  	s13 =	sshll.u32 s1, $0x4;
	[tilespmem:s6+$0xD30] =	vst v0;
	v0 =	vmul.f32 $5.656854150e+00, v3  }
0x8b: {  	s13 =	sadd.s32 s7, s13;
	[tilespmem:s6+$0xD40] =	vst v1;
	v1 =	vmul.f32 $5.656854150e+00, v4  }
0x8c: {  	s22 =	smul.u32 $0x320, s13;
	[tilespmem:s6+$0xD50] =	vst v0;
	v0 =	vmul.f32 $5.656854150e+00, v6  }
0x8d: {  	s2 =	rddreg [dreg:$0x1];
	[tilespmem:s6+$0xD60] =	vst v1  }
0x8e: {  	s13 =	smul.u32 $0x1900, s13;
	[tilespmem:s6+$0xD70] =	vst v0;
	s6 =	sadd.s32 s2, s22;
	s22 =	simm.s32 $0xC80  }
0x8f: {  	[hbm4b:s6+s3] =	stream.linear.scatter [tilespmem:s22], [sflag:$0x6], $0x1900, $0x38;
	[tilespmem:$0x19C80] =	vst v63  }
0x90: {  	s22 =	sshrl.u32 s13, $0x3  }
0x91: {  	s6 =	sadd.s32 s2, s22  }
0x92: {  	s22 =	simm.s32 $0x2580;
	s2 =	sadd.s32 $0x320, s6  }
0x93: {  	[hbm4b:s2+s3] =	stream.linear.scatter [tilespmem:s22], [sflag:$0x6], $0x1900, $0x38;
	[tilespmem:$0x19C80] =	vst v63  }
0x94: {  	p0 =	seq.s32 s1, $0x0;
	s2 =	sadd.s32 $0x640, s6;
	s22 =	simm.s32 $0x3E80  }
0x95: {  	[hbm4b:s2+s3] =	stream.linear.scatter [tilespmem:s22], [sflag:$0x6], $0x1900, $0x38;
	[tilespmem:$0x19C80] =	vst v63  }
0x96: {  	s13 =	simm.s32 @!p0 $0x8;
	s2 =	sadd.s32 $0x960, s6;
	s22 =	simm.s32 $0x5780  }
0x97: {  	[hbm4b:s2+s3] =	stream.linear.scatter [tilespmem:s22], [sflag:$0x6], $0x500, $0x38;
	[tilespmem:$0x19C80] =	vst v63  }
0x98: {  	_ =	swait.ge @!p0 [sflag:s13], $0xF00  }
0x99: {  	[sflag:s13] =	ssyncset.done @!p0 $0x0  }
0x9a: {  	[sflag:s13] =	ssyncadd.s32 @!p0 $0xFFFFF100  }
0x9b: {  	_ =	swait.ge @!p0 [sflag:s13], $0x1900  }
0x9c: {  	[sflag:s13] =	ssyncset.done @!p0 $0x0  }
0x9d: {  	[sflag:s13] =	ssyncadd.s32 @!p0 $0xFFFFE700  }
0x9e: {  	s22 =	smul.u32 $0x19, s1;
	_ =	swait.ge @!p0 [sflag:s13], $0x1900  }
0x9f: {  	[sflag:s13] =	ssyncset.done @!p0 $0x0  }
0xa0: {  	s31 =	sadd.s32 s22, s9;
	[sflag:s13] =	ssyncadd.s32 @!p0 $0xFFFFE700  }
0xa1: {  	s31 =	sshll.u32 s31, $0x4;
	_ =	swait.ge @!p0 [sflag:s13], $0xF00  }
0xa2: {  	s31 =	sand.u32 $0x1FFFFFF0, s31;
	[sflag:s13] =	ssyncset.done @!p0 $0x0  }
0xa3: {  	s2 =	sadd.s32 s4, s31;
	s31 =	simm.s32 $0x0;
	[sflag:s13] =	ssyncadd.s32 @!p0 $0xFFFFF100  }
0xa4: {  	[tilespmem:s24], [sflag:$0xB] =	stream.linear.gather [hbm4b:s2+s31], $0x280, $0x38;
	[tilespmem:$0x19C80] =	vst v63  }
0xa5: {  	_ =	swait.ge [sflag:s15], $0x280  }
0xa6: {  	[sflag:s15] =	ssyncset.done $0x0  }
0xa7: {  	[sflag:s15] =	ssyncadd.s32 $0xFFFFFD80  }
0xa8: {  	[tilespmem:s8], [sflag:$0x3] =	stream.indirect.gather [hbm4b:s5+s16], $0x20, s24, s16, $0xb8;
	[tilespmem:$0x19C80] =	vst v63  }
0xa9: {  	s13 =	simm.s32 $0xBC80;
	s2 =	simm.s32 $0x580  }
0xaa: {  	[tilespmem:s13], [sflag:$0x3] =	stream.indirect.gather [hbm4b:s5+s16], $0x20, s2, s16, $0xb8;
	[tilespmem:$0x19C80] =	vst v63  }
0xab: {  	s2 =	simm.s32 $0x600;
	s13 =	simm.s32 $0xCC80  }
0xac: {  	[tilespmem:s13], [sflag:$0x3] =	stream.indirect.gather [hbm4b:s5+s16], $0x20, s2, s16, $0xb8;
	[tilespmem:$0x19C80] =	vst v63  }
0xad: {  	s2 =	simm.s32 $0x680;
	s13 =	simm.s32 $0xDC80  }
0xae: {  	[tilespmem:s13], [sflag:$0x3] =	stream.indirect.gather [hbm4b:s5+s16], $0x20, s2, s16, $0xb8;
	[tilespmem:$0x19C80] =	vst v63  }
0xaf: {  	s2 =	simm.s32 $0x700;
	s13 =	simm.s32 $0xEC80  }
0xb0: {  	[tilespmem:s13], [sflag:$0x3] =	stream.indirect.gather [hbm4b:s5+s16], $0x20, s2, s16, $0xb8;
	[tilespmem:$0x19C80] =	vst v63  }
0xb1: {  	_ =	swait.ge [sflag:s18], $0x1000  }
0xb2: {  	[sflag:s18] =	ssyncset.done $0x0  }
0xb3: {  	[sflag:s18] =	ssyncadd.s32 $0xFFFFF000  }
0xb4: {  	_ =	swait.ge [sflag:s18], $0x1000  }
0xb5: {  	[sflag:s18] =	ssyncset.done $0x0  }
0xb6: {  	[sflag:s18] =	ssyncadd.s32 $0xFFFFF000  }
0xb7: {  	_ =	swait.ge [sflag:s18], $0x1000  }
0xb8: {  	[sflag:s18] =	ssyncset.done $0x0  }
0xb9: {  	[sflag:s18] =	ssyncadd.s32 $0xFFFFF000  }
0xba: {  	_ =	swait.ge [sflag:s18], $0x1000  }
0xbb: {  	[sflag:s18] =	ssyncset.done $0x0  }
0xbc: {  	[sflag:s18] =	ssyncadd.s32 $0xFFFFF000  }
0xbd: {  	_ =	swait.ge [sflag:s18], $0x1000  }
0xbe: {  	[sflag:s18] =	ssyncset.done $0x0  }
0xbf: {  	s31 =	simm.s32 $0x0;
	[sflag:s18] =	ssyncadd.s32 $0xFFFFF000  }
0xc0: {  	v0 =	vld [tilespmem:s31+$0x5C80]  }
0xc1: {  	v1 =	vld [tilespmem:s31+$0x5C90]  }
0xc2: {  	v2 =	vld [tilespmem:s31+$0x5CA0]  }
0xc3: {  	v3 =	vld [tilespmem:s31+$0x5CB0]  }
0xc4: {  	v4 =	vld [tilespmem:s31+$0x5CC0]  }
0xc5: {  	v5 =	vld [tilespmem:s31+$0x5CD0];
	v0 =	vmul.f32 $5.656854150e+00, v0  }
0xc6: {  	v6 =	vld [tilespmem:s31+$0x5CE0];
	v1 =	vmul.f32 $5.656854150e+00, v1  }
0xc7: {  	v7 =	vld [tilespmem:s31+$0x5CF0];
	[tilespmem:s31+$0x5C80] =	vst v0;
	v0 =	vmul.f32 $5.656854150e+00, v2  }
0xc8: {  	v8 =	vld [tilespmem:s31+$0x5D00];
	[tilespmem:s31+$0x5C90] =	vst v1;
	v1 =	vmul.f32 $5.656854150e+00, v3  }
0xc9: {  	v9 =	vld [tilespmem:s31+$0x5D10];
	[tilespmem:s31+$0x5CA0] =	vst v0;
	v0 =	vmul.f32 $5.656854150e+00, v4  }
0xca: {  	v2 =	vmul.f32 $5.656854150e+00, v5;
	[tilespmem:s31+$0x5CB0] =	vst v1;
	v1 =	vld [tilespmem:s31+$0x5D20]  }
0xcb: {  	v3 =	vmul.f32 $5.656854150e+00, v6;
	[tilespmem:s31+$0x5CC0] =	vst v0;
	v0 =	vld [tilespmem:s31+$0x5D30]  }
0xcc: {  	[tilespmem:s31+$0x5CD0] =	vst v2;
	v2 =	vld [tilespmem:s31+$0x5D40];
	v4 =	vmul.f32 $5.656854150e+00, v7  }
0xcd: {  	v6 =	vmul.f32 $5.656854150e+00, v8;
	[tilespmem:s31+$0x5CE0] =	vst v3;
	v3 =	vld [tilespmem:s31+$0x5D50]  }
0xce: {  	s13 =	simm.s32 $0x400;
	v5 =	vmul.f32 $5.656854150e+00, v9;
	[tilespmem:s31+$0x5CF0] =	vst v4;
	v4 =	vld [tilespmem:s31+$0x5D60]  }
.LBB2_5:
0xcf: {  	s2 =	sshra.s32 s13, $0x2;
	p1 =	sne.s32 s13, $0x13C00;
	[tilespmem:s31+$0x5D00] =	vst v6;
	v1 =	vmul.f32 $5.656854150e+00, v1;
	v6 =	vld [tilespmem:s31+$0x5D70]  }
0xd0: {  	v7 =	vld [tilespmem:s2+$0x5C80];
	[tilespmem:s31+$0x5D10] =	vst v5;
	v0 =	vmul.f32 $5.656854150e+00, v0  }
0xd1: {  	v5 =	vld [tilespmem:s2+$0x5C90];
	[tilespmem:s31+$0x5D20] =	vst v1;
	v1 =	vmul.f32 $5.656854150e+00, v2  }
0xd2: {  	v2 =	vld [tilespmem:s2+$0x5CA0];
	[tilespmem:s31+$0x5D30] =	vst v0;
	v0 =	vmul.f32 $5.656854150e+00, v3  }
0xd3: {  	v3 =	vld [tilespmem:s2+$0x5CB0];
	[tilespmem:s31+$0x5D40] =	vst v1;
	v1 =	vmul.f32 $5.656854150e+00, v4  }
0xd4: {  	v4 =	vld [tilespmem:s2+$0x5CC0];
	[tilespmem:s31+$0x5D50] =	vst v0;
	v0 =	vmul.f32 $5.656854150e+00, v6  }
0xd5: {  	v6 =	vmul.f32 $5.656854150e+00, v7;
	v7 =	vld [tilespmem:s2+$0x5CD0];
	[tilespmem:s31+$0x5D60] =	vst v1  }
0xd6: {  	v1 =	vmul.f32 $5.656854150e+00, v5;
	v5 =	vld [tilespmem:s2+$0x5CE0];
	[tilespmem:s31+$0x5D70] =	vst v0;
	s31 =	smov.u32 s2  }
0xd7: {  	[tilespmem:s31+$0x5C80] =	vst v6;
	v0 =	vmul.f32 $5.656854150e+00, v2;
	v2 =	vld [tilespmem:s31+$0x5CF0]  }
0xd8: {  	[tilespmem:s31+$0x5C90] =	vst v1;
	v1 =	vmul.f32 $5.656854150e+00, v3;
	v3 =	vld [tilespmem:s31+$0x5D00]  }
0xd9: {  	[tilespmem:s31+$0x5CA0] =	vst v0;
	v0 =	vmul.f32 $5.656854150e+00, v4;
	v4 =	vld [tilespmem:s31+$0x5D10]  }
.Ltmp3:
0xda: {  	[tilespmem:s31+$0x5CB0] =	vst v1;
	v6 =	vmul.f32 $5.656854150e+00, v7;
	v1 =	vld [tilespmem:s31+$0x5D20];
	(pc) =	sbr.rel @p1 .LBB2_5-.Ltmp3, $4  }
0xdb: {  	[tilespmem:s31+$0x5CC0] =	vst v0;
	v5 =	vmul.f32 $5.656854150e+00, v5;
	v0 =	vld [tilespmem:s31+$0x5D30]  }
0xdc: {  	[tilespmem:s31+$0x5CD0] =	vst v6;
	v7 =	vmul.f32 $5.656854150e+00, v2;
	v2 =	vld [tilespmem:s31+$0x5D40]  }
0xdd: {  	[tilespmem:s31+$0x5CE0] =	vst v5;
	v6 =	vmul.f32 $5.656854150e+00, v3;
	v3 =	vld [tilespmem:s31+$0x5D50]  }
0xde: {  	s13 =	sadd.s32 $0x400, s13;
	[tilespmem:s31+$0x5CF0] =	vst v7;
	v5 =	vmul.f32 $5.656854150e+00, v4;
	v4 =	vld [tilespmem:s31+$0x5D60]  }
0xdf: {  	[tilespmem:s31+$0x5D00] =	vst v6;
	v1 =	vmul.f32 $5.656854150e+00, v1;
	v6 =	vld [tilespmem:s31+$0x5D70]  }
0xe0: {  	[tilespmem:s31+$0x5D10] =	vst v5;
	v0 =	vmul.f32 $5.656854150e+00, v0  }
0xe1: {  	[tilespmem:s31+$0x5D20] =	vst v1;
	v1 =	vmul.f32 $5.656854150e+00, v2  }
0xe2: {  	[tilespmem:s31+$0x5D30] =	vst v0;
	v0 =	vmul.f32 $5.656854150e+00, v3  }
0xe3: {  	[tilespmem:s31+$0x5D40] =	vst v1;
	v1 =	vmul.f32 $5.656854150e+00, v4  }
0xe4: {  	[tilespmem:s31+$0x5D50] =	vst v0;
	v0 =	vmul.f32 $5.656854150e+00, v6  }
0xe5: {  	[tilespmem:s31+$0x5D60] =	vst v1  }
0xe6: {  	s2 =	sadd.s32 $0xA00, s6;
	[tilespmem:s31+$0x5D70] =	vst v0  }
0xe7: {  	[hbm4b:s2+s3] =	stream.linear.scatter [tilespmem:s26], [sflag:$0x7], $0x1400, $0x38;
	[tilespmem:$0x19C80] =	vst v63  }
0xe8: {  	s13 =	simm.s32 $0x7080;
	s2 =	sadd.s32 $0xC80, s6  }
0xe9: {  	[hbm4b:s2+s3] =	stream.linear.scatter [tilespmem:s13], [sflag:$0x7], $0x1900, $0x38;
	[tilespmem:$0x19C80] =	vst v63  }
0xea: {  	s2 =	sadd.s32 $0xFA0, s6;
	s13 =	simm.s32 $0x8980  }
0xeb: {  	[hbm4b:s2+s3] =	stream.linear.scatter [tilespmem:s13], [sflag:$0x7], $0x1900, $0x38;
	[tilespmem:$0x19C80] =	vst v63  }
0xec: {  	s2 =	sadd.s32 $0x12C0, s6;
	s13 =	simm.s32 $0xA280  }
0xed: {  	[hbm4b:s2+s3] =	stream.linear.scatter [tilespmem:s13], [sflag:$0x7], $0xA00, $0x38;
	[tilespmem:$0x19C80] =	vst v63  }
0xee: {  	s2 =	simm.s32 @!p0 $0x9  }
0xef: {  	_ =	swait.ge @!p0 [sflag:s2], $0xA00  }
0xf0: {  	[sflag:s2] =	ssyncset.done @!p0 $0x0  }
0xf1: {  	[sflag:s2] =	ssyncadd.s32 @!p0 $0xFFFFF600  }
0xf2: {  	_ =	swait.ge @!p0 [sflag:s2], $0x1900  }
0xf3: {  	[sflag:s2] =	ssyncset.done @!p0 $0x0  }
0xf4: {  	[sflag:s2] =	ssyncadd.s32 @!p0 $0xFFFFE700  }
0xf5: {  	_ =	swait.ge @!p0 [sflag:s2], $0x1900  }
0xf6: {  	[sflag:s2] =	ssyncset.done @!p0 $0x0  }
0xf7: {  	s13 =	sadd.s32 s22, s10;
	[sflag:s2] =	ssyncadd.s32 @!p0 $0xFFFFE700  }
0xf8: {  	s13 =	sshll.u32 s13, $0x4;
	_ =	swait.ge @!p0 [sflag:s2], $0x1400  }
0xf9: {  	s13 =	sand.u32 $0x1FFFFFF0, s13;
	[sflag:s2] =	ssyncset.done @!p0 $0x0  }
0xfa: {  	[sflag:s2] =	ssyncadd.s32 @!p0 $0xFFFFEC00;
	s2 =	sadd.s32 s4, s13;
	s13 =	simm.s32 $0x0  }
0xfb: {  	[tilespmem:s23], [sflag:$0xB] =	stream.linear.gather [hbm4b:s2+s13], $0x280, $0x38;
	[tilespmem:$0x19C80] =	vst v63  }
0xfc: {  	_ =	swait.ge [sflag:s15], $0x280  }
0xfd: {  	[sflag:s15] =	ssyncset.done $0x0  }
0xfe: {  	[sflag:s15] =	ssyncadd.s32 $0xFFFFFD80  }
0xff: {  	[tilespmem:s14], [sflag:$0x4] =	stream.indirect.gather [hbm4b:s5+s16], $0x20, s23, s16, $0xb8;
	[tilespmem:$0x19C80] =	vst v63  }
0x100: {  	s2 =	simm.s32 $0x800;
	s13 =	simm.s32 $0x10C80  }
0x101: {  	[tilespmem:s13], [sflag:$0x4] =	stream.indirect.gather [hbm4b:s5+s16], $0x20, s2, s16, $0xb8;
	[tilespmem:$0x19C80] =	vst v63  }
0x102: {  	s2 =	simm.s32 $0x880;
	s13 =	simm.s32 $0x11C80  }
0x103: {  	[tilespmem:s13], [sflag:$0x4] =	stream.indirect.gather [hbm4b:s5+s16], $0x20, s2, s16, $0xb8;
	[tilespmem:$0x19C80] =	vst v63  }
0x104: {  	s2 =	simm.s32 $0x900;
	s13 =	simm.s32 $0x12C80  }
0x105: {  	[tilespmem:s13], [sflag:$0x4] =	stream.indirect.gather [hbm4b:s5+s16], $0x20, s2, s16, $0xb8;
	[tilespmem:$0x19C80] =	vst v63  }
0x106: {  	s2 =	simm.s32 $0x980;
	s13 =	simm.s32 $0x13C80  }
0x107: {  	[tilespmem:s13], [sflag:$0x4] =	stream.indirect.gather [hbm4b:s5+s16], $0x20, s2, s16, $0xb8;
	[tilespmem:$0x19C80] =	vst v63  }
0x108: {  	_ =	swait.ge [sflag:s19], $0x1000  }
0x109: {  	[sflag:s19] =	ssyncset.done $0x0  }
0x10a: {  	[sflag:s19] =	ssyncadd.s32 $0xFFFFF000  }
0x10b: {  	_ =	swait.ge [sflag:s19], $0x1000  }
0x10c: {  	[sflag:s19] =	ssyncset.done $0x0  }
0x10d: {  	[sflag:s19] =	ssyncadd.s32 $0xFFFFF000  }
0x10e: {  	_ =	swait.ge [sflag:s19], $0x1000  }
0x10f: {  	[sflag:s19] =	ssyncset.done $0x0  }
0x110: {  	[sflag:s19] =	ssyncadd.s32 $0xFFFFF000  }
0x111: {  	_ =	swait.ge [sflag:s19], $0x1000  }
0x112: {  	[sflag:s19] =	ssyncset.done $0x0  }
0x113: {  	[sflag:s19] =	ssyncadd.s32 $0xFFFFF000  }
0x114: {  	_ =	swait.ge [sflag:s19], $0x1000  }
0x115: {  	[sflag:s19] =	ssyncset.done $0x0  }
0x116: {  	s31 =	simm.s32 $0x0;
	[sflag:s19] =	ssyncadd.s32 $0xFFFFF000  }
0x117: {  	v0 =	vld [tilespmem:s31+$0xAC80]  }
0x118: {  	v1 =	vld [tilespmem:s31+$0xAC90]  }
0x119: {  	v2 =	vld [tilespmem:s31+$0xACA0]  }
0x11a: {  	v3 =	vld [tilespmem:s31+$0xACB0]  }
0x11b: {  	v4 =	vld [tilespmem:s31+$0xACC0]  }
0x11c: {  	v5 =	vld [tilespmem:s31+$0xACD0];
	v0 =	vmul.f32 $5.656854150e+00, v0  }
0x11d: {  	v6 =	vld [tilespmem:s31+$0xACE0];
	v1 =	vmul.f32 $5.656854150e+00, v1  }
0x11e: {  	v7 =	vld [tilespmem:s31+$0xACF0];
	[tilespmem:s31+$0xAC80] =	vst v0;
	v0 =	vmul.f32 $5.656854150e+00, v2  }
0x11f: {  	v8 =	vld [tilespmem:s31+$0xAD00];
	[tilespmem:s31+$0xAC90] =	vst v1;
	v1 =	vmul.f32 $5.656854150e+00, v3  }
0x120: {  	v9 =	vld [tilespmem:s31+$0xAD10];
	[tilespmem:s31+$0xACA0] =	vst v0;
	v0 =	vmul.f32 $5.656854150e+00, v4  }
0x121: {  	v2 =	vmul.f32 $5.656854150e+00, v5;
	[tilespmem:s31+$0xACB0] =	vst v1;
	v1 =	vld [tilespmem:s31+$0xAD20]  }
0x122: {  	v3 =	vmul.f32 $5.656854150e+00, v6;
	[tilespmem:s31+$0xACC0] =	vst v0;
	v0 =	vld [tilespmem:s31+$0xAD30]  }
0x123: {  	[tilespmem:s31+$0xACD0] =	vst v2;
	v2 =	vld [tilespmem:s31+$0xAD40];
	v4 =	vmul.f32 $5.656854150e+00, v7  }
0x124: {  	v6 =	vmul.f32 $5.656854150e+00, v8;
	[tilespmem:s31+$0xACE0] =	vst v3;
	v3 =	vld [tilespmem:s31+$0xAD50]  }
0x125: {  	s13 =	simm.s32 $0x400;
	v5 =	vmul.f32 $5.656854150e+00, v9;
	[tilespmem:s31+$0xACF0] =	vst v4;
	v4 =	vld [tilespmem:s31+$0xAD60]  }
.LBB2_7:
0x126: {  	s2 =	sshra.s32 s13, $0x2;
	p1 =	sne.s32 s13, $0x13C00;
	[tilespmem:s31+$0xAD00] =	vst v6;
	v1 =	vmul.f32 $5.656854150e+00, v1;
	v6 =	vld [tilespmem:s31+$0xAD70]  }
0x127: {  	v7 =	vld [tilespmem:s2+$0xAC80];
	[tilespmem:s31+$0xAD10] =	vst v5;
	v0 =	vmul.f32 $5.656854150e+00, v0  }
0x128: {  	v5 =	vld [tilespmem:s2+$0xAC90];
	[tilespmem:s31+$0xAD20] =	vst v1;
	v1 =	vmul.f32 $5.656854150e+00, v2  }
0x129: {  	v2 =	vld [tilespmem:s2+$0xACA0];
	[tilespmem:s31+$0xAD30] =	vst v0;
	v0 =	vmul.f32 $5.656854150e+00, v3  }
0x12a: {  	v3 =	vld [tilespmem:s2+$0xACB0];
	[tilespmem:s31+$0xAD40] =	vst v1;
	v1 =	vmul.f32 $5.656854150e+00, v4  }
0x12b: {  	v4 =	vld [tilespmem:s2+$0xACC0];
	[tilespmem:s31+$0xAD50] =	vst v0;
	v0 =	vmul.f32 $5.656854150e+00, v6  }
0x12c: {  	v6 =	vmul.f32 $5.656854150e+00, v7;
	v7 =	vld [tilespmem:s2+$0xACD0];
	[tilespmem:s31+$0xAD60] =	vst v1  }
0x12d: {  	v1 =	vmul.f32 $5.656854150e+00, v5;
	v5 =	vld [tilespmem:s2+$0xACE0];
	[tilespmem:s31+$0xAD70] =	vst v0;
	s31 =	smov.u32 s2  }
0x12e: {  	[tilespmem:s31+$0xAC80] =	vst v6;
	v0 =	vmul.f32 $5.656854150e+00, v2;
	v2 =	vld [tilespmem:s31+$0xACF0]  }
0x12f: {  	[tilespmem:s31+$0xAC90] =	vst v1;
	v1 =	vmul.f32 $5.656854150e+00, v3;
	v3 =	vld [tilespmem:s31+$0xAD00]  }
0x130: {  	[tilespmem:s31+$0xACA0] =	vst v0;
	v0 =	vmul.f32 $5.656854150e+00, v4;
	v4 =	vld [tilespmem:s31+$0xAD10]  }
.Ltmp4:
0x131: {  	[tilespmem:s31+$0xACB0] =	vst v1;
	v6 =	vmul.f32 $5.656854150e+00, v7;
	v1 =	vld [tilespmem:s31+$0xAD20];
	(pc) =	sbr.rel @p1 .LBB2_7-.Ltmp4, $4  }
0x132: {  	[tilespmem:s31+$0xACC0] =	vst v0;
	v5 =	vmul.f32 $5.656854150e+00, v5;
	v0 =	vld [tilespmem:s31+$0xAD30]  }
0x133: {  	[tilespmem:s31+$0xACD0] =	vst v6;
	v7 =	vmul.f32 $5.656854150e+00, v2;
	v2 =	vld [tilespmem:s31+$0xAD40]  }
0x134: {  	[tilespmem:s31+$0xACE0] =	vst v5;
	v6 =	vmul.f32 $5.656854150e+00, v3;
	v3 =	vld [tilespmem:s31+$0xAD50]  }
0x135: {  	s13 =	sadd.s32 $0x400, s13;
	[tilespmem:s31+$0xACF0] =	vst v7;
	v5 =	vmul.f32 $5.656854150e+00, v4;
	v4 =	vld [tilespmem:s31+$0xAD60]  }
0x136: {  	[tilespmem:s31+$0xAD00] =	vst v6;
	v1 =	vmul.f32 $5.656854150e+00, v1;
	v6 =	vld [tilespmem:s31+$0xAD70]  }
0x137: {  	[tilespmem:s31+$0xAD10] =	vst v5;
	v0 =	vmul.f32 $5.656854150e+00, v0  }
0x138: {  	[tilespmem:s31+$0xAD20] =	vst v1;
	v1 =	vmul.f32 $5.656854150e+00, v2  }
0x139: {  	[tilespmem:s31+$0xAD30] =	vst v0;
	v0 =	vmul.f32 $5.656854150e+00, v3  }
0x13a: {  	[tilespmem:s31+$0xAD40] =	vst v1;
	v1 =	vmul.f32 $5.656854150e+00, v4  }
0x13b: {  	[tilespmem:s31+$0xAD50] =	vst v0;
	v0 =	vmul.f32 $5.656854150e+00, v6  }
0x13c: {  	[tilespmem:s31+$0xAD60] =	vst v1  }
0x13d: {  	s2 =	sadd.s32 $0x1400, s6;
	[tilespmem:s31+$0xAD70] =	vst v0  }
0x13e: {  	[hbm4b:s2+s3] =	stream.linear.scatter [tilespmem:s8], [sflag:$0x8], $0xF00, $0x38;
	[tilespmem:$0x19C80] =	vst v63  }
0x13f: {  	s13 =	simm.s32 $0xBB80;
	s2 =	sadd.s32 $0x15E0, s6  }
0x140: {  	[hbm4b:s2+s3] =	stream.linear.scatter [tilespmem:s13], [sflag:$0x8], $0x1900, $0x38;
	[tilespmem:$0x19C80] =	vst v63  }
0x141: {  	s2 =	sadd.s32 $0x1900, s6;
	s13 =	simm.s32 $0xD480  }
0x142: {  	[hbm4b:s2+s3] =	stream.linear.scatter [tilespmem:s13], [sflag:$0x8], $0x1900, $0x38;
	[tilespmem:$0x19C80] =	vst v63  }
0x143: {  	s2 =	sadd.s32 $0x1C20, s6;
	s13 =	simm.s32 $0xED80  }
0x144: {  	[hbm4b:s2+s3] =	stream.linear.scatter [tilespmem:s13], [sflag:$0x8], $0xF00, $0x38;
	[tilespmem:$0x19C80] =	vst v63  }
0x145: {  	s2 =	simm.s32 @!p0 $0xA  }
0x146: {  	_ =	swait.ge @!p0 [sflag:s2], $0x500  }
0x147: {  	[sflag:s2] =	ssyncset.done @!p0 $0x0  }
0x148: {  	[sflag:s2] =	ssyncadd.s32 @!p0 $0xFFFFFB00  }
0x149: {  	_ =	swait.ge @!p0 [sflag:s2], $0x1900  }
0x14a: {  	[sflag:s2] =	ssyncset.done @!p0 $0x0  }
0x14b: {  	[sflag:s2] =	ssyncadd.s32 @!p0 $0xFFFFE700  }
0x14c: {  	_ =	swait.ge @!p0 [sflag:s2], $0x1900  }
0x14d: {  	[sflag:s2] =	ssyncset.done @!p0 $0x0  }
0x14e: {  	s13 =	sadd.s32 s22, s11;
	[sflag:s2] =	ssyncadd.s32 @!p0 $0xFFFFE700  }
0x14f: {  	s13 =	sshll.u32 s13, $0x4;
	_ =	swait.ge @!p0 [sflag:s2], $0x1900  }
0x150: {  	s13 =	sand.u32 $0x1FFFFFF0, s13;
	[sflag:s2] =	ssyncset.done @!p0 $0x0  }
0x151: {  	[sflag:s2] =	ssyncadd.s32 @!p0 $0xFFFFE700;
	s2 =	sadd.s32 s4, s13;
	s13 =	simm.s32 $0x0  }
0x152: {  	[tilespmem:s28], [sflag:$0xB] =	stream.linear.gather [hbm4b:s2+s13], $0x280, $0x38;
	[tilespmem:$0x19C80] =	vst v63  }
0x153: {  	_ =	swait.ge [sflag:s15], $0x280  }
0x154: {  	[sflag:s15] =	ssyncset.done $0x0  }
0x155: {  	[sflag:s15] =	ssyncadd.s32 $0xFFFFFD80  }
0x156: {  	[tilespmem:s29], [sflag:$0x5] =	stream.indirect.gather [hbm4b:s5+s16], $0x20, s28, s16, $0xb8;
	[tilespmem:$0x19C80] =	vst v63  }
0x157: {  	s2 =	simm.s32 $0xA80;
	s13 =	simm.s32 $0x15C80  }
0x158: {  	[tilespmem:s13], [sflag:$0x5] =	stream.indirect.gather [hbm4b:s5+s16], $0x20, s2, s16, $0xb8;
	[tilespmem:$0x19C80] =	vst v63  }
0x159: {  	s2 =	simm.s32 $0xB00;
	s13 =	simm.s32 $0x16C80  }
0x15a: {  	[tilespmem:s13], [sflag:$0x5] =	stream.indirect.gather [hbm4b:s5+s16], $0x20, s2, s16, $0xb8;
	[tilespmem:$0x19C80] =	vst v63  }
0x15b: {  	s2 =	simm.s32 $0xB80;
	s13 =	simm.s32 $0x17C80  }
0x15c: {  	[tilespmem:s13], [sflag:$0x5] =	stream.indirect.gather [hbm4b:s5+s16], $0x20, s2, s16, $0xb8;
	[tilespmem:$0x19C80] =	vst v63  }
0x15d: {  	s2 =	simm.s32 $0xC00;
	s13 =	simm.s32 $0x18C80  }
0x15e: {  	[tilespmem:s13], [sflag:$0x5] =	stream.indirect.gather [hbm4b:s5+s16], $0x20, s2, s16, $0xb8;
	[tilespmem:$0x19C80] =	vst v63  }
0x15f: {  	_ =	swait.ge [sflag:s30], $0x1000  }
0x160: {  	[sflag:s30] =	ssyncset.done $0x0  }
0x161: {  	[sflag:s30] =	ssyncadd.s32 $0xFFFFF000  }
0x162: {  	_ =	swait.ge [sflag:s30], $0x1000  }
0x163: {  	[sflag:s30] =	ssyncset.done $0x0  }
0x164: {  	[sflag:s30] =	ssyncadd.s32 $0xFFFFF000  }
0x165: {  	_ =	swait.ge [sflag:s30], $0x1000  }
0x166: {  	[sflag:s30] =	ssyncset.done $0x0  }
0x167: {  	[sflag:s30] =	ssyncadd.s32 $0xFFFFF000  }
0x168: {  	_ =	swait.ge [sflag:s30], $0x1000  }
0x169: {  	[sflag:s30] =	ssyncset.done $0x0  }
0x16a: {  	[sflag:s30] =	ssyncadd.s32 $0xFFFFF000  }
0x16b: {  	_ =	swait.ge [sflag:s30], $0x1000  }
0x16c: {  	[sflag:s30] =	ssyncset.done $0x0  }
0x16d: {  	s31 =	simm.s32 $0x0;
	[sflag:s30] =	ssyncadd.s32 $0xFFFFF000  }
0x16e: {  	v0 =	vld [tilespmem:s31+$0xFC80]  }
0x16f: {  	v1 =	vld [tilespmem:s31+$0xFC90]  }
0x170: {  	v2 =	vld [tilespmem:s31+$0xFCA0]  }
0x171: {  	v3 =	vld [tilespmem:s31+$0xFCB0]  }
0x172: {  	v4 =	vld [tilespmem:s31+$0xFCC0]  }
0x173: {  	v5 =	vld [tilespmem:s31+$0xFCD0];
	v0 =	vmul.f32 $5.656854150e+00, v0  }
0x174: {  	v6 =	vld [tilespmem:s31+$0xFCE0];
	v1 =	vmul.f32 $5.656854150e+00, v1  }
0x175: {  	v7 =	vld [tilespmem:s31+$0xFCF0];
	[tilespmem:s31+$0xFC80] =	vst v0;
	v0 =	vmul.f32 $5.656854150e+00, v2  }
0x176: {  	v8 =	vld [tilespmem:s31+$0xFD00];
	[tilespmem:s31+$0xFC90] =	vst v1;
	v1 =	vmul.f32 $5.656854150e+00, v3  }
0x177: {  	v9 =	vld [tilespmem:s31+$0xFD10];
	[tilespmem:s31+$0xFCA0] =	vst v0;
	v0 =	vmul.f32 $5.656854150e+00, v4  }
0x178: {  	v2 =	vmul.f32 $5.656854150e+00, v5;
	[tilespmem:s31+$0xFCB0] =	vst v1;
	v1 =	vld [tilespmem:s31+$0xFD20]  }
0x179: {  	v3 =	vmul.f32 $5.656854150e+00, v6;
	[tilespmem:s31+$0xFCC0] =	vst v0;
	v0 =	vld [tilespmem:s31+$0xFD30]  }
0x17a: {  	[tilespmem:s31+$0xFCD0] =	vst v2;
	v2 =	vld [tilespmem:s31+$0xFD40];
	v4 =	vmul.f32 $5.656854150e+00, v7  }
0x17b: {  	v6 =	vmul.f32 $5.656854150e+00, v8;
	[tilespmem:s31+$0xFCE0] =	vst v3;
	v3 =	vld [tilespmem:s31+$0xFD50]  }
0x17c: {  	s13 =	simm.s32 $0x400;
	v5 =	vmul.f32 $5.656854150e+00, v9;
	[tilespmem:s31+$0xFCF0] =	vst v4;
	v4 =	vld [tilespmem:s31+$0xFD60]  }
.LBB2_9:
0x17d: {  	s2 =	sshra.s32 s13, $0x2;
	p0 =	sne.s32 s13, $0x13C00;
	[tilespmem:s31+$0xFD00] =	vst v6;
	v1 =	vmul.f32 $5.656854150e+00, v1;
	v6 =	vld [tilespmem:s31+$0xFD70]  }
0x17e: {  	v7 =	vld [tilespmem:s2+$0xFC80];
	[tilespmem:s31+$0xFD10] =	vst v5;
	v0 =	vmul.f32 $5.656854150e+00, v0  }
0x17f: {  	v5 =	vld [tilespmem:s2+$0xFC90];
	[tilespmem:s31+$0xFD20] =	vst v1;
	v1 =	vmul.f32 $5.656854150e+00, v2  }
0x180: {  	v2 =	vld [tilespmem:s2+$0xFCA0];
	[tilespmem:s31+$0xFD30] =	vst v0;
	v0 =	vmul.f32 $5.656854150e+00, v3  }
0x181: {  	v3 =	vld [tilespmem:s2+$0xFCB0];
	[tilespmem:s31+$0xFD40] =	vst v1;
	v1 =	vmul.f32 $5.656854150e+00, v4  }
0x182: {  	v4 =	vld [tilespmem:s2+$0xFCC0];
	[tilespmem:s31+$0xFD50] =	vst v0;
	v0 =	vmul.f32 $5.656854150e+00, v6  }
0x183: {  	v6 =	vmul.f32 $5.656854150e+00, v7;
	v7 =	vld [tilespmem:s2+$0xFCD0];
	[tilespmem:s31+$0xFD60] =	vst v1  }
0x184: {  	v1 =	vmul.f32 $5.656854150e+00, v5;
	v5 =	vld [tilespmem:s2+$0xFCE0];
	[tilespmem:s31+$0xFD70] =	vst v0;
	s31 =	smov.u32 s2  }
0x185: {  	[tilespmem:s31+$0xFC80] =	vst v6;
	v0 =	vmul.f32 $5.656854150e+00, v2;
	v2 =	vld [tilespmem:s31+$0xFCF0]  }
0x186: {  	[tilespmem:s31+$0xFC90] =	vst v1;
	v1 =	vmul.f32 $5.656854150e+00, v3;
	v3 =	vld [tilespmem:s31+$0xFD00]  }
0x187: {  	[tilespmem:s31+$0xFCA0] =	vst v0;
	v0 =	vmul.f32 $5.656854150e+00, v4;
	v4 =	vld [tilespmem:s31+$0xFD10]  }
.Ltmp5:
0x188: {  	[tilespmem:s31+$0xFCB0] =	vst v1;
	v6 =	vmul.f32 $5.656854150e+00, v7;
	v1 =	vld [tilespmem:s31+$0xFD20];
	(pc) =	sbr.rel @p0 .LBB2_9-.Ltmp5, $4  }
0x189: {  	[tilespmem:s31+$0xFCC0] =	vst v0;
	v5 =	vmul.f32 $5.656854150e+00, v5;
	v0 =	vld [tilespmem:s31+$0xFD30]  }
0x18a: {  	[tilespmem:s31+$0xFCD0] =	vst v6;
	v7 =	vmul.f32 $5.656854150e+00, v2;
	v2 =	vld [tilespmem:s31+$0xFD40]  }
0x18b: {  	[tilespmem:s31+$0xFCE0] =	vst v5;
	v6 =	vmul.f32 $5.656854150e+00, v3;
	v3 =	vld [tilespmem:s31+$0xFD50]  }
0x18c: {  	s13 =	sadd.s32 $0x400, s13;
	[tilespmem:s31+$0xFCF0] =	vst v7;
	v5 =	vmul.f32 $5.656854150e+00, v4;
	v4 =	vld [tilespmem:s31+$0xFD60]  }
0x18d: {  	[tilespmem:s31+$0xFD00] =	vst v6;
	v1 =	vmul.f32 $5.656854150e+00, v1;
	v6 =	vld [tilespmem:s31+$0xFD70]  }
0x18e: {  	[tilespmem:s31+$0xFD10] =	vst v5;
	v0 =	vmul.f32 $5.656854150e+00, v0  }
0x18f: {  	[tilespmem:s31+$0xFD20] =	vst v1;
	v1 =	vmul.f32 $5.656854150e+00, v2  }
0x190: {  	[tilespmem:s31+$0xFD30] =	vst v0;
	v0 =	vmul.f32 $5.656854150e+00, v3  }
0x191: {  	[tilespmem:s31+$0xFD40] =	vst v1;
	v1 =	vmul.f32 $5.656854150e+00, v4  }
0x192: {  	[tilespmem:s31+$0xFD50] =	vst v0;
	v0 =	vmul.f32 $5.656854150e+00, v6  }
0x193: {  	[tilespmem:s31+$0xFD60] =	vst v1  }
0x194: {  	s2 =	sadd.s32 $0x1E00, s6;
	[tilespmem:s31+$0xFD70] =	vst v0  }
0x195: {  	[hbm4b:s2+s3] =	stream.linear.scatter [tilespmem:s14], [sflag:$0x9], $0xA00, $0x38;
	[tilespmem:$0x19C80] =	vst v63  }
0x196: {  	s13 =	simm.s32 $0x10680;
	s2 =	sadd.s32 $0x1F40, s6  }
0x197: {  	[hbm4b:s2+s3] =	stream.linear.scatter [tilespmem:s13], [sflag:$0x9], $0x1900, $0x38;
	[tilespmem:$0x19C80] =	vst v63  }
0x198: {  	s2 =	sadd.s32 $0x2260, s6;
	s13 =	simm.s32 $0x11F80  }
0x199: {  	[hbm4b:s2+s3] =	stream.linear.scatter [tilespmem:s13], [sflag:$0x9], $0x1900, $0x38;
	[tilespmem:$0x19C80] =	vst v63  }
0x19a: {  	s2 =	sadd.s32 $0x2580, s6;
	s13 =	simm.s32 $0x13880  }
0x19b: {  	[hbm4b:s2+s3] =	stream.linear.scatter [tilespmem:s13], [sflag:$0x9], $0x1400, $0x38;
	[tilespmem:$0x19C80] =	vst v63  }
0x19c: {  	_ =	swait.ge [sflag:s17], $0x1900  }
0x19d: {  	[sflag:s17] =	ssyncset.done $0x0  }
0x19e: {  	[sflag:s17] =	ssyncadd.s32 $0xFFFFE700  }
0x19f: {  	_ =	swait.ge [sflag:s17], $0x1900  }
0x1a0: {  	[sflag:s17] =	ssyncset.done $0x0  }
0x1a1: {  	[sflag:s17] =	ssyncadd.s32 $0xFFFFE700  }
0x1a2: {  	_ =	swait.ge [sflag:s17], $0x1900  }
0x1a3: {  	p0 =	seq.s32 s1, $0x7;
	[sflag:s17] =	ssyncset.done $0x0  }
0x1a4: {  	s2 =	sadd.s32 @!p0 s22, s12;
	[sflag:s17] =	ssyncadd.s32 $0xFFFFE700  }
0x1a5: {  	s2 =	sshll.u32 @!p0 s2, $0x4;
	_ =	swait.ge [sflag:s17], $0x500  }
0x1a6: {  	s2 =	sand.u32 @!p0 $0x1FFFFFF0, s2;
	[sflag:s17] =	ssyncset.done $0x0  }
0x1a7: {  	s13 =	simm.s32 @!p0 $0x0;
	s2 =	sadd.s32 @!p0 s4, s2;
	[sflag:s17] =	ssyncadd.s32 $0xFFFFFB00  }
0x1a8: {  	[tilespmem:s13], [sflag:$0xB] =	stream.linear.gather @!p0 [hbm4b:s2+s13], $0x280, $0x38;
	[tilespmem:$0x19C80] =	vst v63  }
0x1a9: {  	s2 =	simm.s32 @!p0 $0xB  }
0x1aa: {  	_ =	swait.ge @!p0 [sflag:s2], $0x280  }
0x1ab: {  	[sflag:s2] =	ssyncset.done @!p0 $0x0  }
0x1ac: {  	s31 =	simm.s32 @!p0 $0xC80;
	[sflag:s2] =	ssyncadd.s32 @!p0 $0xFFFFFD80;
	s2 =	simm.s32 @!p0 $0x80  }
0x1ad: {  	[tilespmem:s31], [sflag:$0x1] =	stream.indirect.gather @!p0 [hbm4b:s5+s2], $0x20, s13, s2, $0xb8;
	[tilespmem:$0x19C80] =	vst v63  }
0x1ae: {  	s13 =	simm.s32 @!p0 $0x1C80  }
0x1af: {  	[tilespmem:s13], [sflag:$0x1] =	stream.indirect.gather @!p0 [hbm4b:s5+s2], $0x20, s2, s2, $0xb8;
	[tilespmem:$0x19C80] =	vst v63  }
0x1b0: {  	s31 =	simm.s32 @!p0 $0x2C80;
	s13 =	simm.s32 @!p0 $0x100  }
0x1b1: {  	[tilespmem:s31], [sflag:$0x1] =	stream.indirect.gather @!p0 [hbm4b:s5+s2], $0x20, s13, s2, $0xb8;
	[tilespmem:$0x19C80] =	vst v63  }
0x1b2: {  	s13 =	simm.s32 @!p0 $0x180;
	s31 =	simm.s32 @!p0 $0x3C80  }
0x1b3: {  	[tilespmem:s31], [sflag:$0x1] =	stream.indirect.gather @!p0 [hbm4b:s5+s2], $0x20, s13, s2, $0xb8;
	[tilespmem:$0x19C80] =	vst v63  }
0x1b4: {  	s13 =	simm.s32 @!p0 $0x200;
	s31 =	simm.s32 @!p0 $0x4C80  }
0x1b5: {  	[tilespmem:s31], [sflag:$0x1] =	stream.indirect.gather @!p0 [hbm4b:s5+s2], $0x20, s13, s2, $0xb8;
	[tilespmem:$0x19C80] =	vst v63  }
0x1b6: {  	_ =	swait.ge [sflag:s21], $0x1000  }
0x1b7: {  	[sflag:s21] =	ssyncset.done $0x0  }
0x1b8: {  	[sflag:s21] =	ssyncadd.s32 $0xFFFFF000  }
0x1b9: {  	_ =	swait.ge [sflag:s21], $0x1000  }
0x1ba: {  	[sflag:s21] =	ssyncset.done $0x0  }
0x1bb: {  	[sflag:s21] =	ssyncadd.s32 $0xFFFFF000  }
0x1bc: {  	_ =	swait.ge [sflag:s21], $0x1000  }
0x1bd: {  	[sflag:s21] =	ssyncset.done $0x0  }
0x1be: {  	[sflag:s21] =	ssyncadd.s32 $0xFFFFF000  }
0x1bf: {  	_ =	swait.ge [sflag:s21], $0x1000  }
0x1c0: {  	[sflag:s21] =	ssyncset.done $0x0  }
0x1c1: {  	[sflag:s21] =	ssyncadd.s32 $0xFFFFF000  }
0x1c2: {  	_ =	swait.ge [sflag:s21], $0x1000  }
0x1c3: {  	[sflag:s21] =	ssyncset.done $0x0  }
0x1c4: {  	s31 =	simm.s32 $0x0;
	[sflag:s21] =	ssyncadd.s32 $0xFFFFF000  }
0x1c5: {  	v0 =	vld [tilespmem:s31+$0x14C80]  }
0x1c6: {  	v1 =	vld [tilespmem:s31+$0x14C90]  }
0x1c7: {  	v2 =	vld [tilespmem:s31+$0x14CA0]  }
0x1c8: {  	v3 =	vld [tilespmem:s31+$0x14CB0]  }
0x1c9: {  	v4 =	vld [tilespmem:s31+$0x14CC0]  }
0x1ca: {  	v5 =	vld [tilespmem:s31+$0x14CD0];
	v0 =	vmul.f32 $5.656854150e+00, v0  }
0x1cb: {  	v6 =	vld [tilespmem:s31+$0x14CE0];
	v1 =	vmul.f32 $5.656854150e+00, v1  }
0x1cc: {  	v7 =	vld [tilespmem:s31+$0x14CF0];
	[tilespmem:s31+$0x14C80] =	vst v0;
	v0 =	vmul.f32 $5.656854150e+00, v2  }
0x1cd: {  	v8 =	vld [tilespmem:s31+$0x14D00];
	[tilespmem:s31+$0x14C90] =	vst v1;
	v1 =	vmul.f32 $5.656854150e+00, v3  }
0x1ce: {  	v9 =	vld [tilespmem:s31+$0x14D10];
	[tilespmem:s31+$0x14CA0] =	vst v0;
	v0 =	vmul.f32 $5.656854150e+00, v4  }
0x1cf: {  	v2 =	vmul.f32 $5.656854150e+00, v5;
	[tilespmem:s31+$0x14CB0] =	vst v1;
	v1 =	vld [tilespmem:s31+$0x14D20]  }
0x1d0: {  	v3 =	vmul.f32 $5.656854150e+00, v6;
	[tilespmem:s31+$0x14CC0] =	vst v0;
	v0 =	vld [tilespmem:s31+$0x14D30]  }
0x1d1: {  	[tilespmem:s31+$0x14CD0] =	vst v2;
	v2 =	vld [tilespmem:s31+$0x14D40];
	v4 =	vmul.f32 $5.656854150e+00, v7  }
0x1d2: {  	v6 =	vmul.f32 $5.656854150e+00, v8;
	[tilespmem:s31+$0x14CE0] =	vst v3;
	v3 =	vld [tilespmem:s31+$0x14D50]  }
0x1d3: {  	s13 =	simm.s32 $0x400;
	v5 =	vmul.f32 $5.656854150e+00, v9;
	[tilespmem:s31+$0x14CF0] =	vst v4;
	v4 =	vld [tilespmem:s31+$0x14D60]  }
.LBB2_11:
0x1d4: {  	s2 =	sshra.s32 s13, $0x2;
	p1 =	sne.s32 s13, $0x13C00;
	[tilespmem:s31+$0x14D00] =	vst v6;
	v1 =	vmul.f32 $5.656854150e+00, v1;
	v6 =	vld [tilespmem:s31+$0x14D70]  }
0x1d5: {  	v7 =	vld [tilespmem:s2+$0x14C80];
	[tilespmem:s31+$0x14D10] =	vst v5;
	v0 =	vmul.f32 $5.656854150e+00, v0  }
0x1d6: {  	v5 =	vld [tilespmem:s2+$0x14C90];
	[tilespmem:s31+$0x14D20] =	vst v1;
	v1 =	vmul.f32 $5.656854150e+00, v2  }
0x1d7: {  	v2 =	vld [tilespmem:s2+$0x14CA0];
	[tilespmem:s31+$0x14D30] =	vst v0;
	v0 =	vmul.f32 $5.656854150e+00, v3  }
0x1d8: {  	v3 =	vld [tilespmem:s2+$0x14CB0];
	[tilespmem:s31+$0x14D40] =	vst v1;
	v1 =	vmul.f32 $5.656854150e+00, v4  }
0x1d9: {  	v4 =	vld [tilespmem:s2+$0x14CC0];
	[tilespmem:s31+$0x14D50] =	vst v0;
	v0 =	vmul.f32 $5.656854150e+00, v6  }
0x1da: {  	v6 =	vmul.f32 $5.656854150e+00, v7;
	v7 =	vld [tilespmem:s2+$0x14CD0];
	[tilespmem:s31+$0x14D60] =	vst v1  }
0x1db: {  	v1 =	vmul.f32 $5.656854150e+00, v5;
	v5 =	vld [tilespmem:s2+$0x14CE0];
	[tilespmem:s31+$0x14D70] =	vst v0;
	s31 =	smov.u32 s2  }
0x1dc: {  	[tilespmem:s31+$0x14C80] =	vst v6;
	v0 =	vmul.f32 $5.656854150e+00, v2;
	v2 =	vld [tilespmem:s31+$0x14CF0]  }
0x1dd: {  	[tilespmem:s31+$0x14C90] =	vst v1;
	v1 =	vmul.f32 $5.656854150e+00, v3;
	v3 =	vld [tilespmem:s31+$0x14D00]  }
0x1de: {  	[tilespmem:s31+$0x14CA0] =	vst v0;
	v0 =	vmul.f32 $5.656854150e+00, v4;
	v4 =	vld [tilespmem:s31+$0x14D10]  }
.Ltmp6:
0x1df: {  	[tilespmem:s31+$0x14CB0] =	vst v1;
	v6 =	vmul.f32 $5.656854150e+00, v7;
	v1 =	vld [tilespmem:s31+$0x14D20];
	(pc) =	sbr.rel @p1 .LBB2_11-.Ltmp6, $4  }
0x1e0: {  	[tilespmem:s31+$0x14CC0] =	vst v0;
	v5 =	vmul.f32 $5.656854150e+00, v5;
	v0 =	vld [tilespmem:s31+$0x14D30]  }
0x1e1: {  	[tilespmem:s31+$0x14CD0] =	vst v6;
	v7 =	vmul.f32 $5.656854150e+00, v2;
	v2 =	vld [tilespmem:s31+$0x14D40]  }
0x1e2: {  	[tilespmem:s31+$0x14CE0] =	vst v5;
	v6 =	vmul.f32 $5.656854150e+00, v3;
	v3 =	vld [tilespmem:s31+$0x14D50]  }
0x1e3: {  	s13 =	sadd.s32 $0x400, s13;
	[tilespmem:s31+$0x14CF0] =	vst v7;
	v5 =	vmul.f32 $5.656854150e+00, v4;
	v4 =	vld [tilespmem:s31+$0x14D60]  }
0x1e4: {  	[tilespmem:s31+$0x14D00] =	vst v6;
	v1 =	vmul.f32 $5.656854150e+00, v1;
	v59 =	vld [tilespmem:s31+$0x14D70]  }
0x1e5: {  	[tilespmem:s31+$0x14D10] =	vst v5;
	v0 =	vmul.f32 $5.656854150e+00, v0  }
0x1e6: {  	[tilespmem:s31+$0x14D20] =	vst v1;
	v60 =	vmul.f32 $5.656854150e+00, v2  }
0x1e7: {  	[tilespmem:s31+$0x14D30] =	vst v0;
	v61 =	vmul.f32 $5.656854150e+00, v3  }
0x1e8: {  	[tilespmem:s31+$0x14D40] =	vst v60;
	v62 =	vmul.f32 $5.656854150e+00, v4  }
0x1e9: {  	[tilespmem:s31+$0x14D50] =	vst v61;
	v63 =	vmul.f32 $5.656854150e+00, v59  }
0x1ea: {  	[tilespmem:s31+$0x14D60] =	vst v62  }
0x1eb: {  	s2 =	sadd.s32 $0x2800, s6;
	[tilespmem:s31+$0x14D70] =	vst v63  }
0x1ec: {  	[hbm4b:s2+s3] =	stream.linear.scatter [tilespmem:s29], [sflag:$0xA], $0x500, $0x38;
	[tilespmem:$0x19C80] =	vst v63  }
0x1ed: {  	s13 =	simm.s32 $0x15180;
	s31 =	sadd.s32 $0x28A0, s6  }
0x1ee: {  	[hbm4b:s31+s3] =	stream.linear.scatter [tilespmem:s13], [sflag:$0xA], $0x1900, $0x38;
	[tilespmem:$0x19C80] =	vst v63  }
0x1ef: {  	s13 =	sadd.s32 $0x2BC0, s6;
	s31 =	simm.s32 $0x16A80  }
0x1f0: {  	[hbm4b:s13+s3] =	stream.linear.scatter [tilespmem:s31], [sflag:$0xA], $0x1900, $0x38;
	[tilespmem:$0x19C80] =	vst v63  }
0x1f1: {  	s13 =	sadd.s32 $0x2EE0, s6;
	s31 =	simm.s32 $0x18380  }
0x1f2: {  	[hbm4b:s13+s3] =	stream.linear.scatter [tilespmem:s31], [sflag:$0xA], $0x1900, $0x38;
	[tilespmem:$0x19C80] =	vst v63  }
0x1f3: {  	_ =	swait.ge [sflag:s0], $0x1400  }
0x1f4: {  	[sflag:s0] =	ssyncset.done $0x0  }
0x1f5: {  	[sflag:s0] =	ssyncadd.s32 $0xFFFFEC00  }
0x1f6: {  	_ =	swait.ge [sflag:s0], $0x1900  }
0x1f7: {  	[sflag:s0] =	ssyncset.done $0x0  }
0x1f8: {  	[sflag:s0] =	ssyncadd.s32 $0xFFFFE700  }
0x1f9: {  	_ =	swait.ge [sflag:s0], $0x1900  }
.Ltmp7:
0x1fa: {  	[sflag:s0] =	ssyncset.done $0x0;
	(pc) =	sbr.rel @p0 .LBB2_14-.Ltmp7, $4  }
0x1fb: {  	[sflag:s0] =	ssyncadd.s32 $0xFFFFE700  }
0x1fc: {  	_ =	swait.ge [sflag:s0], $0xA00  }
0x1fd: {  	[sflag:s0] =	ssyncset.done $0x0  }
0x1fe: {  	[sflag:s0] =	ssyncadd.s32 $0xFFFFF600  }
0x1ff: {  	s2 =	rddreg [dreg:$0x5]  }
0x200: {  	s2 =	sadd.s32 s22, s2  }
0x201: {  	s2 =	sshll.u32 s2, $0x4  }
0x202: {  	s2 =	sand.u32 $0x1FFFFFF0, s2  }
0x203: {  	s2 =	sadd.s32 s4, s2  }
0x204: {  	[tilespmem:s25], [sflag:$0xB] =	stream.linear.gather [hbm4b:s2+s3], $0x280, $0x38;
	[tilespmem:$0x19C80] =	vst v63  }
0x205: {  	_ =	swait.ge [sflag:s15], $0x280  }
0x206: {  	[sflag:s15] =	ssyncset.done $0x0  }
0x207: {  	[sflag:s15] =	ssyncadd.s32 $0xFFFFFD80  }
0x208: {  	[tilespmem:s26], [sflag:$0x2] =	stream.indirect.gather [hbm4b:s5+s16], $0x20, s25, s16, $0xb8;
	[tilespmem:$0x19C80] =	vst v63  }
0x209: {  	s13 =	simm.s32 $0x300;
	s6 =	simm.s32 $0x6C80  }
0x20a: {  	[tilespmem:s6], [sflag:$0x2] =	stream.indirect.gather [hbm4b:s5+s16], $0x20, s13, s16, $0xb8;
	[tilespmem:$0x19C80] =	vst v63  }
0x20b: {  	s31 =	simm.s32 $0x7C80;
	s22 =	simm.s32 $0x380  }
0x20c: {  	[tilespmem:s31], [sflag:$0x2] =	stream.indirect.gather [hbm4b:s5+s16], $0x20, s22, s16, $0xb8;
	[tilespmem:$0x19C80] =	vst v63  }
.Ltmp8:
0x20d: {  	_ = 	snop;
	(pc) =	sbr.rel .LBB2_2-.Ltmp8, $4  }
0x20e: {  	s6 =	simm.s32 $0x400;
	s13 =	simm.s32 $0x8C80  }
0x20f: {  	[tilespmem:s13], [sflag:$0x2] =	stream.indirect.gather [hbm4b:s5+s16], $0x20, s6, s16, $0xb8;
	[tilespmem:$0x19C80] =	vst v63  }
0x210: {  	s1 =	sadd.s32 $0x1, s1;
	s22 =	simm.s32 $0x480;
	s31 =	simm.s32 $0x9C80  }
0x211: {  	[tilespmem:s31], [sflag:$0x2] =	stream.indirect.gather [hbm4b:s5+s16], $0x20, s22, s16, $0xb8;
	[tilespmem:$0x19C80] =	vst v63  }
.LBB2_15:
0x212: {  	_ =	sfence.sel $0x180000  }
0x213: {  	[bflag:$0x0] =	sbarrier.arrive $0xFFFF  }
0x214: {  	_ =	strace $0x90000047  }
0x215: {  	s0 =	stileid.u32;
	[bflag:$0x2] =	sbarrier.arrive $0xFFFF  }
0x216: {  	p0 =	sne.s32 s0, $0x0;
	s0 =	rddreg [dreg:$0x2]  }
0x217: {  	s0 =	sadd.s32 @!p0 $0x100000, s0  }
0x218: {  	[sflag:s0] =	ssyncadd.tile.s32 @!p0 $0x1;
	_ =	shalt  }
.Lfunc_end2:
_tile_overlayer_lowered:
.L_overlay_start_2:
0x219: {  	(tag) =	ssettag $0x2  }
0x21a: {  	s0 =	rddreg [dreg:$0x0];
	s2 =	stileid.u32  }
0x21b: {  	s1 =	rddreg [dreg:$0x1];
	p0 =	sne.s32 s2, $0x0  }
0x21c: {  	s3 =	rddreg [dreg:$0x2];
	[bflag:$0x3] =	sbarrier.arrive $0xFFFF;
	s2 =	simm.s32 @!p0 $0x1C0B  }
0x21d: {  	[timem:s3], [sflag:s2] =	dma.local @!p0 [hbm:s0], s1  }
0x21e: {  	s0 =	simm.s32 @!p0 $0xB  }
0x21f: {  	_ =	swait.ge @!p0 [sflag:s0], s1  }
0x220: {  	s1 =	ssub.s32 @!p0 $0x0, s1;
	[sflag:s0] =	ssyncset.done @!p0 $0x0  }
0x221: {  	[sflag:s0] =	ssyncadd.s32 @!p0 s1  }
0x222: {  	[bflag:$0x3] =	sbarrier.arrive $0xFFFF  }
0x223: {  	_ =	shalt  }

// kernel: sparse-core-data-format-call.cloned.1.call-start
scs
called_computation_lowered:
.L_overlay_start_0:
0x0: {  	s2 =	sld [smem:$0x3FD9]  }
0x1: {  	s3 =	sld [smem:$0x3FFE];
	_ =	sdelay $0x1  }
0x2: {  	s1 =	srdreg.scid  }
0x3: {  	s0 =	sand.u32 $0x1, s1  }
0x4: {  	s18 =	sshll.u32 s0, $0xA;
	s2 =	sadd.s32 s3, s2  }
0x5: {  	s2 =	sadd.s32 s2, s18  }
0x6: {  	[smem:$0x3FC6] =	sst s2  }
0x7: {  	_ = 	snop  }
0x8: {  	s2 =	sld [smem:$0x3FD0];
	(tm) =	ssettm $0x1  }
0x9: {  	s19 =	sld [smem:$0x3FFB];
	_ =	sdelay $0x3  }
0xa: {  	_ =	strace s19  }
0xb: {  	s3 =	sld [smem:$0x3FFC];
	_ =	sdelay $0x3  }
0xc: {  	_ =	strace s3  }
0xd: {  	s3 =	sld [smem:$0x3FFD];
	_ =	sdelay $0x3  }
0xe: {  	_ =	strace s3  }
0xf: {  	_ =	strace $0x8FFFFFFF  }
0x10: {  	s20 =	sld [smem:$0x3FDB];
	_ =	sdelay $0x1  }
0x11: {  	s4 =	simm.s32 $_scs_section_size  }
0x12: {  	s5 =	simm.s32 $_size__tile_overlayer_lowered;
	s6 =	simm.s32 $_tile_overlayer_lowered  }
0x13: {  	s23 =	simm.s32 $0x1BFF;
	s22 =	sshll.u32 s6, $0x1;
	s3 =	sadd.s32 s4, s20  }
0x14: {  	s7 =	simm.s32 $0x0;
	s21 =	sshll.u32 s5, $0x1;
	s5 =	sadd.s32 s22, s3  }
0x15: {  	[timem:s7], [sflag:s23] =	dma.local [hbm:s5], s21  }
0x16: {  	_ =	swait.ge [sflag:s23], s21  }
0x17: {  	s4 =	ssub.s32 $0x0, s21;
	[sflag:s23] =	ssyncset.done $0x0  }
0x18: {  	[sflag:s23] =	ssyncadd.s32 s4;
	_ =	sdelay $0x1  }
0x19: {  	s24 =	simm.s32 $0x1B8B  }
0x1a: {  	_ =	swait.ge [sflag:s24], $0x1  }
0x1b: {  	[sflag:s24] =	ssyncset.done $0x0  }
0x1c: {  	s26 =	simm.s32 $0x1B8E;
	s25 =	sld [smem:$0x3FFE];
	[sflag:s24] =	ssyncadd.s32 $0xFFFFFFFF  }
0x1d: {  	s27 =	simm.s32 $execute0_lowered;
	[smem:$0x3FD2] =	sst s26  }
0x1e: {  	s5 =	sshll.u32 s27, $0x1;
	_ =	strace $0x80000049;
	[dreg:$0x1] =	wrdreg $0xFFFFFFFF  }
0x1f: {  	s28 =	simm.s32 $_size_execute0_lowered;
	s3 =	sadd.s32 s3, s5;
	[dreg:$0x0] =	wrdreg $0x0  }
0x20: {  	s5 =	sshll.u32 s28, $0x1;
	[dreg:$0x2] =	wrdreg s3  }
0x21: {  	[dreg:$0x3] =	wrdreg s5  }
0x22: {  	[dreg:$0x4] =	wrdreg $0xC0  }
0x23: {  	_ =	task [dreg:s7], $0x5FFFF  }
0x24: {  	[dreg:$0x1] =	wrdreg $0xFFFFFFFF  }
0x25: {  	[dreg:$0x0] =	wrdreg $0x60  }
0x26: {  	[dreg:$0x2] =	wrdreg s25  }
0x27: {  	[dreg:$0x3] =	wrdreg s2  }
0x28: {  	[dreg:$0x4] =	wrdreg $0x9  }
0x29: {  	_ =	task.clear_ibuf [dreg:s7], $0x5FFFF;
	_ =	strace $0x90000049  }
0x2a: {  	s29 =	simm.s32 $0x9;
	_ =	strace $0x8000004B  }
0x2b: {  	_ =	swait.ge [sflag:s29], $0x1  }
0x2c: {  	[sflag:s29] =	ssyncadd.s32 $0xFFFFFFFF  }
0x2d: {  	_ =	strace $0x9000004B  }
0x2e: {  	_ =	sfence  }
0x2f: {  	s30 =	sld [smem:$0x0];
	_ =	sdelay $0x2  }
0x30: {  	s31 =	sshll.u32 s1, $0xD;
	s1 =	sshrl.u32 s1, $0x2  }
0x31: {  	s3 =	sand.u32 $0x4000, s31;
	s1 =	sadd.s32 s1, s30  }
0x32: {  	s0 =	sor.u32 s3, s0;
	s1 =	sshll.u32 s1, $0x11  }
0x33: {  	s0 =	sor.u32 s1, s0  }
0x34: {  	s0 =	sadd.s32 $0x8F2B, s0  }
0x35: {  	[sflag:s0] =	ssyncadd.remote.s32 $0x1  }
0x36: {  	_ =	sfence.sel $0xFFFF  }
0x37: {  	[dreg:$0x0] =	wrdreg $0xFFFFFFFF;
	(pc) =	sbr.abs _section_cstart, $3  }
0x38: {  	[dreg:$0x1] =	wrdreg $0xFFFFFFFF  }
0x39: {  	_ =	task.clear_ibuf [dreg:s7], $0x2FFFF;
	_ =	strace $0x9FFFFFFF  }
0x3a: {  	(tm) =	ssettm $0x7FFFFFFF  }
0x3b: {  	_ =	shalt  }
tec
execute0_lowered:
.L_overlay_start_1:
0x0: {  	(tag) =	ssettag $0x1  }
0x1: {  	s0 =	srdreg.scid  }
0x2: {  	s1 =	sshll.u32 s0, $0x4  }
0x3: {  	s0 =	stileid.u32;
	s1 =	sand.u32 $0x10, s1  }
0x4: {  	s1 =	sor.u32 s0, s1  }
0x5: {  	s6 =	rddreg [dreg:$0x0];
	s4 =	simm.s32 $0x1;
	s2 =	sshll.u32 s1, $0x7  }
0x6: {  	s7 =	simm.s32 $0x2;
	s12 =	simm.s32 $0x0;
	s1 =	ssub.s32 $0x1000, s2  }
0x7: {  	s8 =	simm.s32 $0x8000;
	s13 =	simm.s32 $0x0;
	s3 =	sand.u32 $0xF80, s1  }
0x8: {  	s9 =	simm.s32 $0x0;
	s5 =	sshrl.u32 s1, $0xC;
	p0 =	sne.s32 s3, $0x0  }
.Ltmp0:
0x9: {  	s1 =	rddreg [dreg:$0x2];
	s4 =	simm.s32 @!p0 $0x0;
	(pc) =	sbr.rel .LBB1_1-.Ltmp0, $4  }
0xa: {  	s11 =	simm.s32 $0x0;
	s3 =	rddreg [dreg:$0x1];
	s5 =	sadd.s32 s4, s5  }
0xb: {  	_ =	strace $0x8000004A;
	s4 =	simm.s32 $0x1;
	s5 =	smul.u32 $0xC8, s5  }
0xc: {  	s6 =	sadd.s32 $0xA00, s6;
	s10 =	smov.u32 s2;
	[sflag:s4] =	ssyncpa.u1 $0x0  }
0xd: {  	p0 =	por $0x0, $0x0;
	[sflag:s7] =	ssyncpa.u1 $0x0;
	s7 =	sor.u32 $0x1, s5  }
.LBB1_4:
0xe: {  	s16 =	sshll.u32 s13, $0x3;
	s17 =	sand.u32 $0x78, s13  }
0xf: {  	s30 =	sand.u32 $0x3E00, s13;
	s12 =	sshll.u32 s12, $0xE;
	s16 =	sand.u32 $0xC00, s16  }
0x10: {  	s31 =	sand.u32 $0x7, s13;
	s16 =	sor.u32 s17, s16;
	s17 =	sadd.s32 s3, s30  }
0x11: {  	s13 =	sshll.u32 s31, $0x12;
	s16 =	sshrl.u32 s16, $0x3;
	s12 =	sadd.s32 s12, s17  }
0x12: {  	[tilespmem:s15+$0x0 ss:$0x81] =	vst.msk $0xffff, v0;
	s13 =	sor.u32 $0x400, s13;
	s12 =	sadd.s32 s16, s12  }
0x13: {  	[hbm4b:s12+s13] =	stream.strided.scatter [tilespmem:s14], [sflag:$0x2], $0x1000, s8, s13, $0x20;
	[tilespmem:$0x4040] =	vst v63  }
.LBB1_5:
0x14: {  	s14 =	sadd.s32 $0x1, s9  }
0x15: {  	s12 =	sadd.s32 $0x1000, s10;
	s16 =	smov.u32 s10;
	p2 =	sgt.s32 s14, $0xC7  }
0x16: {  	s16 =	smov.u32 @p2 s12  }
0x17: {  	s14 =	simm.s32 @p2 $0x0;
	p2 =	sgt.s32 s16, $0xFFF  }
0x18: {  	s16 =	smov.u32 @p2 s2;
	p2 =	sne.s32 s11, s7  }
.Ltmp1:
0x19: {  	p1 =	slt.u32 s11, $0x2;
	(pc) =	sbr.rel @!p2 .LBB1_6-.Ltmp1, $4  }
0x1a: {  	s15 =	simm.s32 @!p1 $0x2  }
0x1b: {  	s13 =	smov.u32 s10;
	p0 =	por !p0, !p0;
	_ =	swait.ge @!p1 [sflag:s15], $0x1000  }
0x1c: {  	s12 =	smov.u32 s9;
	[sflag:s15] =	ssyncset.done @!p1 $0x0;
	s9 =	smov.u32 s14  }
0x1d: {  	s11 =	sadd.s32 $0x1, s11;
	[sflag:s15] =	ssyncadd.s32 @!p1 $0xFFFFF000;
	s10 =	smov.u32 s16  }
.LBB1_1:
0x1e: {  	p1 =	sge.u32 s11, s5  }
0x1f: {  	s14 =	sand.u32 @!p1 $0x1FFFFFF, s9  }
0x20: {  	s15 =	smulhi.u32 @!p1 $0x147AE15, s14;
	_ =	sdelay $0x1  }
0x21: {  	s15 =	smul.u32 @!p1 $0xC8, s15  }
0x22: {  	s16 =	sxor.u32 @!p1 $0xFFFFFFFF, s11;
	s17 =	smul.u32 @!p1 $0xC80, s10  }
0x23: {  	s31 =	sadd.s32 $0xFFFFFFFF, s11;
	s16 =	sshll.u32 @!p1 s16, $0xC;
	s14 =	ssub.s32 @!p1 s14, s15  }
0x24: {  	s15 =	sand.u32 @!p1 $0x1000, s16;
	s16 =	sadd.s32 @!p1 s6, s17;
	s14 =	sshll.u32 @!p1 s14, $0x4  }
0x25: {  	s17 =	simm.s32 @!p1 $0x6400;
	s14 =	sadd.s32 @!p1 s14, s16;
	s16 =	simm.s32 @!p1 $0x20  }
0x26: {  	[tilespmem:s15], [sflag:$0x1] =	stream.strided.gather @!p1 [hbm4b:s14+s16], $0x1000, s17, s16, $0x38;
	[tilespmem:$0x4040] =	vst v63  }
0x27: {  	p1 =	sge.u32 s31, s5  }
.Ltmp2:
0x28: {  	_ = 	snop;
	(pc) =	sbr.rel @p1 .LBB1_5-.Ltmp2, $1  }
0x29: {  	_ =	sdelay $0x3  }
0x2a: {  	s14 =	simm.s32 $0x1  }
0x2b: {  	_ =	swait.ge [sflag:s4], $0x1000;
	s14 =	simm.s32 @!p0 $0x0  }
0x2c: {  	[sflag:s4] =	ssyncset.done $0x0;
	s15 =	sshll.u32 s14, $0xC  }
0x2d: {  	[sflag:s4] =	ssyncadd.s32 $0xFFFFF000;
	s18 =	sor.u32 $0x10, s15  }
0x2e: {  	s14 =	smul.u32 $0x4080, s14;
	v1 =	vld [tilespmem:s18+$0x0]  }
0x2f: {  	s30 =	sand.u32 $0x1, s11;
	v0 =	vld [tilespmem:s18+$0xFFFFFFF0]  }
0x30: {  	s15 =	smul.u32 $0x4080, s30;
	s14 =	sshrl.u32 s14, $0x2  }
0x31: {  	s16 =	sor.u32 $0x2000, s14  }
0x32: {  	s31 =	sshrl.u32 s15, $0x2;
	s15 =	sadd.s32 $0x0, s16  }
0x33: {  	s17 =	simm.s32 $0x4;
	s18 =	sadd.s32 $0x20, s18;
	s14 =	sor.u32 $0x2000, s31;
	[tilespmem:s15+$0x810 ss:$0x81] =	vst.msk $0xffff, v1  }
.LBB1_3:
0x34: {  	v1 =	vld [tilespmem:s18+$0x0];
	p1 =	sne.s32 s17, $0x1FC;
	[tilespmem:s15+$0x0 ss:$0x81] =	vst.msk $0xffff, v0;
	s15 =	smov.u32 s17;
	s17 =	sadd.s32 $0x4, s17  }
.Ltmp3:
0x35: {  	v0 =	vld [tilespmem:s18+$0xFFFFFFF0];
	(pc) =	sbr.rel @p1 .LBB1_3-.Ltmp3, $4  }
0x36: {  	_ = 	snop  }
0x37: {  	s15 =	sshra.s32 s15, $0x2  }
0x38: {  	s15 =	sadd.s32 s15, s16  }
0x39: {  	s18 =	sadd.s32 $0x20, s18;
	[tilespmem:s15+$0x810 ss:$0x81] =	vst.msk $0xffff, v1  }
.Ltmp4:
0x3a: {  	_ = 	snop;
	(pc) =	sbr.rel .LBB1_4-.Ltmp4, $1  }
0x3b: {  	_ =	sdelay $0x3  }
.LBB1_6:
0x3c: {  	_ =	sfence.sel $0x180000  }
0x3d: {  	s2 =	simm.s32 $0x1;
	[bflag:$0x0] =	sbarrier.arrive $0xFFFF  }
0x3e: {  	s31 =	simm.s32 $0x2;
	[sflag:s2] =	ssyncpa.u1 $0x1  }
0x3f: {  	[sflag:s31] =	ssyncpa.u1 $0x1  }
0x40: {  	p0 =	sne.s32 s0, $0x0;
	_ =	strace $0x9000004A  }
0x41: {  	s0 =	sadd.s32 @!p0 $0x100000, s1;
	[bflag:$0x2] =	sbarrier.arrive $0xFFFF  }
0x42: {  	[sflag:s0] =	ssyncadd.tile.s32 @!p0 $0x1;
	_ =	shalt  }
.Lfunc_end1:
_tile_overlayer_lowered:
.L_overlay_start_2:
0x43: {  	(tag) =	ssettag $0x2  }
0x44: {  	s0 =	rddreg [dreg:$0x0];
	s2 =	stileid.u32  }
0x45: {  	s1 =	rddreg [dreg:$0x1];
	p0 =	sne.s32 s2, $0x0  }
0x46: {  	s3 =	rddreg [dreg:$0x2];
	[bflag:$0x3] =	sbarrier.arrive $0xFFFF;
	s2 =	simm.s32 @!p0 $0x1C01  }
0x47: {  	[timem:s3], [sflag:s2] =	dma.local @!p0 [hbm:s0], s1  }
0x48: {  	s0 =	simm.s32 @!p0 $0x1  }
0x49: {  	_ =	swait.ge @!p0 [sflag:s0], s1  }
0x4a: {  	s1 =	ssub.s32 @!p0 $0x0, s1;
	[sflag:s0] =	ssyncset.done @!p0 $0x0  }
0x4b: {  	[sflag:s0] =	ssyncadd.s32 @!p0 s1  }
0x4c: {  	[bflag:$0x3] =	sbarrier.arrive $0xFFFF  }
0x4d: {  	_ =	shalt  }

</sc_bundles>
